<compile_context>
chip_gen: v7x
topology: tpu7x:2x2x1
jax: 0.10.2.dev20260603
libtpu: 0.0.44.dev20260713+nightly
codegen_flags: <defaults>
</compile_context>

<pallas_src>
import functools

import jax
import jax.numpy as jnp
from jax import lax
from jax.experimental import pallas as pl
from jax.experimental.pallas import tpu as pltpu
from jax.experimental.pallas import tpu_sc as plsc

B, D_IN, D, C = 16384, 128, 64, 1000
N = C + B
N_PAD = 17408
BLK_A = 512
BLK_C = 1088


def _row_stats(p):
    m = jnp.max(p, axis=1, keepdims=True)
    e = jnp.exp(p - m)
    s = jnp.sum(e, axis=1, keepdims=True)
    lse = jnp.log(s) + m
    sp = jnp.sum(e * p, axis=1, keepdims=True) / s
    ent = jnp.maximum((lse - sp)[:, 0], 0.0)
    col = jax.lax.broadcasted_iota(jnp.int32, p.shape, 1)
    yid = jnp.min(jnp.where(p == m, col, p.shape[1]), axis=1)
    return ent, yid


def _feat_body(x_ref, wf_ref, wc_ref, z_ref, zn_ref, ent_ref, yid_ref):
    x = x_ref[...]
    z = jnp.dot(x, wf_ref[...], preferred_element_type=jnp.float32)
    p = jnp.dot(z, wc_ref[...], preferred_element_type=jnp.float32)
    ent, yid = _row_stats(p)
    z_ref[...] = z
    n = jnp.sqrt(jnp.sum(z * z, axis=1, keepdims=True))
    zn_ref[...] = z / jnp.maximum(n, 1e-12)
    ent_ref[...] = ent.reshape(1, 1, BLK_A)
    yid_ref[...] = yid.reshape(1, 1, BLK_A)


def _warm_body(wcb_ref, wc_ref, went_ref, wyid_ref, wsup_ref):
    wcb = wcb_ref[...]
    wp = jax.lax.dot_general(wcb, wc_ref[...], (((0,), (0,)), ((), ())),
                             preferred_element_type=jnp.float32)
    ent, yid = _row_stats(wp)
    went_ref[...] = ent.reshape(1, 1, 256)
    wyid_ref[...] = yid.reshape(1, 1, 256)
    n = jnp.sqrt(jnp.sum(wcb * wcb, axis=0, keepdims=True))
    wsup_ref[...] = wcb / jnp.maximum(n, 1e-12)


def _wsum_body(zn_ref, y_ref, m_ref, w_ref):
    i = pl.program_id(0)
    zn = zn_ref[...]
    y = y_ref[0, 0, :]
    msk = m_ref[0, 0, :]
    col = jax.lax.broadcasted_iota(jnp.int32, (BLK_C, C), 1)
    oh = jnp.where(col == y[:, None], msk[:, None], 0.0)
    acc = jax.lax.dot_general(zn, oh, (((0,), (0,)), ((), ())),
                              preferred_element_type=jnp.float32)

    @pl.when(i == 0)
    def _():
        w_ref[...] = acc

    @pl.when(i > 0)
    def _():
        w_ref[...] += acc


def _out_body(z_ref, w_ref, o_ref):
    w = w_ref[...]
    n = jnp.sqrt(jnp.sum(w * w, axis=0, keepdims=True))
    wn = w / jnp.maximum(n, 1e-12)
    o_ref[...] = jnp.dot(z_ref[...], wn, preferred_element_type=jnp.float32)


def _feat_call(x, W_feat, W_cls):
    grid = B // BLK_A
    return pl.pallas_call(
        _feat_body,
        grid=(grid,),
        in_specs=[
            pl.BlockSpec((BLK_A, D_IN), lambda i: (i, 0)),
            pl.BlockSpec((D_IN, D), lambda i: (0, 0)),
            pl.BlockSpec((D, C), lambda i: (0, 0)),
        ],
        out_specs=[
            pl.BlockSpec((BLK_A, D), lambda i: (i, 0)),
            pl.BlockSpec((BLK_A, D), lambda i: (i, 0)),
            pl.BlockSpec((1, 1, BLK_A), lambda i: (i, 0, 0)),
            pl.BlockSpec((1, 1, BLK_A), lambda i: (i, 0, 0)),
        ],
        out_shape=[
            jax.ShapeDtypeStruct((B, D), jnp.float32),
            jax.ShapeDtypeStruct((B, D), jnp.float32),
            jax.ShapeDtypeStruct((grid, 1, BLK_A), jnp.float32),
            jax.ShapeDtypeStruct((grid, 1, BLK_A), jnp.int32),
        ],
    )(x, W_feat, W_cls)


def _warm_call(W_cls):
    wc_pad = jnp.pad(W_cls, ((0, 0), (0, 1024 - C)))
    went, wyid, wsup = pl.pallas_call(
        _warm_body,
        grid=(4,),
        in_specs=[
            pl.BlockSpec((D, 256), lambda i: (0, i)),
            pl.BlockSpec((D, C), lambda i: (0, 0)),
        ],
        out_specs=[
            pl.BlockSpec((1, 1, 256), lambda i: (i, 0, 0)),
            pl.BlockSpec((1, 1, 256), lambda i: (i, 0, 0)),
            pl.BlockSpec((D, 256), lambda i: (0, i)),
        ],
        out_shape=[
            jax.ShapeDtypeStruct((4, 1, 256), jnp.float32),
            jax.ShapeDtypeStruct((4, 1, 256), jnp.int32),
            jax.ShapeDtypeStruct((D, 1024), jnp.float32),
        ],
    )(wc_pad, W_cls)
    return (went.reshape(-1)[:C], wyid.reshape(-1)[:C],
            wsup[:, :C].T)


def _wsum_call(zn_all, y_all, mask):
    grid = N_PAD // BLK_C
    return pl.pallas_call(
        _wsum_body,
        grid=(grid,),
        in_specs=[
            pl.BlockSpec((BLK_C, D), lambda i: (i, 0)),
            pl.BlockSpec((1, 1, BLK_C), lambda i: (i, 0, 0)),
            pl.BlockSpec((1, 1, BLK_C), lambda i: (i, 0, 0)),
        ],
        out_specs=pl.BlockSpec((D, C), lambda i: (0, 0)),
        out_shape=jax.ShapeDtypeStruct((D, C), jnp.float32),
    )(zn_all, y_all.reshape(grid, 1, BLK_C), mask.reshape(grid, 1, BLK_C))


def _out_call(z, W):
    return pl.pallas_call(
        _out_body,
        grid=(B // BLK_A,),
        in_specs=[
            pl.BlockSpec((BLK_A, D), lambda i: (i, 0)),
            pl.BlockSpec((D, C), lambda i: (0, 0)),
        ],
        out_specs=pl.BlockSpec((BLK_A, C), lambda i: (i, 0)),
        out_shape=jax.ShapeDtypeStruct((B, C), jnp.float32),
    )(z, W)



L = 16
CH = N_PAD // 16
GRP = CH // L
CPAD = 1024
S_CAP = 512
SP = S_CAP // 16
HB = S_CAP * L
MB = SP * L


def _sc_mask_body(y_hbm, eb_hbm, kv_hbm, mask_hbm,
                  yv, ev, actb, maskv, cntv, slotl, cbuf, totv,
                  totm, hist1, comb2, comb1, tel, til, remv, kvv, skb, csb,
                  sh_cnth, sh_tot, sh_slot, sh_hist, sh_te, sh_ti):
    sid = lax.axis_index("s")
    cid = lax.axis_index("c")
    base = sid * CH
    lane = lax.iota(jnp.int32, L)
    zero16 = jnp.zeros((L,), jnp.int32)
    ones16 = jnp.ones((L,), jnp.int32)
    tmask = jnp.full((L,), True)

    pltpu.sync_copy(y_hbm.at[pl.ds(base, CH)], yv)
    pltpu.sync_copy(eb_hbm.at[pl.ds(base, CH)], ev)
    pltpu.sync_copy(kv_hbm, kvv)
    kk = kvv[...][0]

    def _zero(ref, nwords):
        def zb(i, _):
            ref[pl.ds(i * L, L)] = zero16
            return 0
        lax.fori_loop(0, nwords // L, zb, 0)

    _zero(cntv, CPAD)
    _zero(actb, CH + L)

    def dup_add(hist_ref, tsize, idx, val, m):
        k = jnp.where(m, idx, tsize - 1)
        v = jnp.where(m, val, 0)
        sk, sv = plsc.sort_key_val(k, v)
        skb[pl.ds(8, L)] = sk
        prev = skb[pl.ds(7, L)]
        nxt = skb[pl.ds(9, L)]
        is_start = (lane == 0) | (sk != prev)
        is_last = (lane == L - 1) | (sk != nxt)
        rstart = plsc.cummax(jnp.where(is_start, lane, 0))
        cs = jnp.cumsum(sv)
        csb[pl.ds(0, L)] = zero16
        csb[pl.ds(1, L)] = cs
        excl = plsc.load_gather(csb, [rstart])
        plsc.addupdate_scatter(hist_ref, [sk], cs - excl, mask=is_last)

    def h1(g, _):
        y16 = yv[pl.ds(g * L, L)]
        dup_add(cntv, CPAD, y16, ones16, tmask)
        return 0
    lax.fori_loop(0, GRP, h1, 0)

    pltpu.sync_copy(cntv, sh_cnth.at[sid])
    plsc.subcore_barrier()

    coff = sid * (CPAD // 16)

    def cp1(t, _):
        pltpu.sync_copy(sh_cnth.at[t, pl.ds(coff, CPAD // 16)], cbuf.at[t])
        return 0
    lax.fori_loop(0, 16, cp1, 0)

    acc4 = []
    for j in range(4):
        def rd(t, a, j=j):
            return a + cbuf[t, pl.ds(j * L, L)]
        acc4.append(lax.fori_loop(0, 16, rd, zero16))

    flags, slotrk = [], []
    carry = jnp.int32(0)
    for j in range(4):
        f = (acc4[j] > kk).astype(jnp.int32)
        cs = jnp.cumsum(f)
        slotrk.append(cs - f + carry)
        flags.append(f)
        carry = carry + jnp.sum(f)
    mytot = carry

    totv[...] = jnp.broadcast_to(mytot, (L,)).astype(jnp.int32)
    pltpu.sync_copy(totv, sh_tot.at[sid])
    plsc.subcore_barrier()
    pltpu.sync_copy(sh_tot, totm)

    def pf(t, c):
        off, tot = c
        v = totm[t, pl.ds(0, L)][0]
        return (off + jnp.where(t < sid, v, 0), tot + v)
    myoff, s_total = lax.fori_loop(0, 16, pf, (jnp.int32(0), jnp.int32(0)))

    for j in range(4):
        sv = jnp.where(flags[j] > 0, slotrk[j] + myoff, -1)
        slotl[pl.ds(coff + j * L, L)] = sv
    pltpu.sync_copy(slotl.at[pl.ds(coff, CPAD // 16)],
                    sh_slot.at[pl.ds(coff, CPAD // 16)])

    soff = sid * SP
    km1 = jnp.broadcast_to(kk - 1, (L,)).astype(jnp.int32)
    for j in range(SP // L):
        remv[pl.ds(soff + j * L, L)] = km1
        tel[pl.ds(soff + j * L, L)] = zero16
        til[pl.ds(soff + j * L, L)] = zero16
    pltpu.sync_copy(tel.at[pl.ds(soff, SP)], sh_te.at[pl.ds(soff, SP)])
    pltpu.sync_copy(til.at[pl.ds(soff, SP)], sh_ti.at[pl.ds(soff, SP)])
    plsc.subcore_barrier()
    pltpu.sync_copy(sh_slot, slotl)
    pltpu.sync_copy(sh_te, tel)
    pltpu.sync_copy(sh_ti, til)

    def cw(g, na):
        y16 = yv[pl.ds(g * L, L)]
        s16 = plsc.load_gather(slotl, [y16])
        act = s16 >= 0
        lidx = lane + g * L
        plsc.store_compressed(actb.at[pl.ds(na, L)], lidx, mask=act)
        return na + jnp.sum(act.astype(jnp.int32))
    na = lax.fori_loop(0, GRP, cw, jnp.int32(0))

    @pl.when(s_total > 0)
    def _rounds():
        def rbody(r, _):
            _zero(hist1, HB)
            shv = jnp.where(r < 8, 28 - 4 * r, 44 - 4 * r)
            es4 = jnp.clip(32 - 4 * r, 0, 31)
            is4 = jnp.clip(48 - 4 * r, 0, 31)
            ngr = (na + L - 1) // L

            def walk(g, _):
                lidx = actb[pl.ds(g * L, L)]
                lm = (lane + g * L) < na
                y16 = plsc.load_gather(yv, [lidx], mask=lm)
                e16 = plsc.load_gather(ev, [lidx], mask=lm)
                s16 = plsc.load_gather(slotl, [y16], mask=lm)
                gi = lidx + base
                te16 = plsc.load_gather(tel, [s16], mask=lm)
                ti16 = plsc.load_gather(til, [s16], mask=lm)
                eq = (((e16 >> es4) == (te16 >> es4))
                      & ((gi >> is4) == (ti16 >> is4)))
                act = lm & eq
                src = jnp.where(r < 8, e16, gi)
                dig = (src >> shv) & 15
                dup_add(hist1, HB, s16 * L + dig, ones16, act)
                return 0
            lax.fori_loop(0, ngr, walk, 0)

            pltpu.sync_copy(hist1, sh_hist.at[sid])
            plsc.subcore_barrier()

            boff = sid * MB

            def cp2(t, _):
                pltpu.sync_copy(sh_hist.at[t, pl.ds(boff, MB)], comb2.at[t])
                return 0
            lax.fori_loop(0, 16, cp2, 0)

            def rs(i, _):
                def inr(t, a):
                    return a + comb2[t, pl.ds(i * L, L)]
                comb1[pl.ds(i * L, L)] = lax.fori_loop(0, 16, inr, zero16)
                return 0
            lax.fori_loop(0, MB // L, rs, 0)

            for jg in range(SP // L):
                remvec = remv[pl.ds(soff + jg * L, L)]
                tevec = tel[pl.ds(soff + jg * L, L)]
                tivec = til[pl.ds(soff + jg * L, L)]
                nrem, nte, nti = zero16, zero16, zero16
                for jl in range(L):
                    j = jg * L + jl
                    binv = comb1[pl.ds(j * L, L)]
                    cums = jnp.cumsum(binv)
                    excl = cums - binv
                    remj = remvec[jl]
                    le = excl <= remj
                    nd = jnp.sum(le.astype(jnp.int32)) - 1
                    exclsel = jnp.sum(jnp.where(lane == nd, excl, 0))
                    add = nd << shv
                    tej = tevec[jl] + jnp.where(r < 8, add, 0)
                    tij = tivec[jl] + jnp.where(r < 8, 0, add)
                    nrem = jnp.where(lane == jl, remj - exclsel, nrem)
                    nte = jnp.where(lane == jl, tej, nte)
                    nti = jnp.where(lane == jl, tij, nti)
                remv[pl.ds(soff + jg * L, L)] = nrem
                tel[pl.ds(soff + jg * L, L)] = nte
                til[pl.ds(soff + jg * L, L)] = nti
            pltpu.sync_copy(tel.at[pl.ds(soff, SP)], sh_te.at[pl.ds(soff, SP)])
            pltpu.sync_copy(til.at[pl.ds(soff, SP)], sh_ti.at[pl.ds(soff, SP)])
            plsc.subcore_barrier()
            pltpu.sync_copy(sh_te, tel)
            pltpu.sync_copy(sh_ti, til)
            return 0
        lax.fori_loop(0, 12, rbody, 0)

    def fm(g, _):
        y16 = yv[pl.ds(g * L, L)]
        e16 = ev[pl.ds(g * L, L)]
        gi = lane + (g * L + base)
        s16 = plsc.load_gather(slotl, [y16])
        val = s16 >= 0
        te16 = plsc.load_gather(tel, [s16], mask=val)
        ti16 = plsc.load_gather(til, [s16], mask=val)
        sel = (e16 < te16) | ((e16 == te16) & (gi <= ti16))
        maskv[pl.ds(g * L, L)] = jnp.where(val & jnp.logical_not(sel), 0.0, 1.0)
        return 0
    lax.fori_loop(0, GRP, fm, 0)

    @pl.when(cid == 0)
    def _():
        pltpu.sync_copy(maskv, mask_hbm.at[pl.ds(base, CH)])


def _sc_mask_call(y_pad, eb, kvec):
    mesh = plsc.VectorSubcoreMesh(core_axis_name="c", subcore_axis_name="s")
    shared = [
        pltpu.VMEM_SHARED((16, CPAD), jnp.int32),
        pltpu.VMEM_SHARED((16, L), jnp.int32),
        pltpu.VMEM_SHARED((CPAD,), jnp.int32),
        pltpu.VMEM_SHARED((16, HB), jnp.int32),
        pltpu.VMEM_SHARED((S_CAP,), jnp.int32),
        pltpu.VMEM_SHARED((S_CAP,), jnp.int32),
    ]
    local = [
        pltpu.VMEM((CH,), jnp.int32),
        pltpu.VMEM((CH,), jnp.int32),
        pltpu.VMEM((CH + L,), jnp.int32),
        pltpu.VMEM((CH,), jnp.float32),
        pltpu.VMEM((CPAD,), jnp.int32),
        pltpu.VMEM((CPAD,), jnp.int32),
        pltpu.VMEM((16, CPAD // 16), jnp.int32),
        pltpu.VMEM((L,), jnp.int32),
        pltpu.VMEM((16, L), jnp.int32),
        pltpu.VMEM((HB,), jnp.int32),
        pltpu.VMEM((16, MB), jnp.int32),
        pltpu.VMEM((MB,), jnp.int32),
        pltpu.VMEM((S_CAP,), jnp.int32),
        pltpu.VMEM((S_CAP,), jnp.int32),
        pltpu.VMEM((S_CAP,), jnp.int32),
        pltpu.VMEM((L,), jnp.int32),
        pltpu.VMEM((40,), jnp.int32),
        pltpu.VMEM((32,), jnp.int32),
    ]
    kcall = pl.kernel(
        _sc_mask_body,
        mesh=mesh,
        out_type=jax.ShapeDtypeStruct((N_PAD,), jnp.float32),
        scratch_types=local + shared,
        compiler_params=pltpu.CompilerParams(needs_layout_passes=False),
    )
    return kcall(y_pad, eb, kvec)


def kernel(x, W_feat, W_cls, filter_K):
    z, zn, ent3, yid3 = _feat_call(x, W_feat, W_cls)
    went, wyid, wsup_n = _warm_call(W_cls)
    pad = N_PAD - N
    ent_all = jnp.concatenate([went, ent3.reshape(-1), jnp.zeros((pad,))])
    y_pad = jnp.concatenate(
        [wyid, yid3.reshape(-1),
         jnp.full((pad,), C, jnp.int32)])
    eb = jax.lax.bitcast_convert_type(ent_all.astype(jnp.float32), jnp.int32)
    kvec = jnp.full((16,), filter_K, jnp.int32)
    m_pad = _sc_mask_call(y_pad, eb, kvec)
    zn_all = jnp.concatenate([wsup_n, zn], axis=0)
    zn_all = jnp.pad(zn_all, ((0, pad), (0, 0)))
    W = _wsum_call(zn_all, y_pad, m_pad)
    return _out_call(z, W)

# --- scband reference (transcript-rebuilt; emitter-appended) ---
"""Pipeline reference for scband-t3-a-70420283785639 (READ-ONLY COPY).

The authoritative reference and input builder live on the scoring server;
editing this copy changes nothing except your own understanding.
"""

import jax, jax.numpy as jnp
import numpy as np


def softmax_entropy(x):
    return -(jax.nn.softmax(x, axis=1) * jax.nn.log_softmax(x, axis=1)).sum(axis=1)


def _l2norm(x, axis):
    n = jnp.linalg.norm(x, axis=axis, keepdims=True)
    return x / jnp.maximum(n, 1e-12)


def setup_inputs(seed: int = 0):
    key = jax.random.key(seed)
    k1, k2, k3 = jax.random.split(key, 3)
    B, d_in, d, C = 16384, 128, 64, 1000
    x = jax.random.normal(k1, (B, d_in), dtype=jnp.float32)
    W_feat = jax.random.normal(k2, (d_in, d), dtype=jnp.float32) * 0.05
    W_cls = jax.random.normal(k3, (d, C), dtype=jnp.float32) * 0.05
    return {"x": x, "W_feat": W_feat, "W_cls": W_cls, "filter_K": 100}


def reference(x, W_feat, W_cls, filter_K):
    C = W_cls.shape[1]
    # featurizer: z, _ = featurizer(x)
    z = x @ W_feat
    # adapt=True branch: p = classifier(z)
    p = z @ W_cls
    yhat = jax.nn.one_hot(jnp.argmax(p, axis=1), C, dtype=jnp.float32)
    ent_new = softmax_entropy(p)
    # warmup state built from classifier kernel
    warmup_supports = W_cls.T  # [C, d]
    warmup_prob = warmup_supports @ warmup_supports.T
    warmup_ent = softmax_entropy(warmup_prob)
    warmup_labels = jax.nn.one_hot(jnp.argmax(warmup_prob, axis=1), C, dtype=jnp.float32)
    supports = jnp.concatenate([warmup_supports, z], axis=0)
    labels = jnp.concatenate([warmup_labels, yhat], axis=0)
    ent = jnp.concatenate([warmup_ent, ent_new], axis=0)
    # select_supports: per-class entropy sort, keep filter_K lowest-entropy per class
    y_lbl = jnp.argmax(labels, axis=1)
    N = supports.shape[0]
    order = jnp.lexsort((ent, y_lbl))  # primary key: class id, secondary: entropy
    sorted_y = y_lbl[order]
    pos = jnp.arange(N, dtype=jnp.int32)
    start = jnp.full((C,), N, dtype=jnp.int32).at[sorted_y].min(pos)
    rank_sorted = pos - start[sorted_y]
    rank = jnp.zeros((N,), dtype=jnp.int32).at[order].set(rank_sorted)
    mask = (rank < filter_K).astype(jnp.float32)
    # supports = F.normalize(supports, dim=1); weights = supports.T @ labels (over selected rows)
    supports_sel = _l2norm(supports, 1) * mask[:, None]
    weights = supports_sel.T @ labels
    return z @ _l2norm(weights, 0)

if __name__ == "__main__":
    import jax
    _d = setup_inputs()
    print(jax.jit(kernel)(*tuple(_d.values())))

</pallas_src>

<mosaic_0001>
#map = affine_map<(d0, d1) -> (0)>
module attributes {stable_mosaic.version = 14 : i64} {
  func.func @_sc_mask_body(%arg0: i32, %arg1: i32, %arg2: memref<17408xi32, #tpu.memory_space<hbm>>, %arg3: memref<17408xi32, #tpu.memory_space<hbm>>, %arg4: memref<16xi32, #tpu.memory_space<hbm>>, %arg5: memref<17408xf32, #tpu.memory_space<hbm>>, %arg6: memref<1088xi32, #tpu.memory_space<vmem>>, %arg7: memref<1088xi32, #tpu.memory_space<vmem>>, %arg8: memref<1104xi32, #tpu.memory_space<vmem>>, %arg9: memref<1088xf32, #tpu.memory_space<vmem>>, %arg10: memref<1024xi32, #tpu.memory_space<vmem>>, %arg11: memref<1024xi32, #tpu.memory_space<vmem>>, %arg12: memref<16x64xi32, #tpu.memory_space<vmem>>, %arg13: memref<16xi32, #tpu.memory_space<vmem>>, %arg14: memref<16x16xi32, #tpu.memory_space<vmem>>, %arg15: memref<8192xi32, #tpu.memory_space<vmem>>, %arg16: memref<16x512xi32, #tpu.memory_space<vmem>>, %arg17: memref<512xi32, #tpu.memory_space<vmem>>, %arg18: memref<512xi32, #tpu.memory_space<vmem>>, %arg19: memref<512xi32, #tpu.memory_space<vmem>>, %arg20: memref<512xi32, #tpu.memory_space<vmem>>, %arg21: memref<16xi32, #tpu.memory_space<vmem>>, %arg22: memref<40xi32, #tpu.memory_space<vmem>>, %arg23: memref<32xi32, #tpu.memory_space<vmem>>, %arg24: memref<16x1024xi32, #tpu.memory_space<vmem_shared>>, %arg25: memref<16x16xi32, #tpu.memory_space<vmem_shared>>, %arg26: memref<1024xi32, #tpu.memory_space<vmem_shared>>, %arg27: memref<16x8192xi32, #tpu.memory_space<vmem_shared>>, %arg28: memref<512xi32, #tpu.memory_space<vmem_shared>>, %arg29: memref<512xi32, #tpu.memory_space<vmem_shared>>) attributes {dimension_semantics = [#tpu.dimension_semantics<core_parallel>, #tpu.dimension_semantics<subcore_parallel>], iteration_bounds = array<i64: 2, 16>, scalar_prefetch = 0 : i64, scratch_operands = 24 : i64, tpu.core_type = #tpu.core_type<sc_vector_subcore>, window_params = [{transform_indices = #map}, {transform_indices = #map}, {transform_indices = #map}, {transform_indices = #map}]} {
    %mul3A = arith.constant 1088 : i32
    %mul3A_0 = arith.muli %arg1, %mul3A : i32
    %iota3A = tpu.iota {dimensions = array<i32: 0>} : vector<16xi32>
    %broadcast_in_dim3A = arith.constant 0 : i32
    %broadcast_in_dim3A_1 = vector.broadcast %broadcast_in_dim3A : i32 to vector<16xi32>
    %broadcast_in_dim3A_2 = arith.constant 1 : i32
    %broadcast_in_dim3A_3 = vector.broadcast %broadcast_in_dim3A_2 : i32 to vector<16xi32>
    %broadcast_in_dim3A_4 = arith.constant true
    %broadcast_in_dim3A_5 = vector.broadcast %broadcast_in_dim3A_4 : i1 to vector<16xi1>
    "tpu.region"() ({
      %run_scoped3A = tpu.sem_alloc : memref<!tpu.dma_semaphore, #tpu.memory_space<semaphore_mem>>
      %dma_start3A = tpu.memref_slice %arg2[%mul3A_0] : memref<17408xi32, #tpu.memory_space<hbm>> -> memref<1088xi32, #tpu.memory_space<hbm>>
      %dma_start3A_221 = tpu.memref_slice %arg2[%mul3A_0] : memref<17408xi32, #tpu.memory_space<hbm>> -> memref<1088xi32, #tpu.memory_space<hbm>>
      tpu.enqueue_dma source(%dma_start3A_221 : memref<1088xi32, #tpu.memory_space<hbm>>) target(%arg6 : memref<1088xi32, #tpu.memory_space<vmem>>) target_semaphore(%run_scoped3A : memref<!tpu.dma_semaphore, #tpu.memory_space<semaphore_mem>>)
      %dma_wait3A = tpu.memref_slice %arg2[%mul3A_0] : memref<17408xi32, #tpu.memory_space<hbm>> -> memref<1088xi32, #tpu.memory_space<hbm>>
      %dma_wait3A_222 = tpu.memref_slice %arg2[%mul3A_0] : memref<17408xi32, #tpu.memory_space<hbm>> -> memref<1088xi32, #tpu.memory_space<hbm>>
      tpu.wait_dma2 semaphore(%run_scoped3A : memref<!tpu.dma_semaphore, #tpu.memory_space<semaphore_mem>>) src(%dma_wait3A_222 : memref<1088xi32, #tpu.memory_space<hbm>>) dst(%arg6 : memref<1088xi32, #tpu.memory_space<vmem>>)
      tpu.yield
    }) : () -> ()
    "tpu.region"() ({
      %run_scoped3A = tpu.sem_alloc : memref<!tpu.dma_semaphore, #tpu.memory_space<semaphore_mem>>
      %dma_start3A = tpu.memref_slice %arg3[%mul3A_0] : memref<17408xi32, #tpu.memory_space<hbm>> -> memref<1088xi32, #tpu.memory_space<hbm>>
      %dma_start3A_221 = tpu.memref_slice %arg3[%mul3A_0] : memref<17408xi32, #tpu.memory_space<hbm>> -> memref<1088xi32, #tpu.memory_space<hbm>>
      tpu.enqueue_dma source(%dma_start3A_221 : memref<1088xi32, #tpu.memory_space<hbm>>) target(%arg7 : memref<1088xi32, #tpu.memory_space<vmem>>) target_semaphore(%run_scoped3A : memref<!tpu.dma_semaphore, #tpu.memory_space<semaphore_mem>>)
      %dma_wait3A = tpu.memref_slice %arg3[%mul3A_0] : memref<17408xi32, #tpu.memory_space<hbm>> -> memref<1088xi32, #tpu.memory_space<hbm>>
      %dma_wait3A_222 = tpu.memref_slice %arg3[%mul3A_0] : memref<17408xi32, #tpu.memory_space<hbm>> -> memref<1088xi32, #tpu.memory_space<hbm>>
      tpu.wait_dma2 semaphore(%run_scoped3A : memref<!tpu.dma_semaphore, #tpu.memory_space<semaphore_mem>>) src(%dma_wait3A_222 : memref<1088xi32, #tpu.memory_space<hbm>>) dst(%arg7 : memref<1088xi32, #tpu.memory_space<vmem>>)
      tpu.yield
    }) : () -> ()
    "tpu.region"() ({
      %run_scoped3A = tpu.sem_alloc : memref<!tpu.dma_semaphore, #tpu.memory_space<semaphore_mem>>
      tpu.enqueue_dma source(%arg4 : memref<16xi32, #tpu.memory_space<hbm>>) target(%arg21 : memref<16xi32, #tpu.memory_space<vmem>>) target_semaphore(%run_scoped3A : memref<!tpu.dma_semaphore, #tpu.memory_space<semaphore_mem>>)
      tpu.wait_dma2 semaphore(%run_scoped3A : memref<!tpu.dma_semaphore, #tpu.memory_space<semaphore_mem>>) src(%arg4 : memref<16xi32, #tpu.memory_space<hbm>>) dst(%arg21 : memref<16xi32, #tpu.memory_space<vmem>>)
      tpu.yield
    }) : () -> ()
    %get3A = arith.constant 0 : index
    %get3A_6 = tpu.vector_load %arg21[%get3A] {strides = array<i32>} : memref<16xi32, #tpu.memory_space<vmem>>, vector<16xi32>,
    %slice3A = vector.extract_strided_slice %get3A_6 {offsets = [0], sizes = [1], strides = [1]} : vector<16xi32> to vector<1xi32>
    %squeeze3A = vector.extract %slice3A[0] : i32 from vector<1xi32>
    %scan3A = arith.constant 0 : i32
    %scan3A_7 = arith.constant 0 : i32
    %scan3A_8 = arith.constant 64 : i32
    %scan3A_9 = arith.addi %scan3A_7, %scan3A_8 : i32
    %scan3A_10 = arith.constant 1 : i32
    %scan3A_11 = scf.for %scan3A_221 = %scan3A_7 to %scan3A_9 step %scan3A_10 iter_args(%scan3A_222 = %scan3A) -> (i32)  : i32 {
      %mul3A_223 = arith.constant 16 : i32
      %mul3A_224 = arith.muli %scan3A_221, %mul3A_223 : i32
      %swap3A_225 = arith.index_cast %mul3A_224 : i32 to index
      %swap3A_226 = tpu.vector_load %arg10[%swap3A_225] {strides = array<i32>} : memref<1024xi32, #tpu.memory_space<vmem>>, vector<16xi32>,
      tpu.vector_store %arg10[%swap3A_225], %broadcast_in_dim3A_1 {strides = array<i32>} : memref<1024xi32, #tpu.memory_space<vmem>>, vector<16xi32>,
      %scan3A_227 = arith.constant 0 : i32
      scf.yield %scan3A_227 : i32
    }
    %scan3A_12 = arith.constant 64 : i32
    %scan3A_13 = arith.constant 0 : i32
    %scan3A_14 = arith.constant 0 : i32
    %scan3A_15 = arith.constant 69 : i32
    %scan3A_16 = arith.addi %scan3A_14, %scan3A_15 : i32
    %scan3A_17 = arith.constant 1 : i32
    %scan3A_18 = scf.for %scan3A_221 = %scan3A_14 to %scan3A_16 step %scan3A_17 iter_args(%scan3A_222 = %scan3A_13) -> (i32)  : i32 {
      %mul3A_223 = arith.constant 16 : i32
      %mul3A_224 = arith.muli %scan3A_221, %mul3A_223 : i32
      %swap3A_225 = arith.index_cast %mul3A_224 : i32 to index
      %swap3A_226 = tpu.vector_load %arg8[%swap3A_225] {strides = array<i32>} : memref<1104xi32, #tpu.memory_space<vmem>>, vector<16xi32>,
      tpu.vector_store %arg8[%swap3A_225], %broadcast_in_dim3A_1 {strides = array<i32>} : memref<1104xi32, #tpu.memory_space<vmem>>, vector<16xi32>,
      %scan3A_227 = arith.constant 0 : i32
      scf.yield %scan3A_227 : i32
    }
    %scan3A_19 = arith.constant 69 : i32
    %scan3A_20 = arith.constant 0 : i32
    %scan3A_21 = arith.constant 0 : i32
    %scan3A_22 = arith.constant 68 : i32
    %scan3A_23 = arith.addi %scan3A_21, %scan3A_22 : i32
    %scan3A_24 = arith.constant 1 : i32
    %scan3A_25 = scf.for %scan3A_221 = %scan3A_21 to %scan3A_23 step %scan3A_24 iter_args(%scan3A_222 = %scan3A_20) -> (i32)  : i32 {
      %mul3A_223 = arith.constant 16 : i32
      %mul3A_224 = arith.muli %scan3A_221, %mul3A_223 : i32
      %get3A_225 = arith.index_cast %mul3A_224 : i32 to index
      %get3A_226 = tpu.vector_load %arg6[%get3A_225] {strides = array<i32>} : memref<1088xi32, #tpu.memory_space<vmem>>, vector<16xi32>,
      %jit3A_227 = arith.constant 1023 : i32
      %broadcast_in_dim3A_228 = vector.broadcast %jit3A_227 : i32 to vector<16xi32>
      %select_n3A_229 = arith.select %broadcast_in_dim3A_5, %get3A_226, %broadcast_in_dim3A_228 : vector<16xi1>, vector<16xi32>
      %jit3A_230 = arith.constant 0 : i32
      %broadcast_in_dim3A_231 = vector.broadcast %jit3A_230 : i32 to vector<16xi32>
      %select_n3A_232 = arith.select %broadcast_in_dim3A_5, %broadcast_in_dim3A_3, %broadcast_in_dim3A_231 : vector<16xi1>, vector<16xi32>
      %masked_sort3A = arith.constant dense<true> : vector<16xi1>
      %masked_sort3A_233 = arith.constant -2147483648 : i32
      %masked_sort3A_234 = vector.broadcast %masked_sort3A_233 : i32 to vector<16xi32>
      %masked_sort3A_235 = arith.xori %select_n3A_229, %masked_sort3A_234 : vector<16xi32>
      %masked_sort3A_236, %masked_sort3A_237, %masked_sort3A_238 = tpu.sort %masked_sort3A_235, %select_n3A_232 masked %masked_sort3A : (vector<16xi32>, vector<16xi32>, vector<16xi1>) -> (vector<16xi1>, vector<16xi32>, vector<16xi32>)
      %masked_sort3A_239 = arith.xori %masked_sort3A_237, %masked_sort3A_234 : vector<16xi32>
      %swap3A_240 = arith.constant 8 : index
      %swap3A_241 = tpu.vector_load %arg22[%swap3A_240] {strides = array<i32>} : memref<40xi32, #tpu.memory_space<vmem>>, vector<16xi32>,
      tpu.vector_store %arg22[%swap3A_240], %masked_sort3A_239 {strides = array<i32>} : memref<40xi32, #tpu.memory_space<vmem>>, vector<16xi32>,
      %get3A_242 = arith.constant 7 : index
      %get3A_243 = tpu.vector_load %arg22[%get3A_242] {strides = array<i32>} : memref<40xi32, #tpu.memory_space<vmem>>, vector<16xi32>,
      %get3A_244 = arith.constant 9 : index
      %get3A_245 = tpu.vector_load %arg22[%get3A_244] {strides = array<i32>} : memref<40xi32, #tpu.memory_space<vmem>>, vector<16xi32>,
      %eq3A_246 = arith.constant 0 : i32
      %eq3A_247 = vector.broadcast %eq3A_246 : i32 to vector<16xi32>
      %eq3A_248 = arith.cmpi eq, %iota3A, %eq3A_247 : vector<16xi32>
      %ne3A = arith.cmpi ne, %masked_sort3A_239, %get3A_243 : vector<16xi32>
      %or3A = arith.ori %eq3A_248, %ne3A : vector<16xi1>
      %eq3A_249 = arith.constant 15 : i32
      %eq3A_250 = vector.broadcast %eq3A_249 : i32 to vector<16xi32>
      %eq3A_251 = arith.cmpi eq, %iota3A, %eq3A_250 : vector<16xi32>
      %ne3A_252 = arith.cmpi ne, %masked_sort3A_239, %get3A_245 : vector<16xi32>
      %or3A_253 = arith.ori %eq3A_251, %ne3A_252 : vector<16xi1>
      %jit3A_254 = arith.constant 0 : i32
      %broadcast_in_dim3A_255 = vector.broadcast %jit3A_254 : i32 to vector<16xi32>
      %select_n3A_256 = arith.select %or3A, %iota3A, %broadcast_in_dim3A_255 : vector<16xi1>, vector<16xi32>
      %broadcast_in_dim3A_257 = arith.constant true
      %broadcast_in_dim3A_258 = vector.broadcast %broadcast_in_dim3A_257 : i1 to vector<16xi1>
      %masked_cummax3A = arith.constant -2147483648 : i32
      %masked_cummax3A_259 = vector.broadcast %masked_cummax3A : i32 to vector<16xi32>
      %masked_cummax3A_260 = arith.xori %select_n3A_256, %masked_cummax3A_259 : vector<16xi32>
      %masked_cummax3A_261 = tpu.scan <max>, %masked_cummax3A_260 masked %broadcast_in_dim3A_258 : vector<16xi32>, vector<16xi1> -> vector<16xi32>
      %masked_cummax3A_262 = arith.xori %masked_cummax3A_261, %masked_cummax3A_259 : vector<16xi32>
      %cumsum3A_263 = arith.constant true
      %cumsum3A_264 = vector.broadcast %cumsum3A_263 : i1 to vector<16xi1>
      %cumsum3A_265 = tpu.scan <sum>, %masked_sort3A_238 masked %cumsum3A_264 : vector<16xi32>, vector<16xi1> -> vector<16xi32>
      %swap3A_266 = arith.constant 0 : index
      %swap3A_267 = tpu.vector_load %arg23[%swap3A_266] {strides = array<i32>} : memref<32xi32, #tpu.memory_space<vmem>>, vector<16xi32>,
      tpu.vector_store %arg23[%swap3A_266], %broadcast_in_dim3A_1 {strides = array<i32>} : memref<32xi32, #tpu.memory_space<vmem>>, vector<16xi32>,
      %swap3A_268 = arith.constant 1 : index
      %swap3A_269 = tpu.vector_load %arg23[%swap3A_268] {strides = array<i32>} : memref<32xi32, #tpu.memory_space<vmem>>, vector<16xi32>,
      tpu.vector_store %arg23[%swap3A_268], %cumsum3A_265 {strides = array<i32>} : memref<32xi32, #tpu.memory_space<vmem>>, vector<16xi32>,
      %gather3A = tpu.vector_load_idx %arg23[%masked_cummax3A_262] : memref<32xi32, #tpu.memory_space<vmem>>[vector<16xi32>], vector<16xi32>,
      %sub3A_270 = arith.subi %cumsum3A_265, %gather3A : vector<16xi32>
      tpu.vector_store_idx %arg10[%masked_sort3A_239], %sub3A_270 masked %or3A_253 {add = true} : memref<1024xi32, #tpu.memory_space<vmem>>[vector<16xi32>], vector<16xi32>, vector<16xi1>
      %scan3A_271 = arith.constant 0 : i32
      scf.yield %scan3A_271 : i32
    }
    %scan3A_26 = arith.constant 68 : i32
    "tpu.region"() ({
      %run_scoped3A = tpu.sem_alloc : memref<!tpu.dma_semaphore, #tpu.memory_space<semaphore_mem>>
      %dma_start3A = arith.constant 0 : i32
      %dma_start3A_221 = tpu.memref_slice %arg24[%arg1, %dma_start3A] : memref<16x1024xi32, #tpu.memory_space<vmem_shared>> -> memref<1x1024xi32, #tpu.memory_space<vmem_shared>>
      %dma_start3A_222 = tpu.memref_squeeze %dma_start3A_221 : memref<1x1024xi32, #tpu.memory_space<vmem_shared>> -> memref<1024xi32, #tpu.memory_space<vmem_shared>>
      %dma_start3A_223 = arith.constant 0 : i32
      %dma_start3A_224 = tpu.memref_slice %arg24[%arg1, %dma_start3A_223] : memref<16x1024xi32, #tpu.memory_space<vmem_shared>> -> memref<1x1024xi32, #tpu.memory_space<vmem_shared>>
      %dma_start3A_225 = tpu.memref_squeeze %dma_start3A_224 : memref<1x1024xi32, #tpu.memory_space<vmem_shared>> -> memref<1024xi32, #tpu.memory_space<vmem_shared>>
      tpu.enqueue_dma source(%arg10 : memref<1024xi32, #tpu.memory_space<vmem>>) target(%dma_start3A_225 : memref<1024xi32, #tpu.memory_space<vmem_shared>>) target_semaphore(%run_scoped3A : memref<!tpu.dma_semaphore, #tpu.memory_space<semaphore_mem>>)
      %dma_wait3A = arith.constant 0 : i32
      %dma_wait3A_226 = tpu.memref_slice %arg24[%arg1, %dma_wait3A] : memref<16x1024xi32, #tpu.memory_space<vmem_shared>> -> memref<1x1024xi32, #tpu.memory_space<vmem_shared>>
      %dma_wait3A_227 = tpu.memref_squeeze %dma_wait3A_226 : memref<1x1024xi32, #tpu.memory_space<vmem_shared>> -> memref<1024xi32, #tpu.memory_space<vmem_shared>>
      %dma_wait3A_228 = arith.constant 0 : i32
      %dma_wait3A_229 = tpu.memref_slice %arg24[%arg1, %dma_wait3A_228] : memref<16x1024xi32, #tpu.memory_space<vmem_shared>> -> memref<1x1024xi32, #tpu.memory_space<vmem_shared>>
      %dma_wait3A_230 = tpu.memref_squeeze %dma_wait3A_229 : memref<1x1024xi32, #tpu.memory_space<vmem_shared>> -> memref<1024xi32, #tpu.memory_space<vmem_shared>>
      tpu.wait_dma2 semaphore(%run_scoped3A : memref<!tpu.dma_semaphore, #tpu.memory_space<semaphore_mem>>) src(%arg10 : memref<1024xi32, #tpu.memory_space<vmem>>) dst(%dma_wait3A_230 : memref<1024xi32, #tpu.memory_space<vmem_shared>>)
      tpu.yield
    }) : () -> ()
    %barrier3A = arith.constant 0 : index
    tpu.barrier barrier_id(%barrier3A)
    %mul3A_27 = arith.constant 64 : i32
    %mul3A_28 = arith.muli %arg1, %mul3A_27 : i32
    %scan3A_29 = arith.constant 0 : i32
    %scan3A_30 = arith.constant 0 : i32
    %scan3A_31 = arith.constant 16 : i32
    %scan3A_32 = arith.addi %scan3A_30, %scan3A_31 : i32
    %scan3A_33 = arith.constant 1 : i32
    %scan3A_34 = scf.for %scan3A_221 = %scan3A_30 to %scan3A_32 step %scan3A_33 iter_args(%scan3A_222 = %scan3A_29) -> (i32)  : i32 {
      "tpu.region"() ({
        %run_scoped3A = tpu.sem_alloc : memref<!tpu.dma_semaphore, #tpu.memory_space<semaphore_mem>>
        %dma_start3A = arith.constant 0 : i32
        %dma_start3A_224 = tpu.memref_slice %arg12[%scan3A_221, %dma_start3A] : memref<16x64xi32, #tpu.memory_space<vmem>> -> memref<1x64xi32, #tpu.memory_space<vmem>>
        %dma_start3A_225 = tpu.memref_squeeze %dma_start3A_224 : memref<1x64xi32, #tpu.memory_space<vmem>> -> memref<64xi32, #tpu.memory_space<vmem>>
        %dma_start3A_226 = tpu.memref_slice %arg24[%scan3A_221, %mul3A_28] : memref<16x1024xi32, #tpu.memory_space<vmem_shared>> -> memref<1x64xi32, #tpu.memory_space<vmem_shared>>
        %dma_start3A_227 = tpu.memref_squeeze %dma_start3A_226 : memref<1x64xi32, #tpu.memory_space<vmem_shared>> -> memref<64xi32, #tpu.memory_space<vmem_shared>>
        %dma_start3A_228 = arith.constant 0 : i32
        %dma_start3A_229 = tpu.memref_slice %arg12[%scan3A_221, %dma_start3A_228] : memref<16x64xi32, #tpu.memory_space<vmem>> -> memref<1x64xi32, #tpu.memory_space<vmem>>
        %dma_start3A_230 = tpu.memref_squeeze %dma_start3A_229 : memref<1x64xi32, #tpu.memory_space<vmem>> -> memref<64xi32, #tpu.memory_space<vmem>>
        %dma_start3A_231 = tpu.memref_slice %arg24[%scan3A_221, %mul3A_28] : memref<16x1024xi32, #tpu.memory_space<vmem_shared>> -> memref<1x64xi32, #tpu.memory_space<vmem_shared>>
        %dma_start3A_232 = tpu.memref_squeeze %dma_start3A_231 : memref<1x64xi32, #tpu.memory_space<vmem_shared>> -> memref<64xi32, #tpu.memory_space<vmem_shared>>
        tpu.enqueue_dma source(%dma_start3A_232 : memref<64xi32, #tpu.memory_space<vmem_shared>>) target(%dma_start3A_230 : memref<64xi32, #tpu.memory_space<vmem>>) target_semaphore(%run_scoped3A : memref<!tpu.dma_semaphore, #tpu.memory_space<semaphore_mem>>)
        %dma_wait3A = arith.constant 0 : i32
        %dma_wait3A_233 = tpu.memref_slice %arg12[%scan3A_221, %dma_wait3A] : memref<16x64xi32, #tpu.memory_space<vmem>> -> memref<1x64xi32, #tpu.memory_space<vmem>>
        %dma_wait3A_234 = tpu.memref_squeeze %dma_wait3A_233 : memref<1x64xi32, #tpu.memory_space<vmem>> -> memref<64xi32, #tpu.memory_space<vmem>>
        %dma_wait3A_235 = tpu.memref_slice %arg24[%scan3A_221, %mul3A_28] : memref<16x1024xi32, #tpu.memory_space<vmem_shared>> -> memref<1x64xi32, #tpu.memory_space<vmem_shared>>
        %dma_wait3A_236 = tpu.memref_squeeze %dma_wait3A_235 : memref<1x64xi32, #tpu.memory_space<vmem_shared>> -> memref<64xi32, #tpu.memory_space<vmem_shared>>
        %dma_wait3A_237 = arith.constant 0 : i32
        %dma_wait3A_238 = tpu.memref_slice %arg12[%scan3A_221, %dma_wait3A_237] : memref<16x64xi32, #tpu.memory_space<vmem>> -> memref<1x64xi32, #tpu.memory_space<vmem>>
        %dma_wait3A_239 = tpu.memref_squeeze %dma_wait3A_238 : memref<1x64xi32, #tpu.memory_space<vmem>> -> memref<64xi32, #tpu.memory_space<vmem>>
        %dma_wait3A_240 = tpu.memref_slice %arg24[%scan3A_221, %mul3A_28] : memref<16x1024xi32, #tpu.memory_space<vmem_shared>> -> memref<1x64xi32, #tpu.memory_space<vmem_shared>>
        %dma_wait3A_241 = tpu.memref_squeeze %dma_wait3A_240 : memref<1x64xi32, #tpu.memory_space<vmem_shared>> -> memref<64xi32, #tpu.memory_space<vmem_shared>>
        tpu.wait_dma2 semaphore(%run_scoped3A : memref<!tpu.dma_semaphore, #tpu.memory_space<semaphore_mem>>) src(%dma_wait3A_241 : memref<64xi32, #tpu.memory_space<vmem_shared>>) dst(%dma_wait3A_239 : memref<64xi32, #tpu.memory_space<vmem>>)
        tpu.yield
      }) : () -> ()
      %scan3A_223 = arith.constant 0 : i32
      scf.yield %scan3A_223 : i32
    }
    %scan3A_35 = arith.constant 16 : i32
    %scan3A_36 = arith.constant 0 : i32
    %scan3A_37 = arith.constant 16 : i32
    %scan3A_38 = arith.addi %scan3A_36, %scan3A_37 : i32
    %scan3A_39 = arith.constant 1 : i32
    %scan3A_40 = scf.for %scan3A_221 = %scan3A_36 to %scan3A_38 step %scan3A_39 iter_args(%scan3A_222 = %broadcast_in_dim3A_1) -> (vector<16xi32>)  : i32 {
      %get3A_223 = arith.index_cast %scan3A_221 : i32 to index
      %get3A_224 = arith.constant 0 : index
      %get3A_225 = tpu.vector_load %arg12[%get3A_223, %get3A_224] {strides = array<i32>} : memref<16x64xi32, #tpu.memory_space<vmem>>, vector<16xi32>,
      %add3A_226 = arith.addi %scan3A_222, %get3A_225 : vector<16xi32>
      scf.yield %add3A_226 : vector<16xi32>
    }
    %scan3A_41 = arith.constant 16 : i32
    %scan3A_42 = arith.constant 0 : i32
    %scan3A_43 = arith.constant 16 : i32
    %scan3A_44 = arith.addi %scan3A_42, %scan3A_43 : i32
    %scan3A_45 = arith.constant 1 : i32
    %scan3A_46 = scf.for %scan3A_221 = %scan3A_42 to %scan3A_44 step %scan3A_45 iter_args(%scan3A_222 = %broadcast_in_dim3A_1) -> (vector<16xi32>)  : i32 {
      %get3A_223 = arith.index_cast %scan3A_221 : i32 to index
      %get3A_224 = arith.constant 16 : index
      %get3A_225 = tpu.vector_load %arg12[%get3A_223, %get3A_224] {strides = array<i32>} : memref<16x64xi32, #tpu.memory_space<vmem>>, vector<16xi32>,
      %add3A_226 = arith.addi %scan3A_222, %get3A_225 : vector<16xi32>
      scf.yield %add3A_226 : vector<16xi32>
    }
    %scan3A_47 = arith.constant 16 : i32
    %scan3A_48 = arith.constant 0 : i32
    %scan3A_49 = arith.constant 16 : i32
    %scan3A_50 = arith.addi %scan3A_48, %scan3A_49 : i32
    %scan3A_51 = arith.constant 1 : i32
    %scan3A_52 = scf.for %scan3A_221 = %scan3A_48 to %scan3A_50 step %scan3A_51 iter_args(%scan3A_222 = %broadcast_in_dim3A_1) -> (vector<16xi32>)  : i32 {
      %get3A_223 = arith.index_cast %scan3A_221 : i32 to index
      %get3A_224 = arith.constant 32 : index
      %get3A_225 = tpu.vector_load %arg12[%get3A_223, %get3A_224] {strides = array<i32>} : memref<16x64xi32, #tpu.memory_space<vmem>>, vector<16xi32>,
      %add3A_226 = arith.addi %scan3A_222, %get3A_225 : vector<16xi32>
      scf.yield %add3A_226 : vector<16xi32>
    }
    %scan3A_53 = arith.constant 16 : i32
    %scan3A_54 = arith.constant 0 : i32
    %scan3A_55 = arith.constant 16 : i32
    %scan3A_56 = arith.addi %scan3A_54, %scan3A_55 : i32
    %scan3A_57 = arith.constant 1 : i32
    %scan3A_58 = scf.for %scan3A_221 = %scan3A_54 to %scan3A_56 step %scan3A_57 iter_args(%scan3A_222 = %broadcast_in_dim3A_1) -> (vector<16xi32>)  : i32 {
      %get3A_223 = arith.index_cast %scan3A_221 : i32 to index
      %get3A_224 = arith.constant 48 : index
      %get3A_225 = tpu.vector_load %arg12[%get3A_223, %get3A_224] {strides = array<i32>} : memref<16x64xi32, #tpu.memory_space<vmem>>, vector<16xi32>,
      %add3A_226 = arith.addi %scan3A_222, %get3A_225 : vector<16xi32>
      scf.yield %add3A_226 : vector<16xi32>
    }
    %scan3A_59 = arith.constant 16 : i32
    %gt3A = vector.broadcast %squeeze3A : i32 to vector<16xi32>
    %gt3A_60 = arith.cmpi sgt, %scan3A_40, %gt3A : vector<16xi32>
    %convert_element_type3A = arith.extui %gt3A_60 : vector<16xi1> to vector<16xi32>
    %cumsum3A = arith.constant true
    %cumsum3A_61 = vector.broadcast %cumsum3A : i1 to vector<16xi1>
    %cumsum3A_62 = tpu.scan <sum>, %convert_element_type3A masked %cumsum3A_61 : vector<16xi32>, vector<16xi1> -> vector<16xi32>
    %sub3A = arith.subi %cumsum3A_62, %convert_element_type3A : vector<16xi32>
    %add3A = arith.constant 0 : i32
    %add3A_63 = vector.broadcast %add3A : i32 to vector<16xi32>
    %add3A_64 = arith.addi %sub3A, %add3A_63 : vector<16xi32>
    %reduce_sum3A = arith.constant true
    %reduce_sum3A_65 = vector.broadcast %reduce_sum3A : i1 to vector<16xi1>
    %reduce_sum3A_66 = tpu.scan <sum>, %convert_element_type3A masked %reduce_sum3A_65 : vector<16xi32>, vector<16xi1> -> vector<16xi32>
    %reduce_sum3A_67 = vector.extract %reduce_sum3A_66[15] : i32 from vector<16xi32>
    %add3A_68 = arith.constant 0 : i32
    %add3A_69 = arith.addi %add3A_68, %reduce_sum3A_67 : i32
    %gt3A_70 = vector.broadcast %squeeze3A : i32 to vector<16xi32>
    %gt3A_71 = arith.cmpi sgt, %scan3A_46, %gt3A_70 : vector<16xi32>
    %convert_element_type3A_72 = arith.extui %gt3A_71 : vector<16xi1> to vector<16xi32>
    %cumsum3A_73 = arith.constant true
    %cumsum3A_74 = vector.broadcast %cumsum3A_73 : i1 to vector<16xi1>
    %cumsum3A_75 = tpu.scan <sum>, %convert_element_type3A_72 masked %cumsum3A_74 : vector<16xi32>, vector<16xi1> -> vector<16xi32>
    %sub3A_76 = arith.subi %cumsum3A_75, %convert_element_type3A_72 : vector<16xi32>
    %add3A_77 = vector.broadcast %add3A_69 : i32 to vector<16xi32>
    %add3A_78 = arith.addi %sub3A_76, %add3A_77 : vector<16xi32>
    %reduce_sum3A_79 = arith.constant true
    %reduce_sum3A_80 = vector.broadcast %reduce_sum3A_79 : i1 to vector<16xi1>
    %reduce_sum3A_81 = tpu.scan <sum>, %convert_element_type3A_72 masked %reduce_sum3A_80 : vector<16xi32>, vector<16xi1> -> vector<16xi32>
    %reduce_sum3A_82 = vector.extract %reduce_sum3A_81[15] : i32 from vector<16xi32>
    %add3A_83 = arith.addi %add3A_69, %reduce_sum3A_82 : i32
    %gt3A_84 = vector.broadcast %squeeze3A : i32 to vector<16xi32>
    %gt3A_85 = arith.cmpi sgt, %scan3A_52, %gt3A_84 : vector<16xi32>
    %convert_element_type3A_86 = arith.extui %gt3A_85 : vector<16xi1> to vector<16xi32>
    %cumsum3A_87 = arith.constant true
    %cumsum3A_88 = vector.broadcast %cumsum3A_87 : i1 to vector<16xi1>
    %cumsum3A_89 = tpu.scan <sum>, %convert_element_type3A_86 masked %cumsum3A_88 : vector<16xi32>, vector<16xi1> -> vector<16xi32>
    %sub3A_90 = arith.subi %cumsum3A_89, %convert_element_type3A_86 : vector<16xi32>
    %add3A_91 = vector.broadcast %add3A_83 : i32 to vector<16xi32>
    %add3A_92 = arith.addi %sub3A_90, %add3A_91 : vector<16xi32>
    %reduce_sum3A_93 = arith.constant true
    %reduce_sum3A_94 = vector.broadcast %reduce_sum3A_93 : i1 to vector<16xi1>
    %reduce_sum3A_95 = tpu.scan <sum>, %convert_element_type3A_86 masked %reduce_sum3A_94 : vector<16xi32>, vector<16xi1> -> vector<16xi32>
    %reduce_sum3A_96 = vector.extract %reduce_sum3A_95[15] : i32 from vector<16xi32>
    %add3A_97 = arith.addi %add3A_83, %reduce_sum3A_96 : i32
    %gt3A_98 = vector.broadcast %squeeze3A : i32 to vector<16xi32>
    %gt3A_99 = arith.cmpi sgt, %scan3A_58, %gt3A_98 : vector<16xi32>
    %convert_element_type3A_100 = arith.extui %gt3A_99 : vector<16xi1> to vector<16xi32>
    %cumsum3A_101 = arith.constant true
    %cumsum3A_102 = vector.broadcast %cumsum3A_101 : i1 to vector<16xi1>
    %cumsum3A_103 = tpu.scan <sum>, %convert_element_type3A_100 masked %cumsum3A_102 : vector<16xi32>, vector<16xi1> -> vector<16xi32>
    %sub3A_104 = arith.subi %cumsum3A_103, %convert_element_type3A_100 : vector<16xi32>
    %add3A_105 = vector.broadcast %add3A_97 : i32 to vector<16xi32>
    %add3A_106 = arith.addi %sub3A_104, %add3A_105 : vector<16xi32>
    %reduce_sum3A_107 = arith.constant true
    %reduce_sum3A_108 = vector.broadcast %reduce_sum3A_107 : i1 to vector<16xi1>
    %reduce_sum3A_109 = tpu.scan <sum>, %convert_element_type3A_100 masked %reduce_sum3A_108 : vector<16xi32>, vector<16xi1> -> vector<16xi32>
    %reduce_sum3A_110 = vector.extract %reduce_sum3A_109[15] : i32 from vector<16xi32>
    %add3A_111 = arith.addi %add3A_97, %reduce_sum3A_110 : i32
    %broadcast_in_dim3A_112 = vector.broadcast %add3A_111 : i32 to vector<16xi32>
    %swap3A = arith.constant 0 : index
    %swap3A_113 = tpu.vector_load %arg13[%swap3A] {strides = array<i32>} : memref<16xi32, #tpu.memory_space<vmem>>, vector<16xi32>,
    tpu.vector_store %arg13[%swap3A], %broadcast_in_dim3A_112 {strides = array<i32>} : memref<16xi32, #tpu.memory_space<vmem>>, vector<16xi32>,
    "tpu.region"() ({
      %run_scoped3A = tpu.sem_alloc : memref<!tpu.dma_semaphore, #tpu.memory_space<semaphore_mem>>
      %dma_start3A = arith.constant 0 : i32
      %dma_start3A_221 = tpu.memref_slice %arg25[%arg1, %dma_start3A] : memref<16x16xi32, #tpu.memory_space<vmem_shared>> -> memref<1x16xi32, #tpu.memory_space<vmem_shared>>
      %dma_start3A_222 = tpu.memref_squeeze %dma_start3A_221 : memref<1x16xi32, #tpu.memory_space<vmem_shared>> -> memref<16xi32, #tpu.memory_space<vmem_shared>>
      %dma_start3A_223 = arith.constant 0 : i32
      %dma_start3A_224 = tpu.memref_slice %arg25[%arg1, %dma_start3A_223] : memref<16x16xi32, #tpu.memory_space<vmem_shared>> -> memref<1x16xi32, #tpu.memory_space<vmem_shared>>
      %dma_start3A_225 = tpu.memref_squeeze %dma_start3A_224 : memref<1x16xi32, #tpu.memory_space<vmem_shared>> -> memref<16xi32, #tpu.memory_space<vmem_shared>>
      tpu.enqueue_dma source(%arg13 : memref<16xi32, #tpu.memory_space<vmem>>) target(%dma_start3A_225 : memref<16xi32, #tpu.memory_space<vmem_shared>>) target_semaphore(%run_scoped3A : memref<!tpu.dma_semaphore, #tpu.memory_space<semaphore_mem>>)
      %dma_wait3A = arith.constant 0 : i32
      %dma_wait3A_226 = tpu.memref_slice %arg25[%arg1, %dma_wait3A] : memref<16x16xi32, #tpu.memory_space<vmem_shared>> -> memref<1x16xi32, #tpu.memory_space<vmem_shared>>
      %dma_wait3A_227 = tpu.memref_squeeze %dma_wait3A_226 : memref<1x16xi32, #tpu.memory_space<vmem_shared>> -> memref<16xi32, #tpu.memory_space<vmem_shared>>
      %dma_wait3A_228 = arith.constant 0 : i32
      %dma_wait3A_229 = tpu.memref_slice %arg25[%arg1, %dma_wait3A_228] : memref<16x16xi32, #tpu.memory_space<vmem_shared>> -> memref<1x16xi32, #tpu.memory_space<vmem_shared>>
      %dma_wait3A_230 = tpu.memref_squeeze %dma_wait3A_229 : memref<1x16xi32, #tpu.memory_space<vmem_shared>> -> memref<16xi32, #tpu.memory_space<vmem_shared>>
      tpu.wait_dma2 semaphore(%run_scoped3A : memref<!tpu.dma_semaphore, #tpu.memory_space<semaphore_mem>>) src(%arg13 : memref<16xi32, #tpu.memory_space<vmem>>) dst(%dma_wait3A_230 : memref<16xi32, #tpu.memory_space<vmem_shared>>)
      tpu.yield
    }) : () -> ()
    %barrier3A_114 = arith.constant 0 : index
    tpu.barrier barrier_id(%barrier3A_114)
    "tpu.region"() ({
      %run_scoped3A = tpu.sem_alloc : memref<!tpu.dma_semaphore, #tpu.memory_space<semaphore_mem>>
      tpu.enqueue_dma source(%arg25 : memref<16x16xi32, #tpu.memory_space<vmem_shared>>) target(%arg14 : memref<16x16xi32, #tpu.memory_space<vmem>>) target_semaphore(%run_scoped3A : memref<!tpu.dma_semaphore, #tpu.memory_space<semaphore_mem>>)
      tpu.wait_dma2 semaphore(%run_scoped3A : memref<!tpu.dma_semaphore, #tpu.memory_space<semaphore_mem>>) src(%arg25 : memref<16x16xi32, #tpu.memory_space<vmem_shared>>) dst(%arg14 : memref<16x16xi32, #tpu.memory_space<vmem>>)
      tpu.yield
    }) : () -> ()
    %scan3A_115 = arith.constant 0 : i32
    %scan3A_116 = arith.constant 0 : i32
    %scan3A_117 = arith.constant 0 : i32
    %scan3A_118 = arith.constant 16 : i32
    %scan3A_119 = arith.addi %scan3A_117, %scan3A_118 : i32
    %scan3A_120 = arith.constant 1 : i32
    %scan3A_121:2 = scf.for %scan3A_221 = %scan3A_117 to %scan3A_119 step %scan3A_120 iter_args(%scan3A_222 = %scan3A_115, %scan3A_223 = %scan3A_116) -> (i32, i32)  : i32 {
      %get3A_224 = arith.index_cast %scan3A_221 : i32 to index
      %get3A_225 = arith.constant 0 : index
      %get3A_226 = tpu.vector_load %arg14[%get3A_224, %get3A_225] {strides = array<i32>} : memref<16x16xi32, #tpu.memory_space<vmem>>, vector<16xi32>,
      %slice3A_227 = vector.extract_strided_slice %get3A_226 {offsets = [0], sizes = [1], strides = [1]} : vector<16xi32> to vector<1xi32>
      %squeeze3A_228 = vector.extract %slice3A_227[0] : i32 from vector<1xi32>
      %lt3A = arith.cmpi slt, %scan3A_221, %arg1 : i32
      %jit3A_229 = arith.constant 0 : i32
      %select_n3A_230 = arith.select %lt3A, %squeeze3A_228, %jit3A_229 : i32
      %add3A_231 = arith.addi %scan3A_222, %select_n3A_230 : i32
      %add3A_232 = arith.addi %scan3A_223, %squeeze3A_228 : i32
      scf.yield %add3A_231, %add3A_232 : i32, i32
    }
    %scan3A_122 = arith.constant 16 : i32
    %gt3A_123 = arith.constant 0 : i32
    %gt3A_124 = vector.broadcast %gt3A_123 : i32 to vector<16xi32>
    %gt3A_125 = arith.cmpi sgt, %convert_element_type3A, %gt3A_124 : vector<16xi32>
    %add3A_126 = vector.broadcast %scan3A_121#0 : i32 to vector<16xi32>
    %add3A_127 = arith.addi %add3A_64, %add3A_126 : vector<16xi32>
    %jit3A = arith.constant -1 : i32
    %broadcast_in_dim3A_128 = vector.broadcast %jit3A : i32 to vector<16xi32>
    %select_n3A = arith.select %gt3A_125, %add3A_127, %broadcast_in_dim3A_128 : vector<16xi1>, vector<16xi32>
    %add3A_129 = arith.constant 0 : i32
    %add3A_130 = arith.addi %mul3A_28, %add3A_129 : i32
    %swap3A_131 = arith.index_cast %add3A_130 : i32 to index
    %swap3A_132 = tpu.vector_load %arg11[%swap3A_131] {strides = array<i32>} : memref<1024xi32, #tpu.memory_space<vmem>>, vector<16xi32>,
    tpu.vector_store %arg11[%swap3A_131], %select_n3A {strides = array<i32>} : memref<1024xi32, #tpu.memory_space<vmem>>, vector<16xi32>,
    %gt3A_133 = arith.constant 0 : i32
    %gt3A_134 = vector.broadcast %gt3A_133 : i32 to vector<16xi32>
    %gt3A_135 = arith.cmpi sgt, %convert_element_type3A_72, %gt3A_134 : vector<16xi32>
    %add3A_136 = vector.broadcast %scan3A_121#0 : i32 to vector<16xi32>
    %add3A_137 = arith.addi %add3A_78, %add3A_136 : vector<16xi32>
    %jit3A_138 = arith.constant -1 : i32
    %broadcast_in_dim3A_139 = vector.broadcast %jit3A_138 : i32 to vector<16xi32>
    %select_n3A_140 = arith.select %gt3A_135, %add3A_137, %broadcast_in_dim3A_139 : vector<16xi1>, vector<16xi32>
    %add3A_141 = arith.constant 16 : i32
    %add3A_142 = arith.addi %mul3A_28, %add3A_141 : i32
    %swap3A_143 = arith.index_cast %add3A_142 : i32 to index
    %swap3A_144 = tpu.vector_load %arg11[%swap3A_143] {strides = array<i32>} : memref<1024xi32, #tpu.memory_space<vmem>>, vector<16xi32>,
    tpu.vector_store %arg11[%swap3A_143], %select_n3A_140 {strides = array<i32>} : memref<1024xi32, #tpu.memory_space<vmem>>, vector<16xi32>,
    %gt3A_145 = arith.constant 0 : i32
    %gt3A_146 = vector.broadcast %gt3A_145 : i32 to vector<16xi32>
    %gt3A_147 = arith.cmpi sgt, %convert_element_type3A_86, %gt3A_146 : vector<16xi32>
    %add3A_148 = vector.broadcast %scan3A_121#0 : i32 to vector<16xi32>
    %add3A_149 = arith.addi %add3A_92, %add3A_148 : vector<16xi32>
    %jit3A_150 = arith.constant -1 : i32
    %broadcast_in_dim3A_151 = vector.broadcast %jit3A_150 : i32 to vector<16xi32>
    %select_n3A_152 = arith.select %gt3A_147, %add3A_149, %broadcast_in_dim3A_151 : vector<16xi1>, vector<16xi32>
    %add3A_153 = arith.constant 32 : i32
    %add3A_154 = arith.addi %mul3A_28, %add3A_153 : i32
    %swap3A_155 = arith.index_cast %add3A_154 : i32 to index
    %swap3A_156 = tpu.vector_load %arg11[%swap3A_155] {strides = array<i32>} : memref<1024xi32, #tpu.memory_space<vmem>>, vector<16xi32>,
    tpu.vector_store %arg11[%swap3A_155], %select_n3A_152 {strides = array<i32>} : memref<1024xi32, #tpu.memory_space<vmem>>, vector<16xi32>,
    %gt3A_157 = arith.constant 0 : i32
    %gt3A_158 = vector.broadcast %gt3A_157 : i32 to vector<16xi32>
    %gt3A_159 = arith.cmpi sgt, %convert_element_type3A_100, %gt3A_158 : vector<16xi32>
    %add3A_160 = vector.broadcast %scan3A_121#0 : i32 to vector<16xi32>
    %add3A_161 = arith.addi %add3A_106, %add3A_160 : vector<16xi32>
    %jit3A_162 = arith.constant -1 : i32
    %broadcast_in_dim3A_163 = vector.broadcast %jit3A_162 : i32 to vector<16xi32>
    %select_n3A_164 = arith.select %gt3A_159, %add3A_161, %broadcast_in_dim3A_163 : vector<16xi1>, vector<16xi32>
    %add3A_165 = arith.constant 48 : i32
    %add3A_166 = arith.addi %mul3A_28, %add3A_165 : i32
    %swap3A_167 = arith.index_cast %add3A_166 : i32 to index
    %swap3A_168 = tpu.vector_load %arg11[%swap3A_167] {strides = array<i32>} : memref<1024xi32, #tpu.memory_space<vmem>>, vector<16xi32>,
    tpu.vector_store %arg11[%swap3A_167], %select_n3A_164 {strides = array<i32>} : memref<1024xi32, #tpu.memory_space<vmem>>, vector<16xi32>,
    "tpu.region"() ({
      %run_scoped3A = tpu.sem_alloc : memref<!tpu.dma_semaphore, #tpu.memory_space<semaphore_mem>>
      %dma_start3A = tpu.memref_slice %arg11[%mul3A_28] : memref<1024xi32, #tpu.memory_space<vmem>> -> memref<64xi32, #tpu.memory_space<vmem>>
      %dma_start3A_221 = tpu.memref_slice %arg26[%mul3A_28] : memref<1024xi32, #tpu.memory_space<vmem_shared>> -> memref<64xi32, #tpu.memory_space<vmem_shared>>
      %dma_start3A_222 = tpu.memref_slice %arg26[%mul3A_28] : memref<1024xi32, #tpu.memory_space<vmem_shared>> -> memref<64xi32, #tpu.memory_space<vmem_shared>>
      %dma_start3A_223 = tpu.memref_slice %arg11[%mul3A_28] : memref<1024xi32, #tpu.memory_space<vmem>> -> memref<64xi32, #tpu.memory_space<vmem>>
      tpu.enqueue_dma source(%dma_start3A_223 : memref<64xi32, #tpu.memory_space<vmem>>) target(%dma_start3A_222 : memref<64xi32, #tpu.memory_space<vmem_shared>>) target_semaphore(%run_scoped3A : memref<!tpu.dma_semaphore, #tpu.memory_space<semaphore_mem>>)
      %dma_wait3A = tpu.memref_slice %arg11[%mul3A_28] : memref<1024xi32, #tpu.memory_space<vmem>> -> memref<64xi32, #tpu.memory_space<vmem>>
      %dma_wait3A_224 = tpu.memref_slice %arg26[%mul3A_28] : memref<1024xi32, #tpu.memory_space<vmem_shared>> -> memref<64xi32, #tpu.memory_space<vmem_shared>>
      %dma_wait3A_225 = tpu.memref_slice %arg26[%mul3A_28] : memref<1024xi32, #tpu.memory_space<vmem_shared>> -> memref<64xi32, #tpu.memory_space<vmem_shared>>
      %dma_wait3A_226 = tpu.memref_slice %arg11[%mul3A_28] : memref<1024xi32, #tpu.memory_space<vmem>> -> memref<64xi32, #tpu.memory_space<vmem>>
      tpu.wait_dma2 semaphore(%run_scoped3A : memref<!tpu.dma_semaphore, #tpu.memory_space<semaphore_mem>>) src(%dma_wait3A_226 : memref<64xi32, #tpu.memory_space<vmem>>) dst(%dma_wait3A_225 : memref<64xi32, #tpu.memory_space<vmem_shared>>)
      tpu.yield
    }) : () -> ()
    %mul3A_169 = arith.constant 32 : i32
    %mul3A_170 = arith.muli %arg1, %mul3A_169 : i32
    %sub3A_171 = arith.constant 1 : i32
    %sub3A_172 = arith.subi %squeeze3A, %sub3A_171 : i32
    %broadcast_in_dim3A_173 = vector.broadcast %sub3A_172 : i32 to vector<16xi32>
    %add3A_174 = arith.constant 0 : i32
    %add3A_175 = arith.addi %mul3A_170, %add3A_174 : i32
    %swap3A_176 = arith.index_cast %add3A_175 : i32 to index
    %swap3A_177 = tpu.vector_load %arg20[%swap3A_176] {strides = array<i32>} : memref<512xi32, #tpu.memory_space<vmem>>, vector<16xi32>,
    tpu.vector_store %arg20[%swap3A_176], %broadcast_in_dim3A_173 {strides = array<i32>} : memref<512xi32, #tpu.memory_space<vmem>>, vector<16xi32>,
    %add3A_178 = arith.constant 0 : i32
    %add3A_179 = arith.addi %mul3A_170, %add3A_178 : i32
    %swap3A_180 = arith.index_cast %add3A_179 : i32 to index
    %swap3A_181 = tpu.vector_load %arg18[%swap3A_180] {strides = array<i32>} : memref<512xi32, #tpu.memory_space<vmem>>, vector<16xi32>,
    tpu.vector_store %arg18[%swap3A_180], %broadcast_in_dim3A_1 {strides = array<i32>} : memref<512xi32, #tpu.memory_space<vmem>>, vector<16xi32>,
    %add3A_182 = arith.constant 0 : i32
    %add3A_183 = arith.addi %mul3A_170, %add3A_182 : i32
    %swap3A_184 = arith.index_cast %add3A_183 : i32 to index
    %swap3A_185 = tpu.vector_load %arg19[%swap3A_184] {strides = array<i32>} : memref<512xi32, #tpu.memory_space<vmem>>, vector<16xi32>,
    tpu.vector_store %arg19[%swap3A_184], %broadcast_in_dim3A_1 {strides = array<i32>} : memref<512xi32, #tpu.memory_space<vmem>>, vector<16xi32>,
    %add3A_186 = arith.constant 16 : i32
    %add3A_187 = arith.addi %mul3A_170, %add3A_186 : i32
    %swap3A_188 = arith.index_cast %add3A_187 : i32 to index
    %swap3A_189 = tpu.vector_load %arg20[%swap3A_188] {strides = array<i32>} : memref<512xi32, #tpu.memory_space<vmem>>, vector<16xi32>,
    tpu.vector_store %arg20[%swap3A_188], %broadcast_in_dim3A_173 {strides = array<i32>} : memref<512xi32, #tpu.memory_space<vmem>>, vector<16xi32>,
    %add3A_190 = arith.constant 16 : i32
    %add3A_191 = arith.addi %mul3A_170, %add3A_190 : i32
    %swap3A_192 = arith.index_cast %add3A_191 : i32 to index
    %swap3A_193 = tpu.vector_load %arg18[%swap3A_192] {strides = array<i32>} : memref<512xi32, #tpu.memory_space<vmem>>, vector<16xi32>,
    tpu.vector_store %arg18[%swap3A_192], %broadcast_in_dim3A_1 {strides = array<i32>} : memref<512xi32, #tpu.memory_space<vmem>>, vector<16xi32>,
    %add3A_194 = arith.constant 16 : i32
    %add3A_195 = arith.addi %mul3A_170, %add3A_194 : i32
    %swap3A_196 = arith.index_cast %add3A_195 : i32 to index
    %swap3A_197 = tpu.vector_load %arg19[%swap3A_196] {strides = array<i32>} : memref<512xi32, #tpu.memory_space<vmem>>, vector<16xi32>,
    tpu.vector_store %arg19[%swap3A_196], %broadcast_in_dim3A_1 {strides = array<i32>} : memref<512xi32, #tpu.memory_space<vmem>>, vector<16xi32>,
    "tpu.region"() ({
      %run_scoped3A = tpu.sem_alloc : memref<!tpu.dma_semaphore, #tpu.memory_space<semaphore_mem>>
      %dma_start3A = tpu.memref_slice %arg18[%mul3A_170] : memref<512xi32, #tpu.memory_space<vmem>> -> memref<32xi32, #tpu.memory_space<vmem>>
      %dma_start3A_221 = tpu.memref_slice %arg28[%mul3A_170] : memref<512xi32, #tpu.memory_space<vmem_shared>> -> memref<32xi32, #tpu.memory_space<vmem_shared>>
      %dma_start3A_222 = tpu.memref_slice %arg28[%mul3A_170] : memref<512xi32, #tpu.memory_space<vmem_shared>> -> memref<32xi32, #tpu.memory_space<vmem_shared>>
      %dma_start3A_223 = tpu.memref_slice %arg18[%mul3A_170] : memref<512xi32, #tpu.memory_space<vmem>> -> memref<32xi32, #tpu.memory_space<vmem>>
      tpu.enqueue_dma source(%dma_start3A_223 : memref<32xi32, #tpu.memory_space<vmem>>) target(%dma_start3A_222 : memref<32xi32, #tpu.memory_space<vmem_shared>>) target_semaphore(%run_scoped3A : memref<!tpu.dma_semaphore, #tpu.memory_space<semaphore_mem>>)
      %dma_wait3A = tpu.memref_slice %arg18[%mul3A_170] : memref<512xi32, #tpu.memory_space<vmem>> -> memref<32xi32, #tpu.memory_space<vmem>>
      %dma_wait3A_224 = tpu.memref_slice %arg28[%mul3A_170] : memref<512xi32, #tpu.memory_space<vmem_shared>> -> memref<32xi32, #tpu.memory_space<vmem_shared>>
      %dma_wait3A_225 = tpu.memref_slice %arg28[%mul3A_170] : memref<512xi32, #tpu.memory_space<vmem_shared>> -> memref<32xi32, #tpu.memory_space<vmem_shared>>
      %dma_wait3A_226 = tpu.memref_slice %arg18[%mul3A_170] : memref<512xi32, #tpu.memory_space<vmem>> -> memref<32xi32, #tpu.memory_space<vmem>>
      tpu.wait_dma2 semaphore(%run_scoped3A : memref<!tpu.dma_semaphore, #tpu.memory_space<semaphore_mem>>) src(%dma_wait3A_226 : memref<32xi32, #tpu.memory_space<vmem>>) dst(%dma_wait3A_225 : memref<32xi32, #tpu.memory_space<vmem_shared>>)
      tpu.yield
    }) : () -> ()
    "tpu.region"() ({
      %run_scoped3A = tpu.sem_alloc : memref<!tpu.dma_semaphore, #tpu.memory_space<semaphore_mem>>
      %dma_start3A = tpu.memref_slice %arg19[%mul3A_170] : memref<512xi32, #tpu.memory_space<vmem>> -> memref<32xi32, #tpu.memory_space<vmem>>
      %dma_start3A_221 = tpu.memref_slice %arg29[%mul3A_170] : memref<512xi32, #tpu.memory_space<vmem_shared>> -> memref<32xi32, #tpu.memory_space<vmem_shared>>
      %dma_start3A_222 = tpu.memref_slice %arg29[%mul3A_170] : memref<512xi32, #tpu.memory_space<vmem_shared>> -> memref<32xi32, #tpu.memory_space<vmem_shared>>
      %dma_start3A_223 = tpu.memref_slice %arg19[%mul3A_170] : memref<512xi32, #tpu.memory_space<vmem>> -> memref<32xi32, #tpu.memory_space<vmem>>
      tpu.enqueue_dma source(%dma_start3A_223 : memref<32xi32, #tpu.memory_space<vmem>>) target(%dma_start3A_222 : memref<32xi32, #tpu.memory_space<vmem_shared>>) target_semaphore(%run_scoped3A : memref<!tpu.dma_semaphore, #tpu.memory_space<semaphore_mem>>)
      %dma_wait3A = tpu.memref_slice %arg19[%mul3A_170] : memref<512xi32, #tpu.memory_space<vmem>> -> memref<32xi32, #tpu.memory_space<vmem>>
      %dma_wait3A_224 = tpu.memref_slice %arg29[%mul3A_170] : memref<512xi32, #tpu.memory_space<vmem_shared>> -> memref<32xi32, #tpu.memory_space<vmem_shared>>
      %dma_wait3A_225 = tpu.memref_slice %arg29[%mul3A_170] : memref<512xi32, #tpu.memory_space<vmem_shared>> -> memref<32xi32, #tpu.memory_space<vmem_shared>>
      %dma_wait3A_226 = tpu.memref_slice %arg19[%mul3A_170] : memref<512xi32, #tpu.memory_space<vmem>> -> memref<32xi32, #tpu.memory_space<vmem>>
      tpu.wait_dma2 semaphore(%run_scoped3A : memref<!tpu.dma_semaphore, #tpu.memory_space<semaphore_mem>>) src(%dma_wait3A_226 : memref<32xi32, #tpu.memory_space<vmem>>) dst(%dma_wait3A_225 : memref<32xi32, #tpu.memory_space<vmem_shared>>)
      tpu.yield
    }) : () -> ()
    %barrier3A_198 = arith.constant 0 : index
    tpu.barrier barrier_id(%barrier3A_198)
    "tpu.region"() ({
      %run_scoped3A = tpu.sem_alloc : memref<!tpu.dma_semaphore, #tpu.memory_space<semaphore_mem>>
      tpu.enqueue_dma source(%arg26 : memref<1024xi32, #tpu.memory_space<vmem_shared>>) target(%arg11 : memref<1024xi32, #tpu.memory_space<vmem>>) target_semaphore(%run_scoped3A : memref<!tpu.dma_semaphore, #tpu.memory_space<semaphore_mem>>)
      tpu.wait_dma2 semaphore(%run_scoped3A : memref<!tpu.dma_semaphore, #tpu.memory_space<semaphore_mem>>) src(%arg26 : memref<1024xi32, #tpu.memory_space<vmem_shared>>) dst(%arg11 : memref<1024xi32, #tpu.memory_space<vmem>>)
      tpu.yield
    }) : () -> ()
    "tpu.region"() ({
      %run_scoped3A = tpu.sem_alloc : memref<!tpu.dma_semaphore, #tpu.memory_space<semaphore_mem>>
      tpu.enqueue_dma source(%arg28 : memref<512xi32, #tpu.memory_space<vmem_shared>>) target(%arg18 : memref<512xi32, #tpu.memory_space<vmem>>) target_semaphore(%run_scoped3A : memref<!tpu.dma_semaphore, #tpu.memory_space<semaphore_mem>>)
      tpu.wait_dma2 semaphore(%run_scoped3A : memref<!tpu.dma_semaphore, #tpu.memory_space<semaphore_mem>>) src(%arg28 : memref<512xi32, #tpu.memory_space<vmem_shared>>) dst(%arg18 : memref<512xi32, #tpu.memory_space<vmem>>)
      tpu.yield
    }) : () -> ()
    "tpu.region"() ({
      %run_scoped3A = tpu.sem_alloc : memref<!tpu.dma_semaphore, #tpu.memory_space<semaphore_mem>>
      tpu.enqueue_dma source(%arg29 : memref<512xi32, #tpu.memory_space<vmem_shared>>) target(%arg19 : memref<512xi32, #tpu.memory_space<vmem>>) target_semaphore(%run_scoped3A : memref<!tpu.dma_semaphore, #tpu.memory_space<semaphore_mem>>)
      tpu.wait_dma2 semaphore(%run_scoped3A : memref<!tpu.dma_semaphore, #tpu.memory_space<semaphore_mem>>) src(%arg29 : memref<512xi32, #tpu.memory_space<vmem_shared>>) dst(%arg19 : memref<512xi32, #tpu.memory_space<vmem>>)
      tpu.yield
    }) : () -> ()
    %scan3A_199 = arith.constant 0 : i32
    %scan3A_200 = arith.constant 0 : i32
    %scan3A_201 = arith.constant 68 : i32
    %scan3A_202 = arith.addi %scan3A_200, %scan3A_201 : i32
    %scan3A_203 = arith.constant 1 : i32
    %scan3A_204 = scf.for %scan3A_221 = %scan3A_200 to %scan3A_202 step %scan3A_203 iter_args(%scan3A_222 = %scan3A_199) -> (i32)  : i32 {
      %mul3A_223 = arith.constant 16 : i32
      %mul3A_224 = arith.muli %scan3A_221, %mul3A_223 : i32
      %get3A_225 = arith.index_cast %mul3A_224 : i32 to index
      %get3A_226 = tpu.vector_load %arg6[%get3A_225] {strides = array<i32>} : memref<1088xi32, #tpu.memory_space<vmem>>, vector<16xi32>,
      %gather3A = tpu.vector_load_idx %arg11[%get3A_226] : memref<1024xi32, #tpu.memory_space<vmem>>[vector<16xi32>], vector<16xi32>,
      %ge3A = arith.constant 0 : i32
      %ge3A_227 = vector.broadcast %ge3A : i32 to vector<16xi32>
      %ge3A_228 = arith.cmpi sge, %gather3A, %ge3A_227 : vector<16xi32>
      %mul3A_229 = arith.constant 16 : i32
      %mul3A_230 = arith.muli %scan3A_221, %mul3A_229 : i32
      %add3A_231 = vector.broadcast %mul3A_230 : i32 to vector<16xi32>
      %add3A_232 = arith.addi %iota3A, %add3A_231 : vector<16xi32>
      %swap3A_233 = arith.index_cast %scan3A_222 : i32 to index
      %swap3A_234 = tpu.vector_load %arg8[%swap3A_233] masked %ge3A_228 {strides = array<i32>} : memref<1104xi32, #tpu.memory_space<vmem>>, vector<16xi32>, vector<16xi1>
      tpu.vector_store %arg8[%swap3A_233], %add3A_232 masked %ge3A_228 {strides = array<i32>} : memref<1104xi32, #tpu.memory_space<vmem>>, vector<16xi32>, vector<16xi1>
      %convert_element_type3A_235 = arith.extui %ge3A_228 : vector<16xi1> to vector<16xi32>
      %reduce_sum3A_236 = arith.constant true
      %reduce_sum3A_237 = vector.broadcast %reduce_sum3A_236 : i1 to vector<16xi1>
      %reduce_sum3A_238 = tpu.scan <sum>, %convert_element_type3A_235 masked %reduce_sum3A_237 : vector<16xi32>, vector<16xi1> -> vector<16xi32>
      %reduce_sum3A_239 = vector.extract %reduce_sum3A_238[15] : i32 from vector<16xi32>
      %add3A_240 = arith.addi %scan3A_222, %reduce_sum3A_239 : i32
      scf.yield %add3A_240 : i32
    }
    %scan3A_205 = arith.constant 68 : i32
    %gt3A_206 = arith.constant 0 : i32
    %gt3A_207 = arith.cmpi sgt, %scan3A_121#1, %gt3A_206 : i32
    %convert_element_type3A_208 = arith.extui %gt3A_207 : i1 to i32
    %cond3A = arith.constant 0 : i32
    %cond3A_209 = arith.cmpi ne, %convert_element_type3A_208, %cond3A : i32
    scf.if %cond3A_209 {
      %scan3A_221 = arith.constant 0 : i32
      %scan3A_222 = arith.constant 0 : i32
      %scan3A_223 = arith.constant 12 : i32
      %scan3A_224 = arith.addi %scan3A_222, %scan3A_223 : i32
      %scan3A_225 = arith.constant 1 : i32
      %scan3A_226 = scf.for %scan3A_228 = %scan3A_222 to %scan3A_224 step %scan3A_225 iter_args(%scan3A_229 = %scan3A_221) -> (i32)  : i32 {
        %scan3A_230 = arith.constant 0 : i32
        %scan3A_231 = arith.constant 0 : i32
        %scan3A_232 = arith.constant 512 : i32
        %scan3A_233 = arith.addi %scan3A_231, %scan3A_232 : i32
        %scan3A_234 = arith.constant 1 : i32
        %scan3A_235 = scf.for %scan3A_2184 = %scan3A_231 to %scan3A_233 step %scan3A_234 iter_args(%scan3A_2185 = %scan3A_230) -> (i32)  : i32 {
          %mul3A_2186 = arith.constant 16 : i32
          %mul3A_2187 = arith.muli %scan3A_2184, %mul3A_2186 : i32
          %swap3A_2188 = arith.index_cast %mul3A_2187 : i32 to index
          %swap3A_2189 = tpu.vector_load %arg15[%swap3A_2188] {strides = array<i32>} : memref<8192xi32, #tpu.memory_space<vmem>>, vector<16xi32>,
          tpu.vector_store %arg15[%swap3A_2188], %broadcast_in_dim3A_1 {strides = array<i32>} : memref<8192xi32, #tpu.memory_space<vmem>>, vector<16xi32>,
          %scan3A_2190 = arith.constant 0 : i32
          scf.yield %scan3A_2190 : i32
        }
        %scan3A_236 = arith.constant 512 : i32
        %lt3A = arith.constant 8 : i32
        %lt3A_237 = arith.cmpi slt, %scan3A_228, %lt3A : i32
        %mul3A_238 = arith.constant 4 : i32
        %mul3A_239 = arith.muli %mul3A_238, %scan3A_228 : i32
        %sub3A_240 = arith.constant 28 : i32
        %sub3A_241 = arith.subi %sub3A_240, %mul3A_239 : i32
        %mul3A_242 = arith.constant 4 : i32
        %mul3A_243 = arith.muli %mul3A_242, %scan3A_228 : i32
        %sub3A_244 = arith.constant 44 : i32
        %sub3A_245 = arith.subi %sub3A_244, %mul3A_243 : i32
        %select_n3A_246 = arith.select %lt3A_237, %sub3A_241, %sub3A_245 : i32
        %mul3A_247 = arith.constant 4 : i32
        %mul3A_248 = arith.muli %mul3A_247, %scan3A_228 : i32
        %sub3A_249 = arith.constant 32 : i32
        %sub3A_250 = arith.subi %sub3A_249, %mul3A_248 : i32
        %jit3A_251 = arith.constant 0 : i32
        %jit3A_252 = arith.constant 31 : i32
        %max3A = arith.maxsi %jit3A_251, %sub3A_250 : i32
        %min3A = arith.minsi %jit3A_252, %max3A : i32
        %mul3A_253 = arith.constant 4 : i32
        %mul3A_254 = arith.muli %mul3A_253, %scan3A_228 : i32
        %sub3A_255 = arith.constant 48 : i32
        %sub3A_256 = arith.subi %sub3A_255, %mul3A_254 : i32
        %jit3A_257 = arith.constant 0 : i32
        %jit3A_258 = arith.constant 31 : i32
        %max3A_259 = arith.maxsi %jit3A_257, %sub3A_256 : i32
        %min3A_260 = arith.minsi %jit3A_258, %max3A_259 : i32
        %add3A_261 = arith.constant 16 : i32
        %add3A_262 = arith.addi %scan3A_204, %add3A_261 : i32
        %sub3A_263 = arith.constant 1 : i32
        %sub3A_264 = arith.subi %add3A_262, %sub3A_263 : i32
        %jit3A_265 = arith.constant 16 : i32
        %div3A = arith.divsi %sub3A_264, %jit3A_265 : i32
        %sign3A = arith.constant 0 : i32
        %sign3A_266 = arith.cmpi sgt, %sub3A_264, %sign3A : i32
        %sign3A_267 = arith.extui %sign3A_266 : i1 to i32
        %sign3A_268 = arith.constant 0 : i32
        %sign3A_269 = arith.cmpi slt, %sub3A_264, %sign3A_268 : i32
        %sign3A_270 = arith.extui %sign3A_269 : i1 to i32
        %sign3A_271 = arith.subi %sign3A_267, %sign3A_270 : i32
        %sign3A_272 = arith.constant 0 : i32
        %sign3A_273 = arith.cmpi sgt, %jit3A_265, %sign3A_272 : i32
        %sign3A_274 = arith.extui %sign3A_273 : i1 to i32
        %sign3A_275 = arith.constant 0 : i32
        %sign3A_276 = arith.cmpi slt, %jit3A_265, %sign3A_275 : i32
        %sign3A_277 = arith.extui %sign3A_276 : i1 to i32
        %sign3A_278 = arith.subi %sign3A_274, %sign3A_277 : i32
        %ne3A = arith.cmpi ne, %sign3A_271, %sign3A_278 : i32
        %rem3A = arith.remsi %sub3A_264, %jit3A_265 : i32
        %ne3A_279 = arith.constant 0 : i32
        %ne3A_280 = arith.cmpi ne, %rem3A, %ne3A_279 : i32
        %and3A = arith.andi %ne3A, %ne3A_280 : i1
        %sub3A_281 = arith.constant 1 : i32
        %sub3A_282 = arith.subi %div3A, %sub3A_281 : i32
        %select_n3A_283 = arith.select %and3A, %sub3A_282, %div3A : i32
        %while3A = arith.constant 0 : i32
        %while3A_284 = arith.constant 0 : i32
        %while3A_285 = arith.subi %select_n3A_283, %while3A : i32
        %while3A_286 = arith.addi %while3A, %while3A_285 : i32
        %while3A_287 = arith.constant 1 : i32
        %while3A_288 = arith.divsi %while3A_285, %while3A_287 : i32
        %while3A_289 = arith.muli %while3A_288, %while3A_287 : i32
        %while3A_290 = arith.addi %while3A, %while3A_289 : i32
        %while3A_291 = arith.constant 1 : i32
        %while3A_292 = scf.for %while3A_2184 = %while3A to %while3A_290 step %while3A_291 iter_args(%while3A_2185 = %while3A_284) -> (i32)  : i32 {
          %mul3A_2186 = arith.constant 16 : i32
          %mul3A_2187 = arith.muli %while3A_2184, %mul3A_2186 : i32
          %get3A_2188 = arith.index_cast %mul3A_2187 : i32 to index
          %get3A_2189 = tpu.vector_load %arg8[%get3A_2188] {strides = array<i32>} : memref<1104xi32, #tpu.memory_space<vmem>>, vector<16xi32>,
          %mul3A_2190 = arith.constant 16 : i32
          %mul3A_2191 = arith.muli %while3A_2184, %mul3A_2190 : i32
          %add3A_2192 = vector.broadcast %mul3A_2191 : i32 to vector<16xi32>
          %add3A_2193 = arith.addi %iota3A, %add3A_2192 : vector<16xi32>
          %lt3A_2194 = vector.broadcast %scan3A_204 : i32 to vector<16xi32>
          %lt3A_2195 = arith.cmpi slt, %add3A_2193, %lt3A_2194 : vector<16xi32>
          %gather3A = tpu.vector_load_idx %arg6[%get3A_2189] masked %lt3A_2195 : memref<1088xi32, #tpu.memory_space<vmem>>[vector<16xi32>], vector<16xi32>, vector<16xi1>
          %gather3A_2196 = tpu.vector_load_idx %arg7[%get3A_2189] masked %lt3A_2195 : memref<1088xi32, #tpu.memory_space<vmem>>[vector<16xi32>], vector<16xi32>, vector<16xi1>
          %gather3A_2197 = tpu.vector_load_idx %arg11[%gather3A] masked %lt3A_2195 : memref<1024xi32, #tpu.memory_space<vmem>>[vector<16xi32>], vector<16xi32>, vector<16xi1>
          %add3A_2198 = vector.broadcast %mul3A_0 : i32 to vector<16xi32>
          %add3A_2199 = arith.addi %get3A_2189, %add3A_2198 : vector<16xi32>
          %gather3A_2200 = tpu.vector_load_idx %arg18[%gather3A_2197] masked %lt3A_2195 : memref<512xi32, #tpu.memory_space<vmem>>[vector<16xi32>], vector<16xi32>, vector<16xi1>
          %gather3A_2201 = tpu.vector_load_idx %arg19[%gather3A_2197] masked %lt3A_2195 : memref<512xi32, #tpu.memory_space<vmem>>[vector<16xi32>], vector<16xi32>, vector<16xi1>
          %shift_right_arithmetic3A = vector.broadcast %min3A : i32 to vector<16xi32>
          %shift_right_arithmetic3A_2202 = arith.shrsi %gather3A_2196, %shift_right_arithmetic3A : vector<16xi32>
          %shift_right_arithmetic3A_2203 = vector.broadcast %min3A : i32 to vector<16xi32>
          %shift_right_arithmetic3A_2204 = arith.shrsi %gather3A_2200, %shift_right_arithmetic3A_2203 : vector<16xi32>
          %eq3A_2205 = arith.cmpi eq, %shift_right_arithmetic3A_2202, %shift_right_arithmetic3A_2204 : vector<16xi32>
          %shift_right_arithmetic3A_2206 = vector.broadcast %min3A_260 : i32 to vector<16xi32>
          %shift_right_arithmetic3A_2207 = arith.shrsi %add3A_2199, %shift_right_arithmetic3A_2206 : vector<16xi32>
          %shift_right_arithmetic3A_2208 = vector.broadcast %min3A_260 : i32 to vector<16xi32>
          %shift_right_arithmetic3A_2209 = arith.shrsi %gather3A_2201, %shift_right_arithmetic3A_2208 : vector<16xi32>
          %eq3A_2210 = arith.cmpi eq, %shift_right_arithmetic3A_2207, %shift_right_arithmetic3A_2209 : vector<16xi32>
          %and3A_2211 = arith.andi %eq3A_2205, %eq3A_2210 : vector<16xi1>
          %and3A_2212 = arith.andi %lt3A_2195, %and3A_2211 : vector<16xi1>
          %lt3A_2213 = arith.constant 8 : i32
          %lt3A_2214 = arith.cmpi slt, %scan3A_228, %lt3A_2213 : i32
          %select_n3A_2215 = arith.select %lt3A_2214, %gather3A_2196, %add3A_2199 : vector<16xi32>
          %shift_right_arithmetic3A_2216 = vector.broadcast %select_n3A_246 : i32 to vector<16xi32>
          %shift_right_arithmetic3A_2217 = arith.shrsi %select_n3A_2215, %shift_right_arithmetic3A_2216 : vector<16xi32>
          %and3A_2218 = arith.constant 15 : i32
          %and3A_2219 = vector.broadcast %and3A_2218 : i32 to vector<16xi32>
          %and3A_2220 = arith.andi %shift_right_arithmetic3A_2217, %and3A_2219 : vector<16xi32>
          %mul3A_2221 = arith.constant 16 : i32
          %mul3A_2222 = vector.broadcast %mul3A_2221 : i32 to vector<16xi32>
          %mul3A_2223 = arith.muli %gather3A_2197, %mul3A_2222 : vector<16xi32>
          %add3A_2224 = arith.addi %mul3A_2223, %and3A_2220 : vector<16xi32>
          %jit3A_2225 = arith.constant 8191 : i32
          %broadcast_in_dim3A_2226 = vector.broadcast %jit3A_2225 : i32 to vector<16xi32>
          %select_n3A_2227 = arith.select %and3A_2212, %add3A_2224, %broadcast_in_dim3A_2226 : vector<16xi1>, vector<16xi32>
          %jit3A_2228 = arith.constant 0 : i32
          %broadcast_in_dim3A_2229 = vector.broadcast %jit3A_2228 : i32 to vector<16xi32>
          %select_n3A_2230 = arith.select %and3A_2212, %broadcast_in_dim3A_3, %broadcast_in_dim3A_2229 : vector<16xi1>, vector<16xi32>
          %masked_sort3A = arith.constant dense<true> : vector<16xi1>
          %masked_sort3A_2231 = arith.constant -2147483648 : i32
          %masked_sort3A_2232 = vector.broadcast %masked_sort3A_2231 : i32 to vector<16xi32>
          %masked_sort3A_2233 = arith.xori %select_n3A_2227, %masked_sort3A_2232 : vector<16xi32>
          %masked_sort3A_2234, %masked_sort3A_2235, %masked_sort3A_2236 = tpu.sort %masked_sort3A_2233, %select_n3A_2230 masked %masked_sort3A : (vector<16xi32>, vector<16xi32>, vector<16xi1>) -> (vector<16xi1>, vector<16xi32>, vector<16xi32>)
          %masked_sort3A_2237 = arith.xori %masked_sort3A_2235, %masked_sort3A_2232 : vector<16xi32>
          %swap3A_2238 = arith.constant 8 : index
          %swap3A_2239 = tpu.vector_load %arg22[%swap3A_2238] {strides = array<i32>} : memref<40xi32, #tpu.memory_space<vmem>>, vector<16xi32>,
          tpu.vector_store %arg22[%swap3A_2238], %masked_sort3A_2237 {strides = array<i32>} : memref<40xi32, #tpu.memory_space<vmem>>, vector<16xi32>,
          %get3A_2240 = arith.constant 7 : index
          %get3A_2241 = tpu.vector_load %arg22[%get3A_2240] {strides = array<i32>} : memref<40xi32, #tpu.memory_space<vmem>>, vector<16xi32>,
          %get3A_2242 = arith.constant 9 : index
          %get3A_2243 = tpu.vector_load %arg22[%get3A_2242] {strides = array<i32>} : memref<40xi32, #tpu.memory_space<vmem>>, vector<16xi32>,
          %eq3A_2244 = arith.constant 0 : i32
          %eq3A_2245 = vector.broadcast %eq3A_2244 : i32 to vector<16xi32>
          %eq3A_2246 = arith.cmpi eq, %iota3A, %eq3A_2245 : vector<16xi32>
          %ne3A_2247 = arith.cmpi ne, %masked_sort3A_2237, %get3A_2241 : vector<16xi32>
          %or3A = arith.ori %eq3A_2246, %ne3A_2247 : vector<16xi1>
          %eq3A_2248 = arith.constant 15 : i32
          %eq3A_2249 = vector.broadcast %eq3A_2248 : i32 to vector<16xi32>
          %eq3A_2250 = arith.cmpi eq, %iota3A, %eq3A_2249 : vector<16xi32>
          %ne3A_2251 = arith.cmpi ne, %masked_sort3A_2237, %get3A_2243 : vector<16xi32>
          %or3A_2252 = arith.ori %eq3A_2250, %ne3A_2251 : vector<16xi1>
          %jit3A_2253 = arith.constant 0 : i32
          %broadcast_in_dim3A_2254 = vector.broadcast %jit3A_2253 : i32 to vector<16xi32>
          %select_n3A_2255 = arith.select %or3A, %iota3A, %broadcast_in_dim3A_2254 : vector<16xi1>, vector<16xi32>
          %broadcast_in_dim3A_2256 = arith.constant true
          %broadcast_in_dim3A_2257 = vector.broadcast %broadcast_in_dim3A_2256 : i1 to vector<16xi1>
          %masked_cummax3A = arith.constant -2147483648 : i32
          %masked_cummax3A_2258 = vector.broadcast %masked_cummax3A : i32 to vector<16xi32>
          %masked_cummax3A_2259 = arith.xori %select_n3A_2255, %masked_cummax3A_2258 : vector<16xi32>
          %masked_cummax3A_2260 = tpu.scan <max>, %masked_cummax3A_2259 masked %broadcast_in_dim3A_2257 : vector<16xi32>, vector<16xi1> -> vector<16xi32>
          %masked_cummax3A_2261 = arith.xori %masked_cummax3A_2260, %masked_cummax3A_2258 : vector<16xi32>
          %cumsum3A_2262 = arith.constant true
          %cumsum3A_2263 = vector.broadcast %cumsum3A_2262 : i1 to vector<16xi1>
          %cumsum3A_2264 = tpu.scan <sum>, %masked_sort3A_2236 masked %cumsum3A_2263 : vector<16xi32>, vector<16xi1> -> vector<16xi32>
          %swap3A_2265 = arith.constant 0 : index
          %swap3A_2266 = tpu.vector_load %arg23[%swap3A_2265] {strides = array<i32>} : memref<32xi32, #tpu.memory_space<vmem>>, vector<16xi32>,
          tpu.vector_store %arg23[%swap3A_2265], %broadcast_in_dim3A_1 {strides = array<i32>} : memref<32xi32, #tpu.memory_space<vmem>>, vector<16xi32>,
          %swap3A_2267 = arith.constant 1 : index
          %swap3A_2268 = tpu.vector_load %arg23[%swap3A_2267] {strides = array<i32>} : memref<32xi32, #tpu.memory_space<vmem>>, vector<16xi32>,
          tpu.vector_store %arg23[%swap3A_2267], %cumsum3A_2264 {strides = array<i32>} : memref<32xi32, #tpu.memory_space<vmem>>, vector<16xi32>,
          %gather3A_2269 = tpu.vector_load_idx %arg23[%masked_cummax3A_2261] : memref<32xi32, #tpu.memory_space<vmem>>[vector<16xi32>], vector<16xi32>,
          %sub3A_2270 = arith.subi %cumsum3A_2264, %gather3A_2269 : vector<16xi32>
          tpu.vector_store_idx %arg15[%masked_sort3A_2237], %sub3A_2270 masked %or3A_2252 {add = true} : memref<8192xi32, #tpu.memory_space<vmem>>[vector<16xi32>], vector<16xi32>, vector<16xi1>
          %while3A_2271 = arith.constant 0 : i32
          scf.yield %while3A_2271 : i32
        }
        %while3A_293 = arith.constant 1 : i32
        %while3A_294 = scf.for %while3A_2184 = %while3A_290 to %while3A_286 step %while3A_293 iter_args(%while3A_2185 = %while3A_292) -> (i32)  : i32 {
          %mul3A_2186 = arith.constant 16 : i32
          %mul3A_2187 = arith.muli %while3A_2184, %mul3A_2186 : i32
          %get3A_2188 = arith.index_cast %mul3A_2187 : i32 to index
          %get3A_2189 = tpu.vector_load %arg8[%get3A_2188] {strides = array<i32>} : memref<1104xi32, #tpu.memory_space<vmem>>, vector<16xi32>,
          %mul3A_2190 = arith.constant 16 : i32
          %mul3A_2191 = arith.muli %while3A_2184, %mul3A_2190 : i32
          %add3A_2192 = vector.broadcast %mul3A_2191 : i32 to vector<16xi32>
          %add3A_2193 = arith.addi %iota3A, %add3A_2192 : vector<16xi32>
          %lt3A_2194 = vector.broadcast %scan3A_204 : i32 to vector<16xi32>
          %lt3A_2195 = arith.cmpi slt, %add3A_2193, %lt3A_2194 : vector<16xi32>
          %gather3A = tpu.vector_load_idx %arg6[%get3A_2189] masked %lt3A_2195 : memref<1088xi32, #tpu.memory_space<vmem>>[vector<16xi32>], vector<16xi32>, vector<16xi1>
          %gather3A_2196 = tpu.vector_load_idx %arg7[%get3A_2189] masked %lt3A_2195 : memref<1088xi32, #tpu.memory_space<vmem>>[vector<16xi32>], vector<16xi32>, vector<16xi1>
          %gather3A_2197 = tpu.vector_load_idx %arg11[%gather3A] masked %lt3A_2195 : memref<1024xi32, #tpu.memory_space<vmem>>[vector<16xi32>], vector<16xi32>, vector<16xi1>
          %add3A_2198 = vector.broadcast %mul3A_0 : i32 to vector<16xi32>
          %add3A_2199 = arith.addi %get3A_2189, %add3A_2198 : vector<16xi32>
          %gather3A_2200 = tpu.vector_load_idx %arg18[%gather3A_2197] masked %lt3A_2195 : memref<512xi32, #tpu.memory_space<vmem>>[vector<16xi32>], vector<16xi32>, vector<16xi1>
          %gather3A_2201 = tpu.vector_load_idx %arg19[%gather3A_2197] masked %lt3A_2195 : memref<512xi32, #tpu.memory_space<vmem>>[vector<16xi32>], vector<16xi32>, vector<16xi1>
          %shift_right_arithmetic3A = vector.broadcast %min3A : i32 to vector<16xi32>
          %shift_right_arithmetic3A_2202 = arith.shrsi %gather3A_2196, %shift_right_arithmetic3A : vector<16xi32>
          %shift_right_arithmetic3A_2203 = vector.broadcast %min3A : i32 to vector<16xi32>
          %shift_right_arithmetic3A_2204 = arith.shrsi %gather3A_2200, %shift_right_arithmetic3A_2203 : vector<16xi32>
          %eq3A_2205 = arith.cmpi eq, %shift_right_arithmetic3A_2202, %shift_right_arithmetic3A_2204 : vector<16xi32>
          %shift_right_arithmetic3A_2206 = vector.broadcast %min3A_260 : i32 to vector<16xi32>
          %shift_right_arithmetic3A_2207 = arith.shrsi %add3A_2199, %shift_right_arithmetic3A_2206 : vector<16xi32>
          %shift_right_arithmetic3A_2208 = vector.broadcast %min3A_260 : i32 to vector<16xi32>
          %shift_right_arithmetic3A_2209 = arith.shrsi %gather3A_2201, %shift_right_arithmetic3A_2208 : vector<16xi32>
          %eq3A_2210 = arith.cmpi eq, %shift_right_arithmetic3A_2207, %shift_right_arithmetic3A_2209 : vector<16xi32>
          %and3A_2211 = arith.andi %eq3A_2205, %eq3A_2210 : vector<16xi1>
          %and3A_2212 = arith.andi %lt3A_2195, %and3A_2211 : vector<16xi1>
          %lt3A_2213 = arith.constant 8 : i32
          %lt3A_2214 = arith.cmpi slt, %scan3A_228, %lt3A_2213 : i32
          %select_n3A_2215 = arith.select %lt3A_2214, %gather3A_2196, %add3A_2199 : vector<16xi32>
          %shift_right_arithmetic3A_2216 = vector.broadcast %select_n3A_246 : i32 to vector<16xi32>
          %shift_right_arithmetic3A_2217 = arith.shrsi %select_n3A_2215, %shift_right_arithmetic3A_2216 : vector<16xi32>
          %and3A_2218 = arith.constant 15 : i32
          %and3A_2219 = vector.broadcast %and3A_2218 : i32 to vector<16xi32>
          %and3A_2220 = arith.andi %shift_right_arithmetic3A_2217, %and3A_2219 : vector<16xi32>
          %mul3A_2221 = arith.constant 16 : i32
          %mul3A_2222 = vector.broadcast %mul3A_2221 : i32 to vector<16xi32>
          %mul3A_2223 = arith.muli %gather3A_2197, %mul3A_2222 : vector<16xi32>
          %add3A_2224 = arith.addi %mul3A_2223, %and3A_2220 : vector<16xi32>
          %jit3A_2225 = arith.constant 8191 : i32
          %broadcast_in_dim3A_2226 = vector.broadcast %jit3A_2225 : i32 to vector<16xi32>
          %select_n3A_2227 = arith.select %and3A_2212, %add3A_2224, %broadcast_in_dim3A_2226 : vector<16xi1>, vector<16xi32>
          %jit3A_2228 = arith.constant 0 : i32
          %broadcast_in_dim3A_2229 = vector.broadcast %jit3A_2228 : i32 to vector<16xi32>
          %select_n3A_2230 = arith.select %and3A_2212, %broadcast_in_dim3A_3, %broadcast_in_dim3A_2229 : vector<16xi1>, vector<16xi32>
          %masked_sort3A = arith.constant dense<true> : vector<16xi1>
          %masked_sort3A_2231 = arith.constant -2147483648 : i32
          %masked_sort3A_2232 = vector.broadcast %masked_sort3A_2231 : i32 to vector<16xi32>
          %masked_sort3A_2233 = arith.xori %select_n3A_2227, %masked_sort3A_2232 : vector<16xi32>
          %masked_sort3A_2234, %masked_sort3A_2235, %masked_sort3A_2236 = tpu.sort %masked_sort3A_2233, %select_n3A_2230 masked %masked_sort3A : (vector<16xi32>, vector<16xi32>, vector<16xi1>) -> (vector<16xi1>, vector<16xi32>, vector<16xi32>)
          %masked_sort3A_2237 = arith.xori %masked_sort3A_2235, %masked_sort3A_2232 : vector<16xi32>
          %swap3A_2238 = arith.constant 8 : index
          %swap3A_2239 = tpu.vector_load %arg22[%swap3A_2238] {strides = array<i32>} : memref<40xi32, #tpu.memory_space<vmem>>, vector<16xi32>,
          tpu.vector_store %arg22[%swap3A_2238], %masked_sort3A_2237 {strides = array<i32>} : memref<40xi32, #tpu.memory_space<vmem>>, vector<16xi32>,
          %get3A_2240 = arith.constant 7 : index
          %get3A_2241 = tpu.vector_load %arg22[%get3A_2240] {strides = array<i32>} : memref<40xi32, #tpu.memory_space<vmem>>, vector<16xi32>,
          %get3A_2242 = arith.constant 9 : index
          %get3A_2243 = tpu.vector_load %arg22[%get3A_2242] {strides = array<i32>} : memref<40xi32, #tpu.memory_space<vmem>>, vector<16xi32>,
          %eq3A_2244 = arith.constant 0 : i32
          %eq3A_2245 = vector.broadcast %eq3A_2244 : i32 to vector<16xi32>
          %eq3A_2246 = arith.cmpi eq, %iota3A, %eq3A_2245 : vector<16xi32>
          %ne3A_2247 = arith.cmpi ne, %masked_sort3A_2237, %get3A_2241 : vector<16xi32>
          %or3A = arith.ori %eq3A_2246, %ne3A_2247 : vector<16xi1>
          %eq3A_2248 = arith.constant 15 : i32
          %eq3A_2249 = vector.broadcast %eq3A_2248 : i32 to vector<16xi32>
          %eq3A_2250 = arith.cmpi eq, %iota3A, %eq3A_2249 : vector<16xi32>
          %ne3A_2251 = arith.cmpi ne, %masked_sort3A_2237, %get3A_2243 : vector<16xi32>
          %or3A_2252 = arith.ori %eq3A_2250, %ne3A_2251 : vector<16xi1>
          %jit3A_2253 = arith.constant 0 : i32
          %broadcast_in_dim3A_2254 = vector.broadcast %jit3A_2253 : i32 to vector<16xi32>
          %select_n3A_2255 = arith.select %or3A, %iota3A, %broadcast_in_dim3A_2254 : vector<16xi1>, vector<16xi32>
          %broadcast_in_dim3A_2256 = arith.constant true
          %broadcast_in_dim3A_2257 = vector.broadcast %broadcast_in_dim3A_2256 : i1 to vector<16xi1>
          %masked_cummax3A = arith.constant -2147483648 : i32
          %masked_cummax3A_2258 = vector.broadcast %masked_cummax3A : i32 to vector<16xi32>
          %masked_cummax3A_2259 = arith.xori %select_n3A_2255, %masked_cummax3A_2258 : vector<16xi32>
          %masked_cummax3A_2260 = tpu.scan <max>, %masked_cummax3A_2259 masked %broadcast_in_dim3A_2257 : vector<16xi32>, vector<16xi1> -> vector<16xi32>
          %masked_cummax3A_2261 = arith.xori %masked_cummax3A_2260, %masked_cummax3A_2258 : vector<16xi32>
          %cumsum3A_2262 = arith.constant true
          %cumsum3A_2263 = vector.broadcast %cumsum3A_2262 : i1 to vector<16xi1>
          %cumsum3A_2264 = tpu.scan <sum>, %masked_sort3A_2236 masked %cumsum3A_2263 : vector<16xi32>, vector<16xi1> -> vector<16xi32>
          %swap3A_2265 = arith.constant 0 : index
          %swap3A_2266 = tpu.vector_load %arg23[%swap3A_2265] {strides = array<i32>} : memref<32xi32, #tpu.memory_space<vmem>>, vector<16xi32>,
          tpu.vector_store %arg23[%swap3A_2265], %broadcast_in_dim3A_1 {strides = array<i32>} : memref<32xi32, #tpu.memory_space<vmem>>, vector<16xi32>,
          %swap3A_2267 = arith.constant 1 : index
          %swap3A_2268 = tpu.vector_load %arg23[%swap3A_2267] {strides = array<i32>} : memref<32xi32, #tpu.memory_space<vmem>>, vector<16xi32>,
          tpu.vector_store %arg23[%swap3A_2267], %cumsum3A_2264 {strides = array<i32>} : memref<32xi32, #tpu.memory_space<vmem>>, vector<16xi32>,
          %gather3A_2269 = tpu.vector_load_idx %arg23[%masked_cummax3A_2261] : memref<32xi32, #tpu.memory_space<vmem>>[vector<16xi32>], vector<16xi32>,
          %sub3A_2270 = arith.subi %cumsum3A_2264, %gather3A_2269 : vector<16xi32>
          tpu.vector_store_idx %arg15[%masked_sort3A_2237], %sub3A_2270 masked %or3A_2252 {add = true} : memref<8192xi32, #tpu.memory_space<vmem>>[vector<16xi32>], vector<16xi32>, vector<16xi1>
          %while3A_2271 = arith.constant 0 : i32
          scf.yield %while3A_2271 : i32
        }
        "tpu.region"() ({
          %run_scoped3A = tpu.sem_alloc : memref<!tpu.dma_semaphore, #tpu.memory_space<semaphore_mem>>
          %dma_start3A = arith.constant 0 : i32
          %dma_start3A_2184 = tpu.memref_slice %arg27[%arg1, %dma_start3A] : memref<16x8192xi32, #tpu.memory_space<vmem_shared>> -> memref<1x8192xi32, #tpu.memory_space<vmem_shared>>
          %dma_start3A_2185 = tpu.memref_squeeze %dma_start3A_2184 : memref<1x8192xi32, #tpu.memory_space<vmem_shared>> -> memref<8192xi32, #tpu.memory_space<vmem_shared>>
          %dma_start3A_2186 = arith.constant 0 : i32
          %dma_start3A_2187 = tpu.memref_slice %arg27[%arg1, %dma_start3A_2186] : memref<16x8192xi32, #tpu.memory_space<vmem_shared>> -> memref<1x8192xi32, #tpu.memory_space<vmem_shared>>
          %dma_start3A_2188 = tpu.memref_squeeze %dma_start3A_2187 : memref<1x8192xi32, #tpu.memory_space<vmem_shared>> -> memref<8192xi32, #tpu.memory_space<vmem_shared>>
          tpu.enqueue_dma source(%arg15 : memref<8192xi32, #tpu.memory_space<vmem>>) target(%dma_start3A_2188 : memref<8192xi32, #tpu.memory_space<vmem_shared>>) target_semaphore(%run_scoped3A : memref<!tpu.dma_semaphore, #tpu.memory_space<semaphore_mem>>)
          %dma_wait3A = arith.constant 0 : i32
          %dma_wait3A_2189 = tpu.memref_slice %arg27[%arg1, %dma_wait3A] : memref<16x8192xi32, #tpu.memory_space<vmem_shared>> -> memref<1x8192xi32, #tpu.memory_space<vmem_shared>>
          %dma_wait3A_2190 = tpu.memref_squeeze %dma_wait3A_2189 : memref<1x8192xi32, #tpu.memory_space<vmem_shared>> -> memref<8192xi32, #tpu.memory_space<vmem_shared>>
          %dma_wait3A_2191 = arith.constant 0 : i32
          %dma_wait3A_2192 = tpu.memref_slice %arg27[%arg1, %dma_wait3A_2191] : memref<16x8192xi32, #tpu.memory_space<vmem_shared>> -> memref<1x8192xi32, #tpu.memory_space<vmem_shared>>
          %dma_wait3A_2193 = tpu.memref_squeeze %dma_wait3A_2192 : memref<1x8192xi32, #tpu.memory_space<vmem_shared>> -> memref<8192xi32, #tpu.memory_space<vmem_shared>>
          tpu.wait_dma2 semaphore(%run_scoped3A : memref<!tpu.dma_semaphore, #tpu.memory_space<semaphore_mem>>) src(%arg15 : memref<8192xi32, #tpu.memory_space<vmem>>) dst(%dma_wait3A_2193 : memref<8192xi32, #tpu.memory_space<vmem_shared>>)
          tpu.yield
        }) : () -> ()
        %barrier3A_295 = arith.constant 0 : index
        tpu.barrier barrier_id(%barrier3A_295)
        %mul3A_296 = arith.constant 512 : i32
        %mul3A_297 = arith.muli %arg1, %mul3A_296 : i32
        %scan3A_298 = arith.constant 0 : i32
        %scan3A_299 = arith.constant 0 : i32
        %scan3A_300 = arith.constant 16 : i32
        %scan3A_301 = arith.addi %scan3A_299, %scan3A_300 : i32
        %scan3A_302 = arith.constant 1 : i32
        %scan3A_303 = scf.for %scan3A_2184 = %scan3A_299 to %scan3A_301 step %scan3A_302 iter_args(%scan3A_2185 = %scan3A_298) -> (i32)  : i32 {
          "tpu.region"() ({
            %run_scoped3A = tpu.sem_alloc : memref<!tpu.dma_semaphore, #tpu.memory_space<semaphore_mem>>
            %dma_start3A = arith.constant 0 : i32
            %dma_start3A_2187 = tpu.memref_slice %arg16[%scan3A_2184, %dma_start3A] : memref<16x512xi32, #tpu.memory_space<vmem>> -> memref<1x512xi32, #tpu.memory_space<vmem>>
            %dma_start3A_2188 = tpu.memref_squeeze %dma_start3A_2187 : memref<1x512xi32, #tpu.memory_space<vmem>> -> memref<512xi32, #tpu.memory_space<vmem>>
            %dma_start3A_2189 = tpu.memref_slice %arg27[%scan3A_2184, %mul3A_297] : memref<16x8192xi32, #tpu.memory_space<vmem_shared>> -> memref<1x512xi32, #tpu.memory_space<vmem_shared>>
            %dma_start3A_2190 = tpu.memref_squeeze %dma_start3A_2189 : memref<1x512xi32, #tpu.memory_space<vmem_shared>> -> memref<512xi32, #tpu.memory_space<vmem_shared>>
            %dma_start3A_2191 = arith.constant 0 : i32
            %dma_start3A_2192 = tpu.memref_slice %arg16[%scan3A_2184, %dma_start3A_2191] : memref<16x512xi32, #tpu.memory_space<vmem>> -> memref<1x512xi32, #tpu.memory_space<vmem>>
            %dma_start3A_2193 = tpu.memref_squeeze %dma_start3A_2192 : memref<1x512xi32, #tpu.memory_space<vmem>> -> memref<512xi32, #tpu.memory_space<vmem>>
            %dma_start3A_2194 = tpu.memref_slice %arg27[%scan3A_2184, %mul3A_297] : memref<16x8192xi32, #tpu.memory_space<vmem_shared>> -> memref<1x512xi32, #tpu.memory_space<vmem_shared>>
            %dma_start3A_2195 = tpu.memref_squeeze %dma_start3A_2194 : memref<1x512xi32, #tpu.memory_space<vmem_shared>> -> memref<512xi32, #tpu.memory_space<vmem_shared>>
            tpu.enqueue_dma source(%dma_start3A_2195 : memref<512xi32, #tpu.memory_space<vmem_shared>>) target(%dma_start3A_2193 : memref<512xi32, #tpu.memory_space<vmem>>) target_semaphore(%run_scoped3A : memref<!tpu.dma_semaphore, #tpu.memory_space<semaphore_mem>>)
            %dma_wait3A = arith.constant 0 : i32
            %dma_wait3A_2196 = tpu.memref_slice %arg16[%scan3A_2184, %dma_wait3A] : memref<16x512xi32, #tpu.memory_space<vmem>> -> memref<1x512xi32, #tpu.memory_space<vmem>>
            %dma_wait3A_2197 = tpu.memref_squeeze %dma_wait3A_2196 : memref<1x512xi32, #tpu.memory_space<vmem>> -> memref<512xi32, #tpu.memory_space<vmem>>
            %dma_wait3A_2198 = tpu.memref_slice %arg27[%scan3A_2184, %mul3A_297] : memref<16x8192xi32, #tpu.memory_space<vmem_shared>> -> memref<1x512xi32, #tpu.memory_space<vmem_shared>>
            %dma_wait3A_2199 = tpu.memref_squeeze %dma_wait3A_2198 : memref<1x512xi32, #tpu.memory_space<vmem_shared>> -> memref<512xi32, #tpu.memory_space<vmem_shared>>
            %dma_wait3A_2200 = arith.constant 0 : i32
            %dma_wait3A_2201 = tpu.memref_slice %arg16[%scan3A_2184, %dma_wait3A_2200] : memref<16x512xi32, #tpu.memory_space<vmem>> -> memref<1x512xi32, #tpu.memory_space<vmem>>
            %dma_wait3A_2202 = tpu.memref_squeeze %dma_wait3A_2201 : memref<1x512xi32, #tpu.memory_space<vmem>> -> memref<512xi32, #tpu.memory_space<vmem>>
            %dma_wait3A_2203 = tpu.memref_slice %arg27[%scan3A_2184, %mul3A_297] : memref<16x8192xi32, #tpu.memory_space<vmem_shared>> -> memref<1x512xi32, #tpu.memory_space<vmem_shared>>
            %dma_wait3A_2204 = tpu.memref_squeeze %dma_wait3A_2203 : memref<1x512xi32, #tpu.memory_space<vmem_shared>> -> memref<512xi32, #tpu.memory_space<vmem_shared>>
            tpu.wait_dma2 semaphore(%run_scoped3A : memref<!tpu.dma_semaphore, #tpu.memory_space<semaphore_mem>>) src(%dma_wait3A_2204 : memref<512xi32, #tpu.memory_space<vmem_shared>>) dst(%dma_wait3A_2202 : memref<512xi32, #tpu.memory_space<vmem>>)
            tpu.yield
          }) : () -> ()
          %scan3A_2186 = arith.constant 0 : i32
          scf.yield %scan3A_2186 : i32
        }
        %scan3A_304 = arith.constant 16 : i32
        %scan3A_305 = arith.constant 0 : i32
        %scan3A_306 = arith.constant 0 : i32
        %scan3A_307 = arith.constant 32 : i32
        %scan3A_308 = arith.addi %scan3A_306, %scan3A_307 : i32
        %scan3A_309 = arith.constant 1 : i32
        %scan3A_310 = scf.for %scan3A_2184 = %scan3A_306 to %scan3A_308 step %scan3A_309 iter_args(%scan3A_2185 = %scan3A_305) -> (i32)  : i32 {
          %scan3A_2186 = arith.constant 0 : i32
          %scan3A_2187 = arith.constant 16 : i32
          %scan3A_2188 = arith.addi %scan3A_2186, %scan3A_2187 : i32
          %scan3A_2189 = arith.constant 1 : i32
          %scan3A_2190 = scf.for %scan3A_2197 = %scan3A_2186 to %scan3A_2188 step %scan3A_2189 iter_args(%scan3A_2198 = %broadcast_in_dim3A_1) -> (vector<16xi32>)  : i32 {
            %mul3A_2199 = arith.constant 16 : i32
            %mul3A_2200 = arith.muli %scan3A_2184, %mul3A_2199 : i32
            %get3A_2201 = arith.index_cast %scan3A_2197 : i32 to index
            %get3A_2202 = arith.index_cast %mul3A_2200 : i32 to index
            %get3A_2203 = tpu.vector_load %arg16[%get3A_2201, %get3A_2202] {strides = array<i32>} : memref<16x512xi32, #tpu.memory_space<vmem>>, vector<16xi32>,
            %add3A_2204 = arith.addi %scan3A_2198, %get3A_2203 : vector<16xi32>
            scf.yield %add3A_2204 : vector<16xi32>
          }
          %scan3A_2191 = arith.constant 16 : i32
          %mul3A_2192 = arith.constant 16 : i32
          %mul3A_2193 = arith.muli %scan3A_2184, %mul3A_2192 : i32
          %swap3A_2194 = arith.index_cast %mul3A_2193 : i32 to index
          %swap3A_2195 = tpu.vector_load %arg17[%swap3A_2194] {strides = array<i32>} : memref<512xi32, #tpu.memory_space<vmem>>, vector<16xi32>,
          tpu.vector_store %arg17[%swap3A_2194], %scan3A_2190 {strides = array<i32>} : memref<512xi32, #tpu.memory_space<vmem>>, vector<16xi32>,
          %scan3A_2196 = arith.constant 0 : i32
          scf.yield %scan3A_2196 : i32
        }
        %scan3A_311 = arith.constant 32 : i32
        %add3A_312 = arith.constant 0 : i32
        %add3A_313 = arith.addi %mul3A_170, %add3A_312 : i32
        %get3A_314 = arith.index_cast %add3A_313 : i32 to index
        %get3A_315 = tpu.vector_load %arg20[%get3A_314] {strides = array<i32>} : memref<512xi32, #tpu.memory_space<vmem>>, vector<16xi32>,
        %add3A_316 = arith.constant 0 : i32
        %add3A_317 = arith.addi %mul3A_170, %add3A_316 : i32
        %get3A_318 = arith.index_cast %add3A_317 : i32 to index
        %get3A_319 = tpu.vector_load %arg18[%get3A_318] {strides = array<i32>} : memref<512xi32, #tpu.memory_space<vmem>>, vector<16xi32>,
        %add3A_320 = arith.constant 0 : i32
        %add3A_321 = arith.addi %mul3A_170, %add3A_320 : i32
        %get3A_322 = arith.index_cast %add3A_321 : i32 to index
        %get3A_323 = tpu.vector_load %arg19[%get3A_322] {strides = array<i32>} : memref<512xi32, #tpu.memory_space<vmem>>, vector<16xi32>,
        %get3A_324 = arith.constant 0 : index
        %get3A_325 = tpu.vector_load %arg17[%get3A_324] {strides = array<i32>} : memref<512xi32, #tpu.memory_space<vmem>>, vector<16xi32>,
        %cumsum3A_326 = arith.constant true
        %cumsum3A_327 = vector.broadcast %cumsum3A_326 : i1 to vector<16xi1>
        %cumsum3A_328 = tpu.scan <sum>, %get3A_325 masked %cumsum3A_327 : vector<16xi32>, vector<16xi1> -> vector<16xi32>
        %sub3A_329 = arith.subi %cumsum3A_328, %get3A_325 : vector<16xi32>
        %slice3A_330 = vector.extract_strided_slice %get3A_315 {offsets = [0], sizes = [1], strides = [1]} : vector<16xi32> to vector<1xi32>
        %squeeze3A_331 = vector.extract %slice3A_330[0] : i32 from vector<1xi32>
        %le3A = vector.broadcast %squeeze3A_331 : i32 to vector<16xi32>
        %le3A_332 = arith.cmpi sle, %sub3A_329, %le3A : vector<16xi32>
        %convert_element_type3A_333 = arith.extui %le3A_332 : vector<16xi1> to vector<16xi32>
        %reduce_sum3A_334 = arith.constant true
        %reduce_sum3A_335 = vector.broadcast %reduce_sum3A_334 : i1 to vector<16xi1>
        %reduce_sum3A_336 = tpu.scan <sum>, %convert_element_type3A_333 masked %reduce_sum3A_335 : vector<16xi32>, vector<16xi1> -> vector<16xi32>
        %reduce_sum3A_337 = vector.extract %reduce_sum3A_336[15] : i32 from vector<16xi32>
        %sub3A_338 = arith.constant 1 : i32
        %sub3A_339 = arith.subi %reduce_sum3A_337, %sub3A_338 : i32
        %eq3A_340 = vector.broadcast %sub3A_339 : i32 to vector<16xi32>
        %eq3A_341 = arith.cmpi eq, %iota3A, %eq3A_340 : vector<16xi32>
        %jit3A_342 = arith.constant 0 : i32
        %broadcast_in_dim3A_343 = vector.broadcast %jit3A_342 : i32 to vector<16xi32>
        %select_n3A_344 = arith.select %eq3A_341, %sub3A_329, %broadcast_in_dim3A_343 : vector<16xi1>, vector<16xi32>
        %reduce_sum3A_345 = arith.constant true
        %reduce_sum3A_346 = vector.broadcast %reduce_sum3A_345 : i1 to vector<16xi1>
        %reduce_sum3A_347 = tpu.scan <sum>, %select_n3A_344 masked %reduce_sum3A_346 : vector<16xi32>, vector<16xi1> -> vector<16xi32>
        %reduce_sum3A_348 = vector.extract %reduce_sum3A_347[15] : i32 from vector<16xi32>
        %shift_left3A = arith.shli %sub3A_339, %select_n3A_246 : i32
        %slice3A_349 = vector.extract_strided_slice %get3A_319 {offsets = [0], sizes = [1], strides = [1]} : vector<16xi32> to vector<1xi32>
        %squeeze3A_350 = vector.extract %slice3A_349[0] : i32 from vector<1xi32>
        %lt3A_351 = arith.constant 8 : i32
        %lt3A_352 = arith.cmpi slt, %scan3A_228, %lt3A_351 : i32
        %jit3A_353 = arith.constant 0 : i32
        %select_n3A_354 = arith.select %lt3A_352, %shift_left3A, %jit3A_353 : i32
        %add3A_355 = arith.addi %squeeze3A_350, %select_n3A_354 : i32
        %slice3A_356 = vector.extract_strided_slice %get3A_323 {offsets = [0], sizes = [1], strides = [1]} : vector<16xi32> to vector<1xi32>
        %squeeze3A_357 = vector.extract %slice3A_356[0] : i32 from vector<1xi32>
        %lt3A_358 = arith.constant 8 : i32
        %lt3A_359 = arith.cmpi slt, %scan3A_228, %lt3A_358 : i32
        %jit3A_360 = arith.constant 0 : i32
        %select_n3A_361 = arith.select %lt3A_359, %jit3A_360, %shift_left3A : i32
        %add3A_362 = arith.addi %squeeze3A_357, %select_n3A_361 : i32
        %eq3A_363 = arith.constant 0 : i32
        %eq3A_364 = vector.broadcast %eq3A_363 : i32 to vector<16xi32>
        %eq3A_365 = arith.cmpi eq, %iota3A, %eq3A_364 : vector<16xi32>
        %sub3A_366 = arith.subi %squeeze3A_331, %reduce_sum3A_348 : i32
        %broadcast_in_dim3A_367 = vector.broadcast %sub3A_366 : i32 to vector<16xi32>
        %select_n3A_368 = arith.select %eq3A_365, %broadcast_in_dim3A_367, %broadcast_in_dim3A_1 : vector<16xi1>, vector<16xi32>
        %eq3A_369 = arith.constant 0 : i32
        %eq3A_370 = vector.broadcast %eq3A_369 : i32 to vector<16xi32>
        %eq3A_371 = arith.cmpi eq, %iota3A, %eq3A_370 : vector<16xi32>
        %broadcast_in_dim3A_372 = vector.broadcast %add3A_355 : i32 to vector<16xi32>
        %select_n3A_373 = arith.select %eq3A_371, %broadcast_in_dim3A_372, %broadcast_in_dim3A_1 : vector<16xi1>, vector<16xi32>
        %eq3A_374 = arith.constant 0 : i32
        %eq3A_375 = vector.broadcast %eq3A_374 : i32 to vector<16xi32>
        %eq3A_376 = arith.cmpi eq, %iota3A, %eq3A_375 : vector<16xi32>
        %broadcast_in_dim3A_377 = vector.broadcast %add3A_362 : i32 to vector<16xi32>
        %select_n3A_378 = arith.select %eq3A_376, %broadcast_in_dim3A_377, %broadcast_in_dim3A_1 : vector<16xi1>, vector<16xi32>
        %get3A_379 = arith.constant 16 : index
        %get3A_380 = tpu.vector_load %arg17[%get3A_379] {strides = array<i32>} : memref<512xi32, #tpu.memory_space<vmem>>, vector<16xi32>,
        %cumsum3A_381 = arith.constant true
        %cumsum3A_382 = vector.broadcast %cumsum3A_381 : i1 to vector<16xi1>
        %cumsum3A_383 = tpu.scan <sum>, %get3A_380 masked %cumsum3A_382 : vector<16xi32>, vector<16xi1> -> vector<16xi32>
        %sub3A_384 = arith.subi %cumsum3A_383, %get3A_380 : vector<16xi32>
        %slice3A_385 = vector.extract_strided_slice %get3A_315 {offsets = [1], sizes = [1], strides = [1]} : vector<16xi32> to vector<1xi32>
        %squeeze3A_386 = vector.extract %slice3A_385[0] : i32 from vector<1xi32>
        %le3A_387 = vector.broadcast %squeeze3A_386 : i32 to vector<16xi32>
        %le3A_388 = arith.cmpi sle, %sub3A_384, %le3A_387 : vector<16xi32>
        %convert_element_type3A_389 = arith.extui %le3A_388 : vector<16xi1> to vector<16xi32>
        %reduce_sum3A_390 = arith.constant true
        %reduce_sum3A_391 = vector.broadcast %reduce_sum3A_390 : i1 to vector<16xi1>
        %reduce_sum3A_392 = tpu.scan <sum>, %convert_element_type3A_389 masked %reduce_sum3A_391 : vector<16xi32>, vector<16xi1> -> vector<16xi32>
        %reduce_sum3A_393 = vector.extract %reduce_sum3A_392[15] : i32 from vector<16xi32>
        %sub3A_394 = arith.constant 1 : i32
        %sub3A_395 = arith.subi %reduce_sum3A_393, %sub3A_394 : i32
        %eq3A_396 = vector.broadcast %sub3A_395 : i32 to vector<16xi32>
        %eq3A_397 = arith.cmpi eq, %iota3A, %eq3A_396 : vector<16xi32>
        %jit3A_398 = arith.constant 0 : i32
        %broadcast_in_dim3A_399 = vector.broadcast %jit3A_398 : i32 to vector<16xi32>
        %select_n3A_400 = arith.select %eq3A_397, %sub3A_384, %broadcast_in_dim3A_399 : vector<16xi1>, vector<16xi32>
        %reduce_sum3A_401 = arith.constant true
        %reduce_sum3A_402 = vector.broadcast %reduce_sum3A_401 : i1 to vector<16xi1>
        %reduce_sum3A_403 = tpu.scan <sum>, %select_n3A_400 masked %reduce_sum3A_402 : vector<16xi32>, vector<16xi1> -> vector<16xi32>
        %reduce_sum3A_404 = vector.extract %reduce_sum3A_403[15] : i32 from vector<16xi32>
        %shift_left3A_405 = arith.shli %sub3A_395, %select_n3A_246 : i32
        %slice3A_406 = vector.extract_strided_slice %get3A_319 {offsets = [1], sizes = [1], strides = [1]} : vector<16xi32> to vector<1xi32>
        %squeeze3A_407 = vector.extract %slice3A_406[0] : i32 from vector<1xi32>
        %lt3A_408 = arith.constant 8 : i32
        %lt3A_409 = arith.cmpi slt, %scan3A_228, %lt3A_408 : i32
        %jit3A_410 = arith.constant 0 : i32
        %select_n3A_411 = arith.select %lt3A_409, %shift_left3A_405, %jit3A_410 : i32
        %add3A_412 = arith.addi %squeeze3A_407, %select_n3A_411 : i32
        %slice3A_413 = vector.extract_strided_slice %get3A_323 {offsets = [1], sizes = [1], strides = [1]} : vector<16xi32> to vector<1xi32>
        %squeeze3A_414 = vector.extract %slice3A_413[0] : i32 from vector<1xi32>
        %lt3A_415 = arith.constant 8 : i32
        %lt3A_416 = arith.cmpi slt, %scan3A_228, %lt3A_415 : i32
        %jit3A_417 = arith.constant 0 : i32
        %select_n3A_418 = arith.select %lt3A_416, %jit3A_417, %shift_left3A_405 : i32
        %add3A_419 = arith.addi %squeeze3A_414, %select_n3A_418 : i32
        %eq3A_420 = arith.constant 1 : i32
        %eq3A_421 = vector.broadcast %eq3A_420 : i32 to vector<16xi32>
        %eq3A_422 = arith.cmpi eq, %iota3A, %eq3A_421 : vector<16xi32>
        %sub3A_423 = arith.subi %squeeze3A_386, %reduce_sum3A_404 : i32
        %broadcast_in_dim3A_424 = vector.broadcast %sub3A_423 : i32 to vector<16xi32>
        %select_n3A_425 = arith.select %eq3A_422, %broadcast_in_dim3A_424, %select_n3A_368 : vector<16xi1>, vector<16xi32>
        %eq3A_426 = arith.constant 1 : i32
        %eq3A_427 = vector.broadcast %eq3A_426 : i32 to vector<16xi32>
        %eq3A_428 = arith.cmpi eq, %iota3A, %eq3A_427 : vector<16xi32>
        %broadcast_in_dim3A_429 = vector.broadcast %add3A_412 : i32 to vector<16xi32>
        %select_n3A_430 = arith.select %eq3A_428, %broadcast_in_dim3A_429, %select_n3A_373 : vector<16xi1>, vector<16xi32>
        %eq3A_431 = arith.constant 1 : i32
        %eq3A_432 = vector.broadcast %eq3A_431 : i32 to vector<16xi32>
        %eq3A_433 = arith.cmpi eq, %iota3A, %eq3A_432 : vector<16xi32>
        %broadcast_in_dim3A_434 = vector.broadcast %add3A_419 : i32 to vector<16xi32>
        %select_n3A_435 = arith.select %eq3A_433, %broadcast_in_dim3A_434, %select_n3A_378 : vector<16xi1>, vector<16xi32>
        %get3A_436 = arith.constant 32 : index
        %get3A_437 = tpu.vector_load %arg17[%get3A_436] {strides = array<i32>} : memref<512xi32, #tpu.memory_space<vmem>>, vector<16xi32>,
        %cumsum3A_438 = arith.constant true
        %cumsum3A_439 = vector.broadcast %cumsum3A_438 : i1 to vector<16xi1>
        %cumsum3A_440 = tpu.scan <sum>, %get3A_437 masked %cumsum3A_439 : vector<16xi32>, vector<16xi1> -> vector<16xi32>
        %sub3A_441 = arith.subi %cumsum3A_440, %get3A_437 : vector<16xi32>
        %slice3A_442 = vector.extract_strided_slice %get3A_315 {offsets = [2], sizes = [1], strides = [1]} : vector<16xi32> to vector<1xi32>
        %squeeze3A_443 = vector.extract %slice3A_442[0] : i32 from vector<1xi32>
        %le3A_444 = vector.broadcast %squeeze3A_443 : i32 to vector<16xi32>
        %le3A_445 = arith.cmpi sle, %sub3A_441, %le3A_444 : vector<16xi32>
        %convert_element_type3A_446 = arith.extui %le3A_445 : vector<16xi1> to vector<16xi32>
        %reduce_sum3A_447 = arith.constant true
        %reduce_sum3A_448 = vector.broadcast %reduce_sum3A_447 : i1 to vector<16xi1>
        %reduce_sum3A_449 = tpu.scan <sum>, %convert_element_type3A_446 masked %reduce_sum3A_448 : vector<16xi32>, vector<16xi1> -> vector<16xi32>
        %reduce_sum3A_450 = vector.extract %reduce_sum3A_449[15] : i32 from vector<16xi32>
        %sub3A_451 = arith.constant 1 : i32
        %sub3A_452 = arith.subi %reduce_sum3A_450, %sub3A_451 : i32
        %eq3A_453 = vector.broadcast %sub3A_452 : i32 to vector<16xi32>
        %eq3A_454 = arith.cmpi eq, %iota3A, %eq3A_453 : vector<16xi32>
        %jit3A_455 = arith.constant 0 : i32
        %broadcast_in_dim3A_456 = vector.broadcast %jit3A_455 : i32 to vector<16xi32>
        %select_n3A_457 = arith.select %eq3A_454, %sub3A_441, %broadcast_in_dim3A_456 : vector<16xi1>, vector<16xi32>
        %reduce_sum3A_458 = arith.constant true
        %reduce_sum3A_459 = vector.broadcast %reduce_sum3A_458 : i1 to vector<16xi1>
        %reduce_sum3A_460 = tpu.scan <sum>, %select_n3A_457 masked %reduce_sum3A_459 : vector<16xi32>, vector<16xi1> -> vector<16xi32>
        %reduce_sum3A_461 = vector.extract %reduce_sum3A_460[15] : i32 from vector<16xi32>
        %shift_left3A_462 = arith.shli %sub3A_452, %select_n3A_246 : i32
        %slice3A_463 = vector.extract_strided_slice %get3A_319 {offsets = [2], sizes = [1], strides = [1]} : vector<16xi32> to vector<1xi32>
        %squeeze3A_464 = vector.extract %slice3A_463[0] : i32 from vector<1xi32>
        %lt3A_465 = arith.constant 8 : i32
        %lt3A_466 = arith.cmpi slt, %scan3A_228, %lt3A_465 : i32
        %jit3A_467 = arith.constant 0 : i32
        %select_n3A_468 = arith.select %lt3A_466, %shift_left3A_462, %jit3A_467 : i32
        %add3A_469 = arith.addi %squeeze3A_464, %select_n3A_468 : i32
        %slice3A_470 = vector.extract_strided_slice %get3A_323 {offsets = [2], sizes = [1], strides = [1]} : vector<16xi32> to vector<1xi32>
        %squeeze3A_471 = vector.extract %slice3A_470[0] : i32 from vector<1xi32>
        %lt3A_472 = arith.constant 8 : i32
        %lt3A_473 = arith.cmpi slt, %scan3A_228, %lt3A_472 : i32
        %jit3A_474 = arith.constant 0 : i32
        %select_n3A_475 = arith.select %lt3A_473, %jit3A_474, %shift_left3A_462 : i32
        %add3A_476 = arith.addi %squeeze3A_471, %select_n3A_475 : i32
        %eq3A_477 = arith.constant 2 : i32
        %eq3A_478 = vector.broadcast %eq3A_477 : i32 to vector<16xi32>
        %eq3A_479 = arith.cmpi eq, %iota3A, %eq3A_478 : vector<16xi32>
        %sub3A_480 = arith.subi %squeeze3A_443, %reduce_sum3A_461 : i32
        %broadcast_in_dim3A_481 = vector.broadcast %sub3A_480 : i32 to vector<16xi32>
        %select_n3A_482 = arith.select %eq3A_479, %broadcast_in_dim3A_481, %select_n3A_425 : vector<16xi1>, vector<16xi32>
        %eq3A_483 = arith.constant 2 : i32
        %eq3A_484 = vector.broadcast %eq3A_483 : i32 to vector<16xi32>
        %eq3A_485 = arith.cmpi eq, %iota3A, %eq3A_484 : vector<16xi32>
        %broadcast_in_dim3A_486 = vector.broadcast %add3A_469 : i32 to vector<16xi32>
        %select_n3A_487 = arith.select %eq3A_485, %broadcast_in_dim3A_486, %select_n3A_430 : vector<16xi1>, vector<16xi32>
        %eq3A_488 = arith.constant 2 : i32
        %eq3A_489 = vector.broadcast %eq3A_488 : i32 to vector<16xi32>
        %eq3A_490 = arith.cmpi eq, %iota3A, %eq3A_489 : vector<16xi32>
        %broadcast_in_dim3A_491 = vector.broadcast %add3A_476 : i32 to vector<16xi32>
        %select_n3A_492 = arith.select %eq3A_490, %broadcast_in_dim3A_491, %select_n3A_435 : vector<16xi1>, vector<16xi32>
        %get3A_493 = arith.constant 48 : index
        %get3A_494 = tpu.vector_load %arg17[%get3A_493] {strides = array<i32>} : memref<512xi32, #tpu.memory_space<vmem>>, vector<16xi32>,
        %cumsum3A_495 = arith.constant true
        %cumsum3A_496 = vector.broadcast %cumsum3A_495 : i1 to vector<16xi1>
        %cumsum3A_497 = tpu.scan <sum>, %get3A_494 masked %cumsum3A_496 : vector<16xi32>, vector<16xi1> -> vector<16xi32>
        %sub3A_498 = arith.subi %cumsum3A_497, %get3A_494 : vector<16xi32>
        %slice3A_499 = vector.extract_strided_slice %get3A_315 {offsets = [3], sizes = [1], strides = [1]} : vector<16xi32> to vector<1xi32>
        %squeeze3A_500 = vector.extract %slice3A_499[0] : i32 from vector<1xi32>
        %le3A_501 = vector.broadcast %squeeze3A_500 : i32 to vector<16xi32>
        %le3A_502 = arith.cmpi sle, %sub3A_498, %le3A_501 : vector<16xi32>
        %convert_element_type3A_503 = arith.extui %le3A_502 : vector<16xi1> to vector<16xi32>
        %reduce_sum3A_504 = arith.constant true
        %reduce_sum3A_505 = vector.broadcast %reduce_sum3A_504 : i1 to vector<16xi1>
        %reduce_sum3A_506 = tpu.scan <sum>, %convert_element_type3A_503 masked %reduce_sum3A_505 : vector<16xi32>, vector<16xi1> -> vector<16xi32>
        %reduce_sum3A_507 = vector.extract %reduce_sum3A_506[15] : i32 from vector<16xi32>
        %sub3A_508 = arith.constant 1 : i32
        %sub3A_509 = arith.subi %reduce_sum3A_507, %sub3A_508 : i32
        %eq3A_510 = vector.broadcast %sub3A_509 : i32 to vector<16xi32>
        %eq3A_511 = arith.cmpi eq, %iota3A, %eq3A_510 : vector<16xi32>
        %jit3A_512 = arith.constant 0 : i32
        %broadcast_in_dim3A_513 = vector.broadcast %jit3A_512 : i32 to vector<16xi32>
        %select_n3A_514 = arith.select %eq3A_511, %sub3A_498, %broadcast_in_dim3A_513 : vector<16xi1>, vector<16xi32>
        %reduce_sum3A_515 = arith.constant true
        %reduce_sum3A_516 = vector.broadcast %reduce_sum3A_515 : i1 to vector<16xi1>
        %reduce_sum3A_517 = tpu.scan <sum>, %select_n3A_514 masked %reduce_sum3A_516 : vector<16xi32>, vector<16xi1> -> vector<16xi32>
        %reduce_sum3A_518 = vector.extract %reduce_sum3A_517[15] : i32 from vector<16xi32>
        %shift_left3A_519 = arith.shli %sub3A_509, %select_n3A_246 : i32
        %slice3A_520 = vector.extract_strided_slice %get3A_319 {offsets = [3], sizes = [1], strides = [1]} : vector<16xi32> to vector<1xi32>
        %squeeze3A_521 = vector.extract %slice3A_520[0] : i32 from vector<1xi32>
        %lt3A_522 = arith.constant 8 : i32
        %lt3A_523 = arith.cmpi slt, %scan3A_228, %lt3A_522 : i32
        %jit3A_524 = arith.constant 0 : i32
        %select_n3A_525 = arith.select %lt3A_523, %shift_left3A_519, %jit3A_524 : i32
        %add3A_526 = arith.addi %squeeze3A_521, %select_n3A_525 : i32
        %slice3A_527 = vector.extract_strided_slice %get3A_323 {offsets = [3], sizes = [1], strides = [1]} : vector<16xi32> to vector<1xi32>
        %squeeze3A_528 = vector.extract %slice3A_527[0] : i32 from vector<1xi32>
        %lt3A_529 = arith.constant 8 : i32
        %lt3A_530 = arith.cmpi slt, %scan3A_228, %lt3A_529 : i32
        %jit3A_531 = arith.constant 0 : i32
        %select_n3A_532 = arith.select %lt3A_530, %jit3A_531, %shift_left3A_519 : i32
        %add3A_533 = arith.addi %squeeze3A_528, %select_n3A_532 : i32
        %eq3A_534 = arith.constant 3 : i32
        %eq3A_535 = vector.broadcast %eq3A_534 : i32 to vector<16xi32>
        %eq3A_536 = arith.cmpi eq, %iota3A, %eq3A_535 : vector<16xi32>
        %sub3A_537 = arith.subi %squeeze3A_500, %reduce_sum3A_518 : i32
        %broadcast_in_dim3A_538 = vector.broadcast %sub3A_537 : i32 to vector<16xi32>
        %select_n3A_539 = arith.select %eq3A_536, %broadcast_in_dim3A_538, %select_n3A_482 : vector<16xi1>, vector<16xi32>
        %eq3A_540 = arith.constant 3 : i32
        %eq3A_541 = vector.broadcast %eq3A_540 : i32 to vector<16xi32>
        %eq3A_542 = arith.cmpi eq, %iota3A, %eq3A_541 : vector<16xi32>
        %broadcast_in_dim3A_543 = vector.broadcast %add3A_526 : i32 to vector<16xi32>
        %select_n3A_544 = arith.select %eq3A_542, %broadcast_in_dim3A_543, %select_n3A_487 : vector<16xi1>, vector<16xi32>
        %eq3A_545 = arith.constant 3 : i32
        %eq3A_546 = vector.broadcast %eq3A_545 : i32 to vector<16xi32>
        %eq3A_547 = arith.cmpi eq, %iota3A, %eq3A_546 : vector<16xi32>
        %broadcast_in_dim3A_548 = vector.broadcast %add3A_533 : i32 to vector<16xi32>
        %select_n3A_549 = arith.select %eq3A_547, %broadcast_in_dim3A_548, %select_n3A_492 : vector<16xi1>, vector<16xi32>
        %get3A_550 = arith.constant 64 : index
        %get3A_551 = tpu.vector_load %arg17[%get3A_550] {strides = array<i32>} : memref<512xi32, #tpu.memory_space<vmem>>, vector<16xi32>,
        %cumsum3A_552 = arith.constant true
        %cumsum3A_553 = vector.broadcast %cumsum3A_552 : i1 to vector<16xi1>
        %cumsum3A_554 = tpu.scan <sum>, %get3A_551 masked %cumsum3A_553 : vector<16xi32>, vector<16xi1> -> vector<16xi32>
        %sub3A_555 = arith.subi %cumsum3A_554, %get3A_551 : vector<16xi32>
        %slice3A_556 = vector.extract_strided_slice %get3A_315 {offsets = [4], sizes = [1], strides = [1]} : vector<16xi32> to vector<1xi32>
        %squeeze3A_557 = vector.extract %slice3A_556[0] : i32 from vector<1xi32>
        %le3A_558 = vector.broadcast %squeeze3A_557 : i32 to vector<16xi32>
        %le3A_559 = arith.cmpi sle, %sub3A_555, %le3A_558 : vector<16xi32>
        %convert_element_type3A_560 = arith.extui %le3A_559 : vector<16xi1> to vector<16xi32>
        %reduce_sum3A_561 = arith.constant true
        %reduce_sum3A_562 = vector.broadcast %reduce_sum3A_561 : i1 to vector<16xi1>
        %reduce_sum3A_563 = tpu.scan <sum>, %convert_element_type3A_560 masked %reduce_sum3A_562 : vector<16xi32>, vector<16xi1> -> vector<16xi32>
        %reduce_sum3A_564 = vector.extract %reduce_sum3A_563[15] : i32 from vector<16xi32>
        %sub3A_565 = arith.constant 1 : i32
        %sub3A_566 = arith.subi %reduce_sum3A_564, %sub3A_565 : i32
        %eq3A_567 = vector.broadcast %sub3A_566 : i32 to vector<16xi32>
        %eq3A_568 = arith.cmpi eq, %iota3A, %eq3A_567 : vector<16xi32>
        %jit3A_569 = arith.constant 0 : i32
        %broadcast_in_dim3A_570 = vector.broadcast %jit3A_569 : i32 to vector<16xi32>
        %select_n3A_571 = arith.select %eq3A_568, %sub3A_555, %broadcast_in_dim3A_570 : vector<16xi1>, vector<16xi32>
        %reduce_sum3A_572 = arith.constant true
        %reduce_sum3A_573 = vector.broadcast %reduce_sum3A_572 : i1 to vector<16xi1>
        %reduce_sum3A_574 = tpu.scan <sum>, %select_n3A_571 masked %reduce_sum3A_573 : vector<16xi32>, vector<16xi1> -> vector<16xi32>
        %reduce_sum3A_575 = vector.extract %reduce_sum3A_574[15] : i32 from vector<16xi32>
        %shift_left3A_576 = arith.shli %sub3A_566, %select_n3A_246 : i32
        %slice3A_577 = vector.extract_strided_slice %get3A_319 {offsets = [4], sizes = [1], strides = [1]} : vector<16xi32> to vector<1xi32>
        %squeeze3A_578 = vector.extract %slice3A_577[0] : i32 from vector<1xi32>
        %lt3A_579 = arith.constant 8 : i32
        %lt3A_580 = arith.cmpi slt, %scan3A_228, %lt3A_579 : i32
        %jit3A_581 = arith.constant 0 : i32
        %select_n3A_582 = arith.select %lt3A_580, %shift_left3A_576, %jit3A_581 : i32
        %add3A_583 = arith.addi %squeeze3A_578, %select_n3A_582 : i32
        %slice3A_584 = vector.extract_strided_slice %get3A_323 {offsets = [4], sizes = [1], strides = [1]} : vector<16xi32> to vector<1xi32>
        %squeeze3A_585 = vector.extract %slice3A_584[0] : i32 from vector<1xi32>
        %lt3A_586 = arith.constant 8 : i32
        %lt3A_587 = arith.cmpi slt, %scan3A_228, %lt3A_586 : i32
        %jit3A_588 = arith.constant 0 : i32
        %select_n3A_589 = arith.select %lt3A_587, %jit3A_588, %shift_left3A_576 : i32
        %add3A_590 = arith.addi %squeeze3A_585, %select_n3A_589 : i32
        %eq3A_591 = arith.constant 4 : i32
        %eq3A_592 = vector.broadcast %eq3A_591 : i32 to vector<16xi32>
        %eq3A_593 = arith.cmpi eq, %iota3A, %eq3A_592 : vector<16xi32>
        %sub3A_594 = arith.subi %squeeze3A_557, %reduce_sum3A_575 : i32
        %broadcast_in_dim3A_595 = vector.broadcast %sub3A_594 : i32 to vector<16xi32>
        %select_n3A_596 = arith.select %eq3A_593, %broadcast_in_dim3A_595, %select_n3A_539 : vector<16xi1>, vector<16xi32>
        %eq3A_597 = arith.constant 4 : i32
        %eq3A_598 = vector.broadcast %eq3A_597 : i32 to vector<16xi32>
        %eq3A_599 = arith.cmpi eq, %iota3A, %eq3A_598 : vector<16xi32>
        %broadcast_in_dim3A_600 = vector.broadcast %add3A_583 : i32 to vector<16xi32>
        %select_n3A_601 = arith.select %eq3A_599, %broadcast_in_dim3A_600, %select_n3A_544 : vector<16xi1>, vector<16xi32>
        %eq3A_602 = arith.constant 4 : i32
        %eq3A_603 = vector.broadcast %eq3A_602 : i32 to vector<16xi32>
        %eq3A_604 = arith.cmpi eq, %iota3A, %eq3A_603 : vector<16xi32>
        %broadcast_in_dim3A_605 = vector.broadcast %add3A_590 : i32 to vector<16xi32>
        %select_n3A_606 = arith.select %eq3A_604, %broadcast_in_dim3A_605, %select_n3A_549 : vector<16xi1>, vector<16xi32>
        %get3A_607 = arith.constant 80 : index
        %get3A_608 = tpu.vector_load %arg17[%get3A_607] {strides = array<i32>} : memref<512xi32, #tpu.memory_space<vmem>>, vector<16xi32>,
        %cumsum3A_609 = arith.constant true
        %cumsum3A_610 = vector.broadcast %cumsum3A_609 : i1 to vector<16xi1>
        %cumsum3A_611 = tpu.scan <sum>, %get3A_608 masked %cumsum3A_610 : vector<16xi32>, vector<16xi1> -> vector<16xi32>
        %sub3A_612 = arith.subi %cumsum3A_611, %get3A_608 : vector<16xi32>
        %slice3A_613 = vector.extract_strided_slice %get3A_315 {offsets = [5], sizes = [1], strides = [1]} : vector<16xi32> to vector<1xi32>
        %squeeze3A_614 = vector.extract %slice3A_613[0] : i32 from vector<1xi32>
        %le3A_615 = vector.broadcast %squeeze3A_614 : i32 to vector<16xi32>
        %le3A_616 = arith.cmpi sle, %sub3A_612, %le3A_615 : vector<16xi32>
        %convert_element_type3A_617 = arith.extui %le3A_616 : vector<16xi1> to vector<16xi32>
        %reduce_sum3A_618 = arith.constant true
        %reduce_sum3A_619 = vector.broadcast %reduce_sum3A_618 : i1 to vector<16xi1>
        %reduce_sum3A_620 = tpu.scan <sum>, %convert_element_type3A_617 masked %reduce_sum3A_619 : vector<16xi32>, vector<16xi1> -> vector<16xi32>
        %reduce_sum3A_621 = vector.extract %reduce_sum3A_620[15] : i32 from vector<16xi32>
        %sub3A_622 = arith.constant 1 : i32
        %sub3A_623 = arith.subi %reduce_sum3A_621, %sub3A_622 : i32
        %eq3A_624 = vector.broadcast %sub3A_623 : i32 to vector<16xi32>
        %eq3A_625 = arith.cmpi eq, %iota3A, %eq3A_624 : vector<16xi32>
        %jit3A_626 = arith.constant 0 : i32
        %broadcast_in_dim3A_627 = vector.broadcast %jit3A_626 : i32 to vector<16xi32>
        %select_n3A_628 = arith.select %eq3A_625, %sub3A_612, %broadcast_in_dim3A_627 : vector<16xi1>, vector<16xi32>
        %reduce_sum3A_629 = arith.constant true
        %reduce_sum3A_630 = vector.broadcast %reduce_sum3A_629 : i1 to vector<16xi1>
        %reduce_sum3A_631 = tpu.scan <sum>, %select_n3A_628 masked %reduce_sum3A_630 : vector<16xi32>, vector<16xi1> -> vector<16xi32>
        %reduce_sum3A_632 = vector.extract %reduce_sum3A_631[15] : i32 from vector<16xi32>
        %shift_left3A_633 = arith.shli %sub3A_623, %select_n3A_246 : i32
        %slice3A_634 = vector.extract_strided_slice %get3A_319 {offsets = [5], sizes = [1], strides = [1]} : vector<16xi32> to vector<1xi32>
        %squeeze3A_635 = vector.extract %slice3A_634[0] : i32 from vector<1xi32>
        %lt3A_636 = arith.constant 8 : i32
        %lt3A_637 = arith.cmpi slt, %scan3A_228, %lt3A_636 : i32
        %jit3A_638 = arith.constant 0 : i32
        %select_n3A_639 = arith.select %lt3A_637, %shift_left3A_633, %jit3A_638 : i32
        %add3A_640 = arith.addi %squeeze3A_635, %select_n3A_639 : i32
        %slice3A_641 = vector.extract_strided_slice %get3A_323 {offsets = [5], sizes = [1], strides = [1]} : vector<16xi32> to vector<1xi32>
        %squeeze3A_642 = vector.extract %slice3A_641[0] : i32 from vector<1xi32>
        %lt3A_643 = arith.constant 8 : i32
        %lt3A_644 = arith.cmpi slt, %scan3A_228, %lt3A_643 : i32
        %jit3A_645 = arith.constant 0 : i32
        %select_n3A_646 = arith.select %lt3A_644, %jit3A_645, %shift_left3A_633 : i32
        %add3A_647 = arith.addi %squeeze3A_642, %select_n3A_646 : i32
        %eq3A_648 = arith.constant 5 : i32
        %eq3A_649 = vector.broadcast %eq3A_648 : i32 to vector<16xi32>
        %eq3A_650 = arith.cmpi eq, %iota3A, %eq3A_649 : vector<16xi32>
        %sub3A_651 = arith.subi %squeeze3A_614, %reduce_sum3A_632 : i32
        %broadcast_in_dim3A_652 = vector.broadcast %sub3A_651 : i32 to vector<16xi32>
        %select_n3A_653 = arith.select %eq3A_650, %broadcast_in_dim3A_652, %select_n3A_596 : vector<16xi1>, vector<16xi32>
        %eq3A_654 = arith.constant 5 : i32
        %eq3A_655 = vector.broadcast %eq3A_654 : i32 to vector<16xi32>
        %eq3A_656 = arith.cmpi eq, %iota3A, %eq3A_655 : vector<16xi32>
        %broadcast_in_dim3A_657 = vector.broadcast %add3A_640 : i32 to vector<16xi32>
        %select_n3A_658 = arith.select %eq3A_656, %broadcast_in_dim3A_657, %select_n3A_601 : vector<16xi1>, vector<16xi32>
        %eq3A_659 = arith.constant 5 : i32
        %eq3A_660 = vector.broadcast %eq3A_659 : i32 to vector<16xi32>
        %eq3A_661 = arith.cmpi eq, %iota3A, %eq3A_660 : vector<16xi32>
        %broadcast_in_dim3A_662 = vector.broadcast %add3A_647 : i32 to vector<16xi32>
        %select_n3A_663 = arith.select %eq3A_661, %broadcast_in_dim3A_662, %select_n3A_606 : vector<16xi1>, vector<16xi32>
        %get3A_664 = arith.constant 96 : index
        %get3A_665 = tpu.vector_load %arg17[%get3A_664] {strides = array<i32>} : memref<512xi32, #tpu.memory_space<vmem>>, vector<16xi32>,
        %cumsum3A_666 = arith.constant true
        %cumsum3A_667 = vector.broadcast %cumsum3A_666 : i1 to vector<16xi1>
        %cumsum3A_668 = tpu.scan <sum>, %get3A_665 masked %cumsum3A_667 : vector<16xi32>, vector<16xi1> -> vector<16xi32>
        %sub3A_669 = arith.subi %cumsum3A_668, %get3A_665 : vector<16xi32>
        %slice3A_670 = vector.extract_strided_slice %get3A_315 {offsets = [6], sizes = [1], strides = [1]} : vector<16xi32> to vector<1xi32>
        %squeeze3A_671 = vector.extract %slice3A_670[0] : i32 from vector<1xi32>
        %le3A_672 = vector.broadcast %squeeze3A_671 : i32 to vector<16xi32>
        %le3A_673 = arith.cmpi sle, %sub3A_669, %le3A_672 : vector<16xi32>
        %convert_element_type3A_674 = arith.extui %le3A_673 : vector<16xi1> to vector<16xi32>
        %reduce_sum3A_675 = arith.constant true
        %reduce_sum3A_676 = vector.broadcast %reduce_sum3A_675 : i1 to vector<16xi1>
        %reduce_sum3A_677 = tpu.scan <sum>, %convert_element_type3A_674 masked %reduce_sum3A_676 : vector<16xi32>, vector<16xi1> -> vector<16xi32>
        %reduce_sum3A_678 = vector.extract %reduce_sum3A_677[15] : i32 from vector<16xi32>
        %sub3A_679 = arith.constant 1 : i32
        %sub3A_680 = arith.subi %reduce_sum3A_678, %sub3A_679 : i32
        %eq3A_681 = vector.broadcast %sub3A_680 : i32 to vector<16xi32>
        %eq3A_682 = arith.cmpi eq, %iota3A, %eq3A_681 : vector<16xi32>
        %jit3A_683 = arith.constant 0 : i32
        %broadcast_in_dim3A_684 = vector.broadcast %jit3A_683 : i32 to vector<16xi32>
        %select_n3A_685 = arith.select %eq3A_682, %sub3A_669, %broadcast_in_dim3A_684 : vector<16xi1>, vector<16xi32>
        %reduce_sum3A_686 = arith.constant true
        %reduce_sum3A_687 = vector.broadcast %reduce_sum3A_686 : i1 to vector<16xi1>
        %reduce_sum3A_688 = tpu.scan <sum>, %select_n3A_685 masked %reduce_sum3A_687 : vector<16xi32>, vector<16xi1> -> vector<16xi32>
        %reduce_sum3A_689 = vector.extract %reduce_sum3A_688[15] : i32 from vector<16xi32>
        %shift_left3A_690 = arith.shli %sub3A_680, %select_n3A_246 : i32
        %slice3A_691 = vector.extract_strided_slice %get3A_319 {offsets = [6], sizes = [1], strides = [1]} : vector<16xi32> to vector<1xi32>
        %squeeze3A_692 = vector.extract %slice3A_691[0] : i32 from vector<1xi32>
        %lt3A_693 = arith.constant 8 : i32
        %lt3A_694 = arith.cmpi slt, %scan3A_228, %lt3A_693 : i32
        %jit3A_695 = arith.constant 0 : i32
        %select_n3A_696 = arith.select %lt3A_694, %shift_left3A_690, %jit3A_695 : i32
        %add3A_697 = arith.addi %squeeze3A_692, %select_n3A_696 : i32
        %slice3A_698 = vector.extract_strided_slice %get3A_323 {offsets = [6], sizes = [1], strides = [1]} : vector<16xi32> to vector<1xi32>
        %squeeze3A_699 = vector.extract %slice3A_698[0] : i32 from vector<1xi32>
        %lt3A_700 = arith.constant 8 : i32
        %lt3A_701 = arith.cmpi slt, %scan3A_228, %lt3A_700 : i32
        %jit3A_702 = arith.constant 0 : i32
        %select_n3A_703 = arith.select %lt3A_701, %jit3A_702, %shift_left3A_690 : i32
        %add3A_704 = arith.addi %squeeze3A_699, %select_n3A_703 : i32
        %eq3A_705 = arith.constant 6 : i32
        %eq3A_706 = vector.broadcast %eq3A_705 : i32 to vector<16xi32>
        %eq3A_707 = arith.cmpi eq, %iota3A, %eq3A_706 : vector<16xi32>
        %sub3A_708 = arith.subi %squeeze3A_671, %reduce_sum3A_689 : i32
        %broadcast_in_dim3A_709 = vector.broadcast %sub3A_708 : i32 to vector<16xi32>
        %select_n3A_710 = arith.select %eq3A_707, %broadcast_in_dim3A_709, %select_n3A_653 : vector<16xi1>, vector<16xi32>
        %eq3A_711 = arith.constant 6 : i32
        %eq3A_712 = vector.broadcast %eq3A_711 : i32 to vector<16xi32>
        %eq3A_713 = arith.cmpi eq, %iota3A, %eq3A_712 : vector<16xi32>
        %broadcast_in_dim3A_714 = vector.broadcast %add3A_697 : i32 to vector<16xi32>
        %select_n3A_715 = arith.select %eq3A_713, %broadcast_in_dim3A_714, %select_n3A_658 : vector<16xi1>, vector<16xi32>
        %eq3A_716 = arith.constant 6 : i32
        %eq3A_717 = vector.broadcast %eq3A_716 : i32 to vector<16xi32>
        %eq3A_718 = arith.cmpi eq, %iota3A, %eq3A_717 : vector<16xi32>
        %broadcast_in_dim3A_719 = vector.broadcast %add3A_704 : i32 to vector<16xi32>
        %select_n3A_720 = arith.select %eq3A_718, %broadcast_in_dim3A_719, %select_n3A_663 : vector<16xi1>, vector<16xi32>
        %get3A_721 = arith.constant 112 : index
        %get3A_722 = tpu.vector_load %arg17[%get3A_721] {strides = array<i32>} : memref<512xi32, #tpu.memory_space<vmem>>, vector<16xi32>,
        %cumsum3A_723 = arith.constant true
        %cumsum3A_724 = vector.broadcast %cumsum3A_723 : i1 to vector<16xi1>
        %cumsum3A_725 = tpu.scan <sum>, %get3A_722 masked %cumsum3A_724 : vector<16xi32>, vector<16xi1> -> vector<16xi32>
        %sub3A_726 = arith.subi %cumsum3A_725, %get3A_722 : vector<16xi32>
        %slice3A_727 = vector.extract_strided_slice %get3A_315 {offsets = [7], sizes = [1], strides = [1]} : vector<16xi32> to vector<1xi32>
        %squeeze3A_728 = vector.extract %slice3A_727[0] : i32 from vector<1xi32>
        %le3A_729 = vector.broadcast %squeeze3A_728 : i32 to vector<16xi32>
        %le3A_730 = arith.cmpi sle, %sub3A_726, %le3A_729 : vector<16xi32>
        %convert_element_type3A_731 = arith.extui %le3A_730 : vector<16xi1> to vector<16xi32>
        %reduce_sum3A_732 = arith.constant true
        %reduce_sum3A_733 = vector.broadcast %reduce_sum3A_732 : i1 to vector<16xi1>
        %reduce_sum3A_734 = tpu.scan <sum>, %convert_element_type3A_731 masked %reduce_sum3A_733 : vector<16xi32>, vector<16xi1> -> vector<16xi32>
        %reduce_sum3A_735 = vector.extract %reduce_sum3A_734[15] : i32 from vector<16xi32>
        %sub3A_736 = arith.constant 1 : i32
        %sub3A_737 = arith.subi %reduce_sum3A_735, %sub3A_736 : i32
        %eq3A_738 = vector.broadcast %sub3A_737 : i32 to vector<16xi32>
        %eq3A_739 = arith.cmpi eq, %iota3A, %eq3A_738 : vector<16xi32>
        %jit3A_740 = arith.constant 0 : i32
        %broadcast_in_dim3A_741 = vector.broadcast %jit3A_740 : i32 to vector<16xi32>
        %select_n3A_742 = arith.select %eq3A_739, %sub3A_726, %broadcast_in_dim3A_741 : vector<16xi1>, vector<16xi32>
        %reduce_sum3A_743 = arith.constant true
        %reduce_sum3A_744 = vector.broadcast %reduce_sum3A_743 : i1 to vector<16xi1>
        %reduce_sum3A_745 = tpu.scan <sum>, %select_n3A_742 masked %reduce_sum3A_744 : vector<16xi32>, vector<16xi1> -> vector<16xi32>
        %reduce_sum3A_746 = vector.extract %reduce_sum3A_745[15] : i32 from vector<16xi32>
        %shift_left3A_747 = arith.shli %sub3A_737, %select_n3A_246 : i32
        %slice3A_748 = vector.extract_strided_slice %get3A_319 {offsets = [7], sizes = [1], strides = [1]} : vector<16xi32> to vector<1xi32>
        %squeeze3A_749 = vector.extract %slice3A_748[0] : i32 from vector<1xi32>
        %lt3A_750 = arith.constant 8 : i32
        %lt3A_751 = arith.cmpi slt, %scan3A_228, %lt3A_750 : i32
        %jit3A_752 = arith.constant 0 : i32
        %select_n3A_753 = arith.select %lt3A_751, %shift_left3A_747, %jit3A_752 : i32
        %add3A_754 = arith.addi %squeeze3A_749, %select_n3A_753 : i32
        %slice3A_755 = vector.extract_strided_slice %get3A_323 {offsets = [7], sizes = [1], strides = [1]} : vector<16xi32> to vector<1xi32>
        %squeeze3A_756 = vector.extract %slice3A_755[0] : i32 from vector<1xi32>
        %lt3A_757 = arith.constant 8 : i32
        %lt3A_758 = arith.cmpi slt, %scan3A_228, %lt3A_757 : i32
        %jit3A_759 = arith.constant 0 : i32
        %select_n3A_760 = arith.select %lt3A_758, %jit3A_759, %shift_left3A_747 : i32
        %add3A_761 = arith.addi %squeeze3A_756, %select_n3A_760 : i32
        %eq3A_762 = arith.constant 7 : i32
        %eq3A_763 = vector.broadcast %eq3A_762 : i32 to vector<16xi32>
        %eq3A_764 = arith.cmpi eq, %iota3A, %eq3A_763 : vector<16xi32>
        %sub3A_765 = arith.subi %squeeze3A_728, %reduce_sum3A_746 : i32
        %broadcast_in_dim3A_766 = vector.broadcast %sub3A_765 : i32 to vector<16xi32>
        %select_n3A_767 = arith.select %eq3A_764, %broadcast_in_dim3A_766, %select_n3A_710 : vector<16xi1>, vector<16xi32>
        %eq3A_768 = arith.constant 7 : i32
        %eq3A_769 = vector.broadcast %eq3A_768 : i32 to vector<16xi32>
        %eq3A_770 = arith.cmpi eq, %iota3A, %eq3A_769 : vector<16xi32>
        %broadcast_in_dim3A_771 = vector.broadcast %add3A_754 : i32 to vector<16xi32>
        %select_n3A_772 = arith.select %eq3A_770, %broadcast_in_dim3A_771, %select_n3A_715 : vector<16xi1>, vector<16xi32>
        %eq3A_773 = arith.constant 7 : i32
        %eq3A_774 = vector.broadcast %eq3A_773 : i32 to vector<16xi32>
        %eq3A_775 = arith.cmpi eq, %iota3A, %eq3A_774 : vector<16xi32>
        %broadcast_in_dim3A_776 = vector.broadcast %add3A_761 : i32 to vector<16xi32>
        %select_n3A_777 = arith.select %eq3A_775, %broadcast_in_dim3A_776, %select_n3A_720 : vector<16xi1>, vector<16xi32>
        %get3A_778 = arith.constant 128 : index
        %get3A_779 = tpu.vector_load %arg17[%get3A_778] {strides = array<i32>} : memref<512xi32, #tpu.memory_space<vmem>>, vector<16xi32>,
        %cumsum3A_780 = arith.constant true
        %cumsum3A_781 = vector.broadcast %cumsum3A_780 : i1 to vector<16xi1>
        %cumsum3A_782 = tpu.scan <sum>, %get3A_779 masked %cumsum3A_781 : vector<16xi32>, vector<16xi1> -> vector<16xi32>
        %sub3A_783 = arith.subi %cumsum3A_782, %get3A_779 : vector<16xi32>
        %slice3A_784 = vector.extract_strided_slice %get3A_315 {offsets = [8], sizes = [1], strides = [1]} : vector<16xi32> to vector<1xi32>
        %squeeze3A_785 = vector.extract %slice3A_784[0] : i32 from vector<1xi32>
        %le3A_786 = vector.broadcast %squeeze3A_785 : i32 to vector<16xi32>
        %le3A_787 = arith.cmpi sle, %sub3A_783, %le3A_786 : vector<16xi32>
        %convert_element_type3A_788 = arith.extui %le3A_787 : vector<16xi1> to vector<16xi32>
        %reduce_sum3A_789 = arith.constant true
        %reduce_sum3A_790 = vector.broadcast %reduce_sum3A_789 : i1 to vector<16xi1>
        %reduce_sum3A_791 = tpu.scan <sum>, %convert_element_type3A_788 masked %reduce_sum3A_790 : vector<16xi32>, vector<16xi1> -> vector<16xi32>
        %reduce_sum3A_792 = vector.extract %reduce_sum3A_791[15] : i32 from vector<16xi32>
        %sub3A_793 = arith.constant 1 : i32
        %sub3A_794 = arith.subi %reduce_sum3A_792, %sub3A_793 : i32
        %eq3A_795 = vector.broadcast %sub3A_794 : i32 to vector<16xi32>
        %eq3A_796 = arith.cmpi eq, %iota3A, %eq3A_795 : vector<16xi32>
        %jit3A_797 = arith.constant 0 : i32
        %broadcast_in_dim3A_798 = vector.broadcast %jit3A_797 : i32 to vector<16xi32>
        %select_n3A_799 = arith.select %eq3A_796, %sub3A_783, %broadcast_in_dim3A_798 : vector<16xi1>, vector<16xi32>
        %reduce_sum3A_800 = arith.constant true
        %reduce_sum3A_801 = vector.broadcast %reduce_sum3A_800 : i1 to vector<16xi1>
        %reduce_sum3A_802 = tpu.scan <sum>, %select_n3A_799 masked %reduce_sum3A_801 : vector<16xi32>, vector<16xi1> -> vector<16xi32>
        %reduce_sum3A_803 = vector.extract %reduce_sum3A_802[15] : i32 from vector<16xi32>
        %shift_left3A_804 = arith.shli %sub3A_794, %select_n3A_246 : i32
        %slice3A_805 = vector.extract_strided_slice %get3A_319 {offsets = [8], sizes = [1], strides = [1]} : vector<16xi32> to vector<1xi32>
        %squeeze3A_806 = vector.extract %slice3A_805[0] : i32 from vector<1xi32>
        %lt3A_807 = arith.constant 8 : i32
        %lt3A_808 = arith.cmpi slt, %scan3A_228, %lt3A_807 : i32
        %jit3A_809 = arith.constant 0 : i32
        %select_n3A_810 = arith.select %lt3A_808, %shift_left3A_804, %jit3A_809 : i32
        %add3A_811 = arith.addi %squeeze3A_806, %select_n3A_810 : i32
        %slice3A_812 = vector.extract_strided_slice %get3A_323 {offsets = [8], sizes = [1], strides = [1]} : vector<16xi32> to vector<1xi32>
        %squeeze3A_813 = vector.extract %slice3A_812[0] : i32 from vector<1xi32>
        %lt3A_814 = arith.constant 8 : i32
        %lt3A_815 = arith.cmpi slt, %scan3A_228, %lt3A_814 : i32
        %jit3A_816 = arith.constant 0 : i32
        %select_n3A_817 = arith.select %lt3A_815, %jit3A_816, %shift_left3A_804 : i32
        %add3A_818 = arith.addi %squeeze3A_813, %select_n3A_817 : i32
        %eq3A_819 = arith.constant 8 : i32
        %eq3A_820 = vector.broadcast %eq3A_819 : i32 to vector<16xi32>
        %eq3A_821 = arith.cmpi eq, %iota3A, %eq3A_820 : vector<16xi32>
        %sub3A_822 = arith.subi %squeeze3A_785, %reduce_sum3A_803 : i32
        %broadcast_in_dim3A_823 = vector.broadcast %sub3A_822 : i32 to vector<16xi32>
        %select_n3A_824 = arith.select %eq3A_821, %broadcast_in_dim3A_823, %select_n3A_767 : vector<16xi1>, vector<16xi32>
        %eq3A_825 = arith.constant 8 : i32
        %eq3A_826 = vector.broadcast %eq3A_825 : i32 to vector<16xi32>
        %eq3A_827 = arith.cmpi eq, %iota3A, %eq3A_826 : vector<16xi32>
        %broadcast_in_dim3A_828 = vector.broadcast %add3A_811 : i32 to vector<16xi32>
        %select_n3A_829 = arith.select %eq3A_827, %broadcast_in_dim3A_828, %select_n3A_772 : vector<16xi1>, vector<16xi32>
        %eq3A_830 = arith.constant 8 : i32
        %eq3A_831 = vector.broadcast %eq3A_830 : i32 to vector<16xi32>
        %eq3A_832 = arith.cmpi eq, %iota3A, %eq3A_831 : vector<16xi32>
        %broadcast_in_dim3A_833 = vector.broadcast %add3A_818 : i32 to vector<16xi32>
        %select_n3A_834 = arith.select %eq3A_832, %broadcast_in_dim3A_833, %select_n3A_777 : vector<16xi1>, vector<16xi32>
        %get3A_835 = arith.constant 144 : index
        %get3A_836 = tpu.vector_load %arg17[%get3A_835] {strides = array<i32>} : memref<512xi32, #tpu.memory_space<vmem>>, vector<16xi32>,
        %cumsum3A_837 = arith.constant true
        %cumsum3A_838 = vector.broadcast %cumsum3A_837 : i1 to vector<16xi1>
        %cumsum3A_839 = tpu.scan <sum>, %get3A_836 masked %cumsum3A_838 : vector<16xi32>, vector<16xi1> -> vector<16xi32>
        %sub3A_840 = arith.subi %cumsum3A_839, %get3A_836 : vector<16xi32>
        %slice3A_841 = vector.extract_strided_slice %get3A_315 {offsets = [9], sizes = [1], strides = [1]} : vector<16xi32> to vector<1xi32>
        %squeeze3A_842 = vector.extract %slice3A_841[0] : i32 from vector<1xi32>
        %le3A_843 = vector.broadcast %squeeze3A_842 : i32 to vector<16xi32>
        %le3A_844 = arith.cmpi sle, %sub3A_840, %le3A_843 : vector<16xi32>
        %convert_element_type3A_845 = arith.extui %le3A_844 : vector<16xi1> to vector<16xi32>
        %reduce_sum3A_846 = arith.constant true
        %reduce_sum3A_847 = vector.broadcast %reduce_sum3A_846 : i1 to vector<16xi1>
        %reduce_sum3A_848 = tpu.scan <sum>, %convert_element_type3A_845 masked %reduce_sum3A_847 : vector<16xi32>, vector<16xi1> -> vector<16xi32>
        %reduce_sum3A_849 = vector.extract %reduce_sum3A_848[15] : i32 from vector<16xi32>
        %sub3A_850 = arith.constant 1 : i32
        %sub3A_851 = arith.subi %reduce_sum3A_849, %sub3A_850 : i32
        %eq3A_852 = vector.broadcast %sub3A_851 : i32 to vector<16xi32>
        %eq3A_853 = arith.cmpi eq, %iota3A, %eq3A_852 : vector<16xi32>
        %jit3A_854 = arith.constant 0 : i32
        %broadcast_in_dim3A_855 = vector.broadcast %jit3A_854 : i32 to vector<16xi32>
        %select_n3A_856 = arith.select %eq3A_853, %sub3A_840, %broadcast_in_dim3A_855 : vector<16xi1>, vector<16xi32>
        %reduce_sum3A_857 = arith.constant true
        %reduce_sum3A_858 = vector.broadcast %reduce_sum3A_857 : i1 to vector<16xi1>
        %reduce_sum3A_859 = tpu.scan <sum>, %select_n3A_856 masked %reduce_sum3A_858 : vector<16xi32>, vector<16xi1> -> vector<16xi32>
        %reduce_sum3A_860 = vector.extract %reduce_sum3A_859[15] : i32 from vector<16xi32>
        %shift_left3A_861 = arith.shli %sub3A_851, %select_n3A_246 : i32
        %slice3A_862 = vector.extract_strided_slice %get3A_319 {offsets = [9], sizes = [1], strides = [1]} : vector<16xi32> to vector<1xi32>
        %squeeze3A_863 = vector.extract %slice3A_862[0] : i32 from vector<1xi32>
        %lt3A_864 = arith.constant 8 : i32
        %lt3A_865 = arith.cmpi slt, %scan3A_228, %lt3A_864 : i32
        %jit3A_866 = arith.constant 0 : i32
        %select_n3A_867 = arith.select %lt3A_865, %shift_left3A_861, %jit3A_866 : i32
        %add3A_868 = arith.addi %squeeze3A_863, %select_n3A_867 : i32
        %slice3A_869 = vector.extract_strided_slice %get3A_323 {offsets = [9], sizes = [1], strides = [1]} : vector<16xi32> to vector<1xi32>
        %squeeze3A_870 = vector.extract %slice3A_869[0] : i32 from vector<1xi32>
        %lt3A_871 = arith.constant 8 : i32
        %lt3A_872 = arith.cmpi slt, %scan3A_228, %lt3A_871 : i32
        %jit3A_873 = arith.constant 0 : i32
        %select_n3A_874 = arith.select %lt3A_872, %jit3A_873, %shift_left3A_861 : i32
        %add3A_875 = arith.addi %squeeze3A_870, %select_n3A_874 : i32
        %eq3A_876 = arith.constant 9 : i32
        %eq3A_877 = vector.broadcast %eq3A_876 : i32 to vector<16xi32>
        %eq3A_878 = arith.cmpi eq, %iota3A, %eq3A_877 : vector<16xi32>
        %sub3A_879 = arith.subi %squeeze3A_842, %reduce_sum3A_860 : i32
        %broadcast_in_dim3A_880 = vector.broadcast %sub3A_879 : i32 to vector<16xi32>
        %select_n3A_881 = arith.select %eq3A_878, %broadcast_in_dim3A_880, %select_n3A_824 : vector<16xi1>, vector<16xi32>
        %eq3A_882 = arith.constant 9 : i32
        %eq3A_883 = vector.broadcast %eq3A_882 : i32 to vector<16xi32>
        %eq3A_884 = arith.cmpi eq, %iota3A, %eq3A_883 : vector<16xi32>
        %broadcast_in_dim3A_885 = vector.broadcast %add3A_868 : i32 to vector<16xi32>
        %select_n3A_886 = arith.select %eq3A_884, %broadcast_in_dim3A_885, %select_n3A_829 : vector<16xi1>, vector<16xi32>
        %eq3A_887 = arith.constant 9 : i32
        %eq3A_888 = vector.broadcast %eq3A_887 : i32 to vector<16xi32>
        %eq3A_889 = arith.cmpi eq, %iota3A, %eq3A_888 : vector<16xi32>
        %broadcast_in_dim3A_890 = vector.broadcast %add3A_875 : i32 to vector<16xi32>
        %select_n3A_891 = arith.select %eq3A_889, %broadcast_in_dim3A_890, %select_n3A_834 : vector<16xi1>, vector<16xi32>
        %get3A_892 = arith.constant 160 : index
        %get3A_893 = tpu.vector_load %arg17[%get3A_892] {strides = array<i32>} : memref<512xi32, #tpu.memory_space<vmem>>, vector<16xi32>,
        %cumsum3A_894 = arith.constant true
        %cumsum3A_895 = vector.broadcast %cumsum3A_894 : i1 to vector<16xi1>
        %cumsum3A_896 = tpu.scan <sum>, %get3A_893 masked %cumsum3A_895 : vector<16xi32>, vector<16xi1> -> vector<16xi32>
        %sub3A_897 = arith.subi %cumsum3A_896, %get3A_893 : vector<16xi32>
        %slice3A_898 = vector.extract_strided_slice %get3A_315 {offsets = [10], sizes = [1], strides = [1]} : vector<16xi32> to vector<1xi32>
        %squeeze3A_899 = vector.extract %slice3A_898[0] : i32 from vector<1xi32>
        %le3A_900 = vector.broadcast %squeeze3A_899 : i32 to vector<16xi32>
        %le3A_901 = arith.cmpi sle, %sub3A_897, %le3A_900 : vector<16xi32>
        %convert_element_type3A_902 = arith.extui %le3A_901 : vector<16xi1> to vector<16xi32>
        %reduce_sum3A_903 = arith.constant true
        %reduce_sum3A_904 = vector.broadcast %reduce_sum3A_903 : i1 to vector<16xi1>
        %reduce_sum3A_905 = tpu.scan <sum>, %convert_element_type3A_902 masked %reduce_sum3A_904 : vector<16xi32>, vector<16xi1> -> vector<16xi32>
        %reduce_sum3A_906 = vector.extract %reduce_sum3A_905[15] : i32 from vector<16xi32>
        %sub3A_907 = arith.constant 1 : i32
        %sub3A_908 = arith.subi %reduce_sum3A_906, %sub3A_907 : i32
        %eq3A_909 = vector.broadcast %sub3A_908 : i32 to vector<16xi32>
        %eq3A_910 = arith.cmpi eq, %iota3A, %eq3A_909 : vector<16xi32>
        %jit3A_911 = arith.constant 0 : i32
        %broadcast_in_dim3A_912 = vector.broadcast %jit3A_911 : i32 to vector<16xi32>
        %select_n3A_913 = arith.select %eq3A_910, %sub3A_897, %broadcast_in_dim3A_912 : vector<16xi1>, vector<16xi32>
        %reduce_sum3A_914 = arith.constant true
        %reduce_sum3A_915 = vector.broadcast %reduce_sum3A_914 : i1 to vector<16xi1>
        %reduce_sum3A_916 = tpu.scan <sum>, %select_n3A_913 masked %reduce_sum3A_915 : vector<16xi32>, vector<16xi1> -> vector<16xi32>
        %reduce_sum3A_917 = vector.extract %reduce_sum3A_916[15] : i32 from vector<16xi32>
        %shift_left3A_918 = arith.shli %sub3A_908, %select_n3A_246 : i32
        %slice3A_919 = vector.extract_strided_slice %get3A_319 {offsets = [10], sizes = [1], strides = [1]} : vector<16xi32> to vector<1xi32>
        %squeeze3A_920 = vector.extract %slice3A_919[0] : i32 from vector<1xi32>
        %lt3A_921 = arith.constant 8 : i32
        %lt3A_922 = arith.cmpi slt, %scan3A_228, %lt3A_921 : i32
        %jit3A_923 = arith.constant 0 : i32
        %select_n3A_924 = arith.select %lt3A_922, %shift_left3A_918, %jit3A_923 : i32
        %add3A_925 = arith.addi %squeeze3A_920, %select_n3A_924 : i32
        %slice3A_926 = vector.extract_strided_slice %get3A_323 {offsets = [10], sizes = [1], strides = [1]} : vector<16xi32> to vector<1xi32>
        %squeeze3A_927 = vector.extract %slice3A_926[0] : i32 from vector<1xi32>
        %lt3A_928 = arith.constant 8 : i32
        %lt3A_929 = arith.cmpi slt, %scan3A_228, %lt3A_928 : i32
        %jit3A_930 = arith.constant 0 : i32
        %select_n3A_931 = arith.select %lt3A_929, %jit3A_930, %shift_left3A_918 : i32
        %add3A_932 = arith.addi %squeeze3A_927, %select_n3A_931 : i32
        %eq3A_933 = arith.constant 10 : i32
        %eq3A_934 = vector.broadcast %eq3A_933 : i32 to vector<16xi32>
        %eq3A_935 = arith.cmpi eq, %iota3A, %eq3A_934 : vector<16xi32>
        %sub3A_936 = arith.subi %squeeze3A_899, %reduce_sum3A_917 : i32
        %broadcast_in_dim3A_937 = vector.broadcast %sub3A_936 : i32 to vector<16xi32>
        %select_n3A_938 = arith.select %eq3A_935, %broadcast_in_dim3A_937, %select_n3A_881 : vector<16xi1>, vector<16xi32>
        %eq3A_939 = arith.constant 10 : i32
        %eq3A_940 = vector.broadcast %eq3A_939 : i32 to vector<16xi32>
        %eq3A_941 = arith.cmpi eq, %iota3A, %eq3A_940 : vector<16xi32>
        %broadcast_in_dim3A_942 = vector.broadcast %add3A_925 : i32 to vector<16xi32>
        %select_n3A_943 = arith.select %eq3A_941, %broadcast_in_dim3A_942, %select_n3A_886 : vector<16xi1>, vector<16xi32>
        %eq3A_944 = arith.constant 10 : i32
        %eq3A_945 = vector.broadcast %eq3A_944 : i32 to vector<16xi32>
        %eq3A_946 = arith.cmpi eq, %iota3A, %eq3A_945 : vector<16xi32>
        %broadcast_in_dim3A_947 = vector.broadcast %add3A_932 : i32 to vector<16xi32>
        %select_n3A_948 = arith.select %eq3A_946, %broadcast_in_dim3A_947, %select_n3A_891 : vector<16xi1>, vector<16xi32>
        %get3A_949 = arith.constant 176 : index
        %get3A_950 = tpu.vector_load %arg17[%get3A_949] {strides = array<i32>} : memref<512xi32, #tpu.memory_space<vmem>>, vector<16xi32>,
        %cumsum3A_951 = arith.constant true
        %cumsum3A_952 = vector.broadcast %cumsum3A_951 : i1 to vector<16xi1>
        %cumsum3A_953 = tpu.scan <sum>, %get3A_950 masked %cumsum3A_952 : vector<16xi32>, vector<16xi1> -> vector<16xi32>
        %sub3A_954 = arith.subi %cumsum3A_953, %get3A_950 : vector<16xi32>
        %slice3A_955 = vector.extract_strided_slice %get3A_315 {offsets = [11], sizes = [1], strides = [1]} : vector<16xi32> to vector<1xi32>
        %squeeze3A_956 = vector.extract %slice3A_955[0] : i32 from vector<1xi32>
        %le3A_957 = vector.broadcast %squeeze3A_956 : i32 to vector<16xi32>
        %le3A_958 = arith.cmpi sle, %sub3A_954, %le3A_957 : vector<16xi32>
        %convert_element_type3A_959 = arith.extui %le3A_958 : vector<16xi1> to vector<16xi32>
        %reduce_sum3A_960 = arith.constant true
        %reduce_sum3A_961 = vector.broadcast %reduce_sum3A_960 : i1 to vector<16xi1>
        %reduce_sum3A_962 = tpu.scan <sum>, %convert_element_type3A_959 masked %reduce_sum3A_961 : vector<16xi32>, vector<16xi1> -> vector<16xi32>
        %reduce_sum3A_963 = vector.extract %reduce_sum3A_962[15] : i32 from vector<16xi32>
        %sub3A_964 = arith.constant 1 : i32
        %sub3A_965 = arith.subi %reduce_sum3A_963, %sub3A_964 : i32
        %eq3A_966 = vector.broadcast %sub3A_965 : i32 to vector<16xi32>
        %eq3A_967 = arith.cmpi eq, %iota3A, %eq3A_966 : vector<16xi32>
        %jit3A_968 = arith.constant 0 : i32
        %broadcast_in_dim3A_969 = vector.broadcast %jit3A_968 : i32 to vector<16xi32>
        %select_n3A_970 = arith.select %eq3A_967, %sub3A_954, %broadcast_in_dim3A_969 : vector<16xi1>, vector<16xi32>
        %reduce_sum3A_971 = arith.constant true
        %reduce_sum3A_972 = vector.broadcast %reduce_sum3A_971 : i1 to vector<16xi1>
        %reduce_sum3A_973 = tpu.scan <sum>, %select_n3A_970 masked %reduce_sum3A_972 : vector<16xi32>, vector<16xi1> -> vector<16xi32>
        %reduce_sum3A_974 = vector.extract %reduce_sum3A_973[15] : i32 from vector<16xi32>
        %shift_left3A_975 = arith.shli %sub3A_965, %select_n3A_246 : i32
        %slice3A_976 = vector.extract_strided_slice %get3A_319 {offsets = [11], sizes = [1], strides = [1]} : vector<16xi32> to vector<1xi32>
        %squeeze3A_977 = vector.extract %slice3A_976[0] : i32 from vector<1xi32>
        %lt3A_978 = arith.constant 8 : i32
        %lt3A_979 = arith.cmpi slt, %scan3A_228, %lt3A_978 : i32
        %jit3A_980 = arith.constant 0 : i32
        %select_n3A_981 = arith.select %lt3A_979, %shift_left3A_975, %jit3A_980 : i32
        %add3A_982 = arith.addi %squeeze3A_977, %select_n3A_981 : i32
        %slice3A_983 = vector.extract_strided_slice %get3A_323 {offsets = [11], sizes = [1], strides = [1]} : vector<16xi32> to vector<1xi32>
        %squeeze3A_984 = vector.extract %slice3A_983[0] : i32 from vector<1xi32>
        %lt3A_985 = arith.constant 8 : i32
        %lt3A_986 = arith.cmpi slt, %scan3A_228, %lt3A_985 : i32
        %jit3A_987 = arith.constant 0 : i32
        %select_n3A_988 = arith.select %lt3A_986, %jit3A_987, %shift_left3A_975 : i32
        %add3A_989 = arith.addi %squeeze3A_984, %select_n3A_988 : i32
        %eq3A_990 = arith.constant 11 : i32
        %eq3A_991 = vector.broadcast %eq3A_990 : i32 to vector<16xi32>
        %eq3A_992 = arith.cmpi eq, %iota3A, %eq3A_991 : vector<16xi32>
        %sub3A_993 = arith.subi %squeeze3A_956, %reduce_sum3A_974 : i32
        %broadcast_in_dim3A_994 = vector.broadcast %sub3A_993 : i32 to vector<16xi32>
        %select_n3A_995 = arith.select %eq3A_992, %broadcast_in_dim3A_994, %select_n3A_938 : vector<16xi1>, vector<16xi32>
        %eq3A_996 = arith.constant 11 : i32
        %eq3A_997 = vector.broadcast %eq3A_996 : i32 to vector<16xi32>
        %eq3A_998 = arith.cmpi eq, %iota3A, %eq3A_997 : vector<16xi32>
        %broadcast_in_dim3A_999 = vector.broadcast %add3A_982 : i32 to vector<16xi32>
        %select_n3A_1000 = arith.select %eq3A_998, %broadcast_in_dim3A_999, %select_n3A_943 : vector<16xi1>, vector<16xi32>
        %eq3A_1001 = arith.constant 11 : i32
        %eq3A_1002 = vector.broadcast %eq3A_1001 : i32 to vector<16xi32>
        %eq3A_1003 = arith.cmpi eq, %iota3A, %eq3A_1002 : vector<16xi32>
        %broadcast_in_dim3A_1004 = vector.broadcast %add3A_989 : i32 to vector<16xi32>
        %select_n3A_1005 = arith.select %eq3A_1003, %broadcast_in_dim3A_1004, %select_n3A_948 : vector<16xi1>, vector<16xi32>
        %get3A_1006 = arith.constant 192 : index
        %get3A_1007 = tpu.vector_load %arg17[%get3A_1006] {strides = array<i32>} : memref<512xi32, #tpu.memory_space<vmem>>, vector<16xi32>,
        %cumsum3A_1008 = arith.constant true
        %cumsum3A_1009 = vector.broadcast %cumsum3A_1008 : i1 to vector<16xi1>
        %cumsum3A_1010 = tpu.scan <sum>, %get3A_1007 masked %cumsum3A_1009 : vector<16xi32>, vector<16xi1> -> vector<16xi32>
        %sub3A_1011 = arith.subi %cumsum3A_1010, %get3A_1007 : vector<16xi32>
        %slice3A_1012 = vector.extract_strided_slice %get3A_315 {offsets = [12], sizes = [1], strides = [1]} : vector<16xi32> to vector<1xi32>
        %squeeze3A_1013 = vector.extract %slice3A_1012[0] : i32 from vector<1xi32>
        %le3A_1014 = vector.broadcast %squeeze3A_1013 : i32 to vector<16xi32>
        %le3A_1015 = arith.cmpi sle, %sub3A_1011, %le3A_1014 : vector<16xi32>
        %convert_element_type3A_1016 = arith.extui %le3A_1015 : vector<16xi1> to vector<16xi32>
        %reduce_sum3A_1017 = arith.constant true
        %reduce_sum3A_1018 = vector.broadcast %reduce_sum3A_1017 : i1 to vector<16xi1>
        %reduce_sum3A_1019 = tpu.scan <sum>, %convert_element_type3A_1016 masked %reduce_sum3A_1018 : vector<16xi32>, vector<16xi1> -> vector<16xi32>
        %reduce_sum3A_1020 = vector.extract %reduce_sum3A_1019[15] : i32 from vector<16xi32>
        %sub3A_1021 = arith.constant 1 : i32
        %sub3A_1022 = arith.subi %reduce_sum3A_1020, %sub3A_1021 : i32
        %eq3A_1023 = vector.broadcast %sub3A_1022 : i32 to vector<16xi32>
        %eq3A_1024 = arith.cmpi eq, %iota3A, %eq3A_1023 : vector<16xi32>
        %jit3A_1025 = arith.constant 0 : i32
        %broadcast_in_dim3A_1026 = vector.broadcast %jit3A_1025 : i32 to vector<16xi32>
        %select_n3A_1027 = arith.select %eq3A_1024, %sub3A_1011, %broadcast_in_dim3A_1026 : vector<16xi1>, vector<16xi32>
        %reduce_sum3A_1028 = arith.constant true
        %reduce_sum3A_1029 = vector.broadcast %reduce_sum3A_1028 : i1 to vector<16xi1>
        %reduce_sum3A_1030 = tpu.scan <sum>, %select_n3A_1027 masked %reduce_sum3A_1029 : vector<16xi32>, vector<16xi1> -> vector<16xi32>
        %reduce_sum3A_1031 = vector.extract %reduce_sum3A_1030[15] : i32 from vector<16xi32>
        %shift_left3A_1032 = arith.shli %sub3A_1022, %select_n3A_246 : i32
        %slice3A_1033 = vector.extract_strided_slice %get3A_319 {offsets = [12], sizes = [1], strides = [1]} : vector<16xi32> to vector<1xi32>
        %squeeze3A_1034 = vector.extract %slice3A_1033[0] : i32 from vector<1xi32>
        %lt3A_1035 = arith.constant 8 : i32
        %lt3A_1036 = arith.cmpi slt, %scan3A_228, %lt3A_1035 : i32
        %jit3A_1037 = arith.constant 0 : i32
        %select_n3A_1038 = arith.select %lt3A_1036, %shift_left3A_1032, %jit3A_1037 : i32
        %add3A_1039 = arith.addi %squeeze3A_1034, %select_n3A_1038 : i32
        %slice3A_1040 = vector.extract_strided_slice %get3A_323 {offsets = [12], sizes = [1], strides = [1]} : vector<16xi32> to vector<1xi32>
        %squeeze3A_1041 = vector.extract %slice3A_1040[0] : i32 from vector<1xi32>
        %lt3A_1042 = arith.constant 8 : i32
        %lt3A_1043 = arith.cmpi slt, %scan3A_228, %lt3A_1042 : i32
        %jit3A_1044 = arith.constant 0 : i32
        %select_n3A_1045 = arith.select %lt3A_1043, %jit3A_1044, %shift_left3A_1032 : i32
        %add3A_1046 = arith.addi %squeeze3A_1041, %select_n3A_1045 : i32
        %eq3A_1047 = arith.constant 12 : i32
        %eq3A_1048 = vector.broadcast %eq3A_1047 : i32 to vector<16xi32>
        %eq3A_1049 = arith.cmpi eq, %iota3A, %eq3A_1048 : vector<16xi32>
        %sub3A_1050 = arith.subi %squeeze3A_1013, %reduce_sum3A_1031 : i32
        %broadcast_in_dim3A_1051 = vector.broadcast %sub3A_1050 : i32 to vector<16xi32>
        %select_n3A_1052 = arith.select %eq3A_1049, %broadcast_in_dim3A_1051, %select_n3A_995 : vector<16xi1>, vector<16xi32>
        %eq3A_1053 = arith.constant 12 : i32
        %eq3A_1054 = vector.broadcast %eq3A_1053 : i32 to vector<16xi32>
        %eq3A_1055 = arith.cmpi eq, %iota3A, %eq3A_1054 : vector<16xi32>
        %broadcast_in_dim3A_1056 = vector.broadcast %add3A_1039 : i32 to vector<16xi32>
        %select_n3A_1057 = arith.select %eq3A_1055, %broadcast_in_dim3A_1056, %select_n3A_1000 : vector<16xi1>, vector<16xi32>
        %eq3A_1058 = arith.constant 12 : i32
        %eq3A_1059 = vector.broadcast %eq3A_1058 : i32 to vector<16xi32>
        %eq3A_1060 = arith.cmpi eq, %iota3A, %eq3A_1059 : vector<16xi32>
        %broadcast_in_dim3A_1061 = vector.broadcast %add3A_1046 : i32 to vector<16xi32>
        %select_n3A_1062 = arith.select %eq3A_1060, %broadcast_in_dim3A_1061, %select_n3A_1005 : vector<16xi1>, vector<16xi32>
        %get3A_1063 = arith.constant 208 : index
        %get3A_1064 = tpu.vector_load %arg17[%get3A_1063] {strides = array<i32>} : memref<512xi32, #tpu.memory_space<vmem>>, vector<16xi32>,
        %cumsum3A_1065 = arith.constant true
        %cumsum3A_1066 = vector.broadcast %cumsum3A_1065 : i1 to vector<16xi1>
        %cumsum3A_1067 = tpu.scan <sum>, %get3A_1064 masked %cumsum3A_1066 : vector<16xi32>, vector<16xi1> -> vector<16xi32>
        %sub3A_1068 = arith.subi %cumsum3A_1067, %get3A_1064 : vector<16xi32>
        %slice3A_1069 = vector.extract_strided_slice %get3A_315 {offsets = [13], sizes = [1], strides = [1]} : vector<16xi32> to vector<1xi32>
        %squeeze3A_1070 = vector.extract %slice3A_1069[0] : i32 from vector<1xi32>
        %le3A_1071 = vector.broadcast %squeeze3A_1070 : i32 to vector<16xi32>
        %le3A_1072 = arith.cmpi sle, %sub3A_1068, %le3A_1071 : vector<16xi32>
        %convert_element_type3A_1073 = arith.extui %le3A_1072 : vector<16xi1> to vector<16xi32>
        %reduce_sum3A_1074 = arith.constant true
        %reduce_sum3A_1075 = vector.broadcast %reduce_sum3A_1074 : i1 to vector<16xi1>
        %reduce_sum3A_1076 = tpu.scan <sum>, %convert_element_type3A_1073 masked %reduce_sum3A_1075 : vector<16xi32>, vector<16xi1> -> vector<16xi32>
        %reduce_sum3A_1077 = vector.extract %reduce_sum3A_1076[15] : i32 from vector<16xi32>
        %sub3A_1078 = arith.constant 1 : i32
        %sub3A_1079 = arith.subi %reduce_sum3A_1077, %sub3A_1078 : i32
        %eq3A_1080 = vector.broadcast %sub3A_1079 : i32 to vector<16xi32>
        %eq3A_1081 = arith.cmpi eq, %iota3A, %eq3A_1080 : vector<16xi32>
        %jit3A_1082 = arith.constant 0 : i32
        %broadcast_in_dim3A_1083 = vector.broadcast %jit3A_1082 : i32 to vector<16xi32>
        %select_n3A_1084 = arith.select %eq3A_1081, %sub3A_1068, %broadcast_in_dim3A_1083 : vector<16xi1>, vector<16xi32>
        %reduce_sum3A_1085 = arith.constant true
        %reduce_sum3A_1086 = vector.broadcast %reduce_sum3A_1085 : i1 to vector<16xi1>
        %reduce_sum3A_1087 = tpu.scan <sum>, %select_n3A_1084 masked %reduce_sum3A_1086 : vector<16xi32>, vector<16xi1> -> vector<16xi32>
        %reduce_sum3A_1088 = vector.extract %reduce_sum3A_1087[15] : i32 from vector<16xi32>
        %shift_left3A_1089 = arith.shli %sub3A_1079, %select_n3A_246 : i32
        %slice3A_1090 = vector.extract_strided_slice %get3A_319 {offsets = [13], sizes = [1], strides = [1]} : vector<16xi32> to vector<1xi32>
        %squeeze3A_1091 = vector.extract %slice3A_1090[0] : i32 from vector<1xi32>
        %lt3A_1092 = arith.constant 8 : i32
        %lt3A_1093 = arith.cmpi slt, %scan3A_228, %lt3A_1092 : i32
        %jit3A_1094 = arith.constant 0 : i32
        %select_n3A_1095 = arith.select %lt3A_1093, %shift_left3A_1089, %jit3A_1094 : i32
        %add3A_1096 = arith.addi %squeeze3A_1091, %select_n3A_1095 : i32
        %slice3A_1097 = vector.extract_strided_slice %get3A_323 {offsets = [13], sizes = [1], strides = [1]} : vector<16xi32> to vector<1xi32>
        %squeeze3A_1098 = vector.extract %slice3A_1097[0] : i32 from vector<1xi32>
        %lt3A_1099 = arith.constant 8 : i32
        %lt3A_1100 = arith.cmpi slt, %scan3A_228, %lt3A_1099 : i32
        %jit3A_1101 = arith.constant 0 : i32
        %select_n3A_1102 = arith.select %lt3A_1100, %jit3A_1101, %shift_left3A_1089 : i32
        %add3A_1103 = arith.addi %squeeze3A_1098, %select_n3A_1102 : i32
        %eq3A_1104 = arith.constant 13 : i32
        %eq3A_1105 = vector.broadcast %eq3A_1104 : i32 to vector<16xi32>
        %eq3A_1106 = arith.cmpi eq, %iota3A, %eq3A_1105 : vector<16xi32>
        %sub3A_1107 = arith.subi %squeeze3A_1070, %reduce_sum3A_1088 : i32
        %broadcast_in_dim3A_1108 = vector.broadcast %sub3A_1107 : i32 to vector<16xi32>
        %select_n3A_1109 = arith.select %eq3A_1106, %broadcast_in_dim3A_1108, %select_n3A_1052 : vector<16xi1>, vector<16xi32>
        %eq3A_1110 = arith.constant 13 : i32
        %eq3A_1111 = vector.broadcast %eq3A_1110 : i32 to vector<16xi32>
        %eq3A_1112 = arith.cmpi eq, %iota3A, %eq3A_1111 : vector<16xi32>
        %broadcast_in_dim3A_1113 = vector.broadcast %add3A_1096 : i32 to vector<16xi32>
        %select_n3A_1114 = arith.select %eq3A_1112, %broadcast_in_dim3A_1113, %select_n3A_1057 : vector<16xi1>, vector<16xi32>
        %eq3A_1115 = arith.constant 13 : i32
        %eq3A_1116 = vector.broadcast %eq3A_1115 : i32 to vector<16xi32>
        %eq3A_1117 = arith.cmpi eq, %iota3A, %eq3A_1116 : vector<16xi32>
        %broadcast_in_dim3A_1118 = vector.broadcast %add3A_1103 : i32 to vector<16xi32>
        %select_n3A_1119 = arith.select %eq3A_1117, %broadcast_in_dim3A_1118, %select_n3A_1062 : vector<16xi1>, vector<16xi32>
        %get3A_1120 = arith.constant 224 : index
        %get3A_1121 = tpu.vector_load %arg17[%get3A_1120] {strides = array<i32>} : memref<512xi32, #tpu.memory_space<vmem>>, vector<16xi32>,
        %cumsum3A_1122 = arith.constant true
        %cumsum3A_1123 = vector.broadcast %cumsum3A_1122 : i1 to vector<16xi1>
        %cumsum3A_1124 = tpu.scan <sum>, %get3A_1121 masked %cumsum3A_1123 : vector<16xi32>, vector<16xi1> -> vector<16xi32>
        %sub3A_1125 = arith.subi %cumsum3A_1124, %get3A_1121 : vector<16xi32>
        %slice3A_1126 = vector.extract_strided_slice %get3A_315 {offsets = [14], sizes = [1], strides = [1]} : vector<16xi32> to vector<1xi32>
        %squeeze3A_1127 = vector.extract %slice3A_1126[0] : i32 from vector<1xi32>
        %le3A_1128 = vector.broadcast %squeeze3A_1127 : i32 to vector<16xi32>
        %le3A_1129 = arith.cmpi sle, %sub3A_1125, %le3A_1128 : vector<16xi32>
        %convert_element_type3A_1130 = arith.extui %le3A_1129 : vector<16xi1> to vector<16xi32>
        %reduce_sum3A_1131 = arith.constant true
        %reduce_sum3A_1132 = vector.broadcast %reduce_sum3A_1131 : i1 to vector<16xi1>
        %reduce_sum3A_1133 = tpu.scan <sum>, %convert_element_type3A_1130 masked %reduce_sum3A_1132 : vector<16xi32>, vector<16xi1> -> vector<16xi32>
        %reduce_sum3A_1134 = vector.extract %reduce_sum3A_1133[15] : i32 from vector<16xi32>
        %sub3A_1135 = arith.constant 1 : i32
        %sub3A_1136 = arith.subi %reduce_sum3A_1134, %sub3A_1135 : i32
        %eq3A_1137 = vector.broadcast %sub3A_1136 : i32 to vector<16xi32>
        %eq3A_1138 = arith.cmpi eq, %iota3A, %eq3A_1137 : vector<16xi32>
        %jit3A_1139 = arith.constant 0 : i32
        %broadcast_in_dim3A_1140 = vector.broadcast %jit3A_1139 : i32 to vector<16xi32>
        %select_n3A_1141 = arith.select %eq3A_1138, %sub3A_1125, %broadcast_in_dim3A_1140 : vector<16xi1>, vector<16xi32>
        %reduce_sum3A_1142 = arith.constant true
        %reduce_sum3A_1143 = vector.broadcast %reduce_sum3A_1142 : i1 to vector<16xi1>
        %reduce_sum3A_1144 = tpu.scan <sum>, %select_n3A_1141 masked %reduce_sum3A_1143 : vector<16xi32>, vector<16xi1> -> vector<16xi32>
        %reduce_sum3A_1145 = vector.extract %reduce_sum3A_1144[15] : i32 from vector<16xi32>
        %shift_left3A_1146 = arith.shli %sub3A_1136, %select_n3A_246 : i32
        %slice3A_1147 = vector.extract_strided_slice %get3A_319 {offsets = [14], sizes = [1], strides = [1]} : vector<16xi32> to vector<1xi32>
        %squeeze3A_1148 = vector.extract %slice3A_1147[0] : i32 from vector<1xi32>
        %lt3A_1149 = arith.constant 8 : i32
        %lt3A_1150 = arith.cmpi slt, %scan3A_228, %lt3A_1149 : i32
        %jit3A_1151 = arith.constant 0 : i32
        %select_n3A_1152 = arith.select %lt3A_1150, %shift_left3A_1146, %jit3A_1151 : i32
        %add3A_1153 = arith.addi %squeeze3A_1148, %select_n3A_1152 : i32
        %slice3A_1154 = vector.extract_strided_slice %get3A_323 {offsets = [14], sizes = [1], strides = [1]} : vector<16xi32> to vector<1xi32>
        %squeeze3A_1155 = vector.extract %slice3A_1154[0] : i32 from vector<1xi32>
        %lt3A_1156 = arith.constant 8 : i32
        %lt3A_1157 = arith.cmpi slt, %scan3A_228, %lt3A_1156 : i32
        %jit3A_1158 = arith.constant 0 : i32
        %select_n3A_1159 = arith.select %lt3A_1157, %jit3A_1158, %shift_left3A_1146 : i32
        %add3A_1160 = arith.addi %squeeze3A_1155, %select_n3A_1159 : i32
        %eq3A_1161 = arith.constant 14 : i32
        %eq3A_1162 = vector.broadcast %eq3A_1161 : i32 to vector<16xi32>
        %eq3A_1163 = arith.cmpi eq, %iota3A, %eq3A_1162 : vector<16xi32>
        %sub3A_1164 = arith.subi %squeeze3A_1127, %reduce_sum3A_1145 : i32
        %broadcast_in_dim3A_1165 = vector.broadcast %sub3A_1164 : i32 to vector<16xi32>
        %select_n3A_1166 = arith.select %eq3A_1163, %broadcast_in_dim3A_1165, %select_n3A_1109 : vector<16xi1>, vector<16xi32>
        %eq3A_1167 = arith.constant 14 : i32
        %eq3A_1168 = vector.broadcast %eq3A_1167 : i32 to vector<16xi32>
        %eq3A_1169 = arith.cmpi eq, %iota3A, %eq3A_1168 : vector<16xi32>
        %broadcast_in_dim3A_1170 = vector.broadcast %add3A_1153 : i32 to vector<16xi32>
        %select_n3A_1171 = arith.select %eq3A_1169, %broadcast_in_dim3A_1170, %select_n3A_1114 : vector<16xi1>, vector<16xi32>
        %eq3A_1172 = arith.constant 14 : i32
        %eq3A_1173 = vector.broadcast %eq3A_1172 : i32 to vector<16xi32>
        %eq3A_1174 = arith.cmpi eq, %iota3A, %eq3A_1173 : vector<16xi32>
        %broadcast_in_dim3A_1175 = vector.broadcast %add3A_1160 : i32 to vector<16xi32>
        %select_n3A_1176 = arith.select %eq3A_1174, %broadcast_in_dim3A_1175, %select_n3A_1119 : vector<16xi1>, vector<16xi32>
        %get3A_1177 = arith.constant 240 : index
        %get3A_1178 = tpu.vector_load %arg17[%get3A_1177] {strides = array<i32>} : memref<512xi32, #tpu.memory_space<vmem>>, vector<16xi32>,
        %cumsum3A_1179 = arith.constant true
        %cumsum3A_1180 = vector.broadcast %cumsum3A_1179 : i1 to vector<16xi1>
        %cumsum3A_1181 = tpu.scan <sum>, %get3A_1178 masked %cumsum3A_1180 : vector<16xi32>, vector<16xi1> -> vector<16xi32>
        %sub3A_1182 = arith.subi %cumsum3A_1181, %get3A_1178 : vector<16xi32>
        %slice3A_1183 = vector.extract_strided_slice %get3A_315 {offsets = [15], sizes = [1], strides = [1]} : vector<16xi32> to vector<1xi32>
        %squeeze3A_1184 = vector.extract %slice3A_1183[0] : i32 from vector<1xi32>
        %le3A_1185 = vector.broadcast %squeeze3A_1184 : i32 to vector<16xi32>
        %le3A_1186 = arith.cmpi sle, %sub3A_1182, %le3A_1185 : vector<16xi32>
        %convert_element_type3A_1187 = arith.extui %le3A_1186 : vector<16xi1> to vector<16xi32>
        %reduce_sum3A_1188 = arith.constant true
        %reduce_sum3A_1189 = vector.broadcast %reduce_sum3A_1188 : i1 to vector<16xi1>
        %reduce_sum3A_1190 = tpu.scan <sum>, %convert_element_type3A_1187 masked %reduce_sum3A_1189 : vector<16xi32>, vector<16xi1> -> vector<16xi32>
        %reduce_sum3A_1191 = vector.extract %reduce_sum3A_1190[15] : i32 from vector<16xi32>
        %sub3A_1192 = arith.constant 1 : i32
        %sub3A_1193 = arith.subi %reduce_sum3A_1191, %sub3A_1192 : i32
        %eq3A_1194 = vector.broadcast %sub3A_1193 : i32 to vector<16xi32>
        %eq3A_1195 = arith.cmpi eq, %iota3A, %eq3A_1194 : vector<16xi32>
        %jit3A_1196 = arith.constant 0 : i32
        %broadcast_in_dim3A_1197 = vector.broadcast %jit3A_1196 : i32 to vector<16xi32>
        %select_n3A_1198 = arith.select %eq3A_1195, %sub3A_1182, %broadcast_in_dim3A_1197 : vector<16xi1>, vector<16xi32>
        %reduce_sum3A_1199 = arith.constant true
        %reduce_sum3A_1200 = vector.broadcast %reduce_sum3A_1199 : i1 to vector<16xi1>
        %reduce_sum3A_1201 = tpu.scan <sum>, %select_n3A_1198 masked %reduce_sum3A_1200 : vector<16xi32>, vector<16xi1> -> vector<16xi32>
        %reduce_sum3A_1202 = vector.extract %reduce_sum3A_1201[15] : i32 from vector<16xi32>
        %shift_left3A_1203 = arith.shli %sub3A_1193, %select_n3A_246 : i32
        %slice3A_1204 = vector.extract_strided_slice %get3A_319 {offsets = [15], sizes = [1], strides = [1]} : vector<16xi32> to vector<1xi32>
        %squeeze3A_1205 = vector.extract %slice3A_1204[0] : i32 from vector<1xi32>
        %lt3A_1206 = arith.constant 8 : i32
        %lt3A_1207 = arith.cmpi slt, %scan3A_228, %lt3A_1206 : i32
        %jit3A_1208 = arith.constant 0 : i32
        %select_n3A_1209 = arith.select %lt3A_1207, %shift_left3A_1203, %jit3A_1208 : i32
        %add3A_1210 = arith.addi %squeeze3A_1205, %select_n3A_1209 : i32
        %slice3A_1211 = vector.extract_strided_slice %get3A_323 {offsets = [15], sizes = [1], strides = [1]} : vector<16xi32> to vector<1xi32>
        %squeeze3A_1212 = vector.extract %slice3A_1211[0] : i32 from vector<1xi32>
        %lt3A_1213 = arith.constant 8 : i32
        %lt3A_1214 = arith.cmpi slt, %scan3A_228, %lt3A_1213 : i32
        %jit3A_1215 = arith.constant 0 : i32
        %select_n3A_1216 = arith.select %lt3A_1214, %jit3A_1215, %shift_left3A_1203 : i32
        %add3A_1217 = arith.addi %squeeze3A_1212, %select_n3A_1216 : i32
        %eq3A_1218 = arith.constant 15 : i32
        %eq3A_1219 = vector.broadcast %eq3A_1218 : i32 to vector<16xi32>
        %eq3A_1220 = arith.cmpi eq, %iota3A, %eq3A_1219 : vector<16xi32>
        %sub3A_1221 = arith.subi %squeeze3A_1184, %reduce_sum3A_1202 : i32
        %broadcast_in_dim3A_1222 = vector.broadcast %sub3A_1221 : i32 to vector<16xi32>
        %select_n3A_1223 = arith.select %eq3A_1220, %broadcast_in_dim3A_1222, %select_n3A_1166 : vector<16xi1>, vector<16xi32>
        %eq3A_1224 = arith.constant 15 : i32
        %eq3A_1225 = vector.broadcast %eq3A_1224 : i32 to vector<16xi32>
        %eq3A_1226 = arith.cmpi eq, %iota3A, %eq3A_1225 : vector<16xi32>
        %broadcast_in_dim3A_1227 = vector.broadcast %add3A_1210 : i32 to vector<16xi32>
        %select_n3A_1228 = arith.select %eq3A_1226, %broadcast_in_dim3A_1227, %select_n3A_1171 : vector<16xi1>, vector<16xi32>
        %eq3A_1229 = arith.constant 15 : i32
        %eq3A_1230 = vector.broadcast %eq3A_1229 : i32 to vector<16xi32>
        %eq3A_1231 = arith.cmpi eq, %iota3A, %eq3A_1230 : vector<16xi32>
        %broadcast_in_dim3A_1232 = vector.broadcast %add3A_1217 : i32 to vector<16xi32>
        %select_n3A_1233 = arith.select %eq3A_1231, %broadcast_in_dim3A_1232, %select_n3A_1176 : vector<16xi1>, vector<16xi32>
        %add3A_1234 = arith.constant 0 : i32
        %add3A_1235 = arith.addi %mul3A_170, %add3A_1234 : i32
        %swap3A_1236 = arith.index_cast %add3A_1235 : i32 to index
        %swap3A_1237 = tpu.vector_load %arg20[%swap3A_1236] {strides = array<i32>} : memref<512xi32, #tpu.memory_space<vmem>>, vector<16xi32>,
        tpu.vector_store %arg20[%swap3A_1236], %select_n3A_1223 {strides = array<i32>} : memref<512xi32, #tpu.memory_space<vmem>>, vector<16xi32>,
        %add3A_1238 = arith.constant 0 : i32
        %add3A_1239 = arith.addi %mul3A_170, %add3A_1238 : i32
        %swap3A_1240 = arith.index_cast %add3A_1239 : i32 to index
        %swap3A_1241 = tpu.vector_load %arg18[%swap3A_1240] {strides = array<i32>} : memref<512xi32, #tpu.memory_space<vmem>>, vector<16xi32>,
        tpu.vector_store %arg18[%swap3A_1240], %select_n3A_1228 {strides = array<i32>} : memref<512xi32, #tpu.memory_space<vmem>>, vector<16xi32>,
        %add3A_1242 = arith.constant 0 : i32
        %add3A_1243 = arith.addi %mul3A_170, %add3A_1242 : i32
        %swap3A_1244 = arith.index_cast %add3A_1243 : i32 to index
        %swap3A_1245 = tpu.vector_load %arg19[%swap3A_1244] {strides = array<i32>} : memref<512xi32, #tpu.memory_space<vmem>>, vector<16xi32>,
        tpu.vector_store %arg19[%swap3A_1244], %select_n3A_1233 {strides = array<i32>} : memref<512xi32, #tpu.memory_space<vmem>>, vector<16xi32>,
        %add3A_1246 = arith.constant 16 : i32
        %add3A_1247 = arith.addi %mul3A_170, %add3A_1246 : i32
        %get3A_1248 = arith.index_cast %add3A_1247 : i32 to index
        %get3A_1249 = tpu.vector_load %arg20[%get3A_1248] {strides = array<i32>} : memref<512xi32, #tpu.memory_space<vmem>>, vector<16xi32>,
        %add3A_1250 = arith.constant 16 : i32
        %add3A_1251 = arith.addi %mul3A_170, %add3A_1250 : i32
        %get3A_1252 = arith.index_cast %add3A_1251 : i32 to index
        %get3A_1253 = tpu.vector_load %arg18[%get3A_1252] {strides = array<i32>} : memref<512xi32, #tpu.memory_space<vmem>>, vector<16xi32>,
        %add3A_1254 = arith.constant 16 : i32
        %add3A_1255 = arith.addi %mul3A_170, %add3A_1254 : i32
        %get3A_1256 = arith.index_cast %add3A_1255 : i32 to index
        %get3A_1257 = tpu.vector_load %arg19[%get3A_1256] {strides = array<i32>} : memref<512xi32, #tpu.memory_space<vmem>>, vector<16xi32>,
        %get3A_1258 = arith.constant 256 : index
        %get3A_1259 = tpu.vector_load %arg17[%get3A_1258] {strides = array<i32>} : memref<512xi32, #tpu.memory_space<vmem>>, vector<16xi32>,
        %cumsum3A_1260 = arith.constant true
        %cumsum3A_1261 = vector.broadcast %cumsum3A_1260 : i1 to vector<16xi1>
        %cumsum3A_1262 = tpu.scan <sum>, %get3A_1259 masked %cumsum3A_1261 : vector<16xi32>, vector<16xi1> -> vector<16xi32>
        %sub3A_1263 = arith.subi %cumsum3A_1262, %get3A_1259 : vector<16xi32>
        %slice3A_1264 = vector.extract_strided_slice %get3A_1249 {offsets = [0], sizes = [1], strides = [1]} : vector<16xi32> to vector<1xi32>
        %squeeze3A_1265 = vector.extract %slice3A_1264[0] : i32 from vector<1xi32>
        %le3A_1266 = vector.broadcast %squeeze3A_1265 : i32 to vector<16xi32>
        %le3A_1267 = arith.cmpi sle, %sub3A_1263, %le3A_1266 : vector<16xi32>
        %convert_element_type3A_1268 = arith.extui %le3A_1267 : vector<16xi1> to vector<16xi32>
        %reduce_sum3A_1269 = arith.constant true
        %reduce_sum3A_1270 = vector.broadcast %reduce_sum3A_1269 : i1 to vector<16xi1>
        %reduce_sum3A_1271 = tpu.scan <sum>, %convert_element_type3A_1268 masked %reduce_sum3A_1270 : vector<16xi32>, vector<16xi1> -> vector<16xi32>
        %reduce_sum3A_1272 = vector.extract %reduce_sum3A_1271[15] : i32 from vector<16xi32>
        %sub3A_1273 = arith.constant 1 : i32
        %sub3A_1274 = arith.subi %reduce_sum3A_1272, %sub3A_1273 : i32
        %eq3A_1275 = vector.broadcast %sub3A_1274 : i32 to vector<16xi32>
        %eq3A_1276 = arith.cmpi eq, %iota3A, %eq3A_1275 : vector<16xi32>
        %jit3A_1277 = arith.constant 0 : i32
        %broadcast_in_dim3A_1278 = vector.broadcast %jit3A_1277 : i32 to vector<16xi32>
        %select_n3A_1279 = arith.select %eq3A_1276, %sub3A_1263, %broadcast_in_dim3A_1278 : vector<16xi1>, vector<16xi32>
        %reduce_sum3A_1280 = arith.constant true
        %reduce_sum3A_1281 = vector.broadcast %reduce_sum3A_1280 : i1 to vector<16xi1>
        %reduce_sum3A_1282 = tpu.scan <sum>, %select_n3A_1279 masked %reduce_sum3A_1281 : vector<16xi32>, vector<16xi1> -> vector<16xi32>
        %reduce_sum3A_1283 = vector.extract %reduce_sum3A_1282[15] : i32 from vector<16xi32>
        %shift_left3A_1284 = arith.shli %sub3A_1274, %select_n3A_246 : i32
        %slice3A_1285 = vector.extract_strided_slice %get3A_1253 {offsets = [0], sizes = [1], strides = [1]} : vector<16xi32> to vector<1xi32>
        %squeeze3A_1286 = vector.extract %slice3A_1285[0] : i32 from vector<1xi32>
        %lt3A_1287 = arith.constant 8 : i32
        %lt3A_1288 = arith.cmpi slt, %scan3A_228, %lt3A_1287 : i32
        %jit3A_1289 = arith.constant 0 : i32
        %select_n3A_1290 = arith.select %lt3A_1288, %shift_left3A_1284, %jit3A_1289 : i32
        %add3A_1291 = arith.addi %squeeze3A_1286, %select_n3A_1290 : i32
        %slice3A_1292 = vector.extract_strided_slice %get3A_1257 {offsets = [0], sizes = [1], strides = [1]} : vector<16xi32> to vector<1xi32>
        %squeeze3A_1293 = vector.extract %slice3A_1292[0] : i32 from vector<1xi32>
        %lt3A_1294 = arith.constant 8 : i32
        %lt3A_1295 = arith.cmpi slt, %scan3A_228, %lt3A_1294 : i32
        %jit3A_1296 = arith.constant 0 : i32
        %select_n3A_1297 = arith.select %lt3A_1295, %jit3A_1296, %shift_left3A_1284 : i32
        %add3A_1298 = arith.addi %squeeze3A_1293, %select_n3A_1297 : i32
        %eq3A_1299 = arith.constant 0 : i32
        %eq3A_1300 = vector.broadcast %eq3A_1299 : i32 to vector<16xi32>
        %eq3A_1301 = arith.cmpi eq, %iota3A, %eq3A_1300 : vector<16xi32>
        %sub3A_1302 = arith.subi %squeeze3A_1265, %reduce_sum3A_1283 : i32
        %broadcast_in_dim3A_1303 = vector.broadcast %sub3A_1302 : i32 to vector<16xi32>
        %select_n3A_1304 = arith.select %eq3A_1301, %broadcast_in_dim3A_1303, %broadcast_in_dim3A_1 : vector<16xi1>, vector<16xi32>
        %eq3A_1305 = arith.constant 0 : i32
        %eq3A_1306 = vector.broadcast %eq3A_1305 : i32 to vector<16xi32>
        %eq3A_1307 = arith.cmpi eq, %iota3A, %eq3A_1306 : vector<16xi32>
        %broadcast_in_dim3A_1308 = vector.broadcast %add3A_1291 : i32 to vector<16xi32>
        %select_n3A_1309 = arith.select %eq3A_1307, %broadcast_in_dim3A_1308, %broadcast_in_dim3A_1 : vector<16xi1>, vector<16xi32>
        %eq3A_1310 = arith.constant 0 : i32
        %eq3A_1311 = vector.broadcast %eq3A_1310 : i32 to vector<16xi32>
        %eq3A_1312 = arith.cmpi eq, %iota3A, %eq3A_1311 : vector<16xi32>
        %broadcast_in_dim3A_1313 = vector.broadcast %add3A_1298 : i32 to vector<16xi32>
        %select_n3A_1314 = arith.select %eq3A_1312, %broadcast_in_dim3A_1313, %broadcast_in_dim3A_1 : vector<16xi1>, vector<16xi32>
        %get3A_1315 = arith.constant 272 : index
        %get3A_1316 = tpu.vector_load %arg17[%get3A_1315] {strides = array<i32>} : memref<512xi32, #tpu.memory_space<vmem>>, vector<16xi32>,
        %cumsum3A_1317 = arith.constant true
        %cumsum3A_1318 = vector.broadcast %cumsum3A_1317 : i1 to vector<16xi1>
        %cumsum3A_1319 = tpu.scan <sum>, %get3A_1316 masked %cumsum3A_1318 : vector<16xi32>, vector<16xi1> -> vector<16xi32>
        %sub3A_1320 = arith.subi %cumsum3A_1319, %get3A_1316 : vector<16xi32>
        %slice3A_1321 = vector.extract_strided_slice %get3A_1249 {offsets = [1], sizes = [1], strides = [1]} : vector<16xi32> to vector<1xi32>
        %squeeze3A_1322 = vector.extract %slice3A_1321[0] : i32 from vector<1xi32>
        %le3A_1323 = vector.broadcast %squeeze3A_1322 : i32 to vector<16xi32>
        %le3A_1324 = arith.cmpi sle, %sub3A_1320, %le3A_1323 : vector<16xi32>
        %convert_element_type3A_1325 = arith.extui %le3A_1324 : vector<16xi1> to vector<16xi32>
        %reduce_sum3A_1326 = arith.constant true
        %reduce_sum3A_1327 = vector.broadcast %reduce_sum3A_1326 : i1 to vector<16xi1>
        %reduce_sum3A_1328 = tpu.scan <sum>, %convert_element_type3A_1325 masked %reduce_sum3A_1327 : vector<16xi32>, vector<16xi1> -> vector<16xi32>
        %reduce_sum3A_1329 = vector.extract %reduce_sum3A_1328[15] : i32 from vector<16xi32>
        %sub3A_1330 = arith.constant 1 : i32
        %sub3A_1331 = arith.subi %reduce_sum3A_1329, %sub3A_1330 : i32
        %eq3A_1332 = vector.broadcast %sub3A_1331 : i32 to vector<16xi32>
        %eq3A_1333 = arith.cmpi eq, %iota3A, %eq3A_1332 : vector<16xi32>
        %jit3A_1334 = arith.constant 0 : i32
        %broadcast_in_dim3A_1335 = vector.broadcast %jit3A_1334 : i32 to vector<16xi32>
        %select_n3A_1336 = arith.select %eq3A_1333, %sub3A_1320, %broadcast_in_dim3A_1335 : vector<16xi1>, vector<16xi32>
        %reduce_sum3A_1337 = arith.constant true
        %reduce_sum3A_1338 = vector.broadcast %reduce_sum3A_1337 : i1 to vector<16xi1>
        %reduce_sum3A_1339 = tpu.scan <sum>, %select_n3A_1336 masked %reduce_sum3A_1338 : vector<16xi32>, vector<16xi1> -> vector<16xi32>
        %reduce_sum3A_1340 = vector.extract %reduce_sum3A_1339[15] : i32 from vector<16xi32>
        %shift_left3A_1341 = arith.shli %sub3A_1331, %select_n3A_246 : i32
        %slice3A_1342 = vector.extract_strided_slice %get3A_1253 {offsets = [1], sizes = [1], strides = [1]} : vector<16xi32> to vector<1xi32>
        %squeeze3A_1343 = vector.extract %slice3A_1342[0] : i32 from vector<1xi32>
        %lt3A_1344 = arith.constant 8 : i32
        %lt3A_1345 = arith.cmpi slt, %scan3A_228, %lt3A_1344 : i32
        %jit3A_1346 = arith.constant 0 : i32
        %select_n3A_1347 = arith.select %lt3A_1345, %shift_left3A_1341, %jit3A_1346 : i32
        %add3A_1348 = arith.addi %squeeze3A_1343, %select_n3A_1347 : i32
        %slice3A_1349 = vector.extract_strided_slice %get3A_1257 {offsets = [1], sizes = [1], strides = [1]} : vector<16xi32> to vector<1xi32>
        %squeeze3A_1350 = vector.extract %slice3A_1349[0] : i32 from vector<1xi32>
        %lt3A_1351 = arith.constant 8 : i32
        %lt3A_1352 = arith.cmpi slt, %scan3A_228, %lt3A_1351 : i32
        %jit3A_1353 = arith.constant 0 : i32
        %select_n3A_1354 = arith.select %lt3A_1352, %jit3A_1353, %shift_left3A_1341 : i32
        %add3A_1355 = arith.addi %squeeze3A_1350, %select_n3A_1354 : i32
        %eq3A_1356 = arith.constant 1 : i32
        %eq3A_1357 = vector.broadcast %eq3A_1356 : i32 to vector<16xi32>
        %eq3A_1358 = arith.cmpi eq, %iota3A, %eq3A_1357 : vector<16xi32>
        %sub3A_1359 = arith.subi %squeeze3A_1322, %reduce_sum3A_1340 : i32
        %broadcast_in_dim3A_1360 = vector.broadcast %sub3A_1359 : i32 to vector<16xi32>
        %select_n3A_1361 = arith.select %eq3A_1358, %broadcast_in_dim3A_1360, %select_n3A_1304 : vector<16xi1>, vector<16xi32>
        %eq3A_1362 = arith.constant 1 : i32
        %eq3A_1363 = vector.broadcast %eq3A_1362 : i32 to vector<16xi32>
        %eq3A_1364 = arith.cmpi eq, %iota3A, %eq3A_1363 : vector<16xi32>
        %broadcast_in_dim3A_1365 = vector.broadcast %add3A_1348 : i32 to vector<16xi32>
        %select_n3A_1366 = arith.select %eq3A_1364, %broadcast_in_dim3A_1365, %select_n3A_1309 : vector<16xi1>, vector<16xi32>
        %eq3A_1367 = arith.constant 1 : i32
        %eq3A_1368 = vector.broadcast %eq3A_1367 : i32 to vector<16xi32>
        %eq3A_1369 = arith.cmpi eq, %iota3A, %eq3A_1368 : vector<16xi32>
        %broadcast_in_dim3A_1370 = vector.broadcast %add3A_1355 : i32 to vector<16xi32>
        %select_n3A_1371 = arith.select %eq3A_1369, %broadcast_in_dim3A_1370, %select_n3A_1314 : vector<16xi1>, vector<16xi32>
        %get3A_1372 = arith.constant 288 : index
        %get3A_1373 = tpu.vector_load %arg17[%get3A_1372] {strides = array<i32>} : memref<512xi32, #tpu.memory_space<vmem>>, vector<16xi32>,
        %cumsum3A_1374 = arith.constant true
        %cumsum3A_1375 = vector.broadcast %cumsum3A_1374 : i1 to vector<16xi1>
        %cumsum3A_1376 = tpu.scan <sum>, %get3A_1373 masked %cumsum3A_1375 : vector<16xi32>, vector<16xi1> -> vector<16xi32>
        %sub3A_1377 = arith.subi %cumsum3A_1376, %get3A_1373 : vector<16xi32>
        %slice3A_1378 = vector.extract_strided_slice %get3A_1249 {offsets = [2], sizes = [1], strides = [1]} : vector<16xi32> to vector<1xi32>
        %squeeze3A_1379 = vector.extract %slice3A_1378[0] : i32 from vector<1xi32>
        %le3A_1380 = vector.broadcast %squeeze3A_1379 : i32 to vector<16xi32>
        %le3A_1381 = arith.cmpi sle, %sub3A_1377, %le3A_1380 : vector<16xi32>
        %convert_element_type3A_1382 = arith.extui %le3A_1381 : vector<16xi1> to vector<16xi32>
        %reduce_sum3A_1383 = arith.constant true
        %reduce_sum3A_1384 = vector.broadcast %reduce_sum3A_1383 : i1 to vector<16xi1>
        %reduce_sum3A_1385 = tpu.scan <sum>, %convert_element_type3A_1382 masked %reduce_sum3A_1384 : vector<16xi32>, vector<16xi1> -> vector<16xi32>
        %reduce_sum3A_1386 = vector.extract %reduce_sum3A_1385[15] : i32 from vector<16xi32>
        %sub3A_1387 = arith.constant 1 : i32
        %sub3A_1388 = arith.subi %reduce_sum3A_1386, %sub3A_1387 : i32
        %eq3A_1389 = vector.broadcast %sub3A_1388 : i32 to vector<16xi32>
        %eq3A_1390 = arith.cmpi eq, %iota3A, %eq3A_1389 : vector<16xi32>
        %jit3A_1391 = arith.constant 0 : i32
        %broadcast_in_dim3A_1392 = vector.broadcast %jit3A_1391 : i32 to vector<16xi32>
        %select_n3A_1393 = arith.select %eq3A_1390, %sub3A_1377, %broadcast_in_dim3A_1392 : vector<16xi1>, vector<16xi32>
        %reduce_sum3A_1394 = arith.constant true
        %reduce_sum3A_1395 = vector.broadcast %reduce_sum3A_1394 : i1 to vector<16xi1>
        %reduce_sum3A_1396 = tpu.scan <sum>, %select_n3A_1393 masked %reduce_sum3A_1395 : vector<16xi32>, vector<16xi1> -> vector<16xi32>
        %reduce_sum3A_1397 = vector.extract %reduce_sum3A_1396[15] : i32 from vector<16xi32>
        %shift_left3A_1398 = arith.shli %sub3A_1388, %select_n3A_246 : i32
        %slice3A_1399 = vector.extract_strided_slice %get3A_1253 {offsets = [2], sizes = [1], strides = [1]} : vector<16xi32> to vector<1xi32>
        %squeeze3A_1400 = vector.extract %slice3A_1399[0] : i32 from vector<1xi32>
        %lt3A_1401 = arith.constant 8 : i32
        %lt3A_1402 = arith.cmpi slt, %scan3A_228, %lt3A_1401 : i32
        %jit3A_1403 = arith.constant 0 : i32
        %select_n3A_1404 = arith.select %lt3A_1402, %shift_left3A_1398, %jit3A_1403 : i32
        %add3A_1405 = arith.addi %squeeze3A_1400, %select_n3A_1404 : i32
        %slice3A_1406 = vector.extract_strided_slice %get3A_1257 {offsets = [2], sizes = [1], strides = [1]} : vector<16xi32> to vector<1xi32>
        %squeeze3A_1407 = vector.extract %slice3A_1406[0] : i32 from vector<1xi32>
        %lt3A_1408 = arith.constant 8 : i32
        %lt3A_1409 = arith.cmpi slt, %scan3A_228, %lt3A_1408 : i32
        %jit3A_1410 = arith.constant 0 : i32
        %select_n3A_1411 = arith.select %lt3A_1409, %jit3A_1410, %shift_left3A_1398 : i32
        %add3A_1412 = arith.addi %squeeze3A_1407, %select_n3A_1411 : i32
        %eq3A_1413 = arith.constant 2 : i32
        %eq3A_1414 = vector.broadcast %eq3A_1413 : i32 to vector<16xi32>
        %eq3A_1415 = arith.cmpi eq, %iota3A, %eq3A_1414 : vector<16xi32>
        %sub3A_1416 = arith.subi %squeeze3A_1379, %reduce_sum3A_1397 : i32
        %broadcast_in_dim3A_1417 = vector.broadcast %sub3A_1416 : i32 to vector<16xi32>
        %select_n3A_1418 = arith.select %eq3A_1415, %broadcast_in_dim3A_1417, %select_n3A_1361 : vector<16xi1>, vector<16xi32>
        %eq3A_1419 = arith.constant 2 : i32
        %eq3A_1420 = vector.broadcast %eq3A_1419 : i32 to vector<16xi32>
        %eq3A_1421 = arith.cmpi eq, %iota3A, %eq3A_1420 : vector<16xi32>
        %broadcast_in_dim3A_1422 = vector.broadcast %add3A_1405 : i32 to vector<16xi32>
        %select_n3A_1423 = arith.select %eq3A_1421, %broadcast_in_dim3A_1422, %select_n3A_1366 : vector<16xi1>, vector<16xi32>
        %eq3A_1424 = arith.constant 2 : i32
        %eq3A_1425 = vector.broadcast %eq3A_1424 : i32 to vector<16xi32>
        %eq3A_1426 = arith.cmpi eq, %iota3A, %eq3A_1425 : vector<16xi32>
        %broadcast_in_dim3A_1427 = vector.broadcast %add3A_1412 : i32 to vector<16xi32>
        %select_n3A_1428 = arith.select %eq3A_1426, %broadcast_in_dim3A_1427, %select_n3A_1371 : vector<16xi1>, vector<16xi32>
        %get3A_1429 = arith.constant 304 : index
        %get3A_1430 = tpu.vector_load %arg17[%get3A_1429] {strides = array<i32>} : memref<512xi32, #tpu.memory_space<vmem>>, vector<16xi32>,
        %cumsum3A_1431 = arith.constant true
        %cumsum3A_1432 = vector.broadcast %cumsum3A_1431 : i1 to vector<16xi1>
        %cumsum3A_1433 = tpu.scan <sum>, %get3A_1430 masked %cumsum3A_1432 : vector<16xi32>, vector<16xi1> -> vector<16xi32>
        %sub3A_1434 = arith.subi %cumsum3A_1433, %get3A_1430 : vector<16xi32>
        %slice3A_1435 = vector.extract_strided_slice %get3A_1249 {offsets = [3], sizes = [1], strides = [1]} : vector<16xi32> to vector<1xi32>
        %squeeze3A_1436 = vector.extract %slice3A_1435[0] : i32 from vector<1xi32>
        %le3A_1437 = vector.broadcast %squeeze3A_1436 : i32 to vector<16xi32>
        %le3A_1438 = arith.cmpi sle, %sub3A_1434, %le3A_1437 : vector<16xi32>
        %convert_element_type3A_1439 = arith.extui %le3A_1438 : vector<16xi1> to vector<16xi32>
        %reduce_sum3A_1440 = arith.constant true
        %reduce_sum3A_1441 = vector.broadcast %reduce_sum3A_1440 : i1 to vector<16xi1>
        %reduce_sum3A_1442 = tpu.scan <sum>, %convert_element_type3A_1439 masked %reduce_sum3A_1441 : vector<16xi32>, vector<16xi1> -> vector<16xi32>
        %reduce_sum3A_1443 = vector.extract %reduce_sum3A_1442[15] : i32 from vector<16xi32>
        %sub3A_1444 = arith.constant 1 : i32
        %sub3A_1445 = arith.subi %reduce_sum3A_1443, %sub3A_1444 : i32
        %eq3A_1446 = vector.broadcast %sub3A_1445 : i32 to vector<16xi32>
        %eq3A_1447 = arith.cmpi eq, %iota3A, %eq3A_1446 : vector<16xi32>
        %jit3A_1448 = arith.constant 0 : i32
        %broadcast_in_dim3A_1449 = vector.broadcast %jit3A_1448 : i32 to vector<16xi32>
        %select_n3A_1450 = arith.select %eq3A_1447, %sub3A_1434, %broadcast_in_dim3A_1449 : vector<16xi1>, vector<16xi32>
        %reduce_sum3A_1451 = arith.constant true
        %reduce_sum3A_1452 = vector.broadcast %reduce_sum3A_1451 : i1 to vector<16xi1>
        %reduce_sum3A_1453 = tpu.scan <sum>, %select_n3A_1450 masked %reduce_sum3A_1452 : vector<16xi32>, vector<16xi1> -> vector<16xi32>
        %reduce_sum3A_1454 = vector.extract %reduce_sum3A_1453[15] : i32 from vector<16xi32>
        %shift_left3A_1455 = arith.shli %sub3A_1445, %select_n3A_246 : i32
        %slice3A_1456 = vector.extract_strided_slice %get3A_1253 {offsets = [3], sizes = [1], strides = [1]} : vector<16xi32> to vector<1xi32>
        %squeeze3A_1457 = vector.extract %slice3A_1456[0] : i32 from vector<1xi32>
        %lt3A_1458 = arith.constant 8 : i32
        %lt3A_1459 = arith.cmpi slt, %scan3A_228, %lt3A_1458 : i32
        %jit3A_1460 = arith.constant 0 : i32
        %select_n3A_1461 = arith.select %lt3A_1459, %shift_left3A_1455, %jit3A_1460 : i32
        %add3A_1462 = arith.addi %squeeze3A_1457, %select_n3A_1461 : i32
        %slice3A_1463 = vector.extract_strided_slice %get3A_1257 {offsets = [3], sizes = [1], strides = [1]} : vector<16xi32> to vector<1xi32>
        %squeeze3A_1464 = vector.extract %slice3A_1463[0] : i32 from vector<1xi32>
        %lt3A_1465 = arith.constant 8 : i32
        %lt3A_1466 = arith.cmpi slt, %scan3A_228, %lt3A_1465 : i32
        %jit3A_1467 = arith.constant 0 : i32
        %select_n3A_1468 = arith.select %lt3A_1466, %jit3A_1467, %shift_left3A_1455 : i32
        %add3A_1469 = arith.addi %squeeze3A_1464, %select_n3A_1468 : i32
        %eq3A_1470 = arith.constant 3 : i32
        %eq3A_1471 = vector.broadcast %eq3A_1470 : i32 to vector<16xi32>
        %eq3A_1472 = arith.cmpi eq, %iota3A, %eq3A_1471 : vector<16xi32>
        %sub3A_1473 = arith.subi %squeeze3A_1436, %reduce_sum3A_1454 : i32
        %broadcast_in_dim3A_1474 = vector.broadcast %sub3A_1473 : i32 to vector<16xi32>
        %select_n3A_1475 = arith.select %eq3A_1472, %broadcast_in_dim3A_1474, %select_n3A_1418 : vector<16xi1>, vector<16xi32>
        %eq3A_1476 = arith.constant 3 : i32
        %eq3A_1477 = vector.broadcast %eq3A_1476 : i32 to vector<16xi32>
        %eq3A_1478 = arith.cmpi eq, %iota3A, %eq3A_1477 : vector<16xi32>
        %broadcast_in_dim3A_1479 = vector.broadcast %add3A_1462 : i32 to vector<16xi32>
        %select_n3A_1480 = arith.select %eq3A_1478, %broadcast_in_dim3A_1479, %select_n3A_1423 : vector<16xi1>, vector<16xi32>
        %eq3A_1481 = arith.constant 3 : i32
        %eq3A_1482 = vector.broadcast %eq3A_1481 : i32 to vector<16xi32>
        %eq3A_1483 = arith.cmpi eq, %iota3A, %eq3A_1482 : vector<16xi32>
        %broadcast_in_dim3A_1484 = vector.broadcast %add3A_1469 : i32 to vector<16xi32>
        %select_n3A_1485 = arith.select %eq3A_1483, %broadcast_in_dim3A_1484, %select_n3A_1428 : vector<16xi1>, vector<16xi32>
        %get3A_1486 = arith.constant 320 : index
        %get3A_1487 = tpu.vector_load %arg17[%get3A_1486] {strides = array<i32>} : memref<512xi32, #tpu.memory_space<vmem>>, vector<16xi32>,
        %cumsum3A_1488 = arith.constant true
        %cumsum3A_1489 = vector.broadcast %cumsum3A_1488 : i1 to vector<16xi1>
        %cumsum3A_1490 = tpu.scan <sum>, %get3A_1487 masked %cumsum3A_1489 : vector<16xi32>, vector<16xi1> -> vector<16xi32>
        %sub3A_1491 = arith.subi %cumsum3A_1490, %get3A_1487 : vector<16xi32>
        %slice3A_1492 = vector.extract_strided_slice %get3A_1249 {offsets = [4], sizes = [1], strides = [1]} : vector<16xi32> to vector<1xi32>
        %squeeze3A_1493 = vector.extract %slice3A_1492[0] : i32 from vector<1xi32>
        %le3A_1494 = vector.broadcast %squeeze3A_1493 : i32 to vector<16xi32>
        %le3A_1495 = arith.cmpi sle, %sub3A_1491, %le3A_1494 : vector<16xi32>
        %convert_element_type3A_1496 = arith.extui %le3A_1495 : vector<16xi1> to vector<16xi32>
        %reduce_sum3A_1497 = arith.constant true
        %reduce_sum3A_1498 = vector.broadcast %reduce_sum3A_1497 : i1 to vector<16xi1>
        %reduce_sum3A_1499 = tpu.scan <sum>, %convert_element_type3A_1496 masked %reduce_sum3A_1498 : vector<16xi32>, vector<16xi1> -> vector<16xi32>
        %reduce_sum3A_1500 = vector.extract %reduce_sum3A_1499[15] : i32 from vector<16xi32>
        %sub3A_1501 = arith.constant 1 : i32
        %sub3A_1502 = arith.subi %reduce_sum3A_1500, %sub3A_1501 : i32
        %eq3A_1503 = vector.broadcast %sub3A_1502 : i32 to vector<16xi32>
        %eq3A_1504 = arith.cmpi eq, %iota3A, %eq3A_1503 : vector<16xi32>
        %jit3A_1505 = arith.constant 0 : i32
        %broadcast_in_dim3A_1506 = vector.broadcast %jit3A_1505 : i32 to vector<16xi32>
        %select_n3A_1507 = arith.select %eq3A_1504, %sub3A_1491, %broadcast_in_dim3A_1506 : vector<16xi1>, vector<16xi32>
        %reduce_sum3A_1508 = arith.constant true
        %reduce_sum3A_1509 = vector.broadcast %reduce_sum3A_1508 : i1 to vector<16xi1>
        %reduce_sum3A_1510 = tpu.scan <sum>, %select_n3A_1507 masked %reduce_sum3A_1509 : vector<16xi32>, vector<16xi1> -> vector<16xi32>
        %reduce_sum3A_1511 = vector.extract %reduce_sum3A_1510[15] : i32 from vector<16xi32>
        %shift_left3A_1512 = arith.shli %sub3A_1502, %select_n3A_246 : i32
        %slice3A_1513 = vector.extract_strided_slice %get3A_1253 {offsets = [4], sizes = [1], strides = [1]} : vector<16xi32> to vector<1xi32>
        %squeeze3A_1514 = vector.extract %slice3A_1513[0] : i32 from vector<1xi32>
        %lt3A_1515 = arith.constant 8 : i32
        %lt3A_1516 = arith.cmpi slt, %scan3A_228, %lt3A_1515 : i32
        %jit3A_1517 = arith.constant 0 : i32
        %select_n3A_1518 = arith.select %lt3A_1516, %shift_left3A_1512, %jit3A_1517 : i32
        %add3A_1519 = arith.addi %squeeze3A_1514, %select_n3A_1518 : i32
        %slice3A_1520 = vector.extract_strided_slice %get3A_1257 {offsets = [4], sizes = [1], strides = [1]} : vector<16xi32> to vector<1xi32>
        %squeeze3A_1521 = vector.extract %slice3A_1520[0] : i32 from vector<1xi32>
        %lt3A_1522 = arith.constant 8 : i32
        %lt3A_1523 = arith.cmpi slt, %scan3A_228, %lt3A_1522 : i32
        %jit3A_1524 = arith.constant 0 : i32
        %select_n3A_1525 = arith.select %lt3A_1523, %jit3A_1524, %shift_left3A_1512 : i32
        %add3A_1526 = arith.addi %squeeze3A_1521, %select_n3A_1525 : i32
        %eq3A_1527 = arith.constant 4 : i32
        %eq3A_1528 = vector.broadcast %eq3A_1527 : i32 to vector<16xi32>
        %eq3A_1529 = arith.cmpi eq, %iota3A, %eq3A_1528 : vector<16xi32>
        %sub3A_1530 = arith.subi %squeeze3A_1493, %reduce_sum3A_1511 : i32
        %broadcast_in_dim3A_1531 = vector.broadcast %sub3A_1530 : i32 to vector<16xi32>
        %select_n3A_1532 = arith.select %eq3A_1529, %broadcast_in_dim3A_1531, %select_n3A_1475 : vector<16xi1>, vector<16xi32>
        %eq3A_1533 = arith.constant 4 : i32
        %eq3A_1534 = vector.broadcast %eq3A_1533 : i32 to vector<16xi32>
        %eq3A_1535 = arith.cmpi eq, %iota3A, %eq3A_1534 : vector<16xi32>
        %broadcast_in_dim3A_1536 = vector.broadcast %add3A_1519 : i32 to vector<16xi32>
        %select_n3A_1537 = arith.select %eq3A_1535, %broadcast_in_dim3A_1536, %select_n3A_1480 : vector<16xi1>, vector<16xi32>
        %eq3A_1538 = arith.constant 4 : i32
        %eq3A_1539 = vector.broadcast %eq3A_1538 : i32 to vector<16xi32>
        %eq3A_1540 = arith.cmpi eq, %iota3A, %eq3A_1539 : vector<16xi32>
        %broadcast_in_dim3A_1541 = vector.broadcast %add3A_1526 : i32 to vector<16xi32>
        %select_n3A_1542 = arith.select %eq3A_1540, %broadcast_in_dim3A_1541, %select_n3A_1485 : vector<16xi1>, vector<16xi32>
        %get3A_1543 = arith.constant 336 : index
        %get3A_1544 = tpu.vector_load %arg17[%get3A_1543] {strides = array<i32>} : memref<512xi32, #tpu.memory_space<vmem>>, vector<16xi32>,
        %cumsum3A_1545 = arith.constant true
        %cumsum3A_1546 = vector.broadcast %cumsum3A_1545 : i1 to vector<16xi1>
        %cumsum3A_1547 = tpu.scan <sum>, %get3A_1544 masked %cumsum3A_1546 : vector<16xi32>, vector<16xi1> -> vector<16xi32>
        %sub3A_1548 = arith.subi %cumsum3A_1547, %get3A_1544 : vector<16xi32>
        %slice3A_1549 = vector.extract_strided_slice %get3A_1249 {offsets = [5], sizes = [1], strides = [1]} : vector<16xi32> to vector<1xi32>
        %squeeze3A_1550 = vector.extract %slice3A_1549[0] : i32 from vector<1xi32>
        %le3A_1551 = vector.broadcast %squeeze3A_1550 : i32 to vector<16xi32>
        %le3A_1552 = arith.cmpi sle, %sub3A_1548, %le3A_1551 : vector<16xi32>
        %convert_element_type3A_1553 = arith.extui %le3A_1552 : vector<16xi1> to vector<16xi32>
        %reduce_sum3A_1554 = arith.constant true
        %reduce_sum3A_1555 = vector.broadcast %reduce_sum3A_1554 : i1 to vector<16xi1>
        %reduce_sum3A_1556 = tpu.scan <sum>, %convert_element_type3A_1553 masked %reduce_sum3A_1555 : vector<16xi32>, vector<16xi1> -> vector<16xi32>
        %reduce_sum3A_1557 = vector.extract %reduce_sum3A_1556[15] : i32 from vector<16xi32>
        %sub3A_1558 = arith.constant 1 : i32
        %sub3A_1559 = arith.subi %reduce_sum3A_1557, %sub3A_1558 : i32
        %eq3A_1560 = vector.broadcast %sub3A_1559 : i32 to vector<16xi32>
        %eq3A_1561 = arith.cmpi eq, %iota3A, %eq3A_1560 : vector<16xi32>
        %jit3A_1562 = arith.constant 0 : i32
        %broadcast_in_dim3A_1563 = vector.broadcast %jit3A_1562 : i32 to vector<16xi32>
        %select_n3A_1564 = arith.select %eq3A_1561, %sub3A_1548, %broadcast_in_dim3A_1563 : vector<16xi1>, vector<16xi32>
        %reduce_sum3A_1565 = arith.constant true
        %reduce_sum3A_1566 = vector.broadcast %reduce_sum3A_1565 : i1 to vector<16xi1>
        %reduce_sum3A_1567 = tpu.scan <sum>, %select_n3A_1564 masked %reduce_sum3A_1566 : vector<16xi32>, vector<16xi1> -> vector<16xi32>
        %reduce_sum3A_1568 = vector.extract %reduce_sum3A_1567[15] : i32 from vector<16xi32>
        %shift_left3A_1569 = arith.shli %sub3A_1559, %select_n3A_246 : i32
        %slice3A_1570 = vector.extract_strided_slice %get3A_1253 {offsets = [5], sizes = [1], strides = [1]} : vector<16xi32> to vector<1xi32>
        %squeeze3A_1571 = vector.extract %slice3A_1570[0] : i32 from vector<1xi32>
        %lt3A_1572 = arith.constant 8 : i32
        %lt3A_1573 = arith.cmpi slt, %scan3A_228, %lt3A_1572 : i32
        %jit3A_1574 = arith.constant 0 : i32
        %select_n3A_1575 = arith.select %lt3A_1573, %shift_left3A_1569, %jit3A_1574 : i32
        %add3A_1576 = arith.addi %squeeze3A_1571, %select_n3A_1575 : i32
        %slice3A_1577 = vector.extract_strided_slice %get3A_1257 {offsets = [5], sizes = [1], strides = [1]} : vector<16xi32> to vector<1xi32>
        %squeeze3A_1578 = vector.extract %slice3A_1577[0] : i32 from vector<1xi32>
        %lt3A_1579 = arith.constant 8 : i32
        %lt3A_1580 = arith.cmpi slt, %scan3A_228, %lt3A_1579 : i32
        %jit3A_1581 = arith.constant 0 : i32
        %select_n3A_1582 = arith.select %lt3A_1580, %jit3A_1581, %shift_left3A_1569 : i32
        %add3A_1583 = arith.addi %squeeze3A_1578, %select_n3A_1582 : i32
        %eq3A_1584 = arith.constant 5 : i32
        %eq3A_1585 = vector.broadcast %eq3A_1584 : i32 to vector<16xi32>
        %eq3A_1586 = arith.cmpi eq, %iota3A, %eq3A_1585 : vector<16xi32>
        %sub3A_1587 = arith.subi %squeeze3A_1550, %reduce_sum3A_1568 : i32
        %broadcast_in_dim3A_1588 = vector.broadcast %sub3A_1587 : i32 to vector<16xi32>
        %select_n3A_1589 = arith.select %eq3A_1586, %broadcast_in_dim3A_1588, %select_n3A_1532 : vector<16xi1>, vector<16xi32>
        %eq3A_1590 = arith.constant 5 : i32
        %eq3A_1591 = vector.broadcast %eq3A_1590 : i32 to vector<16xi32>
        %eq3A_1592 = arith.cmpi eq, %iota3A, %eq3A_1591 : vector<16xi32>
        %broadcast_in_dim3A_1593 = vector.broadcast %add3A_1576 : i32 to vector<16xi32>
        %select_n3A_1594 = arith.select %eq3A_1592, %broadcast_in_dim3A_1593, %select_n3A_1537 : vector<16xi1>, vector<16xi32>
        %eq3A_1595 = arith.constant 5 : i32
        %eq3A_1596 = vector.broadcast %eq3A_1595 : i32 to vector<16xi32>
        %eq3A_1597 = arith.cmpi eq, %iota3A, %eq3A_1596 : vector<16xi32>
        %broadcast_in_dim3A_1598 = vector.broadcast %add3A_1583 : i32 to vector<16xi32>
        %select_n3A_1599 = arith.select %eq3A_1597, %broadcast_in_dim3A_1598, %select_n3A_1542 : vector<16xi1>, vector<16xi32>
        %get3A_1600 = arith.constant 352 : index
        %get3A_1601 = tpu.vector_load %arg17[%get3A_1600] {strides = array<i32>} : memref<512xi32, #tpu.memory_space<vmem>>, vector<16xi32>,
        %cumsum3A_1602 = arith.constant true
        %cumsum3A_1603 = vector.broadcast %cumsum3A_1602 : i1 to vector<16xi1>
        %cumsum3A_1604 = tpu.scan <sum>, %get3A_1601 masked %cumsum3A_1603 : vector<16xi32>, vector<16xi1> -> vector<16xi32>
        %sub3A_1605 = arith.subi %cumsum3A_1604, %get3A_1601 : vector<16xi32>
        %slice3A_1606 = vector.extract_strided_slice %get3A_1249 {offsets = [6], sizes = [1], strides = [1]} : vector<16xi32> to vector<1xi32>
        %squeeze3A_1607 = vector.extract %slice3A_1606[0] : i32 from vector<1xi32>
        %le3A_1608 = vector.broadcast %squeeze3A_1607 : i32 to vector<16xi32>
        %le3A_1609 = arith.cmpi sle, %sub3A_1605, %le3A_1608 : vector<16xi32>
        %convert_element_type3A_1610 = arith.extui %le3A_1609 : vector<16xi1> to vector<16xi32>
        %reduce_sum3A_1611 = arith.constant true
        %reduce_sum3A_1612 = vector.broadcast %reduce_sum3A_1611 : i1 to vector<16xi1>
        %reduce_sum3A_1613 = tpu.scan <sum>, %convert_element_type3A_1610 masked %reduce_sum3A_1612 : vector<16xi32>, vector<16xi1> -> vector<16xi32>
        %reduce_sum3A_1614 = vector.extract %reduce_sum3A_1613[15] : i32 from vector<16xi32>
        %sub3A_1615 = arith.constant 1 : i32
        %sub3A_1616 = arith.subi %reduce_sum3A_1614, %sub3A_1615 : i32
        %eq3A_1617 = vector.broadcast %sub3A_1616 : i32 to vector<16xi32>
        %eq3A_1618 = arith.cmpi eq, %iota3A, %eq3A_1617 : vector<16xi32>
        %jit3A_1619 = arith.constant 0 : i32
        %broadcast_in_dim3A_1620 = vector.broadcast %jit3A_1619 : i32 to vector<16xi32>
        %select_n3A_1621 = arith.select %eq3A_1618, %sub3A_1605, %broadcast_in_dim3A_1620 : vector<16xi1>, vector<16xi32>
        %reduce_sum3A_1622 = arith.constant true
        %reduce_sum3A_1623 = vector.broadcast %reduce_sum3A_1622 : i1 to vector<16xi1>
        %reduce_sum3A_1624 = tpu.scan <sum>, %select_n3A_1621 masked %reduce_sum3A_1623 : vector<16xi32>, vector<16xi1> -> vector<16xi32>
        %reduce_sum3A_1625 = vector.extract %reduce_sum3A_1624[15] : i32 from vector<16xi32>
        %shift_left3A_1626 = arith.shli %sub3A_1616, %select_n3A_246 : i32
        %slice3A_1627 = vector.extract_strided_slice %get3A_1253 {offsets = [6], sizes = [1], strides = [1]} : vector<16xi32> to vector<1xi32>
        %squeeze3A_1628 = vector.extract %slice3A_1627[0] : i32 from vector<1xi32>
        %lt3A_1629 = arith.constant 8 : i32
        %lt3A_1630 = arith.cmpi slt, %scan3A_228, %lt3A_1629 : i32
        %jit3A_1631 = arith.constant 0 : i32
        %select_n3A_1632 = arith.select %lt3A_1630, %shift_left3A_1626, %jit3A_1631 : i32
        %add3A_1633 = arith.addi %squeeze3A_1628, %select_n3A_1632 : i32
        %slice3A_1634 = vector.extract_strided_slice %get3A_1257 {offsets = [6], sizes = [1], strides = [1]} : vector<16xi32> to vector<1xi32>
        %squeeze3A_1635 = vector.extract %slice3A_1634[0] : i32 from vector<1xi32>
        %lt3A_1636 = arith.constant 8 : i32
        %lt3A_1637 = arith.cmpi slt, %scan3A_228, %lt3A_1636 : i32
        %jit3A_1638 = arith.constant 0 : i32
        %select_n3A_1639 = arith.select %lt3A_1637, %jit3A_1638, %shift_left3A_1626 : i32
        %add3A_1640 = arith.addi %squeeze3A_1635, %select_n3A_1639 : i32
        %eq3A_1641 = arith.constant 6 : i32
        %eq3A_1642 = vector.broadcast %eq3A_1641 : i32 to vector<16xi32>
        %eq3A_1643 = arith.cmpi eq, %iota3A, %eq3A_1642 : vector<16xi32>
        %sub3A_1644 = arith.subi %squeeze3A_1607, %reduce_sum3A_1625 : i32
        %broadcast_in_dim3A_1645 = vector.broadcast %sub3A_1644 : i32 to vector<16xi32>
        %select_n3A_1646 = arith.select %eq3A_1643, %broadcast_in_dim3A_1645, %select_n3A_1589 : vector<16xi1>, vector<16xi32>
        %eq3A_1647 = arith.constant 6 : i32
        %eq3A_1648 = vector.broadcast %eq3A_1647 : i32 to vector<16xi32>
        %eq3A_1649 = arith.cmpi eq, %iota3A, %eq3A_1648 : vector<16xi32>
        %broadcast_in_dim3A_1650 = vector.broadcast %add3A_1633 : i32 to vector<16xi32>
        %select_n3A_1651 = arith.select %eq3A_1649, %broadcast_in_dim3A_1650, %select_n3A_1594 : vector<16xi1>, vector<16xi32>
        %eq3A_1652 = arith.constant 6 : i32
        %eq3A_1653 = vector.broadcast %eq3A_1652 : i32 to vector<16xi32>
        %eq3A_1654 = arith.cmpi eq, %iota3A, %eq3A_1653 : vector<16xi32>
        %broadcast_in_dim3A_1655 = vector.broadcast %add3A_1640 : i32 to vector<16xi32>
        %select_n3A_1656 = arith.select %eq3A_1654, %broadcast_in_dim3A_1655, %select_n3A_1599 : vector<16xi1>, vector<16xi32>
        %get3A_1657 = arith.constant 368 : index
        %get3A_1658 = tpu.vector_load %arg17[%get3A_1657] {strides = array<i32>} : memref<512xi32, #tpu.memory_space<vmem>>, vector<16xi32>,
        %cumsum3A_1659 = arith.constant true
        %cumsum3A_1660 = vector.broadcast %cumsum3A_1659 : i1 to vector<16xi1>
        %cumsum3A_1661 = tpu.scan <sum>, %get3A_1658 masked %cumsum3A_1660 : vector<16xi32>, vector<16xi1> -> vector<16xi32>
        %sub3A_1662 = arith.subi %cumsum3A_1661, %get3A_1658 : vector<16xi32>
        %slice3A_1663 = vector.extract_strided_slice %get3A_1249 {offsets = [7], sizes = [1], strides = [1]} : vector<16xi32> to vector<1xi32>
        %squeeze3A_1664 = vector.extract %slice3A_1663[0] : i32 from vector<1xi32>
        %le3A_1665 = vector.broadcast %squeeze3A_1664 : i32 to vector<16xi32>
        %le3A_1666 = arith.cmpi sle, %sub3A_1662, %le3A_1665 : vector<16xi32>
        %convert_element_type3A_1667 = arith.extui %le3A_1666 : vector<16xi1> to vector<16xi32>
        %reduce_sum3A_1668 = arith.constant true
        %reduce_sum3A_1669 = vector.broadcast %reduce_sum3A_1668 : i1 to vector<16xi1>
        %reduce_sum3A_1670 = tpu.scan <sum>, %convert_element_type3A_1667 masked %reduce_sum3A_1669 : vector<16xi32>, vector<16xi1> -> vector<16xi32>
        %reduce_sum3A_1671 = vector.extract %reduce_sum3A_1670[15] : i32 from vector<16xi32>
        %sub3A_1672 = arith.constant 1 : i32
        %sub3A_1673 = arith.subi %reduce_sum3A_1671, %sub3A_1672 : i32
        %eq3A_1674 = vector.broadcast %sub3A_1673 : i32 to vector<16xi32>
        %eq3A_1675 = arith.cmpi eq, %iota3A, %eq3A_1674 : vector<16xi32>
        %jit3A_1676 = arith.constant 0 : i32
        %broadcast_in_dim3A_1677 = vector.broadcast %jit3A_1676 : i32 to vector<16xi32>
        %select_n3A_1678 = arith.select %eq3A_1675, %sub3A_1662, %broadcast_in_dim3A_1677 : vector<16xi1>, vector<16xi32>
        %reduce_sum3A_1679 = arith.constant true
        %reduce_sum3A_1680 = vector.broadcast %reduce_sum3A_1679 : i1 to vector<16xi1>
        %reduce_sum3A_1681 = tpu.scan <sum>, %select_n3A_1678 masked %reduce_sum3A_1680 : vector<16xi32>, vector<16xi1> -> vector<16xi32>
        %reduce_sum3A_1682 = vector.extract %reduce_sum3A_1681[15] : i32 from vector<16xi32>
        %shift_left3A_1683 = arith.shli %sub3A_1673, %select_n3A_246 : i32
        %slice3A_1684 = vector.extract_strided_slice %get3A_1253 {offsets = [7], sizes = [1], strides = [1]} : vector<16xi32> to vector<1xi32>
        %squeeze3A_1685 = vector.extract %slice3A_1684[0] : i32 from vector<1xi32>
        %lt3A_1686 = arith.constant 8 : i32
        %lt3A_1687 = arith.cmpi slt, %scan3A_228, %lt3A_1686 : i32
        %jit3A_1688 = arith.constant 0 : i32
        %select_n3A_1689 = arith.select %lt3A_1687, %shift_left3A_1683, %jit3A_1688 : i32
        %add3A_1690 = arith.addi %squeeze3A_1685, %select_n3A_1689 : i32
        %slice3A_1691 = vector.extract_strided_slice %get3A_1257 {offsets = [7], sizes = [1], strides = [1]} : vector<16xi32> to vector<1xi32>
        %squeeze3A_1692 = vector.extract %slice3A_1691[0] : i32 from vector<1xi32>
        %lt3A_1693 = arith.constant 8 : i32
        %lt3A_1694 = arith.cmpi slt, %scan3A_228, %lt3A_1693 : i32
        %jit3A_1695 = arith.constant 0 : i32
        %select_n3A_1696 = arith.select %lt3A_1694, %jit3A_1695, %shift_left3A_1683 : i32
        %add3A_1697 = arith.addi %squeeze3A_1692, %select_n3A_1696 : i32
        %eq3A_1698 = arith.constant 7 : i32
        %eq3A_1699 = vector.broadcast %eq3A_1698 : i32 to vector<16xi32>
        %eq3A_1700 = arith.cmpi eq, %iota3A, %eq3A_1699 : vector<16xi32>
        %sub3A_1701 = arith.subi %squeeze3A_1664, %reduce_sum3A_1682 : i32
        %broadcast_in_dim3A_1702 = vector.broadcast %sub3A_1701 : i32 to vector<16xi32>
        %select_n3A_1703 = arith.select %eq3A_1700, %broadcast_in_dim3A_1702, %select_n3A_1646 : vector<16xi1>, vector<16xi32>
        %eq3A_1704 = arith.constant 7 : i32
        %eq3A_1705 = vector.broadcast %eq3A_1704 : i32 to vector<16xi32>
        %eq3A_1706 = arith.cmpi eq, %iota3A, %eq3A_1705 : vector<16xi32>
        %broadcast_in_dim3A_1707 = vector.broadcast %add3A_1690 : i32 to vector<16xi32>
        %select_n3A_1708 = arith.select %eq3A_1706, %broadcast_in_dim3A_1707, %select_n3A_1651 : vector<16xi1>, vector<16xi32>
        %eq3A_1709 = arith.constant 7 : i32
        %eq3A_1710 = vector.broadcast %eq3A_1709 : i32 to vector<16xi32>
        %eq3A_1711 = arith.cmpi eq, %iota3A, %eq3A_1710 : vector<16xi32>
        %broadcast_in_dim3A_1712 = vector.broadcast %add3A_1697 : i32 to vector<16xi32>
        %select_n3A_1713 = arith.select %eq3A_1711, %broadcast_in_dim3A_1712, %select_n3A_1656 : vector<16xi1>, vector<16xi32>
        %get3A_1714 = arith.constant 384 : index
        %get3A_1715 = tpu.vector_load %arg17[%get3A_1714] {strides = array<i32>} : memref<512xi32, #tpu.memory_space<vmem>>, vector<16xi32>,
        %cumsum3A_1716 = arith.constant true
        %cumsum3A_1717 = vector.broadcast %cumsum3A_1716 : i1 to vector<16xi1>
        %cumsum3A_1718 = tpu.scan <sum>, %get3A_1715 masked %cumsum3A_1717 : vector<16xi32>, vector<16xi1> -> vector<16xi32>
        %sub3A_1719 = arith.subi %cumsum3A_1718, %get3A_1715 : vector<16xi32>
        %slice3A_1720 = vector.extract_strided_slice %get3A_1249 {offsets = [8], sizes = [1], strides = [1]} : vector<16xi32> to vector<1xi32>
        %squeeze3A_1721 = vector.extract %slice3A_1720[0] : i32 from vector<1xi32>
        %le3A_1722 = vector.broadcast %squeeze3A_1721 : i32 to vector<16xi32>
        %le3A_1723 = arith.cmpi sle, %sub3A_1719, %le3A_1722 : vector<16xi32>
        %convert_element_type3A_1724 = arith.extui %le3A_1723 : vector<16xi1> to vector<16xi32>
        %reduce_sum3A_1725 = arith.constant true
        %reduce_sum3A_1726 = vector.broadcast %reduce_sum3A_1725 : i1 to vector<16xi1>
        %reduce_sum3A_1727 = tpu.scan <sum>, %convert_element_type3A_1724 masked %reduce_sum3A_1726 : vector<16xi32>, vector<16xi1> -> vector<16xi32>
        %reduce_sum3A_1728 = vector.extract %reduce_sum3A_1727[15] : i32 from vector<16xi32>
        %sub3A_1729 = arith.constant 1 : i32
        %sub3A_1730 = arith.subi %reduce_sum3A_1728, %sub3A_1729 : i32
        %eq3A_1731 = vector.broadcast %sub3A_1730 : i32 to vector<16xi32>
        %eq3A_1732 = arith.cmpi eq, %iota3A, %eq3A_1731 : vector<16xi32>
        %jit3A_1733 = arith.constant 0 : i32
        %broadcast_in_dim3A_1734 = vector.broadcast %jit3A_1733 : i32 to vector<16xi32>
        %select_n3A_1735 = arith.select %eq3A_1732, %sub3A_1719, %broadcast_in_dim3A_1734 : vector<16xi1>, vector<16xi32>
        %reduce_sum3A_1736 = arith.constant true
        %reduce_sum3A_1737 = vector.broadcast %reduce_sum3A_1736 : i1 to vector<16xi1>
        %reduce_sum3A_1738 = tpu.scan <sum>, %select_n3A_1735 masked %reduce_sum3A_1737 : vector<16xi32>, vector<16xi1> -> vector<16xi32>
        %reduce_sum3A_1739 = vector.extract %reduce_sum3A_1738[15] : i32 from vector<16xi32>
        %shift_left3A_1740 = arith.shli %sub3A_1730, %select_n3A_246 : i32
        %slice3A_1741 = vector.extract_strided_slice %get3A_1253 {offsets = [8], sizes = [1], strides = [1]} : vector<16xi32> to vector<1xi32>
        %squeeze3A_1742 = vector.extract %slice3A_1741[0] : i32 from vector<1xi32>
        %lt3A_1743 = arith.constant 8 : i32
        %lt3A_1744 = arith.cmpi slt, %scan3A_228, %lt3A_1743 : i32
        %jit3A_1745 = arith.constant 0 : i32
        %select_n3A_1746 = arith.select %lt3A_1744, %shift_left3A_1740, %jit3A_1745 : i32
        %add3A_1747 = arith.addi %squeeze3A_1742, %select_n3A_1746 : i32
        %slice3A_1748 = vector.extract_strided_slice %get3A_1257 {offsets = [8], sizes = [1], strides = [1]} : vector<16xi32> to vector<1xi32>
        %squeeze3A_1749 = vector.extract %slice3A_1748[0] : i32 from vector<1xi32>
        %lt3A_1750 = arith.constant 8 : i32
        %lt3A_1751 = arith.cmpi slt, %scan3A_228, %lt3A_1750 : i32
        %jit3A_1752 = arith.constant 0 : i32
        %select_n3A_1753 = arith.select %lt3A_1751, %jit3A_1752, %shift_left3A_1740 : i32
        %add3A_1754 = arith.addi %squeeze3A_1749, %select_n3A_1753 : i32
        %eq3A_1755 = arith.constant 8 : i32
        %eq3A_1756 = vector.broadcast %eq3A_1755 : i32 to vector<16xi32>
        %eq3A_1757 = arith.cmpi eq, %iota3A, %eq3A_1756 : vector<16xi32>
        %sub3A_1758 = arith.subi %squeeze3A_1721, %reduce_sum3A_1739 : i32
        %broadcast_in_dim3A_1759 = vector.broadcast %sub3A_1758 : i32 to vector<16xi32>
        %select_n3A_1760 = arith.select %eq3A_1757, %broadcast_in_dim3A_1759, %select_n3A_1703 : vector<16xi1>, vector<16xi32>
        %eq3A_1761 = arith.constant 8 : i32
        %eq3A_1762 = vector.broadcast %eq3A_1761 : i32 to vector<16xi32>
        %eq3A_1763 = arith.cmpi eq, %iota3A, %eq3A_1762 : vector<16xi32>
        %broadcast_in_dim3A_1764 = vector.broadcast %add3A_1747 : i32 to vector<16xi32>
        %select_n3A_1765 = arith.select %eq3A_1763, %broadcast_in_dim3A_1764, %select_n3A_1708 : vector<16xi1>, vector<16xi32>
        %eq3A_1766 = arith.constant 8 : i32
        %eq3A_1767 = vector.broadcast %eq3A_1766 : i32 to vector<16xi32>
        %eq3A_1768 = arith.cmpi eq, %iota3A, %eq3A_1767 : vector<16xi32>
        %broadcast_in_dim3A_1769 = vector.broadcast %add3A_1754 : i32 to vector<16xi32>
        %select_n3A_1770 = arith.select %eq3A_1768, %broadcast_in_dim3A_1769, %select_n3A_1713 : vector<16xi1>, vector<16xi32>
        %get3A_1771 = arith.constant 400 : index
        %get3A_1772 = tpu.vector_load %arg17[%get3A_1771] {strides = array<i32>} : memref<512xi32, #tpu.memory_space<vmem>>, vector<16xi32>,
        %cumsum3A_1773 = arith.constant true
        %cumsum3A_1774 = vector.broadcast %cumsum3A_1773 : i1 to vector<16xi1>
        %cumsum3A_1775 = tpu.scan <sum>, %get3A_1772 masked %cumsum3A_1774 : vector<16xi32>, vector<16xi1> -> vector<16xi32>
        %sub3A_1776 = arith.subi %cumsum3A_1775, %get3A_1772 : vector<16xi32>
        %slice3A_1777 = vector.extract_strided_slice %get3A_1249 {offsets = [9], sizes = [1], strides = [1]} : vector<16xi32> to vector<1xi32>
        %squeeze3A_1778 = vector.extract %slice3A_1777[0] : i32 from vector<1xi32>
        %le3A_1779 = vector.broadcast %squeeze3A_1778 : i32 to vector<16xi32>
        %le3A_1780 = arith.cmpi sle, %sub3A_1776, %le3A_1779 : vector<16xi32>
        %convert_element_type3A_1781 = arith.extui %le3A_1780 : vector<16xi1> to vector<16xi32>
        %reduce_sum3A_1782 = arith.constant true
        %reduce_sum3A_1783 = vector.broadcast %reduce_sum3A_1782 : i1 to vector<16xi1>
        %reduce_sum3A_1784 = tpu.scan <sum>, %convert_element_type3A_1781 masked %reduce_sum3A_1783 : vector<16xi32>, vector<16xi1> -> vector<16xi32>
        %reduce_sum3A_1785 = vector.extract %reduce_sum3A_1784[15] : i32 from vector<16xi32>
        %sub3A_1786 = arith.constant 1 : i32
        %sub3A_1787 = arith.subi %reduce_sum3A_1785, %sub3A_1786 : i32
        %eq3A_1788 = vector.broadcast %sub3A_1787 : i32 to vector<16xi32>
        %eq3A_1789 = arith.cmpi eq, %iota3A, %eq3A_1788 : vector<16xi32>
        %jit3A_1790 = arith.constant 0 : i32
        %broadcast_in_dim3A_1791 = vector.broadcast %jit3A_1790 : i32 to vector<16xi32>
        %select_n3A_1792 = arith.select %eq3A_1789, %sub3A_1776, %broadcast_in_dim3A_1791 : vector<16xi1>, vector<16xi32>
        %reduce_sum3A_1793 = arith.constant true
        %reduce_sum3A_1794 = vector.broadcast %reduce_sum3A_1793 : i1 to vector<16xi1>
        %reduce_sum3A_1795 = tpu.scan <sum>, %select_n3A_1792 masked %reduce_sum3A_1794 : vector<16xi32>, vector<16xi1> -> vector<16xi32>
        %reduce_sum3A_1796 = vector.extract %reduce_sum3A_1795[15] : i32 from vector<16xi32>
        %shift_left3A_1797 = arith.shli %sub3A_1787, %select_n3A_246 : i32
        %slice3A_1798 = vector.extract_strided_slice %get3A_1253 {offsets = [9], sizes = [1], strides = [1]} : vector<16xi32> to vector<1xi32>
        %squeeze3A_1799 = vector.extract %slice3A_1798[0] : i32 from vector<1xi32>
        %lt3A_1800 = arith.constant 8 : i32
        %lt3A_1801 = arith.cmpi slt, %scan3A_228, %lt3A_1800 : i32
        %jit3A_1802 = arith.constant 0 : i32
        %select_n3A_1803 = arith.select %lt3A_1801, %shift_left3A_1797, %jit3A_1802 : i32
        %add3A_1804 = arith.addi %squeeze3A_1799, %select_n3A_1803 : i32
        %slice3A_1805 = vector.extract_strided_slice %get3A_1257 {offsets = [9], sizes = [1], strides = [1]} : vector<16xi32> to vector<1xi32>
        %squeeze3A_1806 = vector.extract %slice3A_1805[0] : i32 from vector<1xi32>
        %lt3A_1807 = arith.constant 8 : i32
        %lt3A_1808 = arith.cmpi slt, %scan3A_228, %lt3A_1807 : i32
        %jit3A_1809 = arith.constant 0 : i32
        %select_n3A_1810 = arith.select %lt3A_1808, %jit3A_1809, %shift_left3A_1797 : i32
        %add3A_1811 = arith.addi %squeeze3A_1806, %select_n3A_1810 : i32
        %eq3A_1812 = arith.constant 9 : i32
        %eq3A_1813 = vector.broadcast %eq3A_1812 : i32 to vector<16xi32>
        %eq3A_1814 = arith.cmpi eq, %iota3A, %eq3A_1813 : vector<16xi32>
        %sub3A_1815 = arith.subi %squeeze3A_1778, %reduce_sum3A_1796 : i32
        %broadcast_in_dim3A_1816 = vector.broadcast %sub3A_1815 : i32 to vector<16xi32>
        %select_n3A_1817 = arith.select %eq3A_1814, %broadcast_in_dim3A_1816, %select_n3A_1760 : vector<16xi1>, vector<16xi32>
        %eq3A_1818 = arith.constant 9 : i32
        %eq3A_1819 = vector.broadcast %eq3A_1818 : i32 to vector<16xi32>
        %eq3A_1820 = arith.cmpi eq, %iota3A, %eq3A_1819 : vector<16xi32>
        %broadcast_in_dim3A_1821 = vector.broadcast %add3A_1804 : i32 to vector<16xi32>
        %select_n3A_1822 = arith.select %eq3A_1820, %broadcast_in_dim3A_1821, %select_n3A_1765 : vector<16xi1>, vector<16xi32>
        %eq3A_1823 = arith.constant 9 : i32
        %eq3A_1824 = vector.broadcast %eq3A_1823 : i32 to vector<16xi32>
        %eq3A_1825 = arith.cmpi eq, %iota3A, %eq3A_1824 : vector<16xi32>
        %broadcast_in_dim3A_1826 = vector.broadcast %add3A_1811 : i32 to vector<16xi32>
        %select_n3A_1827 = arith.select %eq3A_1825, %broadcast_in_dim3A_1826, %select_n3A_1770 : vector<16xi1>, vector<16xi32>
        %get3A_1828 = arith.constant 416 : index
        %get3A_1829 = tpu.vector_load %arg17[%get3A_1828] {strides = array<i32>} : memref<512xi32, #tpu.memory_space<vmem>>, vector<16xi32>,
        %cumsum3A_1830 = arith.constant true
        %cumsum3A_1831 = vector.broadcast %cumsum3A_1830 : i1 to vector<16xi1>
        %cumsum3A_1832 = tpu.scan <sum>, %get3A_1829 masked %cumsum3A_1831 : vector<16xi32>, vector<16xi1> -> vector<16xi32>
        %sub3A_1833 = arith.subi %cumsum3A_1832, %get3A_1829 : vector<16xi32>
        %slice3A_1834 = vector.extract_strided_slice %get3A_1249 {offsets = [10], sizes = [1], strides = [1]} : vector<16xi32> to vector<1xi32>
        %squeeze3A_1835 = vector.extract %slice3A_1834[0] : i32 from vector<1xi32>
        %le3A_1836 = vector.broadcast %squeeze3A_1835 : i32 to vector<16xi32>
        %le3A_1837 = arith.cmpi sle, %sub3A_1833, %le3A_1836 : vector<16xi32>
        %convert_element_type3A_1838 = arith.extui %le3A_1837 : vector<16xi1> to vector<16xi32>
        %reduce_sum3A_1839 = arith.constant true
        %reduce_sum3A_1840 = vector.broadcast %reduce_sum3A_1839 : i1 to vector<16xi1>
        %reduce_sum3A_1841 = tpu.scan <sum>, %convert_element_type3A_1838 masked %reduce_sum3A_1840 : vector<16xi32>, vector<16xi1> -> vector<16xi32>
        %reduce_sum3A_1842 = vector.extract %reduce_sum3A_1841[15] : i32 from vector<16xi32>
        %sub3A_1843 = arith.constant 1 : i32
        %sub3A_1844 = arith.subi %reduce_sum3A_1842, %sub3A_1843 : i32
        %eq3A_1845 = vector.broadcast %sub3A_1844 : i32 to vector<16xi32>
        %eq3A_1846 = arith.cmpi eq, %iota3A, %eq3A_1845 : vector<16xi32>
        %jit3A_1847 = arith.constant 0 : i32
        %broadcast_in_dim3A_1848 = vector.broadcast %jit3A_1847 : i32 to vector<16xi32>
        %select_n3A_1849 = arith.select %eq3A_1846, %sub3A_1833, %broadcast_in_dim3A_1848 : vector<16xi1>, vector<16xi32>
        %reduce_sum3A_1850 = arith.constant true
        %reduce_sum3A_1851 = vector.broadcast %reduce_sum3A_1850 : i1 to vector<16xi1>
        %reduce_sum3A_1852 = tpu.scan <sum>, %select_n3A_1849 masked %reduce_sum3A_1851 : vector<16xi32>, vector<16xi1> -> vector<16xi32>
        %reduce_sum3A_1853 = vector.extract %reduce_sum3A_1852[15] : i32 from vector<16xi32>
        %shift_left3A_1854 = arith.shli %sub3A_1844, %select_n3A_246 : i32
        %slice3A_1855 = vector.extract_strided_slice %get3A_1253 {offsets = [10], sizes = [1], strides = [1]} : vector<16xi32> to vector<1xi32>
        %squeeze3A_1856 = vector.extract %slice3A_1855[0] : i32 from vector<1xi32>
        %lt3A_1857 = arith.constant 8 : i32
        %lt3A_1858 = arith.cmpi slt, %scan3A_228, %lt3A_1857 : i32
        %jit3A_1859 = arith.constant 0 : i32
        %select_n3A_1860 = arith.select %lt3A_1858, %shift_left3A_1854, %jit3A_1859 : i32
        %add3A_1861 = arith.addi %squeeze3A_1856, %select_n3A_1860 : i32
        %slice3A_1862 = vector.extract_strided_slice %get3A_1257 {offsets = [10], sizes = [1], strides = [1]} : vector<16xi32> to vector<1xi32>
        %squeeze3A_1863 = vector.extract %slice3A_1862[0] : i32 from vector<1xi32>
        %lt3A_1864 = arith.constant 8 : i32
        %lt3A_1865 = arith.cmpi slt, %scan3A_228, %lt3A_1864 : i32
        %jit3A_1866 = arith.constant 0 : i32
        %select_n3A_1867 = arith.select %lt3A_1865, %jit3A_1866, %shift_left3A_1854 : i32
        %add3A_1868 = arith.addi %squeeze3A_1863, %select_n3A_1867 : i32
        %eq3A_1869 = arith.constant 10 : i32
        %eq3A_1870 = vector.broadcast %eq3A_1869 : i32 to vector<16xi32>
        %eq3A_1871 = arith.cmpi eq, %iota3A, %eq3A_1870 : vector<16xi32>
        %sub3A_1872 = arith.subi %squeeze3A_1835, %reduce_sum3A_1853 : i32
        %broadcast_in_dim3A_1873 = vector.broadcast %sub3A_1872 : i32 to vector<16xi32>
        %select_n3A_1874 = arith.select %eq3A_1871, %broadcast_in_dim3A_1873, %select_n3A_1817 : vector<16xi1>, vector<16xi32>
        %eq3A_1875 = arith.constant 10 : i32
        %eq3A_1876 = vector.broadcast %eq3A_1875 : i32 to vector<16xi32>
        %eq3A_1877 = arith.cmpi eq, %iota3A, %eq3A_1876 : vector<16xi32>
        %broadcast_in_dim3A_1878 = vector.broadcast %add3A_1861 : i32 to vector<16xi32>
        %select_n3A_1879 = arith.select %eq3A_1877, %broadcast_in_dim3A_1878, %select_n3A_1822 : vector<16xi1>, vector<16xi32>
        %eq3A_1880 = arith.constant 10 : i32
        %eq3A_1881 = vector.broadcast %eq3A_1880 : i32 to vector<16xi32>
        %eq3A_1882 = arith.cmpi eq, %iota3A, %eq3A_1881 : vector<16xi32>
        %broadcast_in_dim3A_1883 = vector.broadcast %add3A_1868 : i32 to vector<16xi32>
        %select_n3A_1884 = arith.select %eq3A_1882, %broadcast_in_dim3A_1883, %select_n3A_1827 : vector<16xi1>, vector<16xi32>
        %get3A_1885 = arith.constant 432 : index
        %get3A_1886 = tpu.vector_load %arg17[%get3A_1885] {strides = array<i32>} : memref<512xi32, #tpu.memory_space<vmem>>, vector<16xi32>,
        %cumsum3A_1887 = arith.constant true
        %cumsum3A_1888 = vector.broadcast %cumsum3A_1887 : i1 to vector<16xi1>
        %cumsum3A_1889 = tpu.scan <sum>, %get3A_1886 masked %cumsum3A_1888 : vector<16xi32>, vector<16xi1> -> vector<16xi32>
        %sub3A_1890 = arith.subi %cumsum3A_1889, %get3A_1886 : vector<16xi32>
        %slice3A_1891 = vector.extract_strided_slice %get3A_1249 {offsets = [11], sizes = [1], strides = [1]} : vector<16xi32> to vector<1xi32>
        %squeeze3A_1892 = vector.extract %slice3A_1891[0] : i32 from vector<1xi32>
        %le3A_1893 = vector.broadcast %squeeze3A_1892 : i32 to vector<16xi32>
        %le3A_1894 = arith.cmpi sle, %sub3A_1890, %le3A_1893 : vector<16xi32>
        %convert_element_type3A_1895 = arith.extui %le3A_1894 : vector<16xi1> to vector<16xi32>
        %reduce_sum3A_1896 = arith.constant true
        %reduce_sum3A_1897 = vector.broadcast %reduce_sum3A_1896 : i1 to vector<16xi1>
        %reduce_sum3A_1898 = tpu.scan <sum>, %convert_element_type3A_1895 masked %reduce_sum3A_1897 : vector<16xi32>, vector<16xi1> -> vector<16xi32>
        %reduce_sum3A_1899 = vector.extract %reduce_sum3A_1898[15] : i32 from vector<16xi32>
        %sub3A_1900 = arith.constant 1 : i32
        %sub3A_1901 = arith.subi %reduce_sum3A_1899, %sub3A_1900 : i32
        %eq3A_1902 = vector.broadcast %sub3A_1901 : i32 to vector<16xi32>
        %eq3A_1903 = arith.cmpi eq, %iota3A, %eq3A_1902 : vector<16xi32>
        %jit3A_1904 = arith.constant 0 : i32
        %broadcast_in_dim3A_1905 = vector.broadcast %jit3A_1904 : i32 to vector<16xi32>
        %select_n3A_1906 = arith.select %eq3A_1903, %sub3A_1890, %broadcast_in_dim3A_1905 : vector<16xi1>, vector<16xi32>
        %reduce_sum3A_1907 = arith.constant true
        %reduce_sum3A_1908 = vector.broadcast %reduce_sum3A_1907 : i1 to vector<16xi1>
        %reduce_sum3A_1909 = tpu.scan <sum>, %select_n3A_1906 masked %reduce_sum3A_1908 : vector<16xi32>, vector<16xi1> -> vector<16xi32>
        %reduce_sum3A_1910 = vector.extract %reduce_sum3A_1909[15] : i32 from vector<16xi32>
        %shift_left3A_1911 = arith.shli %sub3A_1901, %select_n3A_246 : i32
        %slice3A_1912 = vector.extract_strided_slice %get3A_1253 {offsets = [11], sizes = [1], strides = [1]} : vector<16xi32> to vector<1xi32>
        %squeeze3A_1913 = vector.extract %slice3A_1912[0] : i32 from vector<1xi32>
        %lt3A_1914 = arith.constant 8 : i32
        %lt3A_1915 = arith.cmpi slt, %scan3A_228, %lt3A_1914 : i32
        %jit3A_1916 = arith.constant 0 : i32
        %select_n3A_1917 = arith.select %lt3A_1915, %shift_left3A_1911, %jit3A_1916 : i32
        %add3A_1918 = arith.addi %squeeze3A_1913, %select_n3A_1917 : i32
        %slice3A_1919 = vector.extract_strided_slice %get3A_1257 {offsets = [11], sizes = [1], strides = [1]} : vector<16xi32> to vector<1xi32>
        %squeeze3A_1920 = vector.extract %slice3A_1919[0] : i32 from vector<1xi32>
        %lt3A_1921 = arith.constant 8 : i32
        %lt3A_1922 = arith.cmpi slt, %scan3A_228, %lt3A_1921 : i32
        %jit3A_1923 = arith.constant 0 : i32
        %select_n3A_1924 = arith.select %lt3A_1922, %jit3A_1923, %shift_left3A_1911 : i32
        %add3A_1925 = arith.addi %squeeze3A_1920, %select_n3A_1924 : i32
        %eq3A_1926 = arith.constant 11 : i32
        %eq3A_1927 = vector.broadcast %eq3A_1926 : i32 to vector<16xi32>
        %eq3A_1928 = arith.cmpi eq, %iota3A, %eq3A_1927 : vector<16xi32>
        %sub3A_1929 = arith.subi %squeeze3A_1892, %reduce_sum3A_1910 : i32
        %broadcast_in_dim3A_1930 = vector.broadcast %sub3A_1929 : i32 to vector<16xi32>
        %select_n3A_1931 = arith.select %eq3A_1928, %broadcast_in_dim3A_1930, %select_n3A_1874 : vector<16xi1>, vector<16xi32>
        %eq3A_1932 = arith.constant 11 : i32
        %eq3A_1933 = vector.broadcast %eq3A_1932 : i32 to vector<16xi32>
        %eq3A_1934 = arith.cmpi eq, %iota3A, %eq3A_1933 : vector<16xi32>
        %broadcast_in_dim3A_1935 = vector.broadcast %add3A_1918 : i32 to vector<16xi32>
        %select_n3A_1936 = arith.select %eq3A_1934, %broadcast_in_dim3A_1935, %select_n3A_1879 : vector<16xi1>, vector<16xi32>
        %eq3A_1937 = arith.constant 11 : i32
        %eq3A_1938 = vector.broadcast %eq3A_1937 : i32 to vector<16xi32>
        %eq3A_1939 = arith.cmpi eq, %iota3A, %eq3A_1938 : vector<16xi32>
        %broadcast_in_dim3A_1940 = vector.broadcast %add3A_1925 : i32 to vector<16xi32>
        %select_n3A_1941 = arith.select %eq3A_1939, %broadcast_in_dim3A_1940, %select_n3A_1884 : vector<16xi1>, vector<16xi32>
        %get3A_1942 = arith.constant 448 : index
        %get3A_1943 = tpu.vector_load %arg17[%get3A_1942] {strides = array<i32>} : memref<512xi32, #tpu.memory_space<vmem>>, vector<16xi32>,
        %cumsum3A_1944 = arith.constant true
        %cumsum3A_1945 = vector.broadcast %cumsum3A_1944 : i1 to vector<16xi1>
        %cumsum3A_1946 = tpu.scan <sum>, %get3A_1943 masked %cumsum3A_1945 : vector<16xi32>, vector<16xi1> -> vector<16xi32>
        %sub3A_1947 = arith.subi %cumsum3A_1946, %get3A_1943 : vector<16xi32>
        %slice3A_1948 = vector.extract_strided_slice %get3A_1249 {offsets = [12], sizes = [1], strides = [1]} : vector<16xi32> to vector<1xi32>
        %squeeze3A_1949 = vector.extract %slice3A_1948[0] : i32 from vector<1xi32>
        %le3A_1950 = vector.broadcast %squeeze3A_1949 : i32 to vector<16xi32>
        %le3A_1951 = arith.cmpi sle, %sub3A_1947, %le3A_1950 : vector<16xi32>
        %convert_element_type3A_1952 = arith.extui %le3A_1951 : vector<16xi1> to vector<16xi32>
        %reduce_sum3A_1953 = arith.constant true
        %reduce_sum3A_1954 = vector.broadcast %reduce_sum3A_1953 : i1 to vector<16xi1>
        %reduce_sum3A_1955 = tpu.scan <sum>, %convert_element_type3A_1952 masked %reduce_sum3A_1954 : vector<16xi32>, vector<16xi1> -> vector<16xi32>
        %reduce_sum3A_1956 = vector.extract %reduce_sum3A_1955[15] : i32 from vector<16xi32>
        %sub3A_1957 = arith.constant 1 : i32
        %sub3A_1958 = arith.subi %reduce_sum3A_1956, %sub3A_1957 : i32
        %eq3A_1959 = vector.broadcast %sub3A_1958 : i32 to vector<16xi32>
        %eq3A_1960 = arith.cmpi eq, %iota3A, %eq3A_1959 : vector<16xi32>
        %jit3A_1961 = arith.constant 0 : i32
        %broadcast_in_dim3A_1962 = vector.broadcast %jit3A_1961 : i32 to vector<16xi32>
        %select_n3A_1963 = arith.select %eq3A_1960, %sub3A_1947, %broadcast_in_dim3A_1962 : vector<16xi1>, vector<16xi32>
        %reduce_sum3A_1964 = arith.constant true
        %reduce_sum3A_1965 = vector.broadcast %reduce_sum3A_1964 : i1 to vector<16xi1>
        %reduce_sum3A_1966 = tpu.scan <sum>, %select_n3A_1963 masked %reduce_sum3A_1965 : vector<16xi32>, vector<16xi1> -> vector<16xi32>
        %reduce_sum3A_1967 = vector.extract %reduce_sum3A_1966[15] : i32 from vector<16xi32>
        %shift_left3A_1968 = arith.shli %sub3A_1958, %select_n3A_246 : i32
        %slice3A_1969 = vector.extract_strided_slice %get3A_1253 {offsets = [12], sizes = [1], strides = [1]} : vector<16xi32> to vector<1xi32>
        %squeeze3A_1970 = vector.extract %slice3A_1969[0] : i32 from vector<1xi32>
        %lt3A_1971 = arith.constant 8 : i32
        %lt3A_1972 = arith.cmpi slt, %scan3A_228, %lt3A_1971 : i32
        %jit3A_1973 = arith.constant 0 : i32
        %select_n3A_1974 = arith.select %lt3A_1972, %shift_left3A_1968, %jit3A_1973 : i32
        %add3A_1975 = arith.addi %squeeze3A_1970, %select_n3A_1974 : i32
        %slice3A_1976 = vector.extract_strided_slice %get3A_1257 {offsets = [12], sizes = [1], strides = [1]} : vector<16xi32> to vector<1xi32>
        %squeeze3A_1977 = vector.extract %slice3A_1976[0] : i32 from vector<1xi32>
        %lt3A_1978 = arith.constant 8 : i32
        %lt3A_1979 = arith.cmpi slt, %scan3A_228, %lt3A_1978 : i32
        %jit3A_1980 = arith.constant 0 : i32
        %select_n3A_1981 = arith.select %lt3A_1979, %jit3A_1980, %shift_left3A_1968 : i32
        %add3A_1982 = arith.addi %squeeze3A_1977, %select_n3A_1981 : i32
        %eq3A_1983 = arith.constant 12 : i32
        %eq3A_1984 = vector.broadcast %eq3A_1983 : i32 to vector<16xi32>
        %eq3A_1985 = arith.cmpi eq, %iota3A, %eq3A_1984 : vector<16xi32>
        %sub3A_1986 = arith.subi %squeeze3A_1949, %reduce_sum3A_1967 : i32
        %broadcast_in_dim3A_1987 = vector.broadcast %sub3A_1986 : i32 to vector<16xi32>
        %select_n3A_1988 = arith.select %eq3A_1985, %broadcast_in_dim3A_1987, %select_n3A_1931 : vector<16xi1>, vector<16xi32>
        %eq3A_1989 = arith.constant 12 : i32
        %eq3A_1990 = vector.broadcast %eq3A_1989 : i32 to vector<16xi32>
        %eq3A_1991 = arith.cmpi eq, %iota3A, %eq3A_1990 : vector<16xi32>
        %broadcast_in_dim3A_1992 = vector.broadcast %add3A_1975 : i32 to vector<16xi32>
        %select_n3A_1993 = arith.select %eq3A_1991, %broadcast_in_dim3A_1992, %select_n3A_1936 : vector<16xi1>, vector<16xi32>
        %eq3A_1994 = arith.constant 12 : i32
        %eq3A_1995 = vector.broadcast %eq3A_1994 : i32 to vector<16xi32>
        %eq3A_1996 = arith.cmpi eq, %iota3A, %eq3A_1995 : vector<16xi32>
        %broadcast_in_dim3A_1997 = vector.broadcast %add3A_1982 : i32 to vector<16xi32>
        %select_n3A_1998 = arith.select %eq3A_1996, %broadcast_in_dim3A_1997, %select_n3A_1941 : vector<16xi1>, vector<16xi32>
        %get3A_1999 = arith.constant 464 : index
        %get3A_2000 = tpu.vector_load %arg17[%get3A_1999] {strides = array<i32>} : memref<512xi32, #tpu.memory_space<vmem>>, vector<16xi32>,
        %cumsum3A_2001 = arith.constant true
        %cumsum3A_2002 = vector.broadcast %cumsum3A_2001 : i1 to vector<16xi1>
        %cumsum3A_2003 = tpu.scan <sum>, %get3A_2000 masked %cumsum3A_2002 : vector<16xi32>, vector<16xi1> -> vector<16xi32>
        %sub3A_2004 = arith.subi %cumsum3A_2003, %get3A_2000 : vector<16xi32>
        %slice3A_2005 = vector.extract_strided_slice %get3A_1249 {offsets = [13], sizes = [1], strides = [1]} : vector<16xi32> to vector<1xi32>
        %squeeze3A_2006 = vector.extract %slice3A_2005[0] : i32 from vector<1xi32>
        %le3A_2007 = vector.broadcast %squeeze3A_2006 : i32 to vector<16xi32>
        %le3A_2008 = arith.cmpi sle, %sub3A_2004, %le3A_2007 : vector<16xi32>
        %convert_element_type3A_2009 = arith.extui %le3A_2008 : vector<16xi1> to vector<16xi32>
        %reduce_sum3A_2010 = arith.constant true
        %reduce_sum3A_2011 = vector.broadcast %reduce_sum3A_2010 : i1 to vector<16xi1>
        %reduce_sum3A_2012 = tpu.scan <sum>, %convert_element_type3A_2009 masked %reduce_sum3A_2011 : vector<16xi32>, vector<16xi1> -> vector<16xi32>
        %reduce_sum3A_2013 = vector.extract %reduce_sum3A_2012[15] : i32 from vector<16xi32>
        %sub3A_2014 = arith.constant 1 : i32
        %sub3A_2015 = arith.subi %reduce_sum3A_2013, %sub3A_2014 : i32
        %eq3A_2016 = vector.broadcast %sub3A_2015 : i32 to vector<16xi32>
        %eq3A_2017 = arith.cmpi eq, %iota3A, %eq3A_2016 : vector<16xi32>
        %jit3A_2018 = arith.constant 0 : i32
        %broadcast_in_dim3A_2019 = vector.broadcast %jit3A_2018 : i32 to vector<16xi32>
        %select_n3A_2020 = arith.select %eq3A_2017, %sub3A_2004, %broadcast_in_dim3A_2019 : vector<16xi1>, vector<16xi32>
        %reduce_sum3A_2021 = arith.constant true
        %reduce_sum3A_2022 = vector.broadcast %reduce_sum3A_2021 : i1 to vector<16xi1>
        %reduce_sum3A_2023 = tpu.scan <sum>, %select_n3A_2020 masked %reduce_sum3A_2022 : vector<16xi32>, vector<16xi1> -> vector<16xi32>
        %reduce_sum3A_2024 = vector.extract %reduce_sum3A_2023[15] : i32 from vector<16xi32>
        %shift_left3A_2025 = arith.shli %sub3A_2015, %select_n3A_246 : i32
        %slice3A_2026 = vector.extract_strided_slice %get3A_1253 {offsets = [13], sizes = [1], strides = [1]} : vector<16xi32> to vector<1xi32>
        %squeeze3A_2027 = vector.extract %slice3A_2026[0] : i32 from vector<1xi32>
        %lt3A_2028 = arith.constant 8 : i32
        %lt3A_2029 = arith.cmpi slt, %scan3A_228, %lt3A_2028 : i32
        %jit3A_2030 = arith.constant 0 : i32
        %select_n3A_2031 = arith.select %lt3A_2029, %shift_left3A_2025, %jit3A_2030 : i32
        %add3A_2032 = arith.addi %squeeze3A_2027, %select_n3A_2031 : i32
        %slice3A_2033 = vector.extract_strided_slice %get3A_1257 {offsets = [13], sizes = [1], strides = [1]} : vector<16xi32> to vector<1xi32>
        %squeeze3A_2034 = vector.extract %slice3A_2033[0] : i32 from vector<1xi32>
        %lt3A_2035 = arith.constant 8 : i32
        %lt3A_2036 = arith.cmpi slt, %scan3A_228, %lt3A_2035 : i32
        %jit3A_2037 = arith.constant 0 : i32
        %select_n3A_2038 = arith.select %lt3A_2036, %jit3A_2037, %shift_left3A_2025 : i32
        %add3A_2039 = arith.addi %squeeze3A_2034, %select_n3A_2038 : i32
        %eq3A_2040 = arith.constant 13 : i32
        %eq3A_2041 = vector.broadcast %eq3A_2040 : i32 to vector<16xi32>
        %eq3A_2042 = arith.cmpi eq, %iota3A, %eq3A_2041 : vector<16xi32>
        %sub3A_2043 = arith.subi %squeeze3A_2006, %reduce_sum3A_2024 : i32
        %broadcast_in_dim3A_2044 = vector.broadcast %sub3A_2043 : i32 to vector<16xi32>
        %select_n3A_2045 = arith.select %eq3A_2042, %broadcast_in_dim3A_2044, %select_n3A_1988 : vector<16xi1>, vector<16xi32>
        %eq3A_2046 = arith.constant 13 : i32
        %eq3A_2047 = vector.broadcast %eq3A_2046 : i32 to vector<16xi32>
        %eq3A_2048 = arith.cmpi eq, %iota3A, %eq3A_2047 : vector<16xi32>
        %broadcast_in_dim3A_2049 = vector.broadcast %add3A_2032 : i32 to vector<16xi32>
        %select_n3A_2050 = arith.select %eq3A_2048, %broadcast_in_dim3A_2049, %select_n3A_1993 : vector<16xi1>, vector<16xi32>
        %eq3A_2051 = arith.constant 13 : i32
        %eq3A_2052 = vector.broadcast %eq3A_2051 : i32 to vector<16xi32>
        %eq3A_2053 = arith.cmpi eq, %iota3A, %eq3A_2052 : vector<16xi32>
        %broadcast_in_dim3A_2054 = vector.broadcast %add3A_2039 : i32 to vector<16xi32>
        %select_n3A_2055 = arith.select %eq3A_2053, %broadcast_in_dim3A_2054, %select_n3A_1998 : vector<16xi1>, vector<16xi32>
        %get3A_2056 = arith.constant 480 : index
        %get3A_2057 = tpu.vector_load %arg17[%get3A_2056] {strides = array<i32>} : memref<512xi32, #tpu.memory_space<vmem>>, vector<16xi32>,
        %cumsum3A_2058 = arith.constant true
        %cumsum3A_2059 = vector.broadcast %cumsum3A_2058 : i1 to vector<16xi1>
        %cumsum3A_2060 = tpu.scan <sum>, %get3A_2057 masked %cumsum3A_2059 : vector<16xi32>, vector<16xi1> -> vector<16xi32>
        %sub3A_2061 = arith.subi %cumsum3A_2060, %get3A_2057 : vector<16xi32>
        %slice3A_2062 = vector.extract_strided_slice %get3A_1249 {offsets = [14], sizes = [1], strides = [1]} : vector<16xi32> to vector<1xi32>
        %squeeze3A_2063 = vector.extract %slice3A_2062[0] : i32 from vector<1xi32>
        %le3A_2064 = vector.broadcast %squeeze3A_2063 : i32 to vector<16xi32>
        %le3A_2065 = arith.cmpi sle, %sub3A_2061, %le3A_2064 : vector<16xi32>
        %convert_element_type3A_2066 = arith.extui %le3A_2065 : vector<16xi1> to vector<16xi32>
        %reduce_sum3A_2067 = arith.constant true
        %reduce_sum3A_2068 = vector.broadcast %reduce_sum3A_2067 : i1 to vector<16xi1>
        %reduce_sum3A_2069 = tpu.scan <sum>, %convert_element_type3A_2066 masked %reduce_sum3A_2068 : vector<16xi32>, vector<16xi1> -> vector<16xi32>
        %reduce_sum3A_2070 = vector.extract %reduce_sum3A_2069[15] : i32 from vector<16xi32>
        %sub3A_2071 = arith.constant 1 : i32
        %sub3A_2072 = arith.subi %reduce_sum3A_2070, %sub3A_2071 : i32
        %eq3A_2073 = vector.broadcast %sub3A_2072 : i32 to vector<16xi32>
        %eq3A_2074 = arith.cmpi eq, %iota3A, %eq3A_2073 : vector<16xi32>
        %jit3A_2075 = arith.constant 0 : i32
        %broadcast_in_dim3A_2076 = vector.broadcast %jit3A_2075 : i32 to vector<16xi32>
        %select_n3A_2077 = arith.select %eq3A_2074, %sub3A_2061, %broadcast_in_dim3A_2076 : vector<16xi1>, vector<16xi32>
        %reduce_sum3A_2078 = arith.constant true
        %reduce_sum3A_2079 = vector.broadcast %reduce_sum3A_2078 : i1 to vector<16xi1>
        %reduce_sum3A_2080 = tpu.scan <sum>, %select_n3A_2077 masked %reduce_sum3A_2079 : vector<16xi32>, vector<16xi1> -> vector<16xi32>
        %reduce_sum3A_2081 = vector.extract %reduce_sum3A_2080[15] : i32 from vector<16xi32>
        %shift_left3A_2082 = arith.shli %sub3A_2072, %select_n3A_246 : i32
        %slice3A_2083 = vector.extract_strided_slice %get3A_1253 {offsets = [14], sizes = [1], strides = [1]} : vector<16xi32> to vector<1xi32>
        %squeeze3A_2084 = vector.extract %slice3A_2083[0] : i32 from vector<1xi32>
        %lt3A_2085 = arith.constant 8 : i32
        %lt3A_2086 = arith.cmpi slt, %scan3A_228, %lt3A_2085 : i32
        %jit3A_2087 = arith.constant 0 : i32
        %select_n3A_2088 = arith.select %lt3A_2086, %shift_left3A_2082, %jit3A_2087 : i32
        %add3A_2089 = arith.addi %squeeze3A_2084, %select_n3A_2088 : i32
        %slice3A_2090 = vector.extract_strided_slice %get3A_1257 {offsets = [14], sizes = [1], strides = [1]} : vector<16xi32> to vector<1xi32>
        %squeeze3A_2091 = vector.extract %slice3A_2090[0] : i32 from vector<1xi32>
        %lt3A_2092 = arith.constant 8 : i32
        %lt3A_2093 = arith.cmpi slt, %scan3A_228, %lt3A_2092 : i32
        %jit3A_2094 = arith.constant 0 : i32
        %select_n3A_2095 = arith.select %lt3A_2093, %jit3A_2094, %shift_left3A_2082 : i32
        %add3A_2096 = arith.addi %squeeze3A_2091, %select_n3A_2095 : i32
        %eq3A_2097 = arith.constant 14 : i32
        %eq3A_2098 = vector.broadcast %eq3A_2097 : i32 to vector<16xi32>
        %eq3A_2099 = arith.cmpi eq, %iota3A, %eq3A_2098 : vector<16xi32>
        %sub3A_2100 = arith.subi %squeeze3A_2063, %reduce_sum3A_2081 : i32
        %broadcast_in_dim3A_2101 = vector.broadcast %sub3A_2100 : i32 to vector<16xi32>
        %select_n3A_2102 = arith.select %eq3A_2099, %broadcast_in_dim3A_2101, %select_n3A_2045 : vector<16xi1>, vector<16xi32>
        %eq3A_2103 = arith.constant 14 : i32
        %eq3A_2104 = vector.broadcast %eq3A_2103 : i32 to vector<16xi32>
        %eq3A_2105 = arith.cmpi eq, %iota3A, %eq3A_2104 : vector<16xi32>
        %broadcast_in_dim3A_2106 = vector.broadcast %add3A_2089 : i32 to vector<16xi32>
        %select_n3A_2107 = arith.select %eq3A_2105, %broadcast_in_dim3A_2106, %select_n3A_2050 : vector<16xi1>, vector<16xi32>
        %eq3A_2108 = arith.constant 14 : i32
        %eq3A_2109 = vector.broadcast %eq3A_2108 : i32 to vector<16xi32>
        %eq3A_2110 = arith.cmpi eq, %iota3A, %eq3A_2109 : vector<16xi32>
        %broadcast_in_dim3A_2111 = vector.broadcast %add3A_2096 : i32 to vector<16xi32>
        %select_n3A_2112 = arith.select %eq3A_2110, %broadcast_in_dim3A_2111, %select_n3A_2055 : vector<16xi1>, vector<16xi32>
        %get3A_2113 = arith.constant 496 : index
        %get3A_2114 = tpu.vector_load %arg17[%get3A_2113] {strides = array<i32>} : memref<512xi32, #tpu.memory_space<vmem>>, vector<16xi32>,
        %cumsum3A_2115 = arith.constant true
        %cumsum3A_2116 = vector.broadcast %cumsum3A_2115 : i1 to vector<16xi1>
        %cumsum3A_2117 = tpu.scan <sum>, %get3A_2114 masked %cumsum3A_2116 : vector<16xi32>, vector<16xi1> -> vector<16xi32>
        %sub3A_2118 = arith.subi %cumsum3A_2117, %get3A_2114 : vector<16xi32>
        %slice3A_2119 = vector.extract_strided_slice %get3A_1249 {offsets = [15], sizes = [1], strides = [1]} : vector<16xi32> to vector<1xi32>
        %squeeze3A_2120 = vector.extract %slice3A_2119[0] : i32 from vector<1xi32>
        %le3A_2121 = vector.broadcast %squeeze3A_2120 : i32 to vector<16xi32>
        %le3A_2122 = arith.cmpi sle, %sub3A_2118, %le3A_2121 : vector<16xi32>
        %convert_element_type3A_2123 = arith.extui %le3A_2122 : vector<16xi1> to vector<16xi32>
        %reduce_sum3A_2124 = arith.constant true
        %reduce_sum3A_2125 = vector.broadcast %reduce_sum3A_2124 : i1 to vector<16xi1>
        %reduce_sum3A_2126 = tpu.scan <sum>, %convert_element_type3A_2123 masked %reduce_sum3A_2125 : vector<16xi32>, vector<16xi1> -> vector<16xi32>
        %reduce_sum3A_2127 = vector.extract %reduce_sum3A_2126[15] : i32 from vector<16xi32>
        %sub3A_2128 = arith.constant 1 : i32
        %sub3A_2129 = arith.subi %reduce_sum3A_2127, %sub3A_2128 : i32
        %eq3A_2130 = vector.broadcast %sub3A_2129 : i32 to vector<16xi32>
        %eq3A_2131 = arith.cmpi eq, %iota3A, %eq3A_2130 : vector<16xi32>
        %jit3A_2132 = arith.constant 0 : i32
        %broadcast_in_dim3A_2133 = vector.broadcast %jit3A_2132 : i32 to vector<16xi32>
        %select_n3A_2134 = arith.select %eq3A_2131, %sub3A_2118, %broadcast_in_dim3A_2133 : vector<16xi1>, vector<16xi32>
        %reduce_sum3A_2135 = arith.constant true
        %reduce_sum3A_2136 = vector.broadcast %reduce_sum3A_2135 : i1 to vector<16xi1>
        %reduce_sum3A_2137 = tpu.scan <sum>, %select_n3A_2134 masked %reduce_sum3A_2136 : vector<16xi32>, vector<16xi1> -> vector<16xi32>
        %reduce_sum3A_2138 = vector.extract %reduce_sum3A_2137[15] : i32 from vector<16xi32>
        %shift_left3A_2139 = arith.shli %sub3A_2129, %select_n3A_246 : i32
        %slice3A_2140 = vector.extract_strided_slice %get3A_1253 {offsets = [15], sizes = [1], strides = [1]} : vector<16xi32> to vector<1xi32>
        %squeeze3A_2141 = vector.extract %slice3A_2140[0] : i32 from vector<1xi32>
        %lt3A_2142 = arith.constant 8 : i32
        %lt3A_2143 = arith.cmpi slt, %scan3A_228, %lt3A_2142 : i32
        %jit3A_2144 = arith.constant 0 : i32
        %select_n3A_2145 = arith.select %lt3A_2143, %shift_left3A_2139, %jit3A_2144 : i32
        %add3A_2146 = arith.addi %squeeze3A_2141, %select_n3A_2145 : i32
        %slice3A_2147 = vector.extract_strided_slice %get3A_1257 {offsets = [15], sizes = [1], strides = [1]} : vector<16xi32> to vector<1xi32>
        %squeeze3A_2148 = vector.extract %slice3A_2147[0] : i32 from vector<1xi32>
        %lt3A_2149 = arith.constant 8 : i32
        %lt3A_2150 = arith.cmpi slt, %scan3A_228, %lt3A_2149 : i32
        %jit3A_2151 = arith.constant 0 : i32
        %select_n3A_2152 = arith.select %lt3A_2150, %jit3A_2151, %shift_left3A_2139 : i32
        %add3A_2153 = arith.addi %squeeze3A_2148, %select_n3A_2152 : i32
        %eq3A_2154 = arith.constant 15 : i32
        %eq3A_2155 = vector.broadcast %eq3A_2154 : i32 to vector<16xi32>
        %eq3A_2156 = arith.cmpi eq, %iota3A, %eq3A_2155 : vector<16xi32>
        %sub3A_2157 = arith.subi %squeeze3A_2120, %reduce_sum3A_2138 : i32
        %broadcast_in_dim3A_2158 = vector.broadcast %sub3A_2157 : i32 to vector<16xi32>
        %select_n3A_2159 = arith.select %eq3A_2156, %broadcast_in_dim3A_2158, %select_n3A_2102 : vector<16xi1>, vector<16xi32>
        %eq3A_2160 = arith.constant 15 : i32
        %eq3A_2161 = vector.broadcast %eq3A_2160 : i32 to vector<16xi32>
        %eq3A_2162 = arith.cmpi eq, %iota3A, %eq3A_2161 : vector<16xi32>
        %broadcast_in_dim3A_2163 = vector.broadcast %add3A_2146 : i32 to vector<16xi32>
        %select_n3A_2164 = arith.select %eq3A_2162, %broadcast_in_dim3A_2163, %select_n3A_2107 : vector<16xi1>, vector<16xi32>
        %eq3A_2165 = arith.constant 15 : i32
        %eq3A_2166 = vector.broadcast %eq3A_2165 : i32 to vector<16xi32>
        %eq3A_2167 = arith.cmpi eq, %iota3A, %eq3A_2166 : vector<16xi32>
        %broadcast_in_dim3A_2168 = vector.broadcast %add3A_2153 : i32 to vector<16xi32>
        %select_n3A_2169 = arith.select %eq3A_2167, %broadcast_in_dim3A_2168, %select_n3A_2112 : vector<16xi1>, vector<16xi32>
        %add3A_2170 = arith.constant 16 : i32
        %add3A_2171 = arith.addi %mul3A_170, %add3A_2170 : i32
        %swap3A_2172 = arith.index_cast %add3A_2171 : i32 to index
        %swap3A_2173 = tpu.vector_load %arg20[%swap3A_2172] {strides = array<i32>} : memref<512xi32, #tpu.memory_space<vmem>>, vector<16xi32>,
        tpu.vector_store %arg20[%swap3A_2172], %select_n3A_2159 {strides = array<i32>} : memref<512xi32, #tpu.memory_space<vmem>>, vector<16xi32>,
        %add3A_2174 = arith.constant 16 : i32
        %add3A_2175 = arith.addi %mul3A_170, %add3A_2174 : i32
        %swap3A_2176 = arith.index_cast %add3A_2175 : i32 to index
        %swap3A_2177 = tpu.vector_load %arg18[%swap3A_2176] {strides = array<i32>} : memref<512xi32, #tpu.memory_space<vmem>>, vector<16xi32>,
        tpu.vector_store %arg18[%swap3A_2176], %select_n3A_2164 {strides = array<i32>} : memref<512xi32, #tpu.memory_space<vmem>>, vector<16xi32>,
        %add3A_2178 = arith.constant 16 : i32
        %add3A_2179 = arith.addi %mul3A_170, %add3A_2178 : i32
        %swap3A_2180 = arith.index_cast %add3A_2179 : i32 to index
        %swap3A_2181 = tpu.vector_load %arg19[%swap3A_2180] {strides = array<i32>} : memref<512xi32, #tpu.memory_space<vmem>>, vector<16xi32>,
        tpu.vector_store %arg19[%swap3A_2180], %select_n3A_2169 {strides = array<i32>} : memref<512xi32, #tpu.memory_space<vmem>>, vector<16xi32>,
        "tpu.region"() ({
          %run_scoped3A = tpu.sem_alloc : memref<!tpu.dma_semaphore, #tpu.memory_space<semaphore_mem>>
          %dma_start3A = tpu.memref_slice %arg18[%mul3A_170] : memref<512xi32, #tpu.memory_space<vmem>> -> memref<32xi32, #tpu.memory_space<vmem>>
          %dma_start3A_2184 = tpu.memref_slice %arg28[%mul3A_170] : memref<512xi32, #tpu.memory_space<vmem_shared>> -> memref<32xi32, #tpu.memory_space<vmem_shared>>
          %dma_start3A_2185 = tpu.memref_slice %arg28[%mul3A_170] : memref<512xi32, #tpu.memory_space<vmem_shared>> -> memref<32xi32, #tpu.memory_space<vmem_shared>>
          %dma_start3A_2186 = tpu.memref_slice %arg18[%mul3A_170] : memref<512xi32, #tpu.memory_space<vmem>> -> memref<32xi32, #tpu.memory_space<vmem>>
          tpu.enqueue_dma source(%dma_start3A_2186 : memref<32xi32, #tpu.memory_space<vmem>>) target(%dma_start3A_2185 : memref<32xi32, #tpu.memory_space<vmem_shared>>) target_semaphore(%run_scoped3A : memref<!tpu.dma_semaphore, #tpu.memory_space<semaphore_mem>>)
          %dma_wait3A = tpu.memref_slice %arg18[%mul3A_170] : memref<512xi32, #tpu.memory_space<vmem>> -> memref<32xi32, #tpu.memory_space<vmem>>
          %dma_wait3A_2187 = tpu.memref_slice %arg28[%mul3A_170] : memref<512xi32, #tpu.memory_space<vmem_shared>> -> memref<32xi32, #tpu.memory_space<vmem_shared>>
          %dma_wait3A_2188 = tpu.memref_slice %arg28[%mul3A_170] : memref<512xi32, #tpu.memory_space<vmem_shared>> -> memref<32xi32, #tpu.memory_space<vmem_shared>>
          %dma_wait3A_2189 = tpu.memref_slice %arg18[%mul3A_170] : memref<512xi32, #tpu.memory_space<vmem>> -> memref<32xi32, #tpu.memory_space<vmem>>
          tpu.wait_dma2 semaphore(%run_scoped3A : memref<!tpu.dma_semaphore, #tpu.memory_space<semaphore_mem>>) src(%dma_wait3A_2189 : memref<32xi32, #tpu.memory_space<vmem>>) dst(%dma_wait3A_2188 : memref<32xi32, #tpu.memory_space<vmem_shared>>)
          tpu.yield
        }) : () -> ()
        "tpu.region"() ({
          %run_scoped3A = tpu.sem_alloc : memref<!tpu.dma_semaphore, #tpu.memory_space<semaphore_mem>>
          %dma_start3A = tpu.memref_slice %arg19[%mul3A_170] : memref<512xi32, #tpu.memory_space<vmem>> -> memref<32xi32, #tpu.memory_space<vmem>>
          %dma_start3A_2184 = tpu.memref_slice %arg29[%mul3A_170] : memref<512xi32, #tpu.memory_space<vmem_shared>> -> memref<32xi32, #tpu.memory_space<vmem_shared>>
          %dma_start3A_2185 = tpu.memref_slice %arg29[%mul3A_170] : memref<512xi32, #tpu.memory_space<vmem_shared>> -> memref<32xi32, #tpu.memory_space<vmem_shared>>
          %dma_start3A_2186 = tpu.memref_slice %arg19[%mul3A_170] : memref<512xi32, #tpu.memory_space<vmem>> -> memref<32xi32, #tpu.memory_space<vmem>>
          tpu.enqueue_dma source(%dma_start3A_2186 : memref<32xi32, #tpu.memory_space<vmem>>) target(%dma_start3A_2185 : memref<32xi32, #tpu.memory_space<vmem_shared>>) target_semaphore(%run_scoped3A : memref<!tpu.dma_semaphore, #tpu.memory_space<semaphore_mem>>)
          %dma_wait3A = tpu.memref_slice %arg19[%mul3A_170] : memref<512xi32, #tpu.memory_space<vmem>> -> memref<32xi32, #tpu.memory_space<vmem>>
          %dma_wait3A_2187 = tpu.memref_slice %arg29[%mul3A_170] : memref<512xi32, #tpu.memory_space<vmem_shared>> -> memref<32xi32, #tpu.memory_space<vmem_shared>>
          %dma_wait3A_2188 = tpu.memref_slice %arg29[%mul3A_170] : memref<512xi32, #tpu.memory_space<vmem_shared>> -> memref<32xi32, #tpu.memory_space<vmem_shared>>
          %dma_wait3A_2189 = tpu.memref_slice %arg19[%mul3A_170] : memref<512xi32, #tpu.memory_space<vmem>> -> memref<32xi32, #tpu.memory_space<vmem>>
          tpu.wait_dma2 semaphore(%run_scoped3A : memref<!tpu.dma_semaphore, #tpu.memory_space<semaphore_mem>>) src(%dma_wait3A_2189 : memref<32xi32, #tpu.memory_space<vmem>>) dst(%dma_wait3A_2188 : memref<32xi32, #tpu.memory_space<vmem_shared>>)
          tpu.yield
        }) : () -> ()
        %barrier3A_2182 = arith.constant 0 : index
        tpu.barrier barrier_id(%barrier3A_2182)
        "tpu.region"() ({
          %run_scoped3A = tpu.sem_alloc : memref<!tpu.dma_semaphore, #tpu.memory_space<semaphore_mem>>
          tpu.enqueue_dma source(%arg28 : memref<512xi32, #tpu.memory_space<vmem_shared>>) target(%arg18 : memref<512xi32, #tpu.memory_space<vmem>>) target_semaphore(%run_scoped3A : memref<!tpu.dma_semaphore, #tpu.memory_space<semaphore_mem>>)
          tpu.wait_dma2 semaphore(%run_scoped3A : memref<!tpu.dma_semaphore, #tpu.memory_space<semaphore_mem>>) src(%arg28 : memref<512xi32, #tpu.memory_space<vmem_shared>>) dst(%arg18 : memref<512xi32, #tpu.memory_space<vmem>>)
          tpu.yield
        }) : () -> ()
        "tpu.region"() ({
          %run_scoped3A = tpu.sem_alloc : memref<!tpu.dma_semaphore, #tpu.memory_space<semaphore_mem>>
          tpu.enqueue_dma source(%arg29 : memref<512xi32, #tpu.memory_space<vmem_shared>>) target(%arg19 : memref<512xi32, #tpu.memory_space<vmem>>) target_semaphore(%run_scoped3A : memref<!tpu.dma_semaphore, #tpu.memory_space<semaphore_mem>>)
          tpu.wait_dma2 semaphore(%run_scoped3A : memref<!tpu.dma_semaphore, #tpu.memory_space<semaphore_mem>>) src(%arg29 : memref<512xi32, #tpu.memory_space<vmem_shared>>) dst(%arg19 : memref<512xi32, #tpu.memory_space<vmem>>)
          tpu.yield
        }) : () -> ()
        %scan3A_2183 = arith.constant 0 : i32
        scf.yield %scan3A_2183 : i32
      }
      %scan3A_227 = arith.constant 12 : i32
    } else {
    }
    %scan3A_210 = arith.constant 0 : i32
    %scan3A_211 = arith.constant 0 : i32
    %scan3A_212 = arith.constant 68 : i32
    %scan3A_213 = arith.addi %scan3A_211, %scan3A_212 : i32
    %scan3A_214 = arith.constant 1 : i32
    %scan3A_215 = scf.for %scan3A_221 = %scan3A_211 to %scan3A_213 step %scan3A_214 iter_args(%scan3A_222 = %scan3A_210) -> (i32)  : i32 {
      %mul3A_223 = arith.constant 16 : i32
      %mul3A_224 = arith.muli %scan3A_221, %mul3A_223 : i32
      %get3A_225 = arith.index_cast %mul3A_224 : i32 to index
      %get3A_226 = tpu.vector_load %arg6[%get3A_225] {strides = array<i32>} : memref<1088xi32, #tpu.memory_space<vmem>>, vector<16xi32>,
      %mul3A_227 = arith.constant 16 : i32
      %mul3A_228 = arith.muli %scan3A_221, %mul3A_227 : i32
      %get3A_229 = arith.index_cast %mul3A_228 : i32 to index
      %get3A_230 = tpu.vector_load %arg7[%get3A_229] {strides = array<i32>} : memref<1088xi32, #tpu.memory_space<vmem>>, vector<16xi32>,
      %mul3A_231 = arith.constant 16 : i32
      %mul3A_232 = arith.muli %scan3A_221, %mul3A_231 : i32
      %add3A_233 = arith.addi %mul3A_232, %mul3A_0 : i32
      %add3A_234 = vector.broadcast %add3A_233 : i32 to vector<16xi32>
      %add3A_235 = arith.addi %iota3A, %add3A_234 : vector<16xi32>
      %gather3A = tpu.vector_load_idx %arg11[%get3A_226] : memref<1024xi32, #tpu.memory_space<vmem>>[vector<16xi32>], vector<16xi32>,
      %ge3A = arith.constant 0 : i32
      %ge3A_236 = vector.broadcast %ge3A : i32 to vector<16xi32>
      %ge3A_237 = arith.cmpi sge, %gather3A, %ge3A_236 : vector<16xi32>
      %gather3A_238 = tpu.vector_load_idx %arg18[%gather3A] masked %ge3A_237 : memref<512xi32, #tpu.memory_space<vmem>>[vector<16xi32>], vector<16xi32>, vector<16xi1>
      %gather3A_239 = tpu.vector_load_idx %arg19[%gather3A] masked %ge3A_237 : memref<512xi32, #tpu.memory_space<vmem>>[vector<16xi32>], vector<16xi32>, vector<16xi1>
      %lt3A = arith.cmpi slt, %get3A_230, %gather3A_238 : vector<16xi32>
      %eq3A_240 = arith.cmpi eq, %get3A_230, %gather3A_238 : vector<16xi32>
      %le3A = arith.cmpi sle, %add3A_235, %gather3A_239 : vector<16xi32>
      %and3A = arith.andi %eq3A_240, %le3A : vector<16xi1>
      %or3A = arith.ori %lt3A, %and3A : vector<16xi1>
      %not3A = arith.constant dense<true> : vector<16xi1>
      %not3A_241 = arith.xori %or3A, %not3A : vector<16xi1>
      %and3A_242 = arith.andi %ge3A_237, %not3A_241 : vector<16xi1>
      %jit3A_243 = arith.constant 0.000000e+00 : f32
      %jit3A_244 = arith.constant 1.000000e+00 : f32
      %broadcast_in_dim3A_245 = vector.broadcast %jit3A_243 : f32 to vector<16xf32>
      %broadcast_in_dim3A_246 = vector.broadcast %jit3A_244 : f32 to vector<16xf32>
      %select_n3A_247 = arith.select %and3A_242, %broadcast_in_dim3A_245, %broadcast_in_dim3A_246 : vector<16xi1>, vector<16xf32>
      %mul3A_248 = arith.constant 16 : i32
      %mul3A_249 = arith.muli %scan3A_221, %mul3A_248 : i32
      %swap3A_250 = arith.index_cast %mul3A_249 : i32 to index
      %swap3A_251 = tpu.vector_load %arg9[%swap3A_250] {strides = array<i32>} : memref<1088xf32, #tpu.memory_space<vmem>>, vector<16xf32>,
      tpu.vector_store %arg9[%swap3A_250], %select_n3A_247 {strides = array<i32>} : memref<1088xf32, #tpu.memory_space<vmem>>, vector<16xf32>,
      %scan3A_252 = arith.constant 0 : i32
      scf.yield %scan3A_252 : i32
    }
    %scan3A_216 = arith.constant 68 : i32
    %eq3A = arith.constant 0 : i32
    %eq3A_217 = arith.cmpi eq, %arg0, %eq3A : i32
    %convert_element_type3A_218 = arith.extui %eq3A_217 : i1 to i32
    %cond3A_219 = arith.constant 0 : i32
    %cond3A_220 = arith.cmpi ne, %convert_element_type3A_218, %cond3A_219 : i32
    scf.if %cond3A_220 {
      "tpu.region"() ({
        %run_scoped3A = tpu.sem_alloc : memref<!tpu.dma_semaphore, #tpu.memory_space<semaphore_mem>>
        %dma_start3A = tpu.memref_slice %arg5[%mul3A_0] : memref<17408xf32, #tpu.memory_space<hbm>> -> memref<1088xf32, #tpu.memory_space<hbm>>
        %dma_start3A_221 = tpu.memref_slice %arg5[%mul3A_0] : memref<17408xf32, #tpu.memory_space<hbm>> -> memref<1088xf32, #tpu.memory_space<hbm>>
        tpu.enqueue_dma source(%arg9 : memref<1088xf32, #tpu.memory_space<vmem>>) target(%dma_start3A_221 : memref<1088xf32, #tpu.memory_space<hbm>>) target_semaphore(%run_scoped3A : memref<!tpu.dma_semaphore, #tpu.memory_space<semaphore_mem>>)
        %dma_wait3A = tpu.memref_slice %arg5[%mul3A_0] : memref<17408xf32, #tpu.memory_space<hbm>> -> memref<1088xf32, #tpu.memory_space<hbm>>
        %dma_wait3A_222 = tpu.memref_slice %arg5[%mul3A_0] : memref<17408xf32, #tpu.memory_space<hbm>> -> memref<1088xf32, #tpu.memory_space<hbm>>
        tpu.wait_dma2 semaphore(%run_scoped3A : memref<!tpu.dma_semaphore, #tpu.memory_space<semaphore_mem>>) src(%arg9 : memref<1088xf32, #tpu.memory_space<vmem>>) dst(%dma_wait3A_222 : memref<1088xf32, #tpu.memory_space<hbm>>)
        tpu.yield
      }) : () -> ()
    } else {
    }
    return
  }
}

module attributes {stable_mosaic.version = 14 : i64} {
  func.func @_warm_body(%arg0: i32, %arg1: memref<64x256xf32, #tpu.memory_space<vmem>>, %arg2: memref<64x1000xf32, #tpu.memory_space<vmem>>, %arg3: memref<1x1x256xf32, #tpu.memory_space<vmem>>, %arg4: memref<1x1x256xi32, #tpu.memory_space<vmem>>, %arg5: memref<64x256xf32, #tpu.memory_space<vmem>>) attributes {dimension_semantics = [#tpu.dimension_semantics<arbitrary>], iteration_bounds = array<i64: 4>, scalar_prefetch = 0 : i64, scratch_operands = 0 : i64, tpu.core_type = #tpu.core_type<tc>, window_params = [{transform_indices = @transform_0, window_bounds = array<i64: 64, 256>}, {pipeline_mode = #tpu.pipeline_mode<synchronous>, transform_indices = @transform_1, window_bounds = array<i64: 64, 1000>}, {transform_indices = @transform_2, window_bounds = array<i64: 1, 1, 256>}, {transform_indices = @transform_3, window_bounds = array<i64: 1, 1, 256>}, {transform_indices = @transform_4, window_bounds = array<i64: 64, 256>}]} {
    %get3A = arith.constant 0 : index
    %get3A_0 = arith.constant 0 : index
    %get3A_1 = vector.load %arg1[%get3A, %get3A_0] : memref<64x256xf32, #tpu.memory_space<vmem>>, vector<64x256xf32>
    %get3A_2 = arith.constant 0 : index
    %get3A_3 = arith.constant 0 : index
    %get3A_4 = vector.load %arg2[%get3A_2, %get3A_3] : memref<64x1000xf32, #tpu.memory_space<vmem>>, vector<64x1000xf32>
    %dot_general3A = arith.constant dense<0.000000e+00> : vector<256x1000xf32>
    %dot_general3A_5 = tpu.matmul %get3A_1, %get3A_4, %dot_general3A {dimension_numbers = #tpu.dot_dimension_numbers<[0], [0], [1], [1], [0, 1, 1, 1], [], []>, transpose_lhs_hint = false} : vector<64x256xf32>, vector<64x1000xf32>, vector<256x1000xf32> -> vector<256x1000xf32>
    %reduce_max3A = arith.constant dense<0xFF800000> : vector<256xf32>
    %reduce_max3A_6 = vector.multi_reduction <maximumf>, %dot_general3A_5, %reduce_max3A [1] : vector<256x1000xf32> to vector<256xf32>
    %broadcast_in_dim3A = vector.shape_cast %reduce_max3A_6 : vector<256xf32> to vector<256x1xf32>
    %sub3A = vector.broadcast %broadcast_in_dim3A : vector<256x1xf32> to vector<256x1000xf32>
    %sub3A_7 = arith.subf %dot_general3A_5, %sub3A : vector<256x1000xf32>
    %exp3A = math.exp %sub3A_7 : vector<256x1000xf32>
    %reduce_sum3A = arith.constant dense<0.000000e+00> : vector<256xf32>
    %reduce_sum3A_8 = vector.multi_reduction <add>, %exp3A, %reduce_sum3A [1] : vector<256x1000xf32> to vector<256xf32>
    %broadcast_in_dim3A_9 = vector.shape_cast %reduce_sum3A_8 : vector<256xf32> to vector<256x1xf32>
    %log3A = math.log %broadcast_in_dim3A_9 : vector<256x1xf32>
    %add3A = arith.addf %log3A, %broadcast_in_dim3A : vector<256x1xf32>
    %mul3A = arith.mulf %exp3A, %dot_general3A_5 : vector<256x1000xf32>
    %reduce_sum3A_10 = arith.constant dense<0.000000e+00> : vector<256xf32>
    %reduce_sum3A_11 = vector.multi_reduction <add>, %mul3A, %reduce_sum3A_10 [1] : vector<256x1000xf32> to vector<256xf32>
    %broadcast_in_dim3A_12 = vector.shape_cast %reduce_sum3A_11 : vector<256xf32> to vector<256x1xf32>
    %div3A = arith.divf %broadcast_in_dim3A_12, %broadcast_in_dim3A_9 : vector<256x1xf32>
    %sub3A_13 = arith.subf %add3A, %div3A : vector<256x1xf32>
    %squeeze3A = vector.shape_cast %sub3A_13 : vector<256x1xf32> to vector<256xf32>
    %max3A = arith.constant 0.000000e+00 : f32
    %max3A_14 = vector.broadcast %max3A : f32 to vector<256xf32>
    %max3A_15 = arith.maximumf %squeeze3A, %max3A_14 : vector<256xf32>
    %iota3A = tpu.iota {dimensions = array<i32: 1>} : vector<256x1000xi32>
    %eq3A = vector.broadcast %broadcast_in_dim3A : vector<256x1xf32> to vector<256x1000xf32>
    %eq3A_16 = arith.cmpf oeq, %dot_general3A_5, %eq3A : vector<256x1000xf32>
    %jit3A = arith.constant 1000 : i32
    %broadcast_in_dim3A_17 = vector.broadcast %jit3A : i32 to vector<256x1000xi32>
    %select_n3A = arith.select %eq3A_16, %iota3A, %broadcast_in_dim3A_17 : vector<256x1000xi1>, vector<256x1000xi32>
    %reduce_min3A = arith.constant dense<2147483647> : vector<256xi32>
    %reduce_min3A_18 = vector.multi_reduction <minsi>, %select_n3A, %reduce_min3A [1] : vector<256x1000xi32> to vector<256xi32>
    %reshape3A = vector.shape_cast %max3A_15 : vector<256xf32> to vector<1x1x256xf32>
    %swap3A = arith.constant 0 : index
    %swap3A_19 = arith.constant 0 : index
    %swap3A_20 = arith.constant 0 : index
    %swap3A_21 = vector.load %arg3[%swap3A, %swap3A_19, %swap3A_20] : memref<1x1x256xf32, #tpu.memory_space<vmem>>, vector<1x1x256xf32>
    tpu.vector_store %arg3[%swap3A, %swap3A_19, %swap3A_20], %reshape3A {strides = array<i32>} : memref<1x1x256xf32, #tpu.memory_space<vmem>>, vector<1x1x256xf32>,
    %reshape3A_22 = vector.shape_cast %reduce_min3A_18 : vector<256xi32> to vector<1x1x256xi32>
    %swap3A_23 = arith.constant 0 : index
    %swap3A_24 = arith.constant 0 : index
    %swap3A_25 = arith.constant 0 : index
    %swap3A_26 = vector.load %arg4[%swap3A_23, %swap3A_24, %swap3A_25] : memref<1x1x256xi32, #tpu.memory_space<vmem>>, vector<1x1x256xi32>
    tpu.vector_store %arg4[%swap3A_23, %swap3A_24, %swap3A_25], %reshape3A_22 {strides = array<i32>} : memref<1x1x256xi32, #tpu.memory_space<vmem>>, vector<1x1x256xi32>,
    %mul3A_27 = arith.mulf %get3A_1, %get3A_1 : vector<64x256xf32>
    %reduce_sum3A_28 = arith.constant dense<0.000000e+00> : vector<256xf32>
    %reduce_sum3A_29 = vector.multi_reduction <add>, %mul3A_27, %reduce_sum3A_28 [0] : vector<64x256xf32> to vector<256xf32>
    %broadcast_in_dim3A_30 = vector.shape_cast %reduce_sum3A_29 : vector<256xf32> to vector<1x256xf32>
    %sqrt3A = math.sqrt %broadcast_in_dim3A_30 : vector<1x256xf32>
    %max3A_31 = arith.constant 9.99999996E-13 : f32
    %max3A_32 = vector.broadcast %max3A_31 : f32 to vector<1x256xf32>
    %max3A_33 = arith.maximumf %sqrt3A, %max3A_32 : vector<1x256xf32>
    %div3A_34 = vector.broadcast %max3A_33 : vector<1x256xf32> to vector<64x256xf32>
    %div3A_35 = arith.divf %get3A_1, %div3A_34 : vector<64x256xf32>
    %swap3A_36 = arith.constant 0 : index
    %swap3A_37 = arith.constant 0 : index
    %swap3A_38 = vector.load %arg5[%swap3A_36, %swap3A_37] : memref<64x256xf32, #tpu.memory_space<vmem>>, vector<64x256xf32>
    tpu.vector_store %arg5[%swap3A_36, %swap3A_37], %div3A_35 {strides = array<i32>} : memref<64x256xf32, #tpu.memory_space<vmem>>, vector<64x256xf32>,
    return
  }
  func.func @transform_0(%arg0: i32) -> (i32, i32) {
    %c0_i32 = arith.constant 0 : i32
    %c0_i32_0 = arith.constant 0 : i32
    return %c0_i32, %arg0 : i32, i32
  }
  func.func @transform_1(%arg0: i32) -> (i32, i32) {
    %c0_i32 = arith.constant 0 : i32
    %c0_i32_0 = arith.constant 0 : i32
    %c0_i32_1 = arith.constant 0 : i32
    return %c0_i32, %c0_i32_0 : i32, i32
  }
  func.func @transform_2(%arg0: i32) -> (i32, i32, i32) {
    %c0_i32 = arith.constant 0 : i32
    %c0_i32_0 = arith.constant 0 : i32
    %c0_i32_1 = arith.constant 0 : i32
    return %arg0, %c0_i32, %c0_i32_0 : i32, i32, i32
  }
  func.func @transform_3(%arg0: i32) -> (i32, i32, i32) {
    %c0_i32 = arith.constant 0 : i32
    %c0_i32_0 = arith.constant 0 : i32
    %c0_i32_1 = arith.constant 0 : i32
    return %arg0, %c0_i32, %c0_i32_0 : i32, i32, i32
  }
  func.func @transform_4(%arg0: i32) -> (i32, i32) {
    %c0_i32 = arith.constant 0 : i32
    %c0_i32_0 = arith.constant 0 : i32
    return %c0_i32, %arg0 : i32, i32
  }
}

module attributes {stable_mosaic.version = 14 : i64} {
  func.func @_feat_body(%arg0: i32, %arg1: memref<512x128xf32, #tpu.memory_space<vmem>>, %arg2: memref<128x64xf32, #tpu.memory_space<vmem>>, %arg3: memref<64x1000xf32, #tpu.memory_space<vmem>>, %arg4: memref<512x64xf32, #tpu.memory_space<vmem>>, %arg5: memref<512x64xf32, #tpu.memory_space<vmem>>, %arg6: memref<1x1x512xf32, #tpu.memory_space<vmem>>, %arg7: memref<1x1x512xi32, #tpu.memory_space<vmem>>) attributes {dimension_semantics = [#tpu.dimension_semantics<arbitrary>], iteration_bounds = array<i64: 32>, scalar_prefetch = 0 : i64, scratch_operands = 0 : i64, tpu.core_type = #tpu.core_type<tc>, window_params = [{transform_indices = @transform_0, window_bounds = array<i64: 512, 128>}, {pipeline_mode = #tpu.pipeline_mode<synchronous>, transform_indices = @transform_1, window_bounds = array<i64: 128, 64>}, {pipeline_mode = #tpu.pipeline_mode<synchronous>, transform_indices = @transform_2, window_bounds = array<i64: 64, 1000>}, {transform_indices = @transform_3, window_bounds = array<i64: 512, 64>}, {transform_indices = @transform_4, window_bounds = array<i64: 512, 64>}, {transform_indices = @transform_5, window_bounds = array<i64: 1, 1, 512>}, {transform_indices = @transform_6, window_bounds = array<i64: 1, 1, 512>}]} {
    %get3A = arith.constant 0 : index
    %get3A_0 = arith.constant 0 : index
    %get3A_1 = vector.load %arg1[%get3A, %get3A_0] : memref<512x128xf32, #tpu.memory_space<vmem>>, vector<512x128xf32>
    %get3A_2 = arith.constant 0 : index
    %get3A_3 = arith.constant 0 : index
    %get3A_4 = vector.load %arg2[%get3A_2, %get3A_3] : memref<128x64xf32, #tpu.memory_space<vmem>>, vector<128x64xf32>
    %dot_general3A = arith.constant dense<0.000000e+00> : vector<512x64xf32>
    %dot_general3A_5 = tpu.matmul %get3A_1, %get3A_4, %dot_general3A {dimension_numbers = #tpu.dot_dimension_numbers<[1], [0], [0], [1], [0, 0, 1, 1], [], []>, transpose_lhs_hint = false} : vector<512x128xf32>, vector<128x64xf32>, vector<512x64xf32> -> vector<512x64xf32>
    %get3A_6 = arith.constant 0 : index
    %get3A_7 = arith.constant 0 : index
    %get3A_8 = vector.load %arg3[%get3A_6, %get3A_7] : memref<64x1000xf32, #tpu.memory_space<vmem>>, vector<64x1000xf32>
    %dot_general3A_9 = arith.constant dense<0.000000e+00> : vector<512x1000xf32>
    %dot_general3A_10 = tpu.matmul %dot_general3A_5, %get3A_8, %dot_general3A_9 {dimension_numbers = #tpu.dot_dimension_numbers<[1], [0], [0], [1], [0, 0, 1, 1], [], []>, transpose_lhs_hint = false} : vector<512x64xf32>, vector<64x1000xf32>, vector<512x1000xf32> -> vector<512x1000xf32>
    %reduce_max3A = arith.constant dense<0xFF800000> : vector<512xf32>
    %reduce_max3A_11 = vector.multi_reduction <maximumf>, %dot_general3A_10, %reduce_max3A [1] : vector<512x1000xf32> to vector<512xf32>
    %broadcast_in_dim3A = vector.shape_cast %reduce_max3A_11 : vector<512xf32> to vector<512x1xf32>
    %sub3A = vector.broadcast %broadcast_in_dim3A : vector<512x1xf32> to vector<512x1000xf32>
    %sub3A_12 = arith.subf %dot_general3A_10, %sub3A : vector<512x1000xf32>
    %exp3A = math.exp %sub3A_12 : vector<512x1000xf32>
    %reduce_sum3A = arith.constant dense<0.000000e+00> : vector<512xf32>
    %reduce_sum3A_13 = vector.multi_reduction <add>, %exp3A, %reduce_sum3A [1] : vector<512x1000xf32> to vector<512xf32>
    %broadcast_in_dim3A_14 = vector.shape_cast %reduce_sum3A_13 : vector<512xf32> to vector<512x1xf32>
    %log3A = math.log %broadcast_in_dim3A_14 : vector<512x1xf32>
    %add3A = arith.addf %log3A, %broadcast_in_dim3A : vector<512x1xf32>
    %mul3A = arith.mulf %exp3A, %dot_general3A_10 : vector<512x1000xf32>
    %reduce_sum3A_15 = arith.constant dense<0.000000e+00> : vector<512xf32>
    %reduce_sum3A_16 = vector.multi_reduction <add>, %mul3A, %reduce_sum3A_15 [1] : vector<512x1000xf32> to vector<512xf32>
    %broadcast_in_dim3A_17 = vector.shape_cast %reduce_sum3A_16 : vector<512xf32> to vector<512x1xf32>
    %div3A = arith.divf %broadcast_in_dim3A_17, %broadcast_in_dim3A_14 : vector<512x1xf32>
    %sub3A_18 = arith.subf %add3A, %div3A : vector<512x1xf32>
    %squeeze3A = vector.shape_cast %sub3A_18 : vector<512x1xf32> to vector<512xf32>
    %max3A = arith.constant 0.000000e+00 : f32
    %max3A_19 = vector.broadcast %max3A : f32 to vector<512xf32>
    %max3A_20 = arith.maximumf %squeeze3A, %max3A_19 : vector<512xf32>
    %iota3A = tpu.iota {dimensions = array<i32: 1>} : vector<512x1000xi32>
    %eq3A = vector.broadcast %broadcast_in_dim3A : vector<512x1xf32> to vector<512x1000xf32>
    %eq3A_21 = arith.cmpf oeq, %dot_general3A_10, %eq3A : vector<512x1000xf32>
    %jit3A = arith.constant 1000 : i32
    %broadcast_in_dim3A_22 = vector.broadcast %jit3A : i32 to vector<512x1000xi32>
    %select_n3A = arith.select %eq3A_21, %iota3A, %broadcast_in_dim3A_22 : vector<512x1000xi1>, vector<512x1000xi32>
    %reduce_min3A = arith.constant dense<2147483647> : vector<512xi32>
    %reduce_min3A_23 = vector.multi_reduction <minsi>, %select_n3A, %reduce_min3A [1] : vector<512x1000xi32> to vector<512xi32>
    %swap3A = arith.constant 0 : index
    %swap3A_24 = arith.constant 0 : index
    %swap3A_25 = vector.load %arg4[%swap3A, %swap3A_24] : memref<512x64xf32, #tpu.memory_space<vmem>>, vector<512x64xf32>
    tpu.vector_store %arg4[%swap3A, %swap3A_24], %dot_general3A_5 {strides = array<i32>} : memref<512x64xf32, #tpu.memory_space<vmem>>, vector<512x64xf32>,
    %mul3A_26 = arith.mulf %dot_general3A_5, %dot_general3A_5 : vector<512x64xf32>
    %reduce_sum3A_27 = arith.constant dense<0.000000e+00> : vector<512xf32>
    %reduce_sum3A_28 = vector.multi_reduction <add>, %mul3A_26, %reduce_sum3A_27 [1] : vector<512x64xf32> to vector<512xf32>
    %broadcast_in_dim3A_29 = vector.shape_cast %reduce_sum3A_28 : vector<512xf32> to vector<512x1xf32>
    %sqrt3A = math.sqrt %broadcast_in_dim3A_29 : vector<512x1xf32>
    %max3A_30 = arith.constant 9.99999996E-13 : f32
    %max3A_31 = vector.broadcast %max3A_30 : f32 to vector<512x1xf32>
    %max3A_32 = arith.maximumf %sqrt3A, %max3A_31 : vector<512x1xf32>
    %div3A_33 = vector.broadcast %max3A_32 : vector<512x1xf32> to vector<512x64xf32>
    %div3A_34 = arith.divf %dot_general3A_5, %div3A_33 : vector<512x64xf32>
    %swap3A_35 = arith.constant 0 : index
    %swap3A_36 = arith.constant 0 : index
    %swap3A_37 = vector.load %arg5[%swap3A_35, %swap3A_36] : memref<512x64xf32, #tpu.memory_space<vmem>>, vector<512x64xf32>
    tpu.vector_store %arg5[%swap3A_35, %swap3A_36], %div3A_34 {strides = array<i32>} : memref<512x64xf32, #tpu.memory_space<vmem>>, vector<512x64xf32>,
    %reshape3A = vector.shape_cast %max3A_20 : vector<512xf32> to vector<1x1x512xf32>
    %swap3A_38 = arith.constant 0 : index
    %swap3A_39 = arith.constant 0 : index
    %swap3A_40 = arith.constant 0 : index
    %swap3A_41 = vector.load %arg6[%swap3A_38, %swap3A_39, %swap3A_40] : memref<1x1x512xf32, #tpu.memory_space<vmem>>, vector<1x1x512xf32>
    tpu.vector_store %arg6[%swap3A_38, %swap3A_39, %swap3A_40], %reshape3A {strides = array<i32>} : memref<1x1x512xf32, #tpu.memory_space<vmem>>, vector<1x1x512xf32>,
    %reshape3A_42 = vector.shape_cast %reduce_min3A_23 : vector<512xi32> to vector<1x1x512xi32>
    %swap3A_43 = arith.constant 0 : index
    %swap3A_44 = arith.constant 0 : index
    %swap3A_45 = arith.constant 0 : index
    %swap3A_46 = vector.load %arg7[%swap3A_43, %swap3A_44, %swap3A_45] : memref<1x1x512xi32, #tpu.memory_space<vmem>>, vector<1x1x512xi32>
    tpu.vector_store %arg7[%swap3A_43, %swap3A_44, %swap3A_45], %reshape3A_42 {strides = array<i32>} : memref<1x1x512xi32, #tpu.memory_space<vmem>>, vector<1x1x512xi32>,
    return
  }
  func.func @transform_0(%arg0: i32) -> (i32, i32) {
    %c0_i32 = arith.constant 0 : i32
    %c0_i32_0 = arith.constant 0 : i32
    return %arg0, %c0_i32 : i32, i32
  }
  func.func @transform_1(%arg0: i32) -> (i32, i32) {
    %c0_i32 = arith.constant 0 : i32
    %c0_i32_0 = arith.constant 0 : i32
    %c0_i32_1 = arith.constant 0 : i32
    return %c0_i32, %c0_i32_0 : i32, i32
  }
  func.func @transform_2(%arg0: i32) -> (i32, i32) {
    %c0_i32 = arith.constant 0 : i32
    %c0_i32_0 = arith.constant 0 : i32
    %c0_i32_1 = arith.constant 0 : i32
    return %c0_i32, %c0_i32_0 : i32, i32
  }
  func.func @transform_3(%arg0: i32) -> (i32, i32) {
    %c0_i32 = arith.constant 0 : i32
    %c0_i32_0 = arith.constant 0 : i32
    return %arg0, %c0_i32 : i32, i32
  }
  func.func @transform_4(%arg0: i32) -> (i32, i32) {
    %c0_i32 = arith.constant 0 : i32
    %c0_i32_0 = arith.constant 0 : i32
    return %arg0, %c0_i32 : i32, i32
  }
  func.func @transform_5(%arg0: i32) -> (i32, i32, i32) {
    %c0_i32 = arith.constant 0 : i32
    %c0_i32_0 = arith.constant 0 : i32
    %c0_i32_1 = arith.constant 0 : i32
    return %arg0, %c0_i32, %c0_i32_0 : i32, i32, i32
  }
  func.func @transform_6(%arg0: i32) -> (i32, i32, i32) {
    %c0_i32 = arith.constant 0 : i32
    %c0_i32_0 = arith.constant 0 : i32
    %c0_i32_1 = arith.constant 0 : i32
    return %arg0, %c0_i32, %c0_i32_0 : i32, i32, i32
  }
}

module attributes {stable_mosaic.version = 14 : i64} {
  func.func @_wsum_body(%arg0: i32, %arg1: memref<1088x64xf32, #tpu.memory_space<vmem>>, %arg2: memref<1x1x1088xi32, #tpu.memory_space<vmem>>, %arg3: memref<1x1x1088xf32, #tpu.memory_space<vmem>>, %arg4: memref<64x1000xf32, #tpu.memory_space<vmem>>) attributes {dimension_semantics = [#tpu.dimension_semantics<arbitrary>], iteration_bounds = array<i64: 16>, scalar_prefetch = 0 : i64, scratch_operands = 0 : i64, tpu.core_type = #tpu.core_type<tc>, window_params = [{transform_indices = @transform_0, window_bounds = array<i64: 1088, 64>}, {transform_indices = @transform_1, window_bounds = array<i64: 1, 1, 1088>}, {transform_indices = @transform_2, window_bounds = array<i64: 1, 1, 1088>}, {pipeline_mode = #tpu.pipeline_mode<synchronous>, transform_indices = @transform_3, window_bounds = array<i64: 64, 1000>}]} {
    %get3A = arith.constant 0 : index
    %get3A_0 = arith.constant 0 : index
    %get3A_1 = vector.load %arg1[%get3A, %get3A_0] : memref<1088x64xf32, #tpu.memory_space<vmem>>, vector<1088x64xf32>
    %get3A_2 = arith.constant 0 : index
    %get3A_3 = arith.constant 0 : index
    %get3A_4 = arith.constant 0 : index
    %get3A_5 = vector.load %arg2[%get3A_2, %get3A_3, %get3A_4] : memref<1x1x1088xi32, #tpu.memory_space<vmem>>, vector<1x1x1088xi32>
    %get3A_6 = vector.shape_cast %get3A_5 : vector<1x1x1088xi32> to vector<1088xi32>
    %get3A_7 = arith.constant 0 : index
    %get3A_8 = arith.constant 0 : index
    %get3A_9 = arith.constant 0 : index
    %get3A_10 = vector.load %arg3[%get3A_7, %get3A_8, %get3A_9] : memref<1x1x1088xf32, #tpu.memory_space<vmem>>, vector<1x1x1088xf32>
    %get3A_11 = vector.shape_cast %get3A_10 : vector<1x1x1088xf32> to vector<1088xf32>
    %iota3A = tpu.iota {dimensions = array<i32: 1>} : vector<1088x1000xi32>
    %broadcast_in_dim3A = vector.shape_cast %get3A_6 : vector<1088xi32> to vector<1088x1xi32>
    %eq3A = vector.broadcast %broadcast_in_dim3A : vector<1088x1xi32> to vector<1088x1000xi32>
    %eq3A_12 = arith.cmpi eq, %iota3A, %eq3A : vector<1088x1000xi32>
    %broadcast_in_dim3A_13 = vector.shape_cast %get3A_11 : vector<1088xf32> to vector<1088x1xf32>
    %jit3A = arith.constant 0.000000e+00 : f32
    %broadcast_in_dim3A_14 = vector.shape_cast %broadcast_in_dim3A_13 : vector<1088x1xf32> to vector<1088x1xf32>
    %broadcast_in_dim3A_15 = vector.broadcast %broadcast_in_dim3A_14 : vector<1088x1xf32> to vector<1088x1000xf32>
    %broadcast_in_dim3A_16 = vector.broadcast %jit3A : f32 to vector<1088x1000xf32>
    %select_n3A = arith.select %eq3A_12, %broadcast_in_dim3A_15, %broadcast_in_dim3A_16 : vector<1088x1000xi1>, vector<1088x1000xf32>
    %dot_general3A = arith.constant dense<0.000000e+00> : vector<64x1000xf32>
    %dot_general3A_17 = tpu.matmul %get3A_1, %select_n3A, %dot_general3A {dimension_numbers = #tpu.dot_dimension_numbers<[0], [0], [1], [1], [0, 1, 1, 1], [], []>, transpose_lhs_hint = false} : vector<1088x64xf32>, vector<1088x1000xf32>, vector<64x1000xf32> -> vector<64x1000xf32>
    %eq3A_18 = arith.constant 0 : i32
    %eq3A_19 = arith.cmpi eq, %arg0, %eq3A_18 : i32
    %convert_element_type3A = arith.extui %eq3A_19 : i1 to i32
    %cond3A = arith.constant 0 : i32
    %cond3A_20 = arith.cmpi ne, %convert_element_type3A, %cond3A : i32
    scf.if %cond3A_20 {
      %swap3A = arith.constant 0 : index
      %swap3A_25 = arith.constant 0 : index
      %swap3A_26 = vector.load %arg4[%swap3A, %swap3A_25] : memref<64x1000xf32, #tpu.memory_space<vmem>>, vector<64x1000xf32>
      tpu.vector_store %arg4[%swap3A, %swap3A_25], %dot_general3A_17 {strides = array<i32>} : memref<64x1000xf32, #tpu.memory_space<vmem>>, vector<64x1000xf32>,
    } else {
    }
    %gt3A = arith.constant 0 : i32
    %gt3A_21 = arith.cmpi sgt, %arg0, %gt3A : i32
    %convert_element_type3A_22 = arith.extui %gt3A_21 : i1 to i32
    %cond3A_23 = arith.constant 0 : i32
    %cond3A_24 = arith.cmpi ne, %convert_element_type3A_22, %cond3A_23 : i32
    scf.if %cond3A_24 {
      %get3A_25 = arith.constant 0 : index
      %get3A_26 = arith.constant 0 : index
      %get3A_27 = vector.load %arg4[%get3A_25, %get3A_26] : memref<64x1000xf32, #tpu.memory_space<vmem>>, vector<64x1000xf32>
      %add3A = arith.addf %get3A_27, %dot_general3A_17 : vector<64x1000xf32>
      %swap3A = arith.constant 0 : index
      %swap3A_28 = arith.constant 0 : index
      %swap3A_29 = vector.load %arg4[%swap3A, %swap3A_28] : memref<64x1000xf32, #tpu.memory_space<vmem>>, vector<64x1000xf32>
      tpu.vector_store %arg4[%swap3A, %swap3A_28], %add3A {strides = array<i32>} : memref<64x1000xf32, #tpu.memory_space<vmem>>, vector<64x1000xf32>,
    } else {
    }
    return
  }
  func.func @transform_0(%arg0: i32) -> (i32, i32) {
    %c0_i32 = arith.constant 0 : i32
    %c0_i32_0 = arith.constant 0 : i32
    return %arg0, %c0_i32 : i32, i32
  }
  func.func @transform_1(%arg0: i32) -> (i32, i32, i32) {
    %c0_i32 = arith.constant 0 : i32
    %c0_i32_0 = arith.constant 0 : i32
    %c0_i32_1 = arith.constant 0 : i32
    return %arg0, %c0_i32, %c0_i32_0 : i32, i32, i32
  }
  func.func @transform_2(%arg0: i32) -> (i32, i32, i32) {
    %c0_i32 = arith.constant 0 : i32
    %c0_i32_0 = arith.constant 0 : i32
    %c0_i32_1 = arith.constant 0 : i32
    return %arg0, %c0_i32, %c0_i32_0 : i32, i32, i32
  }
  func.func @transform_3(%arg0: i32) -> (i32, i32) {
    %c0_i32 = arith.constant 0 : i32
    %c0_i32_0 = arith.constant 0 : i32
    %c0_i32_1 = arith.constant 0 : i32
    return %c0_i32, %c0_i32_0 : i32, i32
  }
}

module attributes {stable_mosaic.version = 14 : i64} {
  func.func @_out_body(%arg0: i32, %arg1: memref<512x64xf32, #tpu.memory_space<vmem>>, %arg2: memref<64x1000xf32, #tpu.memory_space<vmem>>, %arg3: memref<512x1000xf32, #tpu.memory_space<vmem>>) attributes {dimension_semantics = [#tpu.dimension_semantics<arbitrary>], iteration_bounds = array<i64: 32>, scalar_prefetch = 0 : i64, scratch_operands = 0 : i64, tpu.core_type = #tpu.core_type<tc>, window_params = [{transform_indices = @transform_0, window_bounds = array<i64: 512, 64>}, {pipeline_mode = #tpu.pipeline_mode<synchronous>, transform_indices = @transform_1, window_bounds = array<i64: 64, 1000>}, {transform_indices = @transform_2, window_bounds = array<i64: 512, 1000>}]} {
    %get3A = arith.constant 0 : index
    %get3A_0 = arith.constant 0 : index
    %get3A_1 = vector.load %arg2[%get3A, %get3A_0] : memref<64x1000xf32, #tpu.memory_space<vmem>>, vector<64x1000xf32>
    %mul3A = arith.mulf %get3A_1, %get3A_1 : vector<64x1000xf32>
    %reduce_sum3A = arith.constant dense<0.000000e+00> : vector<1000xf32>
    %reduce_sum3A_2 = vector.multi_reduction <add>, %mul3A, %reduce_sum3A [0] : vector<64x1000xf32> to vector<1000xf32>
    %broadcast_in_dim3A = vector.shape_cast %reduce_sum3A_2 : vector<1000xf32> to vector<1x1000xf32>
    %sqrt3A = math.sqrt %broadcast_in_dim3A : vector<1x1000xf32>
    %max3A = arith.constant 9.99999996E-13 : f32
    %max3A_3 = vector.broadcast %max3A : f32 to vector<1x1000xf32>
    %max3A_4 = arith.maximumf %sqrt3A, %max3A_3 : vector<1x1000xf32>
    %div3A = vector.broadcast %max3A_4 : vector<1x1000xf32> to vector<64x1000xf32>
    %div3A_5 = arith.divf %get3A_1, %div3A : vector<64x1000xf32>
    %get3A_6 = arith.constant 0 : index
    %get3A_7 = arith.constant 0 : index
    %get3A_8 = vector.load %arg1[%get3A_6, %get3A_7] : memref<512x64xf32, #tpu.memory_space<vmem>>, vector<512x64xf32>
    %dot_general3A = arith.constant dense<0.000000e+00> : vector<512x1000xf32>
    %dot_general3A_9 = tpu.matmul %get3A_8, %div3A_5, %dot_general3A {dimension_numbers = #tpu.dot_dimension_numbers<[1], [0], [0], [1], [0, 0, 1, 1], [], []>, transpose_lhs_hint = false} : vector<512x64xf32>, vector<64x1000xf32>, vector<512x1000xf32> -> vector<512x1000xf32>
    %swap3A = arith.constant 0 : index
    %swap3A_10 = arith.constant 0 : index
    %swap3A_11 = vector.load %arg3[%swap3A, %swap3A_10] : memref<512x1000xf32, #tpu.memory_space<vmem>>, vector<512x1000xf32>
    tpu.vector_store %arg3[%swap3A, %swap3A_10], %dot_general3A_9 {strides = array<i32>} : memref<512x1000xf32, #tpu.memory_space<vmem>>, vector<512x1000xf32>,
    return
  }
  func.func @transform_0(%arg0: i32) -> (i32, i32) {
    %c0_i32 = arith.constant 0 : i32
    %c0_i32_0 = arith.constant 0 : i32
    return %arg0, %c0_i32 : i32, i32
  }
  func.func @transform_1(%arg0: i32) -> (i32, i32) {
    %c0_i32 = arith.constant 0 : i32
    %c0_i32_0 = arith.constant 0 : i32
    %c0_i32_1 = arith.constant 0 : i32
    return %c0_i32, %c0_i32_0 : i32, i32
  }
  func.func @transform_2(%arg0: i32) -> (i32, i32) {
    %c0_i32 = arith.constant 0 : i32
    %c0_i32_0 = arith.constant 0 : i32
    return %arg0, %c0_i32 : i32, i32
  }
}

</mosaic_0001>

<sc_bundles>
// kernel: kernel.7.cloned.1.call-start
scs
__scs_entry_jumppad:
0x0: {  	(pc) =	sbr.rel $0x88, $3  }
0x1: {  	(tag) =	ssettag $0x0;
	lr =	simm.s32 $0x1  }
0x2: {  	[smem:$0x3F9D] =	sst lr;
	_ =	strace $0xD0000000  }
0x3: {  	_ = 	snop  }
0x4: {  	_ = 	snop  }
0x5: {  	_ = 	snop  }
0x6: {  	_ = 	snop  }
0x7: {  	_ = 	snop  }
__scs_overlays_trampoline_lowered:
0x8: {  	[smem:$0x3FAC] =	sst s0  }
0x9: {  	[smem:$0x3FAD] =	sst s1  }
0xa: {  	[smem:$0x3FAE] =	sst s2  }
0xb: {  	[smem:$0x3FAF] =	sst s3  }
0xc: {  	[smem:$0x3FB0] =	sst s4  }
0xd: {  	[smem:$0x3FB1] =	sst s5  }
0xe: {  	[smem:$0x3FB2] =	sst s6  }
0xf: {  	[smem:$0x3FB3] =	sst s7  }
0x10: {  	[smem:$0x3FB4] =	sst s8  }
0x11: {  	[smem:$0x3FB5] =	sst s9;
	s0 =	simm.s32 @!p0 $0x0  }
0x12: {  	s1 =	sld [smem:$0x3F9B];
	s0 =	simm.s32 @p0 $0x1  }
0x13: {  	[smem:$0x3FB6] =	sst s0;
	s0 =	simm.s32 @!p1 $0x0  }
0x14: {  	s2 =	sld [smem:$0x3F9A];
	s0 =	simm.s32 @p1 $0x1  }
0x15: {  	[smem:$0x3FB7] =	sst s0;
	s0 =	simm.s32 @!p2 $0x0  }
0x16: {  	s3 =	sld [smem:$0x3FDB];
	s0 =	simm.s32 @p2 $0x1  }
0x17: {  	s4 =	simm.s32 $0x1BF5;
	[smem:$0x3FB9] =	sst s0  }
0x18: {  	s0 =	sld [smem:$0x3F9C];
	_ =	swait.ge [sflag:s4], $0x0  }
0x19: {  	s7 =	sld [smem:$0x3F9D]  }
0x1a: {  	s8 =	sadd.s32 $0xFFFFE003, lr  }
0x1b: {  	s9 =	sadd.s32 $0xFFFFFEF7, lr;
	s5 =	simm.s32 $0xFFFFFFFF;
	p2 =	slt.u32 s8, $0xFFFFF086  }
0x1c: {  	p1 =	slt.u32 s9, $0xF7A;
	s5 =	simm.s32 @!p2 $0x0  }
0x1d: {  	s5 =	simm.s32 @p1 $0x1;
	p0 =	seq.s32 s7, s2  }
0x1e: {  	s7 =	smul.u32 @!p0 $0xF7A, s2;
	p2 =	seq.s32 @!p0 s5, $0x0  }
0x1f: {  	s9 =	smul.u32 $0xF7A, s1;
	s8 =	simm.s32 @!p0 $0x1BF5;
	p2 =	por !p2, p0  }
0x20: {  	[sflag:s8] =	ssyncset.s32 @!p0 $0xFFFFF086;
	s6 =	sadd.s32 @!p0 s3, s7;
	s7 =	simm.s32 @!p0 $0x108  }
0x21: {  	s3 =	sadd.s32 s3, s9;
	s6 =	sadd.s32 @!p0 $0x88, s6;
	s7 =	simm.s32 @p2 $0x1082  }
0x22: {  	[simem:s7], [sflag:s8] =	dma.local @!p0 [hbm:s6], $0xF7A  }
0x23: {  	s9 =	sor.u32 $0xD0000000, s2;
	s6 =	simm.s32 $0x108;
	_ =	swait.ge @!p0 [sflag:s8], $0x0  }
0x24: {  	s3 =	sadd.s32 $0x88, s3;
	s6 =	simm.s32 @!p1 $0x1082;
	[sflag:s4] =	ssyncset.s32 $0xFFFFF086  }
0x25: {  	[simem:s6], [sflag:s4] =	dma.local [hbm:s3], $0xF7A  }
0x26: {  	[smem:$0x3F9D] =	sst s1;
	(tag) =	ssettag s2;
	_ =	strace s9  }
0x27: {  	s1 =	sld [smem:$0x3FAD]  }
0x28: {  	s2 =	sld [smem:$0x3FAE]  }
0x29: {  	s4 =	sld [smem:$0x3FB0]  }
0x2a: {  	p0 =	seq.s32 s5, $0x0;
	s5 =	sld [smem:$0x3FB1]  }
0x2b: {  	s6 =	sld [smem:$0x3FB2]  }
0x2c: {  	s7 =	sld [smem:$0x3FB3]  }
0x2d: {  	s3 =	simm.s32 $0x108;
	s8 =	sld [smem:$0x3FB4]  }
0x2e: {  	s3 =	simm.s32 @!p0 $0x1082;
	s9 =	sld [smem:$0x3FB5]  }
0x2f: {  	lr =	sadd.s32 s0, s3;
	s0 =	sld [smem:$0x3FAC]  }
0x30: {  	s3 =	sld [smem:$0x3FAF]  }
0x31: {  	[smem:$0x3FB8] =	sst s10  }
0x32: {  	s10 =	sld [smem:$0x3FB6];
	_ =	sdelay $0x3  }
0x33: {  	p0 =	seq.s32 s10, $0x1;
	s10 =	sld [smem:$0x3FB8];
	_ =	sdelay $0x3  }
0x34: {  	[smem:$0x3FB8] =	sst s10  }
0x35: {  	s10 =	sld [smem:$0x3FB7];
	_ =	sdelay $0x3  }
0x36: {  	p1 =	seq.s32 s10, $0x1;
	s10 =	sld [smem:$0x3FB8];
	_ =	sdelay $0x3  }
0x37: {  	[smem:$0x3FB8] =	sst s10  }
0x38: {  	s10 =	sld [smem:$0x3FB9]  }
0x39: {  	_ = 	snop;
	(pc) =	sbr.ind lr, $3  }
0x3a: {  	_ = 	snop  }
0x3b: {  	_ = 	snop  }
0x3c: {  	p2 =	seq.s32 s10, $0x1;
	s10 =	sld [smem:$0x3FB8]  }
0x3d: {  	_ =	shalt  }
0x3e: {  	_ =	shalt  }
0x3f: {  	_ =	shalt  }
0x40: {  	_ =	shalt  }
0x41: {  	_ =	shalt  }
0x42: {  	_ =	shalt  }
0x43: {  	_ =	shalt  }
0x44: {  	_ =	shalt  }
0x45: {  	_ =	shalt  }
0x46: {  	_ =	shalt  }
0x47: {  	_ =	shalt  }
0x48: {  	_ =	shalt  }
0x49: {  	_ =	shalt  }
0x4a: {  	_ =	shalt  }
0x4b: {  	_ =	shalt  }
0x4c: {  	_ =	shalt  }
0x4d: {  	_ =	shalt  }
0x4e: {  	_ =	shalt  }
0x4f: {  	_ =	shalt  }
0x50: {  	_ =	shalt  }
0x51: {  	_ =	shalt  }
0x52: {  	_ =	shalt  }
0x53: {  	_ =	shalt  }
0x54: {  	_ =	shalt  }
0x55: {  	_ =	shalt  }
0x56: {  	_ =	shalt  }
0x57: {  	_ =	shalt  }
0x58: {  	_ =	shalt  }
0x59: {  	_ =	shalt  }
0x5a: {  	_ =	shalt  }
0x5b: {  	_ =	shalt  }
0x5c: {  	_ =	shalt  }
0x5d: {  	_ =	shalt  }
0x5e: {  	_ =	shalt  }
0x5f: {  	_ =	shalt  }
0x60: {  	_ =	shalt  }
0x61: {  	_ =	shalt  }
0x62: {  	_ =	shalt  }
0x63: {  	_ =	shalt  }
0x64: {  	_ =	shalt  }
0x65: {  	_ =	shalt  }
0x66: {  	_ =	shalt  }
0x67: {  	_ =	shalt  }
0x68: {  	_ =	shalt  }
0x69: {  	_ =	shalt  }
0x6a: {  	_ =	shalt  }
0x6b: {  	_ =	shalt  }
0x6c: {  	_ =	shalt  }
0x6d: {  	_ =	shalt  }
0x6e: {  	_ =	shalt  }
0x6f: {  	_ =	shalt  }
0x70: {  	_ =	shalt  }
0x71: {  	_ =	shalt  }
0x72: {  	_ =	shalt  }
0x73: {  	_ =	shalt  }
0x74: {  	_ =	shalt  }
0x75: {  	_ =	shalt  }
0x76: {  	_ =	shalt  }
0x77: {  	_ =	shalt  }
0x78: {  	_ =	shalt  }
0x79: {  	_ =	shalt  }
0x7a: {  	_ =	shalt  }
0x7b: {  	_ =	shalt  }
0x7c: {  	_ =	shalt  }
0x7d: {  	_ =	shalt  }
0x7e: {  	_ =	shalt  }
0x7f: {  	_ =	shalt  }
0x80: {  	_ =	shalt  }
0x81: {  	_ =	shalt  }
0x82: {  	_ =	shalt  }
0x83: {  	_ =	shalt  }
0x84: {  	_ =	shalt  }
0x85: {  	_ =	shalt  }
0x86: {  	_ =	shalt  }
0x87: {  	_ =	shalt  }
.Lfunc_end0:
.L_simem_size_0:
called_computation_lowered:
.L_overlay_start_0:
0x88: {  	s2 =	sld [smem:$0x3FD9]  }
0x89: {  	s3 =	sld [smem:$0x3FFE];
	_ =	sdelay $0x1  }
0x8a: {  	s1 =	srdreg.scid  }
0x8b: {  	s0 =	sand.u32 $0x1, s1  }
0x8c: {  	s17 =	sshll.u32 s0, $0xA;
	s2 =	sadd.s32 s3, s2  }
0x8d: {  	s2 =	sadd.s32 s2, s17  }
0x8e: {  	[smem:$0x3FC4] =	sst s2  }
0x8f: {  	_ = 	snop  }
0x90: {  	s2 =	sld [smem:$0x3FD0];
	(tm) =	ssettm $0x1  }
0x91: {  	s18 =	sld [smem:$0x3FFB];
	_ =	sdelay $0x3  }
0x92: {  	_ =	strace s18  }
0x93: {  	s3 =	sld [smem:$0x3FFC];
	_ =	sdelay $0x3  }
0x94: {  	_ =	strace s3  }
0x95: {  	s3 =	sld [smem:$0x3FFD];
	_ =	sdelay $0x3  }
0x96: {  	_ =	strace s3  }
0x97: {  	_ =	strace $0x8FFFFFFF  }
0x98: {  	s19 =	sld [smem:$0x3FDB];
	_ =	sdelay $0x1  }
0x99: {  	s4 =	simm.s32 $_scs_section_size  }
0x9a: {  	s5 =	simm.s32 $_size__tile_overlayer_lowered;
	s6 =	simm.s32 $_tile_overlayer_lowered  }
0x9b: {  	s22 =	simm.s32 $0x1BFF;
	s21 =	sshll.u32 s6, $0x1;
	s3 =	sadd.s32 s4, s19  }
0x9c: {  	s7 =	simm.s32 $0x0;
	s20 =	sshll.u32 s5, $0x1;
	s5 =	sadd.s32 s21, s3  }
0x9d: {  	[timem:s7], [sflag:s22] =	dma.local [hbm:s5], s20  }
0x9e: {  	_ =	swait.ge [sflag:s22], s20  }
0x9f: {  	s4 =	ssub.s32 $0x0, s20;
	[sflag:s22] =	ssyncset.done $0x0  }
0xa0: {  	[sflag:s22] =	ssyncadd.s32 s4;
	_ =	sdelay $0x1  }
0xa1: {  	s23 =	simm.s32 $0x1B8B  }
0xa2: {  	_ =	swait.ge [sflag:s23], $0x1  }
0xa3: {  	[sflag:s23] =	ssyncset.done $0x0  }
0xa4: {  	s25 =	simm.s32 $0x1B8E;
	s24 =	sld [smem:$0x3FFE];
	[sflag:s23] =	ssyncadd.s32 $0xFFFFFFFF  }
0xa5: {  	s26 =	simm.s32 $execute0_lowered;
	[smem:$0x3FD2] =	sst s25  }
0xa6: {  	s5 =	sshll.u32 s26, $0x1;
	_ =	strace $0x80000046;
	[dreg:$0x1] =	wrdreg $0xFFFFFFFF  }
0xa7: {  	s28 =	simm.s32 $_size_execute0_lowered;
	s3 =	sadd.s32 s3, s5;
	[dreg:$0x0] =	wrdreg $0x0  }
0xa8: {  	s5 =	sshll.u32 s28, $0x1;
	[dreg:$0x2] =	wrdreg s3  }
0xa9: {  	[dreg:$0x3] =	wrdreg s5  }
0xaa: {  	[dreg:$0x4] =	wrdreg $0xC0  }
0xab: {  	_ =	task [dreg:s7], $0x5FFFF  }
0xac: {  	[dreg:$0x1] =	wrdreg $0xFFFFFFFF  }
0xad: {  	[dreg:$0x0] =	wrdreg $0x60  }
0xae: {  	[dreg:$0x2] =	wrdreg s2  }
0xaf: {  	[dreg:$0x3] =	wrdreg s24  }
0xb0: {  	[dreg:$0x4] =	wrdreg $0x78000  }
0xb1: {  	[dreg:$0x5] =	wrdreg $0x74000  }
0xb2: {  	[dreg:$0x6] =	wrdreg $0x78100  }
0xb3: {  	[dreg:$0x7] =	wrdreg $0x98500  }
0xb4: {  	[dreg:$0x8] =	wrdreg $0x98700  }
0xb5: {  	[dreg:$0x9] =	wrdreg $0x78500  }
0xb6: {  	[dreg:$0xa] =	wrdreg $0x9  }
0xb7: {  	_ =	task.clear_ibuf [dreg:s7], $0xBFFFF;
	_ =	strace $0x90000046  }
0xb8: {  	s29 =	simm.s32 $0x9;
	_ =	strace $0x80000048  }
0xb9: {  	_ =	swait.ge [sflag:s29], $0x1  }
0xba: {  	[sflag:s29] =	ssyncadd.s32 $0xFFFFFFFF  }
0xbb: {  	_ =	strace $0x90000048  }
0xbc: {  	_ =	sfence  }
0xbd: {  	s30 =	sld [smem:$0x0];
	_ =	sdelay $0x2  }
0xbe: {  	s31 =	sshll.u32 s1, $0xD;
	s1 =	sshrl.u32 s1, $0x2  }
0xbf: {  	s3 =	sand.u32 $0x4000, s31;
	s1 =	sadd.s32 s1, s30  }
0xc0: {  	s0 =	sor.u32 s3, s0;
	s1 =	sshll.u32 s1, $0x11  }
0xc1: {  	s0 =	sor.u32 s1, s0  }
0xc2: {  	s0 =	sadd.s32 $0x8F2B, s0  }
0xc3: {  	[sflag:s0] =	ssyncadd.remote.s32 $0x1  }
0xc4: {  	_ =	sfence.sel $0xFFFF  }
0xc5: {  	[dreg:$0x0] =	wrdreg $0xFFFFFFFF;
	(pc) =	sbr.abs _section_cstart, $3  }
0xc6: {  	[dreg:$0x1] =	wrdreg $0xFFFFFFFF  }
0xc7: {  	_ =	task.clear_ibuf [dreg:s7], $0x2FFFF;
	_ =	strace $0x9FFFFFFF  }
0xc8: {  	(tm) =	ssettm $0x7FFFFFFF  }
0xc9: {  	_ =	shalt  }
tec
execute0_lowered:
.L_overlay_start_1:
0x0: {  	(tag) =	ssettag $0x1  }
0x1: {  	s0 =	rddreg [dreg:$0x0]  }
0x2: {  	s1 =	rddreg [dreg:$0x1]  }
0x3: {  	s10 =	rddreg [dreg:$0x2]  }
0x4: {  	s2 =	rddreg [dreg:$0x3]  }
0x5: {  	s11 =	rddreg [dreg:$0x4]  }
0x6: {  	s12 =	rddreg [dreg:$0x5]  }
0x7: {  	s13 =	rddreg [dreg:$0x6]  }
0x8: {  	s3 =	rddreg [dreg:$0x7];
	s16 =	simm.s32 $0x0  }
0x9: {  	s14 =	stileid.u32;
	s4 =	srdreg.scid;
	s29 =	simm.s32 $0x1  }
0xa: {  	s31 =	simm.s32 $0x1600;
	s28 =	simm.s32 $0x6E80;
	s30 =	simm.s32 $0x2A80  }
0xb: {  	[smem:$0x7FF] =	sst s16;
	s15 =	smul.u32 $0x440, s14;
	s4 =	sand.u32 $0x1, s4  }
0xc: {  	s5 =	sadd.s32 $0x1600, s1;
	s8 =	sshrl.u32 s14, $0x3;
	s19 =	sshll.u32 s14, $0x7  }
0xd: {  	s23 =	sshll.u32 s14, $0x9;
	s24 =	sshll.u32 s14, $0x6;
	p1 =	seq.s32 s14, $0xF  }
0xe: {  	p2 =	sgt.u32 s14, $0x1;
	p3 =	seq.s32 s14, $0x0;
	_ =	strace $0x80000047  }
0xf: {  	[dreg:$0xa] =	wrdreg s5;
	s6 =	ssub.s32 $0x2, s4;
	s9 =	sshll.u32 s8, $0xD  }
0x10: {  	s20 =	sand.u32 $0x380, s19;
	s25 =	sand.u32 $0x1C00, s23;
	s17 =	sand.u32 $0x40, s24  }
0x11: {  	[dreg:$0xe] =	wrdreg s24;
	p0 =	sne.s32 s4, $0x0;
	s18 =	sshrl.u32 s15, $0x3  }
0x12: {  	s7 =	sshrl.u32 s6, $0x1;
	s21 =	sadd.s32 s9, s2;
	[dreg:$0x9] =	wrdreg s15  }
0x13: {  	s9 =	sadd.s32 s24, s11;
	s11 =	sshll.u32 s8, $0x10;
	[dreg:$0xf] =	wrdreg s17  }
0x14: {  	s1 =	sadd.s32 s18, s1;
	s6 =	ssub.s32 s6, s7;
	s0 =	sadd.s32 s0, s18  }
0x15: {  	s5 =	sadd.s32 s20, s21;
	s7 =	sadd.s32 s25, s2;
	[dreg:$0x13] =	wrdreg s9  }
0x16: {  	s18 =	sshll.u32 s14, $0xC;
	s2 =	simm.s32 $0x0;
	[dreg:$0xb] =	wrdreg s0  }
0x17: {  	s22 =	sadd.s32 $0xC00, s1;
	[dreg:$0xd] =	wrdreg s5;
	s0 =	sadd.s32 s20, s3  }
0x18: {  	s5 =	sshrl.u32 s23, $0x2;
	[dreg:$0x10] =	wrdreg s7;
	s0 =	sadd.s32 s11, s0  }
0x19: {  	s21 =	sadd.s32 s18, s3;
	[dreg:$0x15] =	wrdreg s0;
	s0 =	simm.s32 @!p1 $0x0  }
0x1a: {  	[dreg:$0xc] =	wrdreg s22;
	s0 =	simm.s32 @p1 $0x1;
	p1 =	sgt.u32 s14, $0xD  }
0x1b: {  	s23 =	sadd.s32 $0x1800, s1;
	[smem:$0x7F2] =	sst s0;
	s0 =	simm.s32 @!p1 $0x0  }
0x1c: {  	[dreg:$0x19] =	wrdreg s23;
	s0 =	simm.s32 @p1 $0x1;
	p1 =	sgt.u32 s14, $0xC  }
0x1d: {  	s26 =	sadd.s32 s5, s10;
	[smem:$0x7F3] =	sst s0;
	s0 =	simm.s32 @!p1 $0x0  }
0x1e: {  	[dreg:$0x11] =	wrdreg s26;
	s0 =	simm.s32 @p1 $0x1;
	p1 =	sgt.u32 s14, $0xB  }
0x1f: {  	s5 =	sadd.s32 $0x1600, s24;
	[smem:$0x7F4] =	sst s0;
	s0 =	simm.s32 @!p1 $0x0  }
0x20: {  	[dreg:$0x12] =	wrdreg s5;
	s0 =	simm.s32 @p1 $0x1;
	p1 =	sgt.u32 s14, $0xA  }
0x21: {  	s24 =	smax.u32 s6, $0x1;
	[smem:$0x7F5] =	sst s0;
	s0 =	simm.s32 @!p1 $0x0  }
0x22: {  	[dreg:$0x1a] =	wrdreg s24;
	s0 =	simm.s32 @p1 $0x1;
	p1 =	sgt.u32 s14, $0x9  }
0x23: {  	s10 =	sshll.u32 s14, $0x5;
	[smem:$0x7F6] =	sst s0;
	s0 =	simm.s32 @!p1 $0x0  }
0x24: {  	[dreg:$0x14] =	wrdreg s10;
	s0 =	simm.s32 @p1 $0x1;
	p1 =	sgt.u32 s14, $0x8  }
0x25: {  	s19 =	sadd.s32 $0x6C80, s10;
	[smem:$0x7F7] =	sst s0;
	s0 =	simm.s32 @!p1 $0x0  }
0x26: {  	[dreg:$0x16] =	wrdreg s19;
	s0 =	simm.s32 @p1 $0x1;
	p1 =	sgt.u32 s14, $0x7  }
0x27: {  	s20 =	sadd.s32 $0x6E80, s10;
	[smem:$0x7F8] =	sst s0;
	s0 =	simm.s32 @!p1 $0x0  }
0x28: {  	[dreg:$0x17] =	wrdreg s20;
	s0 =	simm.s32 @p1 $0x1;
	p1 =	sgt.u32 s14, $0x6  }
0x29: {  	s22 =	sor.u32 $0x10, s10;
	[smem:$0x7F9] =	sst s0;
	s0 =	simm.s32 @!p1 $0x0  }
0x2a: {  	[dreg:$0x18] =	wrdreg s22;
	s0 =	simm.s32 @p1 $0x1;
	p1 =	sgt.u32 s14, $0x5  }
0x2b: {  	s25 =	sadd.s32 s10, s12;
	[smem:$0x7FA] =	sst s0;
	s0 =	simm.s32 @!p1 $0x0  }
0x2c: {  	v1 =	vimm.s32 $0x0;
	v2 =	vimm.s32 $0x1;
	v3 =	vlaneseq.u32;
	[dreg:$0x1b] =	wrdreg s25;
	s0 =	simm.s32 @p1 $0x1;
	p1 =	sgt.u32 s14, $0x4  }
0x2d: {  	vm0 =	vcmask $0x3F3C;
	v5 =	vimm.f32 $1.000000000e+00;
	vm5 =	vcmask $0xF0C;
	s26 =	sadd.s32 s10, s13;
	[smem:$0x7FB] =	sst s0;
	s0 =	simm.s32 @!p1 $0x0  }
0x2e: {  	vm6 =	vcmask $0x1310;
	vm7 =	vcmask $0x1714;
	vm8 =	vcmask $0x1B18;
	[dreg:$0x1c] =	wrdreg s26;
	s0 =	simm.s32 @p1 $0x1;
	p1 =	sgt.u32 s14, $0x3  }
0x2f: {  	vm9 =	vcmask $0x1F1C;
	vm10 =	vcmask $0x2320;
	vm11 =	vcmask $0x2724;
	s3 =	simm.s32 $0x1200;
	[smem:$0x7FC] =	sst s0;
	s0 =	simm.s32 @!p1 $0x0  }
0x30: {  	vm12 =	vcmask $0x2B28;
	vm13 =	vcmask $0x2F2C;
	vm14 =	vcmask $0x3330;
	s20 =	simm.s32 $0x480;
	s25 =	simm.s32 $0x7380;
	s0 =	simm.s32 @p1 $0x1  }
0x31: {  	vm15 =	vcmask $0x3734;
	v4 =	vor.u32 $0x80000000, v3;
	v0 =	vmov s15;
	s26 =	simm.s32 $0x6C80;
	p1 =	sgt.u32 s14, $0x2;
	[smem:$0x7FD] =	sst s0  }
.LBB2_1:
0x32: {  	s0 =	rddreg [dreg:$0xb]  }
0x33: {  	[tilespmem:s16], [sflag:$0x1] =	stream.linear.gather [hbm4b:s0+s16], $0x440, $0x38;
	[tilespmem:$0x9890] =	vst v63  }
0x34: {  	_ =	swait.ge [sflag:s29], $0x440  }
0x35: {  	[sflag:s29] =	ssyncset.done $0x0  }
0x36: {  	s23 =	rddreg [dreg:$0xc];
	[sflag:s29] =	ssyncadd.s32 $0xFFFFFBC0  }
0x37: {  	[tilespmem:s20], [sflag:$0x1] =	stream.linear.gather [hbm4b:s23+s16], $0x440, $0x38;
	[tilespmem:$0x9890] =	vst v63  }
0x38: {  	_ =	swait.ge [sflag:s29], $0x440  }
0x39: {  	[sflag:s29] =	ssyncset.done $0x0  }
0x3a: {  	s1 =	simm.s32 $0x7280;
	s24 =	rddreg [dreg:$0xa];
	[sflag:s29] =	ssyncadd.s32 $0xFFFFFBC0  }
0x3b: {  	[tilespmem:s1], [sflag:$0x1] =	stream.linear.gather [hbm4b:s24+s16], $0x80, $0x38;
	[tilespmem:$0x9890] =	vst v63  }
0x3c: {  	_ =	swait.ge [sflag:s29], $0x80  }
0x3d: {  	[sflag:s29] =	ssyncset.done $0x0  }
0x3e: {  	[sflag:s29] =	ssyncadd.s32 $0xFFFFFF80  }
0x3f: {  	s0 =	simm.s32 $0x40;
	s1 =	simm.s32 $0x0;
	v6 =	vld [tilespmem:$0x7280]  }
.LBB2_2:
0x40: {  	p4 =	sne.s32 s0, $0xFC0;
	[tilespmem:s1+$0x1200] =	vst v1;
	s1 =	smov.u32 s0;
	s0 =	sadd.s32 $0x40, s0  }
.Ltmp0:
0x41: {  	(pc) =	sbr.rel @p4 .LBB2_2-.Ltmp0, $2  }
0x42: {  	_ =	sdelay $0x2  }
0x43: {  	s1 =	sshra.s32 s1, $0x2  }
0x44: {  	[dreg:$0x1d] =	wrdreg s2;
	[tilespmem:s1+$0x1200] =	vst v1;
	s0 =	simm.s32 $0x40;
	s1 =	simm.s32 $0x0  }
.LBB2_4:
0x45: {  	p4 =	sne.s32 s0, $0x1100;
	[tilespmem:s1+$0x900] =	vst v1;
	s1 =	smov.u32 s0;
	s0 =	sadd.s32 $0x40, s0  }
.Ltmp1:
0x46: {  	(pc) =	sbr.rel @p4 .LBB2_4-.Ltmp1, $2  }
0x47: {  	_ =	sdelay $0x2  }
0x48: {  	s1 =	sshra.s32 s1, $0x2  }
0x49: {  	[tilespmem:s1+$0x900] =	vst v1;
	s0 =	simm.s32 $0x0  }
0x4a: {  	v7 =	vld [tilespmem:s0+$0x0];
	_ =	sdelay $0x4  }
0x4b: {  	v7 =	vxor.u32 $0x80000000, v7  }
0x4c: {  	(xrf1) =	vsort.ascd.msk.u32 $0xffff, v7, v2;
	_ =	sdelay $0xd  }
0x4d: {  	v7, v8, _ =	vpop (xrf1)  }
0x4e: {  	v7 =	vxor.u32 $0x80000000, v7  }
0x4f: {  	[tilespmem:$0x7308] =	vst v7  }
0x50: {  	v9 =	vld [tilespmem:$0x7307];
	_ =	sdelay $0x4  }
0x51: {  	vm1 =	veq.s32 v7, v9  }
0x52: {  	v9 =	vsel vm1, $0x80000000, v4  }
0x53: {  	(xrf0) =	vmax.scan.msk.u32 $0xffff, v9;
	_ =	sdelay $0x3  }
0x54: {  	(xrf0) =	vadd.scan.msk.s32 $0xffff, v8;
	_ =	sdelay $0x1  }
0x55: {  	v8, _, _ =	vpop (xrf0)  }
0x56: {  	v10 =	vld [tilespmem:$0x7309];
	v8 =	vxor.u32 $0x80000000, v8;
	_ =	sdelay $0x2  }
0x57: {  	[tilespmem:$0x7380] =	vst v1;
	v9, _, _ =	vpop (xrf0)  }
0x58: {  	[tilespmem:$0x7381] =	vst v9  }
0x59: {  	vm1 =	vne.s32 v7, v10;
	v8 =	vld.idx.msk [tilespmem:v8+s25+$0x0], $0xffff  }
0x5a: {  	vm1 =	vmor vm1, vm0;
	_ =	sdelay $0x3  }
0x5b: {  	s1 =	simm.s32 $0x40;
	s2 =	simm.s32 $0x80;
	v8 =	vsub.s32 v9, v8  }
.LBB2_6:
0x5c: {  	p4 =	sne.s32 s2, $0x10C0  }
0x5d: {  	s0 =	sshra.s32 s1, $0x2;
	[tilespmem:v7+s3+$0x0] =	vst.idx.add.s32.msk vm1, v8;
	s1 =	smov.u32 s2;
	s2 =	sadd.s32 $0x40, s2  }
0x5e: {  	v7 =	vld [tilespmem:s0+$0x0];
	_ =	sdelay $0x4  }
0x5f: {  	v7 =	vxor.u32 $0x80000000, v7  }
0x60: {  	(xrf1) =	vsort.ascd.msk.u32 $0xffff, v7, v2;
	_ =	sdelay $0xd  }
0x61: {  	v7, v8, _ =	vpop (xrf1)  }
0x62: {  	v7 =	vxor.u32 $0x80000000, v7  }
0x63: {  	[tilespmem:$0x7308] =	vst v7  }
0x64: {  	v9 =	vld [tilespmem:$0x7307];
	_ =	sdelay $0x4  }
0x65: {  	vm1 =	veq.s32 v7, v9  }
0x66: {  	v9 =	vsel vm1, $0x80000000, v4  }
0x67: {  	(xrf0) =	vmax.scan.msk.u32 $0xffff, v9;
	_ =	sdelay $0x3  }
0x68: {  	(xrf0) =	vadd.scan.msk.s32 $0xffff, v8;
	_ =	sdelay $0x1  }
0x69: {  	v8, _, _ =	vpop (xrf0)  }
0x6a: {  	v9 =	vld [tilespmem:$0x7309];
	v8 =	vxor.u32 $0x80000000, v8;
	_ =	sdelay $0x2  }
0x6b: {  	[tilespmem:$0x7380] =	vst v1;
	v10, _, _ =	vpop (xrf0)  }
0x6c: {  	[tilespmem:$0x7381] =	vst v10  }
0x6d: {  	vm1 =	vne.s32 v7, v9;
	v8 =	vld.idx.msk [tilespmem:v8+s25+$0x0], $0xffff  }
0x6e: {  	vm1 =	vmor vm1, vm0  }
.Ltmp2:
0x6f: {  	(pc) =	sbr.rel @p4 .LBB2_6-.Ltmp2, $2  }
0x70: {  	_ =	sdelay $0x2  }
0x71: {  	v8 =	vsub.s32 v10, v8  }
0x72: {  	_ =	sdelay $0x4  }
0x73: {  	s0 =	sshra.s32 s1, $0x2;
	[tilespmem:v7+s3+$0x0] =	vst.idx.add.s32.msk vm1, v8  }
0x74: {  	v7 =	vld [tilespmem:s0+$0x0];
	_ =	sdelay $0x4  }
0x75: {  	v7 =	vxor.u32 $0x80000000, v7  }
0x76: {  	(xrf1) =	vsort.ascd.msk.u32 $0xffff, v7, v2;
	_ =	sdelay $0xd  }
0x77: {  	v7, v8, _ =	vpop (xrf1)  }
0x78: {  	v7 =	vxor.u32 $0x80000000, v7  }
0x79: {  	[tilespmem:$0x7308] =	vst v7  }
0x7a: {  	v9 =	vld [tilespmem:$0x7307];
	_ =	sdelay $0x4  }
0x7b: {  	vm1 =	veq.s32 v7, v9  }
0x7c: {  	v9 =	vsel vm1, $0x80000000, v4  }
0x7d: {  	(xrf0) =	vmax.scan.msk.u32 $0xffff, v9;
	_ =	sdelay $0x3  }
0x7e: {  	(xrf0) =	vadd.scan.msk.s32 $0xffff, v8;
	_ =	sdelay $0x1  }
0x7f: {  	v63 =	vld [tilespmem:$0x7309];
	v8, _, _ =	vpop (xrf0)  }
0x80: {  	v8 =	vxor.u32 $0x80000000, v8;
	_ =	sdelay $0x2  }
0x81: {  	[tilespmem:$0x7380] =	vst v1;
	v10, _, _ =	vpop (xrf0)  }
0x82: {  	vm1 =	vne.s32 v7, v63;
	[tilespmem:$0x7381] =	vst v10  }
0x83: {  	vm1 =	vmor vm1, vm0;
	v8 =	vld.idx.msk [tilespmem:v8+s25+$0x0], $0xffff;
	_ =	sdelay $0x4  }
0x84: {  	s19 =	rddreg [dreg:$0xd];
	v8 =	vsub.s32 v10, v8  }
0x85: {  	s22 =	simm.s32 $0x80;
	s2 =	simm.s32 $0x400;
	s0 =	simm.s32 $0x0;
	[tilespmem:v7+s3+$0x0] =	vst.idx.add.s32.msk vm1, v8  }
0x86: {  	[spmem:s19] =	stream.strided.scatter [tilespmem:s3], [sflag:$0x1], $0x400, s2, s22, $0x38;
	[tilespmem:$0x9890] =	vst v63  }
0x87: {  	s23 =	sand.u32 $0x2000, s0;
	_ =	swait.ge [sflag:s29], $0x400  }
0x88: {  	s24 =	sand.u32 $0x380, s0;
	s1 =	sadd.s32 s23, s7;
	[sflag:s29] =	ssyncset.done $0x0  }
0x89: {  	s2 =	sadd.s32 s24, s1;
	[sflag:s29] =	ssyncadd.s32 $0xFFFFFC00  }
0x8a: {  	s1 =	simm.s32 $0x1A00;
	s2 =	sadd.s32 s17, s2;
	[bflag:$0x0] =	sbarrier.arrive $0xFFFF  }
0x8b: {  	[tilespmem:s1], [sflag:$0x1] =	stream.linear.gather [spmem:s2], $0x40, $0x38;
	[tilespmem:$0x9890] =	vst v63  }
0x8c: {  	s2 =	simm.s32 $0x400  }
.LBB2_8:
0x8d: {  	s3 =	sand.u32 $0x2000, s2;
	s0 =	sadd.s32 $0x80, s0;
	p4 =	sne.s32 s2, $0x3C00  }
.Ltmp3:
0x8e: {  	s4 =	sand.u32 $0x380, s0;
	s3 =	sadd.s32 s3, s7;
	(pc) =	sbr.rel @p4 .LBB2_8-.Ltmp3, $4  }
0x8f: {  	s3 =	sadd.s32 s4, s3;
	_ =	swait.ge [sflag:s29], $0x40  }
0x90: {  	s1 =	sadd.s32 $0x80, s1;
	s3 =	sadd.s32 s17, s3;
	[sflag:s29] =	ssyncset.done $0x0  }
0x91: {  	s2 =	sadd.s32 $0x400, s2;
	[sflag:s29] =	ssyncadd.s32 $0xFFFFFFC0  }
0x92: {  	[tilespmem:s1], [sflag:$0x1] =	stream.linear.gather [spmem:s3], $0x40, $0x38;
	[tilespmem:$0x9890] =	vst v63  }
0x93: {  	_ =	swait.ge [sflag:s29], $0x40  }
0x94: {  	[sflag:s29] =	ssyncset.done $0x0  }
0x95: {  	[sflag:s29] =	ssyncadd.s32 $0xFFFFFFC0  }
0x96: {  	v7 =	vld [tilespmem:$0x1A00]  }
0x97: {  	v8 =	vld [tilespmem:$0x1A80]  }
0x98: {  	v9 =	vld [tilespmem:$0x1B00]  }
0x99: {  	v10 =	vld [tilespmem:$0x1B80]  }
0x9a: {  	v11 =	vld [tilespmem:$0x1C00]  }
0x9b: {  	v12 =	vld [tilespmem:$0x1C80]  }
0x9c: {  	v13 =	vld [tilespmem:$0x1D00]  }
0x9d: {  	v14 =	vld [tilespmem:$0x1D80]  }
0x9e: {  	v15 =	vld [tilespmem:$0x1E00]  }
0x9f: {  	v16 =	vld [tilespmem:$0x1E80]  }
0xa0: {  	v17 =	vld [tilespmem:$0x1F00]  }
0xa1: {  	v18 =	vld [tilespmem:$0x1F80]  }
0xa2: {  	v19 =	vld [tilespmem:$0x2000]  }
0xa3: {  	v20 =	vld [tilespmem:$0x2080]  }
0xa4: {  	v21 =	vld [tilespmem:$0x2100]  }
0xa5: {  	v22 =	vld [tilespmem:$0x2180]  }
0xa6: {  	v23 =	vld [tilespmem:$0x1A10]  }
0xa7: {  	v24 =	vld [tilespmem:$0x1A90]  }
0xa8: {  	v25 =	vld [tilespmem:$0x1B10]  }
0xa9: {  	v26 =	vld [tilespmem:$0x1B90]  }
0xaa: {  	v27 =	vld [tilespmem:$0x1C10]  }
0xab: {  	v28 =	vld [tilespmem:$0x1C90]  }
0xac: {  	v29 =	vld [tilespmem:$0x1D10]  }
0xad: {  	v30 =	vld [tilespmem:$0x1D90]  }
0xae: {  	v31 =	vld [tilespmem:$0x1E10]  }
0xaf: {  	v32 =	vld [tilespmem:$0x1E90]  }
0xb0: {  	v33 =	vld [tilespmem:$0x1F10]  }
0xb1: {  	v34 =	vld [tilespmem:$0x1F90]  }
0xb2: {  	v35 =	vld [tilespmem:$0x2010]  }
0xb3: {  	v36 =	vld [tilespmem:$0x2090]  }
0xb4: {  	v37 =	vld [tilespmem:$0x2110]  }
0xb5: {  	v38 =	vld [tilespmem:$0x1A20]  }
0xb6: {  	v39 =	vld [tilespmem:$0x1A30]  }
0xb7: {  	v40 =	vld [tilespmem:$0x1AB0]  }
0xb8: {  	v41 =	vld [tilespmem:$0x1B30]  }
0xb9: {  	v42 =	vld [tilespmem:$0x1BB0]  }
0xba: {  	v43 =	vld [tilespmem:$0x1C30]  }
0xbb: {  	v44 =	vld [tilespmem:$0x1CB0]  }
0xbc: {  	v62 =	vld [tilespmem:$0x1D30]  }
0xbd: {  	v63 =	vld [tilespmem:$0x1DB0]  }
0xbe: {  	v48 =	vld [tilespmem:$0x1E30]  }
0xbf: {  	v49 =	vld [tilespmem:$0x1EB0]  }
0xc0: {  	v45 =	vld [tilespmem:$0x1AA0]  }
0xc1: {  	v50 =	vld [tilespmem:$0x1F30]  }
0xc2: {  	v55 =	vld [tilespmem:$0x1B20]  }
0xc3: {  	v56 =	vld [tilespmem:$0x1BA0]  }
0xc4: {  	v51 =	vld [tilespmem:$0x1FB0]  }
0xc5: {  	v57 =	vld [tilespmem:$0x1C20];
	v39 =	vadd.s32 v39, v40;
	v7 =	vadd.s32 v7, v8;
	v38 =	vadd.s32 v38, v45  }
0xc6: {  	v58 =	vld [tilespmem:$0x1CA0];
	v23 =	vadd.s32 v23, v24;
	v39 =	vadd.s32 v39, v41;
	v7 =	vadd.s32 v7, v9  }
0xc7: {  	v8 =	vld [tilespmem:$0x1D20];
	v60 =	vadd.s32 v38, v55;
	v23 =	vadd.s32 v23, v25;
	v38 =	vbroadcast v6, $0x0  }
0xc8: {  	v52 =	vld [tilespmem:$0x2030];
	v39 =	vadd.s32 v39, v42;
	v7 =	vadd.s32 v7, v10;
	v24 =	vadd.s32 v60, v56  }
0xc9: {  	v59 =	vld [tilespmem:$0x1DA0];
	v23 =	vadd.s32 v23, v26;
	v39 =	vadd.s32 v39, v43;
	v7 =	vadd.s32 v7, v11  }
0xca: {  	v61 =	vld [tilespmem:$0x1E20];
	v24 =	vadd.s32 v24, v57;
	v23 =	vadd.s32 v23, v27;
	v39 =	vadd.s32 v39, v44  }
0xcb: {  	v53 =	vld [tilespmem:$0x20B0];
	v7 =	vadd.s32 v7, v12;
	v24 =	vadd.s32 v24, v58;
	v23 =	vadd.s32 v23, v28  }
0xcc: {  	v54 =	vld [tilespmem:$0x2130];
	v39 =	vadd.s32 v39, v62;
	v7 =	vadd.s32 v7, v13;
	v8 =	vadd.s32 v24, v8  }
0xcd: {  	v62 =	vld [tilespmem:$0x1EA0];
	v23 =	vadd.s32 v23, v29;
	v39 =	vadd.s32 v39, v63;
	v7 =	vadd.s32 v7, v14  }
0xce: {  	v63 =	vld [tilespmem:$0x1F20];
	v8 =	vadd.s32 v8, v59;
	v29 =	vadd.s32 v23, v30;
	v39 =	vadd.s32 v39, v48  }
0xcf: {  	v27 =	vld [tilespmem:$0x1FA0];
	v7 =	vadd.s32 v7, v15;
	v8 =	vadd.s32 v8, v61;
	v9 =	vadd.s32 v29, v31  }
0xd0: {  	v28 =	vld [tilespmem:$0x2020];
	v39 =	vadd.s32 v39, v49;
	v7 =	vadd.s32 v7, v16;
	v9 =	vadd.s32 v9, v32  }
0xd1: {  	v30 =	vld [tilespmem:$0x2190];
	v39 =	vadd.s32 v39, v50;
	v7 =	vadd.s32 v7, v17;
	v9 =	vadd.s32 v9, v33  }
0xd2: {  	v31 =	vld [tilespmem:$0x20A0];
	v39 =	vadd.s32 v39, v51;
	v8 =	vadd.s32 v8, v62;
	v7 =	vadd.s32 v7, v18  }
0xd3: {  	v32 =	vld [tilespmem:$0x2120];
	v9 =	vadd.s32 v9, v34;
	v39 =	vadd.s32 v39, v52;
	v8 =	vadd.s32 v8, v63  }
0xd4: {  	v33 =	vld [tilespmem:$0x21A0];
	v7 =	vadd.s32 v7, v19;
	v9 =	vadd.s32 v9, v35;
	v39 =	vadd.s32 v39, v53  }
0xd5: {  	v34 =	vld [tilespmem:$0x21B0];
	v8 =	vadd.s32 v8, v27;
	v7 =	vadd.s32 v7, v20;
	v9 =	vadd.s32 v9, v36  }
0xd6: {  	v39 =	vadd.s32 v39, v54;
	v8 =	vadd.s32 v8, v28;
	v7 =	vadd.s32 v7, v21  }
0xd7: {  	v9 =	vadd.s32 v9, v37;
	v8 =	vadd.s32 v8, v31;
	v7 =	vadd.s32 v7, v22  }
0xd8: {  	v9 =	vadd.s32 v9, v30;
	v8 =	vadd.s32 v8, v32;
	vm4 =	vgt.s32 v7, v38  }
0xd9: {  	vm1 =	vgt.s32 v9, v38;
	v7 =	vadd.s32 v8, v33;
	v8 =	vsel vm4, $0x1, v1  }
0xda: {  	v40 =	vadd.s32 v39, v34;
	(xrf0) =	vadd.scan.msk.s32 $0xffff, v8;
	v8 =	vsel vm1, $0x1, v1;
	vm2 =	vgt.s32 v7, v38  }
0xdb: {  	vm3 =	vgt.s32 v40, v38;
	(xrf0) =	vadd.scan.msk.s32 $0xffff, v8;
	v7 =	vsel vm2, $0x1, v1  }
0xdc: {  	(xrf0) =	vadd.scan.msk.s32 $0xffff, v7;
	v7 =	vsel vm3, $0x1, v1  }
0xdd: {  	(xrf0) =	vadd.scan.msk.s32 $0xffff, v7;
	_ =	sdelay $0x2  }
0xde: {  	v7, _, _ =	vpop (xrf0)  }
0xdf: {  	v8, _, _ =	vpop (xrf0);
	(v2sf) =	vpush v7, $0xF  }
0xe0: {  	v41, _, _ =	vpop (xrf0);
	(v2sf) =	vpush v8, $0xF  }
0xe1: {  	(v2sf) =	vpush v41, $0xF;
	v42, _, _ =	vpop (xrf0)  }
0xe2: {  	(v2sf) =	vpush v42, $0xF;
	_ =	sdelay $0xb  }
0xe3: {  	s0 =	spop (v2sf)  }
0xe4: {  	s1 =	spop (v2sf)  }
0xe5: {  	s23 =	sadd.s32 s0, s1;
	s9 =	spop (v2sf)  }
0xe6: {  	s22 =	sadd.s32 s23, s9;
	s10 =	spop (v2sf)  }
0xe7: {  	s0 =	sadd.s32 s22, s10  }
0xe8: {  	v43 =	vmov s0  }
0xe9: {  	s12 =	simm.s32 $0x2200;
	s11 =	rddreg [dreg:$0x11];
	[tilespmem:$0x2200] =	vst v43  }
0xea: {  	[spmem:s11] =	stream.linear.scatter [tilespmem:s12], [sflag:$0x1], $0x80, $0x38;
	[tilespmem:$0x9890] =	vst v63  }
0xeb: {  	_ =	swait.ge [sflag:s29], $0x80  }
0xec: {  	[sflag:s29] =	ssyncset.done $0x0  }
0xed: {  	[sflag:s29] =	ssyncadd.s32 $0xFFFFFF80  }
0xee: {  	[bflag:$0x0] =	sbarrier.arrive $0xFFFF  }
0xef: {  	s14 =	simm.s32 $0x2280;
	s13 =	rddreg [dreg:$0x2]  }
0xf0: {  	[tilespmem:s14], [sflag:$0x1] =	stream.linear.gather [spmem:s13], $0x800, $0x38;
	[tilespmem:$0x9890] =	vst v63  }
0xf1: {  	_ =	swait.ge [sflag:s29], $0x800  }
0xf2: {  	[sflag:s29] =	ssyncset.done $0x0  }
0xf3: {  	[sflag:s29] =	ssyncadd.s32 $0xFFFFF800  }
0xf4: {  	v44 =	vld [tilespmem:$0x2280]  }
0xf5: {  	v45 =	vld [tilespmem:$0x2300]  }
0xf6: {  	v46 =	vld [tilespmem:$0x2380]  }
0xf7: {  	v47 =	vld [tilespmem:$0x2400]  }
0xf8: {  	v48 =	vld [tilespmem:$0x2480]  }
0xf9: {  	v49 =	vld [tilespmem:$0x2500];
	(v2sf) =	vpush v44, $0x0  }
0xfa: {  	(v2sf) =	vpush v45, $0x0  }
0xfb: {  	v50 =	vld [tilespmem:$0x2580];
	(v2sf) =	vpush v46, $0x0  }
0xfc: {  	(v2sf) =	vpush v47, $0x0  }
0xfd: {  	v51 =	vld [tilespmem:$0x2600];
	(v2sf) =	vpush v48, $0x0  }
0xfe: {  	v52 =	vld [tilespmem:$0x2680];
	(v2sf) =	vpush v49, $0x0;
	_ =	sdelay $0x1  }
0xff: {  	(v2sf) =	vpush v50, $0x0  }
0x100: {  	v53 =	vld [tilespmem:$0x2700]  }
0x101: {  	s15 =	sld [smem:$0x7FD];
	v54 =	vld [tilespmem:$0x2780];
	(v2sf) =	vpush v51, $0x0  }
0x102: {  	s17 =	sld [smem:$0x7FC];
	(v2sf) =	vpush v52, $0x0  }
0x103: {  	s18 =	sld [smem:$0x7FB];
	v55 =	vld [tilespmem:$0x2800]  }
0x104: {  	s19 =	sld [smem:$0x7FA]  }
0x105: {  	s24 =	sld [smem:$0x7F9];
	v56 =	vld [tilespmem:$0x2880];
	(v2sf) =	vpush v53, $0x0  }
0x106: {  	s9 =	sld [smem:$0x7F8];
	(v2sf) =	vpush v54, $0x0  }
0x107: {  	s14 =	sld [smem:$0x7F7];
	p4 =	seq.s32 s15, $0x1;
	s1 =	spop (v2sf)  }
0x108: {  	s15 =	sld [smem:$0x7F6];
	(v2sf) =	vpush v55, $0x0;
	s2 =	spop (v2sf);
	s3 =	smov.u32 s1  }
0x109: {  	v57 =	vld [tilespmem:$0x2900];
	s4 =	spop (v2sf);
	s5 =	smov.u32 s2;
	s3 =	simm.s32 @p3 $0x0  }
0x10a: {  	v58 =	vld [tilespmem:$0x2980];
	(v2sf) =	vpush v56, $0x0;
	s6 =	spop (v2sf);
	s5 =	simm.s32 @!p2 $0x0;
	s8 =	smov.u32 s4  }
0x10b: {  	s0 =	spop (v2sf);
	s3 =	sadd.s32 s3, s5;
	s8 =	simm.s32 @!p1 $0x0  }
0x10c: {  	s5 =	smov.u32 s6;
	s7 =	spop (v2sf);
	s3 =	sadd.s32 s3, s8  }
0x10d: {  	s5 =	simm.s32 @!p4 $0x0;
	s8 =	smov.u32 s0;
	p4 =	seq.s32 s17, $0x1  }
0x10e: {  	(v2sf) =	vpush v57, $0x0;
	s10 =	spop (v2sf);
	s3 =	sadd.s32 s3, s5;
	s8 =	simm.s32 @!p4 $0x0  }
0x10f: {  	(v2sf) =	vpush v58, $0x0;
	s5 =	smov.u32 s7;
	p4 =	seq.s32 s18, $0x1;
	s18 =	sld [smem:$0x7F5]  }
0x110: {  	s11 =	spop (v2sf);
	s3 =	sadd.s32 s3, s8;
	s5 =	simm.s32 @!p4 $0x0  }
0x111: {  	s8 =	smov.u32 s10;
	p4 =	seq.s32 s19, $0x1;
	s13 =	spop (v2sf)  }
0x112: {  	s3 =	sadd.s32 s3, s5;
	s8 =	simm.s32 @!p4 $0x0;
	s5 =	smov.u32 s11  }
0x113: {  	p4 =	seq.s32 s24, $0x1;
	s24 =	sld [smem:$0x7F4];
	s3 =	sadd.s32 s3, s8  }
0x114: {  	s5 =	simm.s32 @!p4 $0x0;
	s8 =	smov.u32 s13;
	s12 =	spop (v2sf)  }
0x115: {  	p4 =	seq.s32 s9, $0x1;
	s19 =	spop (v2sf);
	s3 =	sadd.s32 s3, s5  }
0x116: {  	s8 =	simm.s32 @!p4 $0x0;
	s9 =	smov.u32 s12;
	p4 =	seq.s32 s14, $0x1  }
0x117: {  	s14 =	sld [smem:$0x7F3];
	s17 =	spop (v2sf);
	s3 =	sadd.s32 s3, s8  }
0x118: {  	(v2sf) =	vpush v6, $0x0;
	s9 =	simm.s32 @!p4 $0x0;
	s8 =	smov.u32 s19;
	p4 =	seq.s32 s15, $0x1  }
0x119: {  	s5 =	spop (v2sf);
	s3 =	sadd.s32 s3, s9;
	s8 =	simm.s32 @!p4 $0x0  }
0x11a: {  	s9 =	smov.u32 s17;
	p4 =	seq.s32 s18, $0x1;
	s8 =	sadd.s32 s3, s8  }
0x11b: {  	s9 =	simm.s32 @!p4 $0x0;
	s18 =	smov.u32 s5;
	p4 =	seq.s32 s24, $0x1  }
0x11c: {  	s18 =	simm.s32 @!p4 $0x0;
	p4 =	seq.s32 s14, $0x1;
	s14 =	sld [smem:$0x7F2]  }
0x11d: {  	s15 =	spop (v2sf);
	s8 =	sadd.s32 s8, s9  }
0x11e: {  	s9 =	smov.u32 s15;
	s3 =	spop (v2sf);
	s8 =	sadd.s32 s8, s18  }
0x11f: {  	v59 =	vbroadcast v7, $0xF;
	v6 =	vsel vm4, $0xFFFFFFFF, v1;
	s9 =	simm.s32 @!p4 $0x0;
	s18 =	smov.u32 s3;
	p4 =	seq.s32 s14, $0x1  }
0x120: {  	v61 =	vsel vm3, $0xFFFFFFFF, v1;
	v6 =	vadd.s32 v6, v7;
	v7 =	vsel vm1, $0xFFFFFFFF, v1;
	s8 =	sadd.s32 s8, s9;
	s18 =	simm.s32 @!p4 $0x0  }
0x121: {  	v60 =	vsel vm2, $0xFFFFFFFF, v1;
	v63 =	vadd.s32 s22, v61;
	v7 =	vadd.s32 v7, v59;
	s8 =	sadd.s32 s8, s18  }
0x122: {  	v7 =	vadd.s32 v8, v7;
	v8 =	vadd.s32 s23, v60;
	v6 =	vadd.s32 s8, v6  }
0x123: {  	v8 =	vadd.s32 v41, v8;
	s18 =	rddreg [dreg:$0xe];
	v7 =	vadd.s32 s8, v7;
	v62 =	vnsel vm4, $0xFFFFFFFF, v6  }
0x124: {  	v9 =	vadd.s32 v42, v63;
	v8 =	vadd.s32 s8, v8;
	v6 =	vld [tilespmem:$0x2A00];
	v7 =	vnsel vm1, $0xFFFFFFFF, v7;
	[tilespmem:s18+$0x1600] =	vst v62  }
0x125: {  	[tilespmem:s18+$0x1610] =	vst v7;
	v7 =	vnsel vm2, $0xFFFFFFFF, v8;
	v8 =	vadd.s32 s8, v9  }
0x126: {  	s23 =	rddreg [dreg:$0x12];
	[tilespmem:s18+$0x1620] =	vst v7;
	v7 =	vnsel vm3, $0xFFFFFFFF, v8  }
0x127: {  	s24 =	rddreg [dreg:$0x13];
	s22 =	spop (v2sf);
	[tilespmem:s18+$0x1630] =	vst v7  }
0x128: {  	[spmem:s24] =	stream.linear.scatter [tilespmem:s23], [sflag:$0x1], $0x40, $0x38;
	[tilespmem:$0x9890] =	vst v63  }
0x129: {  	_ =	swait.ge [sflag:s29], $0x40  }
0x12a: {  	s8 =	sadd.s32 $0xFFFFFFFF, s22;
	[sflag:s29] =	ssyncset.done $0x0  }
0x12b: {  	v7 =	vmov s8;
	s18 =	rddreg [dreg:$0x14];
	[sflag:s29] =	ssyncadd.s32 $0xFFFFFFC0  }
0x12c: {  	[tilespmem:s18+$0x7080] =	vst v7  }
0x12d: {  	[tilespmem:s18+$0x6C80] =	vst v1  }
0x12e: {  	s22 =	rddreg [dreg:$0x18];
	[tilespmem:s18+$0x6E80] =	vst v1  }
0x12f: {  	[tilespmem:s22+$0x7080] =	vst v7  }
0x130: {  	s23 =	rddreg [dreg:$0x16];
	[tilespmem:s22+$0x6C80] =	vst v1  }
0x131: {  	s24 =	rddreg [dreg:$0x1b];
	[tilespmem:s22+$0x6E80] =	vst v1  }
0x132: {  	[spmem:s24] =	stream.linear.scatter [tilespmem:s23], [sflag:$0x1], $0x20, $0x38;
	[tilespmem:$0x9890] =	vst v63  }
0x133: {  	_ =	swait.ge [sflag:s29], $0x20  }
0x134: {  	[sflag:s29] =	ssyncset.done $0x0;
	s14 =	rddreg [dreg:$0x17]  }
0x135: {  	s18 =	rddreg [dreg:$0x1c];
	[sflag:s29] =	ssyncadd.s32 $0xFFFFFFE0  }
0x136: {  	[spmem:s18] =	stream.linear.scatter [tilespmem:s14], [sflag:$0x1], $0x20, $0x38;
	[tilespmem:$0x9890] =	vst v63  }
0x137: {  	_ =	swait.ge [sflag:s29], $0x20  }
0x138: {  	[sflag:s29] =	ssyncset.done $0x0  }
0x139: {  	[sflag:s29] =	ssyncadd.s32 $0xFFFFFFE0  }
0x13a: {  	[bflag:$0x0] =	sbarrier.arrive $0xFFFF  }
0x13b: {  	s22 =	rddreg [dreg:$0x4]  }
0x13c: {  	[tilespmem:s31], [sflag:$0x1] =	stream.linear.gather [spmem:s22], $0x400, $0x38;
	[tilespmem:$0x9890] =	vst v63  }
0x13d: {  	_ =	swait.ge [sflag:s29], $0x400  }
0x13e: {  	[sflag:s29] =	ssyncset.done $0x0  }
0x13f: {  	[sflag:s29] =	ssyncadd.s32 $0xFFFFFC00  }
0x140: {  	s23 =	rddreg [dreg:$0x5]  }
0x141: {  	[tilespmem:s26], [sflag:$0x1] =	stream.linear.gather [spmem:s23], $0x200, $0x38;
	[tilespmem:$0x9890] =	vst v63  }
0x142: {  	_ =	swait.ge [sflag:s29], $0x200  }
0x143: {  	[sflag:s29] =	ssyncset.done $0x0  }
0x144: {  	[sflag:s29] =	ssyncadd.s32 $0xFFFFFE00  }
0x145: {  	s24 =	rddreg [dreg:$0x6]  }
0x146: {  	[tilespmem:s28], [sflag:$0x1] =	stream.linear.gather [spmem:s24], $0x200, $0x38;
	[tilespmem:$0x9890] =	vst v63  }
0x147: {  	_ =	swait.ge [sflag:s29], $0x200  }
0x148: {  	[sflag:s29] =	ssyncset.done $0x0  }
0x149: {  	s22 =	simm.s32 $0x0;
	[sflag:s29] =	ssyncadd.s32 $0xFFFFFE00  }
0x14a: {  	v7 =	vld [tilespmem:s22+$0x0];
	_ =	sdelay $0x7  }
0x14b: {  	v7 =	vld.idx.msk [tilespmem:v7+s31+$0x0], $0xffff;
	_ =	sdelay $0x4  }
0x14c: {  	vm1 =	vgt.s32 v7, $0xFFFFFFFF  }
0x14d: {  	v8 =	vsel vm1, $0x1, v1  }
0x14e: {  	(xrf0) =	vadd.scan.msk.s32 $0xffff, v8;
	_ =	sdelay $0x2  }
0x14f: {  	v7 =	vor.u32 s22, v3  }
0x150: {  	s23 =	simm.s32 $0x10;
	[tilespmem:s22+$0x900] =	vst.msk vm1, v7  }
0x151: {  	s9 =	simm.s32 $0x10;
	s8 =	simm.s32 $0x20;
	v7 =	vld [tilespmem:s23+$0x0]  }
.LBB2_10:
0x152: {  	p4 =	sne.s32 s8, $0x430;
	v8, _, _ =	vpop (xrf0)  }
0x153: {  	(v2sf) =	vpush v8, $0xF;
	_ =	sdelay $0x5  }
0x154: {  	v7 =	vld.idx.msk [tilespmem:v7+s31+$0x0], $0xffff;
	_ =	sdelay $0x5  }
0x155: {  	vm1 =	vgt.s32 v7, $0xFFFFFFFF  }
0x156: {  	v7 =	vsel vm1, $0x1, v1  }
0x157: {  	(xrf0) =	vadd.scan.msk.s32 $0xffff, v7  }
.Ltmp4:
0x158: {  	s18 =	spop (v2sf);
	(pc) =	sbr.rel @p4 .LBB2_10-.Ltmp4, $4  }
0x159: {  	v7 =	vor.u32 s23, v3;
	s23 =	smov.u32 s8;
	s22 =	sadd.s32 s22, s18  }
0x15a: {  	[tilespmem:s22+$0x900] =	vst.msk vm1, v7  }
0x15b: {  	s9 =	sadd.s32 $0x10, s9  }
0x15c: {  	s8 =	sadd.s32 $0x10, s8;
	v7 =	vld [tilespmem:s9+$0x0]  }
0x15d: {  	_ =	sdelay $0x7  }
0x15e: {  	v7 =	vld.idx.msk [tilespmem:v7+s31+$0x0], $0xffff;
	_ =	sdelay $0x4  }
0x15f: {  	vm1 =	vgt.s32 v7, $0xFFFFFFFF  }
0x160: {  	v7 =	vsel vm1, $0x1, v1  }
0x161: {  	(xrf0) =	vadd.scan.msk.s32 $0xffff, v7;
	_ =	sdelay $0x4  }
0x162: {  	v7, _, _ =	vpop (xrf0)  }
0x163: {  	(v2sf) =	vpush v7, $0xF;
	v7, _, _ =	vpop (xrf0)  }
0x164: {  	(v2sf) =	vpush v7, $0xF  }
0x165: {  	(v2sf) =	vpush v6, $0x0;
	_ =	sdelay $0x1  }
0x166: {  	s1 =	sadd.s32 s1, s2  }
0x167: {  	s1 =	sadd.s32 s1, s4  }
0x168: {  	s1 =	sadd.s32 s1, s6  }
0x169: {  	s0 =	sadd.s32 s1, s0  }
0x16a: {  	s0 =	sadd.s32 s0, s7  }
0x16b: {  	s0 =	sadd.s32 s0, s10  }
0x16c: {  	s0 =	sadd.s32 s0, s11  }
0x16d: {  	s0 =	sadd.s32 s0, s13  }
0x16e: {  	s0 =	sadd.s32 s0, s12  }
0x16f: {  	s0 =	sadd.s32 s0, s19  }
0x170: {  	s0 =	sadd.s32 s0, s17  }
0x171: {  	s0 =	sadd.s32 s0, s5;
	s18 =	spop (v2sf)  }
0x172: {  	s0 =	sadd.s32 s0, s15;
	s19 =	spop (v2sf)  }
0x173: {  	s0 =	sadd.s32 s0, s3;
	s24 =	spop (v2sf)  }
0x174: {  	s0 =	sadd.s32 s0, s24  }
0x175: {  	p4 =	slt.s32 s0, $0x1  }
.Ltmp5:
0x176: {  	_ = 	snop;
	(pc) =	sbr.rel @p4 .LBB2_25-.Ltmp5, $3  }
0x177: {  	_ =	sdelay $0x1  }
0x178: {  	v6 =	vor.u32 s23, v3;
	s1 =	sadd.s32 s22, s18  }
0x179: {  	[tilespmem:s1+$0x900] =	vst.msk vm1, v6;
	s0 =	sadd.s32 s1, s19  }
0x17a: {  	s1 =	sadd.s32 $0xF, s0  }
0x17b: {  	s2 =	sand.u32 $0xF, s1  }
0x17c: {  	s24 =	sshra.s32 s1, $0x1F;
	p5 =	slt.s32 s1, $0x1;
	p4 =	sne.s32 s2, $0x0  }
0x17d: {  	s2 =	sshrl.u32 s24, $0x1C;
	p4 =	por !p5, !p4  }
0x17e: {  	s1 =	sadd.s32 s2, s1;
	s2 =	simm.s32 $0x1;
	p4 =	por !p4, !p4  }
0x17f: {  	s1 =	sshra.s32 s1, $0x4;
	s2 =	simm.s32 @!p4 $0x0  }
0x180: {  	s1 =	ssub.s32 s1, s2  }
0x181: {  	v6 =	vmov s0;
	s3 =	simm.s32 $0x0;
	[dreg:$0x1e] =	wrdreg s1;
	p4 =	slt.s32 s1, $0x1  }
.LBB2_13:
0x182: {  	s0 =	simm.s32 $0x40;
	s1 =	simm.s32 $0x0  }
.LBB2_14:
0x183: {  	p5 =	sne.s32 s0, $0x7FC0;
	[tilespmem:s1+$0x2A80] =	vst v1;
	s1 =	smov.u32 s0;
	s0 =	sadd.s32 $0x40, s0  }
.Ltmp6:
0x184: {  	(pc) =	sbr.rel @p5 .LBB2_14-.Ltmp6, $2  }
0x185: {  	_ =	sdelay $0x2  }
0x186: {  	s1 =	sshra.s32 s1, $0x2  }
.Ltmp7:
0x187: {  	(pc) =	sbr.rel @p4 .LBB2_18-.Ltmp7, $4  }
0x188: {  	_ = 	snop  }
0x189: {  	p5 =	slt.u32 s3, $0x8;
	s2 =	simm.s32 $0x1C  }
0x18a: {  	s0 =	sshll.u32 s3, $0x2;
	s2 =	simm.s32 @!p5 $0x2C  }
0x18b: {  	[dreg:$0x1f] =	wrdreg s3;
	[tilespmem:s1+$0x2A80] =	vst v1;
	s24 =	ssub.s32 s2, s0  }
0x18c: {  	s1 =	ssub.s32 $0x20, s0  }
0x18d: {  	p6 =	sgt.s32 s1, $0x0  }
0x18e: {  	s23 =	ssub.s32 $0x30, s0;
	s1 =	simm.s32 @!p6 $0x0  }
0x18f: {  	s0 =	smin.u32 s23, $0x1F;
	s1 =	smin.u32 s1, $0x1F  }
0x190: {  	v9 =	vmov s24;
	s2 =	rddreg [dreg:$0x1e];
	v8 =	vmov s0;
	s0 =	simm.s32 $0x900;
	v7 =	vmov s1;
	s1 =	simm.s32 $0x0  }
.LBB2_17:
0x191: {  	v10 =	vld [tilespmem:s0+$0x0]  }
0x192: {  	v11 =	vor.u32 s1, v3  }
0x193: {  	vm1 =	vlt.s32 v11, v6;
	_ =	sdelay $0x5  }
0x194: {  	v11 =	vld.idx.msk [tilespmem:v10+s16+$0x0], vm1;
	_ =	sdelay $0x7  }
0x195: {  	v11 =	vld.idx.msk [tilespmem:v11+s31+$0x0], vm1;
	_ =	sdelay $0x6  }
0x196: {  	v12 =	vld.idx.msk [tilespmem:v10+s20+$0x0], vm1  }
0x197: {  	v13 =	vld.idx.msk [tilespmem:v11+s26+$0x0], vm1  }
0x198: {  	v14 =	vld.idx.msk [tilespmem:v11+s28+$0x0], vm1;
	_ =	sdelay $0x1  }
0x199: {  	v10 =	vadd.s32 v0, v10  }
0x19a: {  	v15 =	vshra.s32 v12, v7;
	v12 =	vpsel p5, v12, v10  }
0x19b: {  	v10 =	vshra.s32 v10, v8;
	v12 =	vshra.s32 v12, v9  }
0x19c: {  	v11 =	vshll.u32 v11, $0x4;
	v13 =	vshra.s32 v13, v7;
	v60 =	vshra.s32 v14, v8  }
0x19d: {  	vm2 =	veq.s32 v15, v13;
	vm3 =	veq.s32 v10, v60;
	v10 =	vand.u32 $0xF, v12  }
0x19e: {  	vm2 =	vmand vm2, vm3;
	v10 =	vor.u32 v11, v10  }
0x19f: {  	vm1 =	vmand vm1, vm2;
	v10 =	vxor.u32 $0x80000000, v10  }
0x1a0: {  	v11 =	vsel vm1, $0x1, v1;
	v10 =	vnsel vm1, $0x80001FFF, v10  }
0x1a1: {  	(xrf1) =	vsort.ascd.msk.u32 $0xffff, v10, v11;
	_ =	sdelay $0xd  }
0x1a2: {  	v10, v11, _ =	vpop (xrf1)  }
0x1a3: {  	v10 =	vxor.u32 $0x80000000, v10  }
0x1a4: {  	[tilespmem:$0x7308] =	vst v10  }
0x1a5: {  	v61 =	vld [tilespmem:$0x7307];
	_ =	sdelay $0x4  }
0x1a6: {  	vm1 =	veq.s32 v10, v61  }
0x1a7: {  	v12 =	vsel vm1, $0x80000000, v4  }
0x1a8: {  	(xrf0) =	vmax.scan.msk.u32 $0xffff, v12;
	_ =	sdelay $0x3  }
0x1a9: {  	(xrf0) =	vadd.scan.msk.s32 $0xffff, v11;
	_ =	sdelay $0x1  }
0x1aa: {  	v62 =	vld [tilespmem:$0x7309];
	v11, _, _ =	vpop (xrf0)  }
0x1ab: {  	v11 =	vxor.u32 $0x80000000, v11;
	_ =	sdelay $0x2  }
0x1ac: {  	[tilespmem:$0x7380] =	vst v1;
	v63, _, _ =	vpop (xrf0)  }
0x1ad: {  	vm1 =	vne.s32 v10, v62;
	[tilespmem:$0x7381] =	vst v63  }
0x1ae: {  	vm1 =	vmor vm1, vm0;
	v11 =	vld.idx.msk [tilespmem:v11+s25+$0x0], $0xffff  }
0x1af: {  	p6 =	sne.s32 s2, $0x1  }
.Ltmp8:
0x1b0: {  	_ = 	snop;
	(pc) =	sbr.rel @p6 .LBB2_17-.Ltmp8, $3  }
0x1b1: {  	_ =	sdelay $0x1  }
0x1b2: {  	v11 =	vsub.s32 v63, v11  }
0x1b3: {  	s0 =	sadd.s32 $0x10, s0;
	s1 =	sadd.s32 $0x10, s1;
	s2 =	sadd.s32 $0xFFFFFFFF, s2;
	[tilespmem:v10+s30+$0x0] =	vst.idx.add.s32.msk vm1, v11  }
.LBB2_18:
0x1b4: {  	s0 =	rddreg [dreg:$0x15];
	s1 =	simm.s32 $0x80  }
0x1b5: {  	s2 =	simm.s32 $0x400;
	s25 =	simm.s32 $0x0;
	s26 =	simm.s32 $0x0  }
0x1b6: {  	[spmem:s0] =	stream.strided.scatter [tilespmem:s30], [sflag:$0x1], $0x2000, s2, s1, $0x38;
	[tilespmem:$0x9890] =	vst v63  }
0x1b7: {  	s1 =	simm.s32 $0x0;
	s0 =	sand.u32 $0x3FFFF000, s25;
	_ =	swait.ge [sflag:s29], $0x2000  }
0x1b8: {  	s2 =	sand.u32 $0x3FFF0000, s26;
	s3 =	sand.u32 $0x380, s1;
	[sflag:s29] =	ssyncset.done $0x0  }
0x1b9: {  	s2 =	sadd.s32 s2, s21;
	s0 =	sor.u32 s3, s0;
	[sflag:s29] =	ssyncadd.s32 $0xFFFFE000  }
0x1ba: {  	s2 =	sadd.s32 s3, s2;
	s4 =	sadd.s32 $0x4A80, s0;
	[bflag:$0x0] =	sbarrier.arrive $0xFFFF  }
0x1bb: {  	[tilespmem:s4], [sflag:$0x1] =	stream.linear.gather [spmem:s2], $0x80, $0x38;
	[tilespmem:$0x9890] =	vst v63  }
0x1bc: {  	s3 =	sadd.s32 $0x400, s2;
	s28 =	sadd.s32 $0x4E80, s0  }
0x1bd: {  	[tilespmem:s28], [sflag:$0x1] =	stream.linear.gather [spmem:s3], $0x80, $0x38;
	[tilespmem:$0x9890] =	vst v63  }
0x1be: {  	s30 =	sadd.s32 $0x800, s2;
	s31 =	sadd.s32 $0x5280, s0  }
0x1bf: {  	[tilespmem:s31], [sflag:$0x1] =	stream.linear.gather [spmem:s30], $0x80, $0x38;
	[tilespmem:$0x9890] =	vst v63  }
0x1c0: {  	s0 =	sadd.s32 $0x5680, s0;
	s2 =	sadd.s32 $0xC00, s2  }
0x1c1: {  	[tilespmem:s0], [sflag:$0x1] =	stream.linear.gather [spmem:s2], $0x80, $0x38;
	[tilespmem:$0x9890] =	vst v63  }
0x1c2: {  	s3 =	simm.s32 $0x2;
	_ =	swait.ge [sflag:s29], $0x200  }
0x1c3: {  	s0 =	simm.s32 $0x1;
	s2 =	simm.s32 $0x80;
	[sflag:s29] =	ssyncset.done $0x0  }
.LBB2_19:
0x1c4: {  	s4 =	sshll.u32 s0, $0x9  }
0x1c5: {  	s5 =	sshll.u32 s0, $0xD;
	[sflag:s29] =	ssyncadd.s32 $0xFFFFFE00;
	s0 =	smov.u32 s3  }
0x1c6: {  	s6 =	sand.u32 $0x380, s2;
	s4 =	sand.u32 $0x3FFFF000, s4;
	s5 =	sand.u32 $0x3FFF0000, s5  }
0x1c7: {  	s7 =	sadd.s32 $0x1, s3;
	s4 =	sor.u32 s6, s4;
	s5 =	sadd.s32 s5, s21  }
0x1c8: {  	p6 =	sne.s32 s3, $0xF;
	s3 =	sadd.s32 $0x4A80, s4;
	s5 =	sadd.s32 s6, s5  }
0x1c9: {  	[tilespmem:s3], [sflag:$0x1] =	stream.linear.gather [spmem:s5], $0x80, $0x38;
	[tilespmem:$0x9890] =	vst v63  }
0x1ca: {  	s6 =	sadd.s32 $0x4E80, s4;
	s3 =	sadd.s32 $0x400, s5  }
0x1cb: {  	[tilespmem:s6], [sflag:$0x1] =	stream.linear.gather [spmem:s3], $0x80, $0x38;
	[tilespmem:$0x9890] =	vst v63  }
0x1cc: {  	s3 =	sadd.s32 $0x800, s5;
	s6 =	sadd.s32 $0x5280, s4  }
0x1cd: {  	[tilespmem:s6], [sflag:$0x1] =	stream.linear.gather [spmem:s3], $0x80, $0x38;
	[tilespmem:$0x9890] =	vst v63  }
.Ltmp9:
0x1ce: {  	_ = 	snop;
	(pc) =	sbr.rel @p6 .LBB2_19-.Ltmp9, $4  }
0x1cf: {  	s4 =	sadd.s32 $0x5680, s4;
	s3 =	sadd.s32 $0xC00, s5  }
0x1d0: {  	[tilespmem:s4], [sflag:$0x1] =	stream.linear.gather [spmem:s3], $0x80, $0x38;
	[tilespmem:$0x9890] =	vst v63  }
0x1d1: {  	_ =	swait.ge [sflag:s29], $0x200  }
0x1d2: {  	s2 =	sadd.s32 $0x80, s2;
	s3 =	smov.u32 s7;
	[sflag:s29] =	ssyncset.done $0x0  }
0x1d3: {  	s3 =	sshll.u32 s0, $0x9;
	s25 =	sshll.u32 s0, $0xD  }
0x1d4: {  	s2 =	sand.u32 $0x380, s2;
	s3 =	sand.u32 $0x3FFFF000, s3;
	s0 =	sand.u32 $0x3FFF0000, s25  }
0x1d5: {  	s3 =	sor.u32 s2, s3;
	s0 =	sadd.s32 s0, s21  }
0x1d6: {  	[sflag:s29] =	ssyncadd.s32 $0xFFFFFE00;
	s4 =	sadd.s32 $0x4A80, s3;
	s0 =	sadd.s32 s2, s0  }
0x1d7: {  	[tilespmem:s4], [sflag:$0x1] =	stream.linear.gather [spmem:s0], $0x80, $0x38;
	[tilespmem:$0x9890] =	vst v63  }
0x1d8: {  	s26 =	sadd.s32 $0x4E80, s3;
	s2 =	sadd.s32 $0x400, s0  }
0x1d9: {  	[tilespmem:s26], [sflag:$0x1] =	stream.linear.gather [spmem:s2], $0x80, $0x38;
	[tilespmem:$0x9890] =	vst v63  }
0x1da: {  	s30 =	sadd.s32 $0x5280, s3;
	s28 =	sadd.s32 $0x800, s0  }
0x1db: {  	[tilespmem:s30], [sflag:$0x1] =	stream.linear.gather [spmem:s28], $0x80, $0x38;
	[tilespmem:$0x9890] =	vst v63  }
0x1dc: {  	s31 =	sadd.s32 $0x5680, s3;
	s0 =	sadd.s32 $0xC00, s0  }
0x1dd: {  	[tilespmem:s31], [sflag:$0x1] =	stream.linear.gather [spmem:s0], $0x80, $0x38;
	[tilespmem:$0x9890] =	vst v63  }
0x1de: {  	_ =	swait.ge [sflag:s29], $0x200  }
0x1df: {  	[sflag:s29] =	ssyncset.done $0x0  }
0x1e0: {  	[sflag:s29] =	ssyncadd.s32 $0xFFFFFE00  }
.LBB2_21:
0x1e1: {  	s0 =	sshll.u32 s1, $0x4  }
0x1e2: {  	s2 =	sand.u32 $0x70, s0  }
0x1e3: {  	s3 =	sshll.u32 s1, $0x7;
	v7 =	vmov s2  }
0x1e4: {  	s31 =	simm.s32 $0x0;
	s30 =	sand.u32 $0xC00, s3  }
0x1e5: {  	s4 =	sand.u32 $0x1000, s31;
	s2 =	sadd.s32 $0x4A80, s30  }
0x1e6: {  	s3 =	sand.u32 $0x380, s31;
	s4 =	sadd.s32 s4, s2  }
0x1e7: {  	s4 =	sadd.s32 s3, s4  }
0x1e8: {  	v9 =	vld.idx.msk [tilespmem:v7+s4+$0x0 ss:$0x1], $0xffff  }
0x1e9: {  	v8 =	vimm.s32 $0x0;
	s3 =	simm.s32 $0x200;
	s4 =	simm.s32 $0x80  }
.LBB2_22:
0x1ea: {  	s5 =	sand.u32 $0x1000, s3;
	p6 =	sne.s32 s3, $0x1E00;
	s3 =	sadd.s32 $0x200, s3  }
.Ltmp10:
0x1eb: {  	s6 =	sand.u32 $0x380, s4;
	s5 =	sadd.s32 s5, s2;
	(pc) =	sbr.rel @p6 .LBB2_22-.Ltmp10, $3  }
0x1ec: {  	s5 =	sadd.s32 s6, s5  }
0x1ed: {  	v8 =	vadd.s32 v8, v9;
	v9 =	vld.idx.msk [tilespmem:v7+s5+$0x0 ss:$0x1], $0xffff;
	_ =	sdelay $0x1  }
0x1ee: {  	s4 =	sadd.s32 $0x80, s4  }
0x1ef: {  	s1 =	sadd.s32 $0x1, s1  }
0x1f0: {  	p6 =	sne.s32 s1, $0x20  }
.Ltmp11:
0x1f1: {  	_ = 	snop;
	(pc) =	sbr.rel @p6 .LBB2_21-.Ltmp11, $3  }
0x1f2: {  	_ =	sdelay $0x1  }
0x1f3: {  	s0 =	sand.u32 $0x3FFFFFF0, s0;
	v7 =	vadd.s32 v8, v9  }
0x1f4: {  	[tilespmem:s0+$0x6A80] =	vst v7  }
0x1f5: {  	v8 =	vld [tilespmem:$0x6A80];
	_ =	sdelay $0x4  }
0x1f6: {  	s23 =	rddreg [dreg:$0x14];
	(xrf0) =	vadd.scan.msk.s32 $0xffff, v8  }
0x1f7: {  	v7 =	vld [tilespmem:s23+$0x7080];
	_ =	sdelay $0x4  }
0x1f8: {  	v10 =	vbroadcast v7, $0x0;
	v9, _, _ =	vpop (xrf0)  }
0x1f9: {  	v8 =	vsub.s32 v9, v8  }
0x1fa: {  	vm1 =	vle.s32 v8, v10  }
0x1fb: {  	v29 =	vsel vm1, $0x1, v1  }
0x1fc: {  	(xrf0) =	vadd.scan.msk.s32 $0xffff, v29;
	_ =	sdelay $0x5  }
0x1fd: {  	(v2sf) =	vpush v7, $0x0;
	v9, _, _ =	vpop (xrf0)  }
0x1fe: {  	(v2sf) =	vpush v9, $0xF;
	_ =	sdelay $0xd  }
0x1ff: {  	s1 =	spop (v2sf)  }
0x200: {  	s0 =	spop (v2sf)  }
0x201: {  	v30 =	vld [tilespmem:$0x6A90];
	s2 =	sadd.s32 $0xFFFFFFFF, s0  }
0x202: {  	v31 =	vmov s2  }
0x203: {  	vm1 =	veq.s32 v31, v3  }
0x204: {  	v8 =	vnsel vm1, $0x0, v8  }
0x205: {  	(xrf0) =	vadd.scan.msk.s32 $0xffff, v8  }
0x206: {  	(xrf0) =	vadd.scan.msk.s32 $0xffff, v30;
	_ =	sdelay $0x4  }
0x207: {  	v32, _, _ =	vpop (xrf0)  }
0x208: {  	v11 =	vbroadcast v7, $0x1;
	v8, _, _ =	vpop (xrf0)  }
0x209: {  	v12 =	vsub.s32 v8, v30  }
0x20a: {  	vm1 =	vle.s32 v12, v11  }
0x20b: {  	v9 =	vld [tilespmem:s23+$0x6C80];
	v11 =	vsel vm1, $0x1, v1  }
0x20c: {  	v8 =	vld [tilespmem:s23+$0x6E80];
	(xrf0) =	vadd.scan.msk.s32 $0xffff, v11;
	_ =	sdelay $0x2  }
0x20d: {  	(v2sf) =	vpush v32, $0xF  }
0x20e: {  	(v2sf) =	vpush v9, $0x0  }
0x20f: {  	(v2sf) =	vpush v8, $0x0  }
0x210: {  	(v2sf) =	vpush v7, $0x1;
	v33, _, _ =	vpop (xrf0)  }
0x211: {  	(v2sf) =	vpush v33, $0xF;
	_ =	sdelay $0xa  }
0x212: {  	s12 =	spop (v2sf)  }
0x213: {  	s8 =	spop (v2sf)  }
0x214: {  	s9 =	spop (v2sf)  }
0x215: {  	s3 =	spop (v2sf)  }
0x216: {  	s4 =	spop (v2sf)  }
0x217: {  	v34 =	vld [tilespmem:$0x6AA0];
	s7 =	sadd.s32 $0xFFFFFFFF, s4  }
0x218: {  	v35 =	vmov s7  }
0x219: {  	vm1 =	veq.s32 v35, v3  }
0x21a: {  	v11 =	vnsel vm1, $0x0, v12  }
0x21b: {  	(xrf0) =	vadd.scan.msk.s32 $0xffff, v11  }
0x21c: {  	(xrf0) =	vadd.scan.msk.s32 $0xffff, v34;
	_ =	sdelay $0x4  }
0x21d: {  	v11, _, _ =	vpop (xrf0)  }
0x21e: {  	v13 =	vbroadcast v7, $0x2;
	v36, _, _ =	vpop (xrf0)  }
0x21f: {  	v10 =	vsub.s32 v36, v34  }
0x220: {  	vm1 =	vle.s32 v10, v13  }
0x221: {  	v37 =	vsel vm1, $0x1, v1  }
0x222: {  	(xrf0) =	vadd.scan.msk.s32 $0xffff, v37;
	_ =	sdelay $0x2  }
0x223: {  	(v2sf) =	vpush v11, $0xF  }
0x224: {  	(v2sf) =	vpush v9, $0x1  }
0x225: {  	(v2sf) =	vpush v8, $0x1  }
0x226: {  	(v2sf) =	vpush v7, $0x2;
	v38, _, _ =	vpop (xrf0)  }
0x227: {  	(v2sf) =	vpush v38, $0xF;
	_ =	sdelay $0xa  }
0x228: {  	s13 =	spop (v2sf)  }
0x229: {  	s17 =	spop (v2sf)  }
0x22a: {  	s16 =	spop (v2sf)  }
0x22b: {  	s14 =	spop (v2sf)  }
0x22c: {  	s5 =	spop (v2sf)  }
0x22d: {  	v39 =	vld [tilespmem:$0x6AB0];
	s18 =	sadd.s32 $0xFFFFFFFF, s5  }
0x22e: {  	v40 =	vmov s18  }
0x22f: {  	vm1 =	veq.s32 v40, v3  }
0x230: {  	v10 =	vnsel vm1, $0x0, v10  }
0x231: {  	(xrf0) =	vadd.scan.msk.s32 $0xffff, v10  }
0x232: {  	(xrf0) =	vadd.scan.msk.s32 $0xffff, v39;
	_ =	sdelay $0x4  }
0x233: {  	v10, _, _ =	vpop (xrf0)  }
0x234: {  	v42 =	vbroadcast v7, $0x3;
	v41, _, _ =	vpop (xrf0)  }
0x235: {  	v11 =	vsub.s32 v41, v39  }
0x236: {  	vm1 =	vle.s32 v11, v42  }
0x237: {  	v43 =	vsel vm1, $0x1, v1  }
0x238: {  	(xrf0) =	vadd.scan.msk.s32 $0xffff, v43;
	_ =	sdelay $0x2  }
0x239: {  	(v2sf) =	vpush v10, $0xF  }
0x23a: {  	(v2sf) =	vpush v9, $0x2  }
0x23b: {  	(v2sf) =	vpush v8, $0x2  }
0x23c: {  	(v2sf) =	vpush v7, $0x3;
	v44, _, _ =	vpop (xrf0)  }
0x23d: {  	(v2sf) =	vpush v44, $0xF;
	_ =	sdelay $0xa  }
0x23e: {  	s20 =	spop (v2sf)  }
0x23f: {  	s26 =	spop (v2sf)  }
0x240: {  	s6 =	spop (v2sf)  }
0x241: {  	s19 =	spop (v2sf)  }
0x242: {  	s10 =	spop (v2sf)  }
0x243: {  	s28 =	sadd.s32 $0xFFFFFFFF, s10  }
0x244: {  	v45 =	vmov s28  }
0x245: {  	vm1 =	veq.s32 v45, v3  }
0x246: {  	v10 =	vnsel vm1, $0x0, v11  }
0x247: {  	(xrf0) =	vadd.scan.msk.s32 $0xffff, v10  }
0x248: {  	v46 =	vld [tilespmem:$0x6AC0];
	_ =	sdelay $0x4  }
0x249: {  	v10, _, _ =	vpop (xrf0);
	(xrf0) =	vadd.scan.msk.s32 $0xffff, v46  }
0x24a: {  	(v2sf) =	vpush v10, $0xF  }
0x24b: {  	(v2sf) =	vpush v9, $0x3;
	_ =	sdelay $0x3  }
0x24c: {  	v48 =	vbroadcast v7, $0x4;
	v47, _, _ =	vpop (xrf0)  }
0x24d: {  	v10 =	vsub.s32 v47, v46  }
0x24e: {  	vm1 =	vle.s32 v10, v48  }
0x24f: {  	v49 =	vsel vm1, $0x1, v1  }
0x250: {  	(xrf0) =	vadd.scan.msk.s32 $0xffff, v49;
	_ =	sdelay $0x4  }
0x251: {  	(v2sf) =	vpush v8, $0x3  }
0x252: {  	s25 =	spop (v2sf);
	(v2sf) =	vpush v7, $0x4;
	v11, _, _ =	vpop (xrf0)  }
0x253: {  	s30 =	spop (v2sf);
	(v2sf) =	vpush v11, $0xF;
	_ =	sdelay $0xc  }
0x254: {  	s11 =	spop (v2sf)  }
0x255: {  	s15 =	spop (v2sf)  }
0x256: {  	s22 =	spop (v2sf)  }
0x257: {  	v50 =	vld [tilespmem:$0x6AD0];
	s10 =	sadd.s32 $0xFFFFFFFF, s22  }
0x258: {  	v51 =	vmov s10  }
0x259: {  	vm1 =	veq.s32 v51, v3  }
0x25a: {  	v10 =	vnsel vm1, $0x0, v10  }
0x25b: {  	(xrf0) =	vadd.scan.msk.s32 $0xffff, v10  }
0x25c: {  	(xrf0) =	vadd.scan.msk.s32 $0xffff, v50;
	_ =	sdelay $0x4  }
0x25d: {  	v10, _, _ =	vpop (xrf0)  }
0x25e: {  	v53 =	vbroadcast v7, $0x5;
	v52, _, _ =	vpop (xrf0)  }
0x25f: {  	v11 =	vsub.s32 v52, v50  }
0x260: {  	vm1 =	vle.s32 v11, v53  }
0x261: {  	v54 =	vsel vm1, $0x1, v1  }
0x262: {  	(xrf0) =	vadd.scan.msk.s32 $0xffff, v54;
	_ =	sdelay $0x2  }
0x263: {  	(v2sf) =	vpush v10, $0xF  }
0x264: {  	(v2sf) =	vpush v9, $0x4  }
0x265: {  	(v2sf) =	vpush v8, $0x4  }
0x266: {  	(v2sf) =	vpush v7, $0x5;
	v55, _, _ =	vpop (xrf0)  }
0x267: {  	(v2sf) =	vpush v55, $0xF;
	_ =	sdelay $0xa  }
0x268: {  	[smem:$0x784] =	sst s3;
	s3 =	spop (v2sf)  }
0x269: {  	s4 =	spop (v2sf)  }
0x26a: {  	s5 =	spop (v2sf)  }
0x26b: {  	[smem:$0x785] =	sst s6;
	s6 =	spop (v2sf)  }
0x26c: {  	[smem:$0x786] =	sst s11;
	s11 =	spop (v2sf)  }
0x26d: {  	v56 =	vld [tilespmem:$0x6AE0];
	s11 =	sadd.s32 $0xFFFFFFFF, s11  }
0x26e: {  	v57 =	vmov s11  }
0x26f: {  	vm1 =	veq.s32 v57, v3  }
0x270: {  	v11 =	vnsel vm1, $0x0, v11  }
0x271: {  	(xrf0) =	vadd.scan.msk.s32 $0xffff, v11  }
0x272: {  	(xrf0) =	vadd.scan.msk.s32 $0xffff, v56;
	_ =	sdelay $0x4  }
0x273: {  	v11, _, _ =	vpop (xrf0)  }
0x274: {  	v59 =	vbroadcast v7, $0x6;
	v58, _, _ =	vpop (xrf0)  }
0x275: {  	v10 =	vsub.s32 v58, v56  }
0x276: {  	vm1 =	vle.s32 v10, v59  }
0x277: {  	v60 =	vsel vm1, $0x1, v1  }
0x278: {  	(xrf0) =	vadd.scan.msk.s32 $0xffff, v60;
	_ =	sdelay $0x2  }
0x279: {  	(v2sf) =	vpush v11, $0xF  }
0x27a: {  	(v2sf) =	vpush v9, $0x5  }
0x27b: {  	(v2sf) =	vpush v8, $0x5  }
0x27c: {  	(v2sf) =	vpush v7, $0x6;
	v61, _, _ =	vpop (xrf0)  }
0x27d: {  	(v2sf) =	vpush v61, $0xF;
	_ =	sdelay $0xa  }
0x27e: {  	[smem:$0x78A] =	sst s15;
	s15 =	spop (v2sf)  }
0x27f: {  	s22 =	spop (v2sf)  }
0x280: {  	[smem:$0x789] =	sst s3;
	s3 =	spop (v2sf)  }
0x281: {  	[smem:$0x787] =	sst s4;
	s4 =	spop (v2sf)  }
0x282: {  	[smem:$0x788] =	sst s5;
	s5 =	spop (v2sf)  }
0x283: {  	v62 =	vld [tilespmem:$0x6AF0];
	[smem:$0x791] =	sst s4;
	s4 =	sadd.s32 $0xFFFFFFFF, s5  }
0x284: {  	v63 =	vmov s4  }
0x285: {  	vm1 =	veq.s32 v63, v3  }
0x286: {  	v10 =	vnsel vm1, $0x0, v10  }
0x287: {  	(xrf0) =	vadd.scan.msk.s32 $0xffff, v10  }
0x288: {  	(xrf0) =	vadd.scan.msk.s32 $0xffff, v62;
	_ =	sdelay $0x4  }
0x289: {  	v10, _, _ =	vpop (xrf0)  }
0x28a: {  	v17 =	vbroadcast v7, $0x7;
	v16, _, _ =	vpop (xrf0)  }
0x28b: {  	v11 =	vsub.s32 v16, v62  }
0x28c: {  	vm1 =	vle.s32 v11, v17  }
0x28d: {  	v18 =	vsel vm1, $0x1, v1  }
0x28e: {  	(xrf0) =	vadd.scan.msk.s32 $0xffff, v18;
	_ =	sdelay $0x2  }
0x28f: {  	(v2sf) =	vpush v10, $0xF  }
0x290: {  	(v2sf) =	vpush v9, $0x6  }
0x291: {  	(v2sf) =	vpush v8, $0x6  }
0x292: {  	(v2sf) =	vpush v7, $0x7;
	v19, _, _ =	vpop (xrf0)  }
0x293: {  	(v2sf) =	vpush v19, $0xF;
	_ =	sdelay $0xa  }
0x294: {  	[smem:$0x78D] =	sst s6;
	s6 =	spop (v2sf)  }
0x295: {  	[smem:$0x78E] =	sst s15;
	s15 =	spop (v2sf)  }
0x296: {  	[smem:$0x78B] =	sst s22;
	s22 =	spop (v2sf)  }
0x297: {  	[smem:$0x78C] =	sst s3;
	s3 =	spop (v2sf)  }
0x298: {  	s5 =	spop (v2sf)  }
0x299: {  	v20 =	vld [tilespmem:$0x6B00];
	[smem:$0x790] =	sst s22;
	s22 =	sadd.s32 $0xFFFFFFFF, s5  }
0x29a: {  	v21 =	vmov s22  }
0x29b: {  	vm1 =	veq.s32 v21, v3  }
0x29c: {  	v11 =	vnsel vm1, $0x0, v11  }
0x29d: {  	(xrf0) =	vadd.scan.msk.s32 $0xffff, v11  }
0x29e: {  	(xrf0) =	vadd.scan.msk.s32 $0xffff, v20;
	_ =	sdelay $0x4  }
0x29f: {  	v11, _, _ =	vpop (xrf0)  }
0x2a0: {  	v23 =	vbroadcast v7, $0x8;
	v22, _, _ =	vpop (xrf0)  }
0x2a1: {  	v10 =	vsub.s32 v22, v20  }
0x2a2: {  	vm1 =	vle.s32 v10, v23  }
0x2a3: {  	v24 =	vsel vm1, $0x1, v1  }
0x2a4: {  	(xrf0) =	vadd.scan.msk.s32 $0xffff, v24;
	_ =	sdelay $0x2  }
0x2a5: {  	(v2sf) =	vpush v11, $0xF  }
0x2a6: {  	(v2sf) =	vpush v9, $0x7  }
0x2a7: {  	(v2sf) =	vpush v8, $0x7  }
0x2a8: {  	(v2sf) =	vpush v7, $0x8;
	v25, _, _ =	vpop (xrf0)  }
0x2a9: {  	(v2sf) =	vpush v25, $0xF;
	_ =	sdelay $0xa  }
0x2aa: {  	[smem:$0x792] =	sst s6;
	s6 =	spop (v2sf)  }
0x2ab: {  	[smem:$0x78F] =	sst s15;
	s15 =	spop (v2sf)  }
0x2ac: {  	[smem:$0x797] =	sst s3;
	s3 =	spop (v2sf)  }
0x2ad: {  	s5 =	spop (v2sf)  }
0x2ae: {  	[smem:$0x798] =	sst s6;
	s6 =	spop (v2sf)  }
0x2af: {  	v26 =	vld [tilespmem:$0x6B10];
	s0 =	sadd.s32 $0xFFFFFFFF, s6  }
0x2b0: {  	v27 =	vmov s0  }
0x2b1: {  	vm1 =	veq.s32 v27, v3  }
0x2b2: {  	v10 =	vnsel vm1, $0x0, v10  }
0x2b3: {  	(xrf0) =	vadd.scan.msk.s32 $0xffff, v10  }
0x2b4: {  	(xrf0) =	vadd.scan.msk.s32 $0xffff, v26;
	_ =	sdelay $0x4  }
0x2b5: {  	v10, _, _ =	vpop (xrf0)  }
0x2b6: {  	v29 =	vbroadcast v7, $0x9;
	v28, _, _ =	vpop (xrf0)  }
0x2b7: {  	v11 =	vsub.s32 v28, v26  }
0x2b8: {  	vm1 =	vle.s32 v11, v29  }
0x2b9: {  	v30 =	vsel vm1, $0x1, v1  }
0x2ba: {  	(xrf0) =	vadd.scan.msk.s32 $0xffff, v30;
	_ =	sdelay $0x2  }
0x2bb: {  	(v2sf) =	vpush v10, $0xF  }
0x2bc: {  	(v2sf) =	vpush v9, $0x8  }
0x2bd: {  	(v2sf) =	vpush v8, $0x8  }
0x2be: {  	(v2sf) =	vpush v7, $0x9;
	v31, _, _ =	vpop (xrf0)  }
0x2bf: {  	(v2sf) =	vpush v31, $0xF;
	_ =	sdelay $0xa  }
0x2c0: {  	[smem:$0x794] =	sst s15;
	s15 =	spop (v2sf)  }
0x2c1: {  	[smem:$0x795] =	sst s3;
	s3 =	spop (v2sf)  }
0x2c2: {  	[smem:$0x79E] =	sst s5;
	s5 =	spop (v2sf)  }
0x2c3: {  	s6 =	spop (v2sf)  }
0x2c4: {  	[smem:$0x79F] =	sst s15;
	s15 =	spop (v2sf)  }
0x2c5: {  	v32 =	vld [tilespmem:$0x6B20];
	[smem:$0x793] =	sst s0;
	s0 =	sadd.s32 $0xFFFFFFFF, s15  }
0x2c6: {  	v33 =	vmov s0  }
0x2c7: {  	vm1 =	veq.s32 v33, v3  }
0x2c8: {  	v11 =	vnsel vm1, $0x0, v11  }
0x2c9: {  	(xrf0) =	vadd.scan.msk.s32 $0xffff, v11  }
0x2ca: {  	(xrf0) =	vadd.scan.msk.s32 $0xffff, v32;
	_ =	sdelay $0x4  }
0x2cb: {  	v11, _, _ =	vpop (xrf0)  }
0x2cc: {  	v35 =	vbroadcast v7, $0xA;
	v34, _, _ =	vpop (xrf0)  }
0x2cd: {  	v10 =	vsub.s32 v34, v32  }
0x2ce: {  	vm1 =	vle.s32 v10, v35  }
0x2cf: {  	v36 =	vsel vm1, $0x1, v1  }
0x2d0: {  	(xrf0) =	vadd.scan.msk.s32 $0xffff, v36;
	_ =	sdelay $0x2  }
0x2d1: {  	(v2sf) =	vpush v11, $0xF  }
0x2d2: {  	(v2sf) =	vpush v9, $0x9  }
0x2d3: {  	(v2sf) =	vpush v8, $0x9  }
0x2d4: {  	(v2sf) =	vpush v7, $0xA;
	v37, _, _ =	vpop (xrf0)  }
0x2d5: {  	(v2sf) =	vpush v37, $0xF;
	_ =	sdelay $0xa  }
0x2d6: {  	[smem:$0x799] =	sst s3;
	s3 =	spop (v2sf)  }
0x2d7: {  	[smem:$0x79B] =	sst s5;
	s5 =	spop (v2sf)  }
0x2d8: {  	[smem:$0x7A4] =	sst s6;
	s6 =	spop (v2sf)  }
0x2d9: {  	s15 =	spop (v2sf)  }
0x2da: {  	[smem:$0x7A5] =	sst s3;
	s3 =	spop (v2sf)  }
0x2db: {  	v38 =	vld [tilespmem:$0x6B30];
	[smem:$0x796] =	sst s0;
	s0 =	sadd.s32 $0xFFFFFFFF, s3  }
0x2dc: {  	v39 =	vmov s0  }
0x2dd: {  	vm1 =	veq.s32 v39, v3  }
0x2de: {  	v10 =	vnsel vm1, $0x0, v10  }
0x2df: {  	(xrf0) =	vadd.scan.msk.s32 $0xffff, v10  }
0x2e0: {  	(xrf0) =	vadd.scan.msk.s32 $0xffff, v38;
	_ =	sdelay $0x4  }
0x2e1: {  	v10, _, _ =	vpop (xrf0)  }
0x2e2: {  	v41 =	vbroadcast v7, $0xB;
	v40, _, _ =	vpop (xrf0)  }
0x2e3: {  	v11 =	vsub.s32 v40, v38  }
0x2e4: {  	vm1 =	vle.s32 v11, v41  }
0x2e5: {  	v42 =	vsel vm1, $0x1, v1  }
0x2e6: {  	(xrf0) =	vadd.scan.msk.s32 $0xffff, v42;
	_ =	sdelay $0x2  }
0x2e7: {  	(v2sf) =	vpush v10, $0xF  }
0x2e8: {  	(v2sf) =	vpush v9, $0xA  }
0x2e9: {  	(v2sf) =	vpush v8, $0xA  }
0x2ea: {  	(v2sf) =	vpush v7, $0xB;
	v43, _, _ =	vpop (xrf0)  }
0x2eb: {  	(v2sf) =	vpush v43, $0xF;
	_ =	sdelay $0xa  }
0x2ec: {  	[smem:$0x7A0] =	sst s5;
	s5 =	spop (v2sf)  }
0x2ed: {  	[smem:$0x7A2] =	sst s6;
	s6 =	spop (v2sf)  }
0x2ee: {  	[smem:$0x7A9] =	sst s15;
	s15 =	spop (v2sf)  }
0x2ef: {  	s3 =	spop (v2sf)  }
0x2f0: {  	[smem:$0x7AA] =	sst s5;
	s5 =	spop (v2sf)  }
0x2f1: {  	v44 =	vld [tilespmem:$0x6B40];
	[smem:$0x79D] =	sst s0;
	s0 =	sadd.s32 $0xFFFFFFFF, s5  }
0x2f2: {  	v45 =	vmov s0  }
0x2f3: {  	vm1 =	veq.s32 v45, v3  }
0x2f4: {  	v11 =	vnsel vm1, $0x0, v11  }
0x2f5: {  	(xrf0) =	vadd.scan.msk.s32 $0xffff, v11  }
0x2f6: {  	(xrf0) =	vadd.scan.msk.s32 $0xffff, v44;
	_ =	sdelay $0x4  }
0x2f7: {  	v11, _, _ =	vpop (xrf0)  }
0x2f8: {  	v47 =	vbroadcast v7, $0xC;
	v46, _, _ =	vpop (xrf0)  }
0x2f9: {  	v10 =	vsub.s32 v46, v44  }
0x2fa: {  	vm1 =	vle.s32 v10, v47  }
0x2fb: {  	v48 =	vsel vm1, $0x1, v1  }
0x2fc: {  	(xrf0) =	vadd.scan.msk.s32 $0xffff, v48;
	_ =	sdelay $0x2  }
0x2fd: {  	(v2sf) =	vpush v11, $0xF  }
0x2fe: {  	(v2sf) =	vpush v9, $0xB  }
0x2ff: {  	(v2sf) =	vpush v8, $0xB  }
0x300: {  	(v2sf) =	vpush v7, $0xC;
	v49, _, _ =	vpop (xrf0)  }
0x301: {  	(v2sf) =	vpush v49, $0xF;
	_ =	sdelay $0xa  }
0x302: {  	[smem:$0x7A6] =	sst s6;
	s6 =	spop (v2sf)  }
0x303: {  	[smem:$0x7A7] =	sst s15;
	s15 =	spop (v2sf)  }
0x304: {  	[smem:$0x7AE] =	sst s3;
	s3 =	spop (v2sf)  }
0x305: {  	s5 =	spop (v2sf)  }
0x306: {  	[smem:$0x7AF] =	sst s6;
	s6 =	spop (v2sf)  }
0x307: {  	v50 =	vld [tilespmem:$0x6B50];
	[smem:$0x7A3] =	sst s0;
	s0 =	sadd.s32 $0xFFFFFFFF, s6  }
0x308: {  	v51 =	vmov s0  }
0x309: {  	vm1 =	veq.s32 v51, v3  }
0x30a: {  	v10 =	vnsel vm1, $0x0, v10  }
0x30b: {  	(xrf0) =	vadd.scan.msk.s32 $0xffff, v10  }
0x30c: {  	(xrf0) =	vadd.scan.msk.s32 $0xffff, v50;
	_ =	sdelay $0x4  }
0x30d: {  	v10, _, _ =	vpop (xrf0)  }
0x30e: {  	v53 =	vbroadcast v7, $0xD;
	v52, _, _ =	vpop (xrf0)  }
0x30f: {  	v11 =	vsub.s32 v52, v50  }
0x310: {  	vm1 =	vle.s32 v11, v53  }
0x311: {  	v54 =	vsel vm1, $0x1, v1  }
0x312: {  	(xrf0) =	vadd.scan.msk.s32 $0xffff, v54;
	_ =	sdelay $0x2  }
0x313: {  	(v2sf) =	vpush v10, $0xF  }
0x314: {  	(v2sf) =	vpush v9, $0xC  }
0x315: {  	(v2sf) =	vpush v8, $0xC  }
0x316: {  	(v2sf) =	vpush v7, $0xD;
	v55, _, _ =	vpop (xrf0)  }
0x317: {  	(v2sf) =	vpush v55, $0xF;
	_ =	sdelay $0xa  }
0x318: {  	[smem:$0x7AB] =	sst s15;
	s15 =	spop (v2sf)  }
0x319: {  	[smem:$0x7AC] =	sst s3;
	s3 =	spop (v2sf)  }
0x31a: {  	[smem:$0x7B1] =	sst s5;
	s5 =	spop (v2sf)  }
0x31b: {  	s6 =	spop (v2sf)  }
0x31c: {  	[smem:$0x7B2] =	sst s15;
	s15 =	spop (v2sf)  }
0x31d: {  	v56 =	vld [tilespmem:$0x6B60];
	[smem:$0x7A8] =	sst s0;
	s0 =	sadd.s32 $0xFFFFFFFF, s15  }
0x31e: {  	v57 =	vmov s0  }
0x31f: {  	vm1 =	veq.s32 v57, v3  }
0x320: {  	v11 =	vnsel vm1, $0x0, v11  }
0x321: {  	(xrf0) =	vadd.scan.msk.s32 $0xffff, v11  }
0x322: {  	(xrf0) =	vadd.scan.msk.s32 $0xffff, v56;
	_ =	sdelay $0x4  }
0x323: {  	v11, _, _ =	vpop (xrf0)  }
0x324: {  	v59 =	vbroadcast v7, $0xE;
	v58, _, _ =	vpop (xrf0)  }
0x325: {  	v10 =	vsub.s32 v58, v56  }
0x326: {  	vm1 =	vle.s32 v10, v59  }
0x327: {  	v60 =	vsel vm1, $0x1, v1  }
0x328: {  	(xrf0) =	vadd.scan.msk.s32 $0xffff, v60;
	_ =	sdelay $0x1  }
0x329: {  	(v2sf) =	vpush v11, $0xF  }
0x32a: {  	(v2sf) =	vpush v9, $0xD  }
0x32b: {  	(v2sf) =	vpush v8, $0xD;
	_ =	sdelay $0x1  }
0x32c: {  	(v2sf) =	vpush v7, $0xE;
	v61, _, _ =	vpop (xrf0)  }
0x32d: {  	(v2sf) =	vpush v61, $0xF;
	_ =	sdelay $0x6  }
0x32e: {  	[smem:$0x7B0] =	sst s3  }
0x32f: {  	[smem:$0x7B3] =	sst s5  }
0x330: {  	[smem:$0x7B5] =	sst s6  }
0x331: {  	[smem:$0x7AD] =	sst s0;
	s3 =	spop (v2sf)  }
0x332: {  	[smem:$0x7B6] =	sst s3;
	s5 =	spop (v2sf)  }
0x333: {  	[smem:$0x7B4] =	sst s5;
	s6 =	spop (v2sf)  }
0x334: {  	[smem:$0x7B9] =	sst s6  }
0x335: {  	s0 =	spop (v2sf)  }
0x336: {  	s15 =	spop (v2sf)  }
0x337: {  	v62 =	vld [tilespmem:$0x6B70];
	s31 =	sadd.s32 $0xFFFFFFFF, s15  }
0x338: {  	v63 =	vmov s31  }
0x339: {  	vm1 =	veq.s32 v63, v3  }
0x33a: {  	v10 =	vnsel vm1, $0x0, v10  }
0x33b: {  	(xrf0) =	vadd.scan.msk.s32 $0xffff, v10  }
0x33c: {  	(xrf0) =	vadd.scan.msk.s32 $0xffff, v62;
	_ =	sdelay $0x4  }
0x33d: {  	v10, _, _ =	vpop (xrf0)  }
0x33e: {  	v17 =	vbroadcast v7, $0xF;
	v16, _, _ =	vpop (xrf0)  }
0x33f: {  	v11 =	vsub.s32 v16, v62  }
0x340: {  	vm1 =	vle.s32 v11, v17  }
0x341: {  	v18 =	vsel vm1, $0x1, v1  }
0x342: {  	(xrf0) =	vadd.scan.msk.s32 $0xffff, v18;
	_ =	sdelay $0x2  }
0x343: {  	(v2sf) =	vpush v10, $0xF  }
0x344: {  	(v2sf) =	vpush v9, $0xE  }
0x345: {  	(v2sf) =	vpush v8, $0xE  }
0x346: {  	(v2sf) =	vpush v7, $0xF;
	v7, _, _ =	vpop (xrf0)  }
0x347: {  	(v2sf) =	vpush v7, $0xF;
	_ =	sdelay $0xa  }
0x348: {  	s3 =	spop (v2sf)  }
0x349: {  	s5 =	spop (v2sf)  }
0x34a: {  	s6 =	spop (v2sf)  }
0x34b: {  	[smem:$0x7BB] =	sst s6;
	s6 =	spop (v2sf)  }
0x34c: {  	[smem:$0x7B8] =	sst s3;
	s3 =	spop (v2sf)  }
0x34d: {  	s15 =	sadd.s32 $0xFFFFFFFF, s3  }
0x34e: {  	v7 =	vmov s15  }
0x34f: {  	s7 =	sshll.u32 s7, s24;
	s11 =	sshll.u32 s11, s24;
	vm1 =	veq.s32 v7, v3  }
0x350: {  	s4 =	sshll.u32 s4, s24;
	[smem:$0x7BA] =	sst s5;
	s5 =	sshll.u32 s2, s24;
	v7 =	vnsel vm1, $0x0, v11  }
0x351: {  	[smem:$0x7B7] =	sst s0;
	s3 =	smov.u32 s5;
	s5 =	simm.s32 @p5 $0x0;
	(xrf0) =	vadd.scan.msk.s32 $0xffff, v7  }
0x352: {  	s0 =	ssub.s32 s1, s12;
	s3 =	simm.s32 @!p5 $0x0;
	s9 =	sadd.s32 s9, s5  }
0x353: {  	s3 =	sadd.s32 s8, s3;
	s8 =	smov.u32 s7;
	[smem:$0x79A] =	sst s9  }
0x354: {  	s9 =	sshll.u32 s18, s24;
	s7 =	simm.s32 @p5 $0x0;
	s18 =	sld [smem:$0x786]  }
0x355: {  	s8 =	simm.s32 @!p5 $0x0;
	s12 =	sadd.s32 s16, s7;
	s16 =	sld [smem:$0x784]  }
0x356: {  	s7 =	sshll.u32 s28, s24;
	s5 =	sadd.s32 s17, s8;
	[smem:$0x79C] =	sst s12  }
0x357: {  	s8 =	smov.u32 s9;
	s9 =	simm.s32 @p5 $0x0;
	s17 =	sld [smem:$0x785];
	v7, _, _ =	vpop (xrf0)  }
0x358: {  	s12 =	ssub.s32 s19, s25;
	s19 =	sld [smem:$0x787];
	s8 =	simm.s32 @!p5 $0x0;
	(v2sf) =	vpush v7, $0xF  }
0x359: {  	s25 =	sld [smem:$0x789];
	s13 =	ssub.s32 s16, s13;
	s1 =	sadd.s32 s26, s8;
	(v2sf) =	vpush v9, $0xF  }
0x35a: {  	s8 =	smov.u32 s7;
	s7 =	simm.s32 @p5 $0x0;
	s26 =	sld [smem:$0x78A]  }
0x35b: {  	s16 =	sld [smem:$0x78C];
	s2 =	sadd.s32 s17, s9;
	s8 =	simm.s32 @!p5 $0x0  }
0x35c: {  	s9 =	sshll.u32 s10, s24;
	s10 =	ssub.s32 s14, s20;
	s20 =	sld [smem:$0x788]  }
0x35d: {  	[smem:$0x7A1] =	sst s2;
	s2 =	sadd.s32 s30, s8;
	s8 =	smov.u32 s9;
	(v2sf) =	vpush v8, $0xF  }
0x35e: {  	s7 =	sadd.s32 s18, s7;
	s9 =	simm.s32 @p5 $0x0;
	s8 =	simm.s32 @!p5 $0x0  }
0x35f: {  	s18 =	sadd.s32 s19, s8;
	s17 =	sadd.s32 s20, s9;
	s20 =	sld [smem:$0x78D]  }
0x360: {  	s8 =	smov.u32 s11;
	s19 =	ssub.s32 s26, s25;
	s25 =	sld [smem:$0x78E]  }
0x361: {  	s11 =	simm.s32 @p5 $0x0;
	s9 =	smov.u32 s4;
	s26 =	sld [smem:$0x78F]  }
0x362: {  	s14 =	sld [smem:$0x78B];
	s11 =	sadd.s32 s16, s11;
	s9 =	simm.s32 @!p5 $0x0  }
0x363: {  	s16 =	ssub.s32 s20, s25;
	s20 =	sshll.u32 s15, s24;
	s15 =	sld [smem:$0x790]  }
0x364: {  	s9 =	sadd.s32 s26, s9;
	s26 =	sshll.u32 s22, s24;
	s22 =	sld [smem:$0x791]  }
0x365: {  	s8 =	simm.s32 @!p5 $0x0;
	s25 =	sld [smem:$0x792]  }
0x366: {  	s4 =	simm.s32 @p5 $0x0;
	s8 =	sadd.s32 s14, s8  }
0x367: {  	s4 =	sadd.s32 s15, s4;
	s15 =	smov.u32 s20;
	s30 =	spop (v2sf)  }
0x368: {  	s14 =	ssub.s32 s22, s25;
	s15 =	simm.s32 @!p5 $0x0;
	s22 =	spop (v2sf)  }
0x369: {  	s6 =	ssub.s32 s6, s30;
	s15 =	sadd.s32 s22, s15;
	s22 =	sld [smem:$0x793]  }
0x36a: {  	vm1 =	vcmask $0x300;
	v7 =	vmov s6  }
0x36b: {  	vm2 =	vcmask $0x704;
	s28 =	sld [smem:$0x794];
	s20 =	simm.s32 @p5 $0x0;
	v7 =	vsel vm1, s0, v7  }
0x36c: {  	vm3 =	vcmask $0xB08;
	v8 =	vmov s15;
	v7 =	vsel vm2, s13, v7;
	s13 =	sld [smem:$0x796];
	s6 =	sshll.u32 s22, s24;
	s22 =	spop (v2sf)  }
0x36d: {  	v8 =	vsel vm1, s3, v8;
	v7 =	vsel vm3, s10, v7;
	s20 =	sadd.s32 s22, s20;
	s22 =	sld [smem:$0x795]  }
0x36e: {  	v8 =	vsel vm2, s5, v8;
	v7 =	vsel vm5, s12, v7;
	s12 =	sld [smem:$0x79C]  }
0x36f: {  	v8 =	vsel vm3, s1, v8;
	v19 =	vmov s20;
	s20 =	sld [smem:$0x797]  }
0x370: {  	v7 =	vsel vm6, s19, v7;
	v8 =	vsel vm5, s2, v8;
	s19 =	sld [smem:$0x7A4]  }
0x371: {  	v8 =	vsel vm6, s18, v8;
	s18 =	sld [smem:$0x7A3]  }
0x372: {  	s25 =	smov.u32 s26;
	s26 =	simm.s32 @p5 $0x0;
	v7 =	vsel vm7, s16, v7;
	s16 =	sld [smem:$0x7A9]  }
0x373: {  	s15 =	sadd.s32 s22, s26;
	s22 =	sld [smem:$0x798]  }
0x374: {  	s25 =	simm.s32 @!p5 $0x0;
	s26 =	sld [smem:$0x799];
	v8 =	vsel vm7, s8, v8  }
0x375: {  	s25 =	sadd.s32 s28, s25;
	s0 =	smov.u32 s6;
	v7 =	vsel vm8, s14, v7;
	s14 =	sld [smem:$0x7A8];
	v8 =	vsel vm8, s9, v8  }
0x376: {  	s0 =	simm.s32 @!p5 $0x0;
	v8 =	vsel vm9, s25, v8;
	s25 =	sld [smem:$0x7AF]  }
0x377: {  	s3 =	sshll.u32 s13, s24;
	s13 =	ssub.s32 s20, s22;
	s22 =	sld [smem:$0x79A]  }
0x378: {  	s0 =	sadd.s32 s26, s0;
	s26 =	sld [smem:$0x79B]  }
0x379: {  	s20 =	sld [smem:$0x79D]  }
0x37a: {  	s9 =	sshll.u32 s14, s24;
	s14 =	sld [smem:$0x7B2]  }
0x37b: {  	s6 =	simm.s32 @p5 $0x0;
	v9 =	vsel vm1, s22, v19;
	s22 =	sld [smem:$0x79E]  }
0x37c: {  	s6 =	sadd.s32 s26, s6;
	s26 =	sld [smem:$0x79F]  }
0x37d: {  	v7 =	vsel vm9, s13, v7;
	s13 =	sld [smem:$0x7B1]  }
0x37e: {  	s1 =	sshll.u32 s20, s24;
	s20 =	sld [smem:$0x7A0]  }
0x37f: {  	s5 =	smov.u32 s3;
	s10 =	ssub.s32 s22, s26;
	s22 =	sld [smem:$0x7A1]  }
0x380: {  	s5 =	simm.s32 @!p5 $0x0;
	s26 =	sld [smem:$0x7A2]  }
0x381: {  	v9 =	vsel vm2, s12, v9;
	s5 =	sadd.s32 s20, s5;
	s20 =	sld [smem:$0x7A5]  }
0x382: {  	s3 =	simm.s32 @p5 $0x0;
	v9 =	vsel vm3, s22, v9;
	s22 =	sld [smem:$0x7A6]  }
0x383: {  	s3 =	sadd.s32 s26, s3;
	s26 =	sld [smem:$0x7A7]  }
0x384: {  	s12 =	ssub.s32 s19, s20;
	s19 =	sld [smem:$0x7AC]  }
0x385: {  	s20 =	sld [smem:$0x7AD]  }
0x386: {  	s2 =	smov.u32 s1;
	v9 =	vsel vm5, s7, v9;
	s7 =	sshll.u32 s18, s24;
	s18 =	sld [smem:$0x7AB]  }
0x387: {  	s1 =	simm.s32 @p5 $0x0;
	s2 =	simm.s32 @!p5 $0x0;
	v9 =	vsel vm6, s17, v9;
	s17 =	sld [smem:$0x7AA]  }
0x388: {  	s8 =	smov.u32 s7;
	s2 =	sadd.s32 s22, s2;
	s22 =	sld [smem:$0x7AE]  }
0x389: {  	s7 =	simm.s32 @p5 $0x0;
	s1 =	sadd.s32 s26, s1;
	s26 =	sld [smem:$0x7B0]  }
0x38a: {  	s7 =	sadd.s32 s19, s7;
	s19 =	sld [smem:$0x7B7]  }
0x38b: {  	v8 =	vsel vm10, s0, v8;
	v9 =	vsel vm7, s11, v9;
	s8 =	simm.s32 @!p5 $0x0;
	s0 =	sshll.u32 s20, s24;
	s20 =	sld [smem:$0x7B8]  }
0x38c: {  	s8 =	sadd.s32 s18, s8;
	v9 =	vsel vm8, s4, v9;
	s18 =	sld [smem:$0x7B6]  }
0x38d: {  	v8 =	vsel vm11, s5, v8;
	s5 =	ssub.s32 s13, s14;
	v9 =	vsel vm9, s15, v9;
	s15 =	sld [smem:$0x7B3]  }
0x38e: {  	v7 =	vsel vm10, s10, v7;
	s4 =	smov.u32 s9;
	s11 =	ssub.s32 s16, s17;
	s16 =	sld [smem:$0x7B4]  }
0x38f: {  	v7 =	vsel vm11, s12, v7;
	s9 =	simm.s32 @p5 $0x0;
	s12 =	smov.u32 s0;
	s17 =	sld [smem:$0x7B5]  }
0x390: {  	s0 =	simm.s32 @p5 $0x0;
	s10 =	ssub.s32 s22, s25;
	s22 =	sld [smem:$0x7B9]  }
0x391: {  	vm4 =	vcmask $0x3B38;
	s4 =	simm.s32 @!p5 $0x0;
	s12 =	simm.s32 @!p5 $0x0;
	v7 =	vsel vm12, s11, v7;
	v9 =	vsel vm10, s6, v9;
	s25 =	sld [smem:$0x7BA]  }
0x392: {  	v8 =	vsel vm12, s2, v8;
	s4 =	sadd.s32 s26, s4;
	s6 =	sshll.u32 s31, s24;
	s26 =	sld [smem:$0x7BB];
	v7 =	vsel vm13, s10, v7;
	v9 =	vsel vm11, s3, v9  }
0x393: {  	v8 =	vsel vm13, s8, v8;
	s10 =	smov.u32 s6;
	s2 =	sadd.s32 s15, s9;
	s9 =	ssub.s32 s17, s18;
	v7 =	vsel vm14, s5, v7;
	v9 =	vsel vm12, s1, v9  }
0x394: {  	v8 =	vsel vm14, s4, v8;
	s3 =	sadd.s32 s16, s12;
	s10 =	simm.s32 @!p5 $0x0;
	s1 =	ssub.s32 s19, s20;
	v7 =	vsel vm15, s9, v7;
	v9 =	vsel vm13, s7, v9  }
0x395: {  	s6 =	simm.s32 @p5 $0x0;
	s0 =	sadd.s32 s22, s0;
	s4 =	sadd.s32 s25, s10;
	v8 =	vsel vm15, s3, v8;
	v7 =	vsel vm4, s1, v7;
	v9 =	vsel vm14, s2, v9  }
0x396: {  	s1 =	sadd.s32 s26, s6;
	v8 =	vsel vm4, s4, v8;
	v9 =	vsel vm15, s0, v9;
	[tilespmem:s23+$0x7080] =	vst v7  }
0x397: {  	[tilespmem:s23+$0x6C80] =	vst v8;
	v7 =	vsel vm4, s1, v9  }
0x398: {  	[tilespmem:s23+$0x6E80] =	vst v7  }
0x399: {  	v8 =	vld [tilespmem:$0x6B80];
	_ =	sdelay $0x4  }
0x39a: {  	s2 =	rddreg [dreg:$0x18];
	(xrf0) =	vadd.scan.msk.s32 $0xffff, v8  }
0x39b: {  	v7 =	vld [tilespmem:s2+$0x7080];
	_ =	sdelay $0x4  }
0x39c: {  	v21 =	vbroadcast v7, $0x0;
	v20, _, _ =	vpop (xrf0)  }
0x39d: {  	v8 =	vsub.s32 v20, v8  }
0x39e: {  	vm1 =	vle.s32 v8, v21  }
0x39f: {  	v22 =	vsel vm1, $0x1, v1  }
0x3a0: {  	(xrf0) =	vadd.scan.msk.s32 $0xffff, v22;
	_ =	sdelay $0x5  }
0x3a1: {  	(v2sf) =	vpush v7, $0x0;
	v9, _, _ =	vpop (xrf0)  }
0x3a2: {  	(v2sf) =	vpush v9, $0xF;
	_ =	sdelay $0xd  }
0x3a3: {  	s22 =	spop (v2sf)  }
0x3a4: {  	s4 =	spop (v2sf)  }
0x3a5: {  	v23 =	vld [tilespmem:$0x6B90];
	s3 =	sadd.s32 $0xFFFFFFFF, s4  }
0x3a6: {  	v24 =	vmov s3  }
0x3a7: {  	vm1 =	veq.s32 v24, v3  }
0x3a8: {  	v8 =	vnsel vm1, $0x0, v8  }
0x3a9: {  	(xrf0) =	vadd.scan.msk.s32 $0xffff, v8  }
0x3aa: {  	(xrf0) =	vadd.scan.msk.s32 $0xffff, v23;
	_ =	sdelay $0x4  }
0x3ab: {  	v25, _, _ =	vpop (xrf0)  }
0x3ac: {  	v26 =	vbroadcast v7, $0x1;
	v8, _, _ =	vpop (xrf0)  }
0x3ad: {  	v27 =	vsub.s32 v8, v23  }
0x3ae: {  	vm1 =	vle.s32 v27, v26  }
0x3af: {  	v9 =	vld [tilespmem:s2+$0x6C80];
	v11 =	vsel vm1, $0x1, v1  }
0x3b0: {  	v8 =	vld [tilespmem:s2+$0x6E80];
	(xrf0) =	vadd.scan.msk.s32 $0xffff, v11;
	_ =	sdelay $0x2  }
0x3b1: {  	(v2sf) =	vpush v25, $0xF  }
0x3b2: {  	(v2sf) =	vpush v9, $0x0  }
0x3b3: {  	(v2sf) =	vpush v8, $0x0  }
0x3b4: {  	(v2sf) =	vpush v7, $0x1;
	v28, _, _ =	vpop (xrf0)  }
0x3b5: {  	(v2sf) =	vpush v28, $0xF;
	_ =	sdelay $0xa  }
0x3b6: {  	s25 =	spop (v2sf)  }
0x3b7: {  	s8 =	spop (v2sf)  }
0x3b8: {  	s7 =	spop (v2sf)  }
0x3b9: {  	s4 =	spop (v2sf)  }
0x3ba: {  	s5 =	spop (v2sf)  }
0x3bb: {  	v29 =	vld [tilespmem:$0x6BA0];
	s9 =	sadd.s32 $0xFFFFFFFF, s5  }
0x3bc: {  	v30 =	vmov s9  }
0x3bd: {  	vm1 =	veq.s32 v30, v3  }
0x3be: {  	v11 =	vnsel vm1, $0x0, v27  }
0x3bf: {  	(xrf0) =	vadd.scan.msk.s32 $0xffff, v11  }
0x3c0: {  	(xrf0) =	vadd.scan.msk.s32 $0xffff, v29;
	_ =	sdelay $0x4  }
0x3c1: {  	v11, _, _ =	vpop (xrf0)  }
0x3c2: {  	v32 =	vbroadcast v7, $0x2;
	v31, _, _ =	vpop (xrf0)  }
0x3c3: {  	v10 =	vsub.s32 v31, v29  }
0x3c4: {  	vm1 =	vle.s32 v10, v32  }
0x3c5: {  	v33 =	vsel vm1, $0x1, v1  }
0x3c6: {  	(xrf0) =	vadd.scan.msk.s32 $0xffff, v33;
	_ =	sdelay $0x2  }
0x3c7: {  	(v2sf) =	vpush v11, $0xF  }
0x3c8: {  	(v2sf) =	vpush v9, $0x1  }
0x3c9: {  	(v2sf) =	vpush v8, $0x1  }
0x3ca: {  	(v2sf) =	vpush v7, $0x2;
	v34, _, _ =	vpop (xrf0)  }
0x3cb: {  	(v2sf) =	vpush v34, $0xF;
	_ =	sdelay $0xa  }
0x3cc: {  	s6 =	spop (v2sf)  }
0x3cd: {  	s16 =	spop (v2sf)  }
0x3ce: {  	s15 =	spop (v2sf)  }
0x3cf: {  	s13 =	spop (v2sf)  }
0x3d0: {  	s10 =	spop (v2sf)  }
0x3d1: {  	v35 =	vld [tilespmem:$0x6BB0];
	s17 =	sadd.s32 $0xFFFFFFFF, s10  }
0x3d2: {  	v36 =	vmov s17  }
0x3d3: {  	vm1 =	veq.s32 v36, v3  }
0x3d4: {  	v10 =	vnsel vm1, $0x0, v10  }
0x3d5: {  	(xrf0) =	vadd.scan.msk.s32 $0xffff, v10  }
0x3d6: {  	(xrf0) =	vadd.scan.msk.s32 $0xffff, v35;
	_ =	sdelay $0x4  }
0x3d7: {  	v10, _, _ =	vpop (xrf0)  }
0x3d8: {  	v38 =	vbroadcast v7, $0x3;
	v37, _, _ =	vpop (xrf0)  }
0x3d9: {  	v11 =	vsub.s32 v37, v35  }
0x3da: {  	vm1 =	vle.s32 v11, v38  }
0x3db: {  	v39 =	vsel vm1, $0x1, v1  }
0x3dc: {  	(xrf0) =	vadd.scan.msk.s32 $0xffff, v39;
	_ =	sdelay $0x2  }
0x3dd: {  	(v2sf) =	vpush v10, $0xF  }
0x3de: {  	(v2sf) =	vpush v9, $0x2  }
0x3df: {  	(v2sf) =	vpush v8, $0x2  }
0x3e0: {  	(v2sf) =	vpush v7, $0x3;
	v40, _, _ =	vpop (xrf0)  }
0x3e1: {  	(v2sf) =	vpush v40, $0xF;
	_ =	sdelay $0xa  }
0x3e2: {  	s28 =	spop (v2sf)  }
0x3e3: {  	s20 =	spop (v2sf)  }
0x3e4: {  	s18 =	spop (v2sf)  }
0x3e5: {  	s23 =	spop (v2sf)  }
0x3e6: {  	s11 =	spop (v2sf)  }
0x3e7: {  	v41 =	vld [tilespmem:$0x6BC0];
	s30 =	sadd.s32 $0xFFFFFFFF, s11  }
0x3e8: {  	v42 =	vmov s30  }
0x3e9: {  	vm1 =	veq.s32 v42, v3  }
0x3ea: {  	v11 =	vnsel vm1, $0x0, v11  }
0x3eb: {  	(xrf0) =	vadd.scan.msk.s32 $0xffff, v11  }
0x3ec: {  	(xrf0) =	vadd.scan.msk.s32 $0xffff, v41;
	_ =	sdelay $0x4  }
0x3ed: {  	v11, _, _ =	vpop (xrf0)  }
0x3ee: {  	v44 =	vbroadcast v7, $0x4;
	v43, _, _ =	vpop (xrf0)  }
0x3ef: {  	v10 =	vsub.s32 v43, v41  }
0x3f0: {  	vm1 =	vle.s32 v10, v44  }
0x3f1: {  	v45 =	vsel vm1, $0x1, v1  }
0x3f2: {  	(xrf0) =	vadd.scan.msk.s32 $0xffff, v45;
	_ =	sdelay $0x2  }
0x3f3: {  	(v2sf) =	vpush v11, $0xF  }
0x3f4: {  	(v2sf) =	vpush v9, $0x3  }
0x3f5: {  	(v2sf) =	vpush v8, $0x3  }
0x3f6: {  	(v2sf) =	vpush v7, $0x4;
	v46, _, _ =	vpop (xrf0)  }
0x3f7: {  	(v2sf) =	vpush v46, $0xF;
	_ =	sdelay $0xa  }
0x3f8: {  	s12 =	spop (v2sf)  }
0x3f9: {  	s14 =	spop (v2sf)  }
0x3fa: {  	s19 =	spop (v2sf)  }
0x3fb: {  	s31 =	spop (v2sf)  }
0x3fc: {  	s26 =	spop (v2sf)  }
0x3fd: {  	v47 =	vld [tilespmem:$0x6BD0];
	s2 =	sadd.s32 $0xFFFFFFFF, s26  }
0x3fe: {  	v48 =	vmov s2  }
0x3ff: {  	vm1 =	veq.s32 v48, v3  }
0x400: {  	v10 =	vnsel vm1, $0x0, v10  }
0x401: {  	(xrf0) =	vadd.scan.msk.s32 $0xffff, v10  }
0x402: {  	(xrf0) =	vadd.scan.msk.s32 $0xffff, v47;
	_ =	sdelay $0x4  }
0x403: {  	v10, _, _ =	vpop (xrf0)  }
0x404: {  	v50 =	vbroadcast v7, $0x5;
	v49, _, _ =	vpop (xrf0)  }
0x405: {  	v11 =	vsub.s32 v49, v47  }
0x406: {  	vm1 =	vle.s32 v11, v50  }
0x407: {  	v51 =	vsel vm1, $0x1, v1  }
0x408: {  	(xrf0) =	vadd.scan.msk.s32 $0xffff, v51;
	_ =	sdelay $0x2  }
0x409: {  	(v2sf) =	vpush v10, $0xF  }
0x40a: {  	(v2sf) =	vpush v9, $0x4  }
0x40b: {  	(v2sf) =	vpush v8, $0x4  }
0x40c: {  	(v2sf) =	vpush v7, $0x5;
	v52, _, _ =	vpop (xrf0)  }
0x40d: {  	(v2sf) =	vpush v52, $0xF;
	_ =	sdelay $0xa  }
0x40e: {  	s1 =	spop (v2sf)  }
0x40f: {  	s5 =	spop (v2sf)  }
0x410: {  	[smem:$0x7BC] =	sst s6;
	s6 =	spop (v2sf)  }
0x411: {  	s10 =	spop (v2sf)  }
0x412: {  	s11 =	spop (v2sf)  }
0x413: {  	v53 =	vld [tilespmem:$0x6BE0];
	[smem:$0x7C2] =	sst s1;
	s1 =	sadd.s32 $0xFFFFFFFF, s11  }
0x414: {  	v54 =	vmov s1  }
0x415: {  	vm1 =	veq.s32 v54, v3  }
0x416: {  	v11 =	vnsel vm1, $0x0, v11  }
0x417: {  	(xrf0) =	vadd.scan.msk.s32 $0xffff, v11  }
0x418: {  	(xrf0) =	vadd.scan.msk.s32 $0xffff, v53;
	_ =	sdelay $0x4  }
0x419: {  	v11, _, _ =	vpop (xrf0)  }
0x41a: {  	v56 =	vbroadcast v7, $0x6;
	v55, _, _ =	vpop (xrf0)  }
0x41b: {  	v10 =	vsub.s32 v55, v53  }
0x41c: {  	vm1 =	vle.s32 v10, v56  }
0x41d: {  	v57 =	vsel vm1, $0x1, v1  }
0x41e: {  	(xrf0) =	vadd.scan.msk.s32 $0xffff, v57;
	_ =	sdelay $0x2  }
0x41f: {  	(v2sf) =	vpush v11, $0xF  }
0x420: {  	(v2sf) =	vpush v9, $0x5  }
0x421: {  	(v2sf) =	vpush v8, $0x5  }
0x422: {  	(v2sf) =	vpush v7, $0x6;
	v58, _, _ =	vpop (xrf0)  }
0x423: {  	(v2sf) =	vpush v58, $0xF;
	_ =	sdelay $0xa  }
0x424: {  	[smem:$0x7BF] =	sst s12;
	s12 =	spop (v2sf)  }
0x425: {  	[smem:$0x7BD] =	sst s14;
	s14 =	spop (v2sf)  }
0x426: {  	[smem:$0x7BE] =	sst s19;
	s19 =	spop (v2sf)  }
0x427: {  	s26 =	spop (v2sf)  }
0x428: {  	[smem:$0x7C0] =	sst s5;
	s5 =	spop (v2sf)  }
0x429: {  	v59 =	vld [tilespmem:$0x6BF0];
	s5 =	sadd.s32 $0xFFFFFFFF, s5  }
0x42a: {  	v60 =	vmov s5  }
0x42b: {  	vm1 =	veq.s32 v60, v3  }
0x42c: {  	v10 =	vnsel vm1, $0x0, v10  }
0x42d: {  	(xrf0) =	vadd.scan.msk.s32 $0xffff, v10  }
0x42e: {  	(xrf0) =	vadd.scan.msk.s32 $0xffff, v59;
	_ =	sdelay $0x4  }
0x42f: {  	v10, _, _ =	vpop (xrf0)  }
0x430: {  	v62 =	vbroadcast v7, $0x7;
	v61, _, _ =	vpop (xrf0)  }
0x431: {  	v11 =	vsub.s32 v61, v59  }
0x432: {  	vm1 =	vle.s32 v11, v62  }
0x433: {  	v63 =	vsel vm1, $0x1, v1  }
0x434: {  	(xrf0) =	vadd.scan.msk.s32 $0xffff, v63;
	_ =	sdelay $0x2  }
0x435: {  	(v2sf) =	vpush v10, $0xF  }
0x436: {  	(v2sf) =	vpush v9, $0x6  }
0x437: {  	(v2sf) =	vpush v8, $0x6  }
0x438: {  	(v2sf) =	vpush v7, $0x7;
	v15, _, _ =	vpop (xrf0)  }
0x439: {  	(v2sf) =	vpush v15, $0xF;
	_ =	sdelay $0xa  }
0x43a: {  	[smem:$0x7C1] =	sst s6;
	s6 =	spop (v2sf)  }
0x43b: {  	[smem:$0x7C5] =	sst s10;
	s10 =	spop (v2sf)  }
0x43c: {  	s11 =	spop (v2sf)  }
0x43d: {  	[smem:$0x7C6] =	sst s12;
	s12 =	spop (v2sf)  }
0x43e: {  	[smem:$0x7C3] =	sst s14;
	s14 =	spop (v2sf)  }
0x43f: {  	v16 =	vld [tilespmem:$0x6C00];
	s14 =	sadd.s32 $0xFFFFFFFF, s14  }
0x440: {  	v17 =	vmov s14  }
0x441: {  	vm1 =	veq.s32 v17, v3  }
0x442: {  	v11 =	vnsel vm1, $0x0, v11  }
0x443: {  	(xrf0) =	vadd.scan.msk.s32 $0xffff, v11  }
0x444: {  	(xrf0) =	vadd.scan.msk.s32 $0xffff, v16;
	_ =	sdelay $0x4  }
0x445: {  	v11, _, _ =	vpop (xrf0)  }
0x446: {  	v19 =	vbroadcast v7, $0x8;
	v18, _, _ =	vpop (xrf0)  }
0x447: {  	v10 =	vsub.s32 v18, v16  }
0x448: {  	vm1 =	vle.s32 v10, v19  }
0x449: {  	v20 =	vsel vm1, $0x1, v1  }
0x44a: {  	(xrf0) =	vadd.scan.msk.s32 $0xffff, v20;
	_ =	sdelay $0x2  }
0x44b: {  	(v2sf) =	vpush v11, $0xF  }
0x44c: {  	(v2sf) =	vpush v9, $0x7  }
0x44d: {  	(v2sf) =	vpush v8, $0x7  }
0x44e: {  	(v2sf) =	vpush v7, $0x8;
	v21, _, _ =	vpop (xrf0)  }
0x44f: {  	(v2sf) =	vpush v21, $0xF;
	_ =	sdelay $0xa  }
0x450: {  	[smem:$0x7C4] =	sst s19;
	s19 =	spop (v2sf)  }
0x451: {  	[smem:$0x7C9] =	sst s26;
	s26 =	spop (v2sf)  }
0x452: {  	[smem:$0x7CA] =	sst s6;
	s6 =	spop (v2sf)  }
0x453: {  	[smem:$0x7C7] =	sst s10;
	s10 =	spop (v2sf)  }
0x454: {  	[smem:$0x7C8] =	sst s11;
	s11 =	spop (v2sf)  }
0x455: {  	v22 =	vld [tilespmem:$0x6C10];
	s0 =	sadd.s32 $0xFFFFFFFF, s11  }
0x456: {  	v23 =	vmov s0  }
0x457: {  	vm1 =	veq.s32 v23, v3  }
0x458: {  	v10 =	vnsel vm1, $0x0, v10  }
0x459: {  	(xrf0) =	vadd.scan.msk.s32 $0xffff, v10  }
0x45a: {  	(xrf0) =	vadd.scan.msk.s32 $0xffff, v22;
	_ =	sdelay $0x4  }
0x45b: {  	v10, _, _ =	vpop (xrf0)  }
0x45c: {  	v25 =	vbroadcast v7, $0x9;
	v24, _, _ =	vpop (xrf0)  }
0x45d: {  	v11 =	vsub.s32 v24, v22  }
0x45e: {  	vm1 =	vle.s32 v11, v25  }
0x45f: {  	v26 =	vsel vm1, $0x1, v1  }
0x460: {  	(xrf0) =	vadd.scan.msk.s32 $0xffff, v26;
	_ =	sdelay $0x2  }
0x461: {  	(v2sf) =	vpush v10, $0xF  }
0x462: {  	(v2sf) =	vpush v9, $0x8  }
0x463: {  	(v2sf) =	vpush v8, $0x8  }
0x464: {  	(v2sf) =	vpush v7, $0x9;
	v27, _, _ =	vpop (xrf0)  }
0x465: {  	(v2sf) =	vpush v27, $0xF;
	_ =	sdelay $0xa  }
0x466: {  	[smem:$0x7CF] =	sst s12;
	s12 =	spop (v2sf)  }
0x467: {  	[smem:$0x7D0] =	sst s19;
	s19 =	spop (v2sf)  }
0x468: {  	[smem:$0x7CC] =	sst s26;
	s26 =	spop (v2sf)  }
0x469: {  	[smem:$0x7CD] =	sst s6;
	s6 =	spop (v2sf)  }
0x46a: {  	[smem:$0x7D4] =	sst s10;
	s10 =	spop (v2sf)  }
0x46b: {  	v28 =	vld [tilespmem:$0x6C20];
	[smem:$0x7CB] =	sst s0;
	s0 =	sadd.s32 $0xFFFFFFFF, s10  }
0x46c: {  	v29 =	vmov s0  }
0x46d: {  	vm1 =	veq.s32 v29, v3  }
0x46e: {  	v11 =	vnsel vm1, $0x0, v11  }
0x46f: {  	(xrf0) =	vadd.scan.msk.s32 $0xffff, v11  }
0x470: {  	(xrf0) =	vadd.scan.msk.s32 $0xffff, v28;
	_ =	sdelay $0x4  }
0x471: {  	v11, _, _ =	vpop (xrf0)  }
0x472: {  	v31 =	vbroadcast v7, $0xA;
	v30, _, _ =	vpop (xrf0)  }
0x473: {  	v10 =	vsub.s32 v30, v28  }
0x474: {  	vm1 =	vle.s32 v10, v31  }
0x475: {  	v32 =	vsel vm1, $0x1, v1  }
0x476: {  	(xrf0) =	vadd.scan.msk.s32 $0xffff, v32;
	_ =	sdelay $0x2  }
0x477: {  	(v2sf) =	vpush v11, $0xF  }
0x478: {  	(v2sf) =	vpush v9, $0x9  }
0x479: {  	(v2sf) =	vpush v8, $0x9  }
0x47a: {  	(v2sf) =	vpush v7, $0xA;
	v33, _, _ =	vpop (xrf0)  }
0x47b: {  	(v2sf) =	vpush v33, $0xF;
	_ =	sdelay $0xa  }
0x47c: {  	s11 =	spop (v2sf)  }
0x47d: {  	[smem:$0x7D5] =	sst s12;
	s12 =	spop (v2sf)  }
0x47e: {  	[smem:$0x7D1] =	sst s19;
	s19 =	spop (v2sf)  }
0x47f: {  	[smem:$0x7D2] =	sst s26;
	s26 =	spop (v2sf)  }
0x480: {  	[smem:$0x7D9] =	sst s6;
	s6 =	spop (v2sf)  }
0x481: {  	v34 =	vld [tilespmem:$0x6C30];
	[smem:$0x7CE] =	sst s0;
	s0 =	sadd.s32 $0xFFFFFFFF, s6  }
0x482: {  	v35 =	vmov s0  }
0x483: {  	vm1 =	veq.s32 v35, v3  }
0x484: {  	v10 =	vnsel vm1, $0x0, v10  }
0x485: {  	(xrf0) =	vadd.scan.msk.s32 $0xffff, v10  }
0x486: {  	(xrf0) =	vadd.scan.msk.s32 $0xffff, v34;
	_ =	sdelay $0x4  }
0x487: {  	v10, _, _ =	vpop (xrf0)  }
0x488: {  	v37 =	vbroadcast v7, $0xB;
	v36, _, _ =	vpop (xrf0)  }
0x489: {  	v11 =	vsub.s32 v36, v34  }
0x48a: {  	vm1 =	vle.s32 v11, v37  }
0x48b: {  	v38 =	vsel vm1, $0x1, v1  }
0x48c: {  	(xrf0) =	vadd.scan.msk.s32 $0xffff, v38;
	_ =	sdelay $0x2  }
0x48d: {  	(v2sf) =	vpush v10, $0xF  }
0x48e: {  	(v2sf) =	vpush v9, $0xA  }
0x48f: {  	(v2sf) =	vpush v8, $0xA  }
0x490: {  	(v2sf) =	vpush v7, $0xB;
	v39, _, _ =	vpop (xrf0)  }
0x491: {  	(v2sf) =	vpush v39, $0xF;
	_ =	sdelay $0xa  }
0x492: {  	s10 =	spop (v2sf)  }
0x493: {  	[smem:$0x7DA] =	sst s11;
	s11 =	spop (v2sf)  }
0x494: {  	[smem:$0x7D6] =	sst s12;
	s12 =	spop (v2sf)  }
0x495: {  	[smem:$0x7D7] =	sst s19;
	s19 =	spop (v2sf)  }
0x496: {  	[smem:$0x7DE] =	sst s26;
	s26 =	spop (v2sf)  }
0x497: {  	v40 =	vld [tilespmem:$0x6C40];
	[smem:$0x7D3] =	sst s0;
	s0 =	sadd.s32 $0xFFFFFFFF, s26  }
0x498: {  	v41 =	vmov s0  }
0x499: {  	vm1 =	veq.s32 v41, v3  }
0x49a: {  	v11 =	vnsel vm1, $0x0, v11  }
0x49b: {  	(xrf0) =	vadd.scan.msk.s32 $0xffff, v11  }
0x49c: {  	(xrf0) =	vadd.scan.msk.s32 $0xffff, v40;
	_ =	sdelay $0x4  }
0x49d: {  	v11, _, _ =	vpop (xrf0)  }
0x49e: {  	v43 =	vbroadcast v7, $0xC;
	v42, _, _ =	vpop (xrf0)  }
0x49f: {  	v10 =	vsub.s32 v42, v40  }
0x4a0: {  	vm1 =	vle.s32 v10, v43  }
0x4a1: {  	v44 =	vsel vm1, $0x1, v1  }
0x4a2: {  	(xrf0) =	vadd.scan.msk.s32 $0xffff, v44;
	_ =	sdelay $0x2  }
0x4a3: {  	(v2sf) =	vpush v11, $0xF  }
0x4a4: {  	(v2sf) =	vpush v9, $0xB  }
0x4a5: {  	(v2sf) =	vpush v8, $0xB  }
0x4a6: {  	(v2sf) =	vpush v7, $0xC;
	v45, _, _ =	vpop (xrf0)  }
0x4a7: {  	(v2sf) =	vpush v45, $0xF;
	_ =	sdelay $0xa  }
0x4a8: {  	s6 =	spop (v2sf)  }
0x4a9: {  	[smem:$0x7DF] =	sst s10;
	s10 =	spop (v2sf)  }
0x4aa: {  	[smem:$0x7DB] =	sst s11;
	s11 =	spop (v2sf)  }
0x4ab: {  	[smem:$0x7DC] =	sst s12;
	s12 =	spop (v2sf)  }
0x4ac: {  	[smem:$0x7E3] =	sst s19;
	s19 =	spop (v2sf)  }
0x4ad: {  	v46 =	vld [tilespmem:$0x6C50];
	[smem:$0x7D8] =	sst s0;
	s0 =	sadd.s32 $0xFFFFFFFF, s19  }
0x4ae: {  	v47 =	vmov s0  }
0x4af: {  	vm1 =	veq.s32 v47, v3  }
0x4b0: {  	v10 =	vnsel vm1, $0x0, v10  }
0x4b1: {  	(xrf0) =	vadd.scan.msk.s32 $0xffff, v10  }
0x4b2: {  	(xrf0) =	vadd.scan.msk.s32 $0xffff, v46;
	_ =	sdelay $0x4  }
0x4b3: {  	v10, _, _ =	vpop (xrf0)  }
0x4b4: {  	v49 =	vbroadcast v7, $0xD;
	v48, _, _ =	vpop (xrf0)  }
0x4b5: {  	v11 =	vsub.s32 v48, v46  }
0x4b6: {  	vm1 =	vle.s32 v11, v49  }
0x4b7: {  	v50 =	vsel vm1, $0x1, v1  }
0x4b8: {  	(xrf0) =	vadd.scan.msk.s32 $0xffff, v50;
	_ =	sdelay $0x2  }
0x4b9: {  	(v2sf) =	vpush v10, $0xF  }
0x4ba: {  	(v2sf) =	vpush v9, $0xC  }
0x4bb: {  	(v2sf) =	vpush v8, $0xC  }
0x4bc: {  	(v2sf) =	vpush v7, $0xD;
	v51, _, _ =	vpop (xrf0)  }
0x4bd: {  	(v2sf) =	vpush v51, $0xF;
	_ =	sdelay $0xa  }
0x4be: {  	s26 =	spop (v2sf)  }
0x4bf: {  	[smem:$0x7E4] =	sst s6;
	s6 =	spop (v2sf)  }
0x4c0: {  	[smem:$0x7E0] =	sst s10;
	s10 =	spop (v2sf)  }
0x4c1: {  	[smem:$0x7E1] =	sst s11;
	s11 =	spop (v2sf)  }
0x4c2: {  	[smem:$0x7E6] =	sst s12;
	s12 =	spop (v2sf)  }
0x4c3: {  	v52 =	vld [tilespmem:$0x6C60];
	[smem:$0x7DD] =	sst s0;
	s0 =	sadd.s32 $0xFFFFFFFF, s12  }
0x4c4: {  	v53 =	vmov s0  }
0x4c5: {  	vm1 =	veq.s32 v53, v3  }
0x4c6: {  	v11 =	vnsel vm1, $0x0, v11  }
0x4c7: {  	(xrf0) =	vadd.scan.msk.s32 $0xffff, v11  }
0x4c8: {  	(xrf0) =	vadd.scan.msk.s32 $0xffff, v52;
	_ =	sdelay $0x4  }
0x4c9: {  	v11, _, _ =	vpop (xrf0)  }
0x4ca: {  	v55 =	vbroadcast v7, $0xE;
	v54, _, _ =	vpop (xrf0)  }
0x4cb: {  	v10 =	vsub.s32 v54, v52  }
0x4cc: {  	vm1 =	vle.s32 v10, v55  }
0x4cd: {  	v56 =	vsel vm1, $0x1, v1  }
0x4ce: {  	(xrf0) =	vadd.scan.msk.s32 $0xffff, v56;
	_ =	sdelay $0x2  }
0x4cf: {  	(v2sf) =	vpush v11, $0xF  }
0x4d0: {  	(v2sf) =	vpush v9, $0xD  }
0x4d1: {  	(v2sf) =	vpush v8, $0xD  }
0x4d2: {  	(v2sf) =	vpush v7, $0xE;
	v57, _, _ =	vpop (xrf0)  }
0x4d3: {  	(v2sf) =	vpush v57, $0xF;
	_ =	sdelay $0xa  }
0x4d4: {  	s19 =	spop (v2sf)  }
0x4d5: {  	[smem:$0x7E7] =	sst s26;
	s26 =	spop (v2sf)  }
0x4d6: {  	[smem:$0x7E5] =	sst s6;
	s6 =	spop (v2sf)  }
0x4d7: {  	[smem:$0x7E9] =	sst s10;
	s10 =	spop (v2sf)  }
0x4d8: {  	[smem:$0x7EB] =	sst s11;
	s11 =	spop (v2sf)  }
0x4d9: {  	v58 =	vld [tilespmem:$0x6C70];
	[smem:$0x7E2] =	sst s0;
	s0 =	sadd.s32 $0xFFFFFFFF, s11  }
0x4da: {  	v59 =	vmov s0  }
0x4db: {  	vm1 =	veq.s32 v59, v3  }
0x4dc: {  	v10 =	vnsel vm1, $0x0, v10  }
0x4dd: {  	(xrf0) =	vadd.scan.msk.s32 $0xffff, v10  }
0x4de: {  	(xrf0) =	vadd.scan.msk.s32 $0xffff, v58;
	_ =	sdelay $0x4  }
0x4df: {  	v10, _, _ =	vpop (xrf0)  }
0x4e0: {  	v61 =	vbroadcast v7, $0xF;
	v60, _, _ =	vpop (xrf0)  }
0x4e1: {  	v11 =	vsub.s32 v60, v58  }
0x4e2: {  	vm1 =	vle.s32 v11, v61  }
0x4e3: {  	v62 =	vsel vm1, $0x1, v1  }
0x4e4: {  	(xrf0) =	vadd.scan.msk.s32 $0xffff, v62;
	_ =	sdelay $0x2  }
0x4e5: {  	(v2sf) =	vpush v10, $0xF  }
0x4e6: {  	(v2sf) =	vpush v9, $0xE  }
0x4e7: {  	(v2sf) =	vpush v8, $0xE  }
0x4e8: {  	(v2sf) =	vpush v7, $0xF;
	v7, _, _ =	vpop (xrf0)  }
0x4e9: {  	(v2sf) =	vpush v7, $0xF;
	_ =	sdelay $0xa  }
0x4ea: {  	s12 =	spop (v2sf)  }
0x4eb: {  	[smem:$0x7EC] =	sst s19;
	s19 =	spop (v2sf)  }
0x4ec: {  	[smem:$0x7EA] =	sst s26;
	s26 =	spop (v2sf)  }
0x4ed: {  	s11 =	spop (v2sf)  }
0x4ee: {  	[smem:$0x7EF] =	sst s6;
	s6 =	spop (v2sf)  }
0x4ef: {  	[smem:$0x7F0] =	sst s19;
	s19 =	sadd.s32 $0xFFFFFFFF, s6  }
0x4f0: {  	v7 =	vmov s19  }
0x4f1: {  	s9 =	sshll.u32 s9, s24;
	[smem:$0x7ED] =	sst s10;
	vm1 =	veq.s32 v7, v3  }
0x4f2: {  	s10 =	smov.u32 s9;
	[smem:$0x7E8] =	sst s0;
	v7 =	vnsel vm1, $0x0, v11  }
0x4f3: {  	s9 =	simm.s32 @p5 $0x0;
	[smem:$0x7EE] =	sst s12;
	s6 =	sshll.u32 s3, s24;
	(xrf0) =	vadd.scan.msk.s32 $0xffff, v7  }
0x4f4: {  	[smem:$0x7F1] =	sst s26;
	s0 =	smov.u32 s6;
	s6 =	simm.s32 @p5 $0x0  }
0x4f5: {  	s10 =	simm.s32 @!p5 $0x0;
	s26 =	sadd.s32 s7, s6;
	s7 =	sld [smem:$0x7BC]  }
0x4f6: {  	s0 =	simm.s32 @!p5 $0x0;
	s6 =	sshll.u32 s17, s24;
	s17 =	sld [smem:$0x7BF]  }
0x4f7: {  	s12 =	sadd.s32 s8, s0;
	s8 =	ssub.s32 s22, s25;
	s25 =	sadd.s32 s16, s10  }
0x4f8: {  	s10 =	smov.u32 s6;
	s22 =	sadd.s32 s15, s9;
	s9 =	sshll.u32 s30, s24  }
0x4f9: {  	s6 =	simm.s32 @p5 $0x0;
	s0 =	sshll.u32 s1, s24;
	s1 =	sld [smem:$0x7C5];
	v7, _, _ =	vpop (xrf0)  }
0x4fa: {  	s10 =	simm.s32 @!p5 $0x0;
	s16 =	smov.u32 s9;
	s15 =	sadd.s32 s18, s6;
	(v2sf) =	vpush v7, $0xF  }
0x4fb: {  	s18 =	sshll.u32 s2, s24;
	s9 =	simm.s32 @p5 $0x0;
	s2 =	sld [smem:$0x7C1];
	(v2sf) =	vpush v9, $0xF  }
0x4fc: {  	s7 =	ssub.s32 s4, s7;
	s20 =	sadd.s32 s20, s10;
	s10 =	sld [smem:$0x7BD];
	(v2sf) =	vpush v8, $0xF  }
0x4fd: {  	s16 =	simm.s32 @!p5 $0x0;
	s4 =	ssub.s32 s13, s28;
	s13 =	sld [smem:$0x7BE]  }
0x4fe: {  	s3 =	ssub.s32 s23, s17;
	s23 =	sld [smem:$0x7C0];
	s17 =	sshll.u32 s5, s24  }
0x4ff: {  	s5 =	sld [smem:$0x7C6];
	s30 =	sadd.s32 s10, s16;
	s16 =	smov.u32 s18  }
0x500: {  	s13 =	sadd.s32 s13, s9;
	s10 =	sld [smem:$0x7C2];
	s16 =	simm.s32 @!p5 $0x0  }
0x501: {  	s18 =	simm.s32 @p5 $0x0;
	s6 =	sadd.s32 s23, s16;
	s23 =	sld [smem:$0x7C4]  }
0x502: {  	s9 =	smov.u32 s0;
	s16 =	sadd.s32 s2, s18;
	s18 =	sld [smem:$0x7C3]  }
0x503: {  	s28 =	sshll.u32 s14, s24;
	s0 =	simm.s32 @p5 $0x0;
	s9 =	simm.s32 @!p5 $0x0  }
0x504: {  	s2 =	ssub.s32 s31, s10;
	s10 =	sadd.s32 s23, s0;
	s23 =	sld [smem:$0x7C7]  }
0x505: {  	s14 =	sld [smem:$0x7C9];
	s9 =	sadd.s32 s18, s9;
	s18 =	smov.u32 s17  }
0x506: {  	s5 =	ssub.s32 s1, s5;
	s1 =	sld [smem:$0x7C8];
	s18 =	simm.s32 @!p5 $0x0  }
0x507: {  	s31 =	sshll.u32 s19, s24;
	s18 =	sadd.s32 s23, s18;
	s23 =	sld [smem:$0x7CA]  }
0x508: {  	s19 =	smov.u32 s31  }
0x509: {  	s31 =	simm.s32 @p5 $0x0;
	s17 =	simm.s32 @p5 $0x0;
	s0 =	spop (v2sf)  }
0x50a: {  	s17 =	sadd.s32 s1, s17;
	s1 =	ssub.s32 s14, s23;
	s14 =	spop (v2sf)  }
0x50b: {  	s19 =	simm.s32 @!p5 $0x0;
	s0 =	ssub.s32 s11, s0;
	s11 =	spop (v2sf)  }
0x50c: {  	s14 =	sadd.s32 s14, s19;
	s19 =	sld [smem:$0x7CB];
	s11 =	sadd.s32 s11, s31  }
0x50d: {  	vm1 =	vcmask $0x300;
	v8 =	vmov s14;
	v63 =	vmov s11;
	s11 =	sld [smem:$0x7CE]  }
0x50e: {  	v8 =	vsel vm1, s12, v8;
	s12 =	sld [smem:$0x7CF]  }
0x50f: {  	v7 =	vmov s0;
	s0 =	sshll.u32 s19, s24;
	s19 =	sld [smem:$0x7CC]  }
0x510: {  	v9 =	vsel vm1, s26, v63;
	s26 =	sld [smem:$0x7D2]  }
0x511: {  	s23 =	smov.u32 s28;
	v9 =	vsel vm2, s22, v9;
	s22 =	sld [smem:$0x7D3]  }
0x512: {  	s23 =	simm.s32 @!p5 $0x0;
	v7 =	vsel vm1, s8, v7;
	s8 =	smov.u32 s0;
	v9 =	vsel vm3, s15, v9;
	s15 =	sld [smem:$0x7D8]  }
0x513: {  	v7 =	vsel vm2, s7, v7;
	v8 =	vsel vm2, s25, v8;
	s0 =	simm.s32 @p5 $0x0;
	s19 =	sadd.s32 s19, s23;
	s23 =	sld [smem:$0x7CD]  }
0x514: {  	v7 =	vsel vm3, s4, v7;
	v8 =	vsel vm3, s20, v8;
	s0 =	sadd.s32 s26, s0;
	s26 =	sld [smem:$0x7D5]  }
0x515: {  	v7 =	vsel vm5, s3, v7;
	v8 =	vsel vm5, s30, v8;
	v9 =	vsel vm5, s13, v9;
	s13 =	sld [smem:$0x7DC]  }
0x516: {  	v7 =	vsel vm6, s2, v7;
	v8 =	vsel vm6, s6, v8;
	s3 =	sshll.u32 s22, s24;
	s22 =	sld [smem:$0x7D9]  }
0x517: {  	v7 =	vsel vm7, s5, v7;
	v8 =	vsel vm7, s9, v8;
	s5 =	sshll.u32 s15, s24;
	s15 =	sld [smem:$0x7DD]  }
0x518: {  	s28 =	simm.s32 @p5 $0x0;
	s2 =	smov.u32 s3;
	v8 =	vsel vm8, s18, v8;
	s18 =	sld [smem:$0x7DE]  }
0x519: {  	v9 =	vsel vm6, s16, v9;
	s3 =	simm.s32 @p5 $0x0;
	s14 =	sadd.s32 s23, s28;
	s23 =	sld [smem:$0x7D0]  }
0x51a: {  	v9 =	vsel vm7, s10, v9;
	s3 =	sadd.s32 s13, s3;
	s13 =	sld [smem:$0x7E3]  }
0x51b: {  	v9 =	vsel vm8, s17, v9;
	s17 =	sld [smem:$0x7E6]  }
0x51c: {  	s7 =	sshll.u32 s11, s24;
	s11 =	ssub.s32 s12, s23;
	s23 =	sld [smem:$0x7D1]  }
0x51d: {  	v8 =	vsel vm9, s19, v8;
	s19 =	sld [smem:$0x7E8]  }
0x51e: {  	s8 =	simm.s32 @!p5 $0x0;
	v9 =	vsel vm9, s14, v9;
	s14 =	sld [smem:$0x7E4]  }
0x51f: {  	s8 =	sadd.s32 s23, s8;
	s23 =	sld [smem:$0x7D4]  }
0x520: {  	s9 =	sshll.u32 s15, s24;
	s15 =	sld [smem:$0x7E5]  }
0x521: {  	v8 =	vsel vm10, s8, v8;
	s8 =	ssub.s32 s13, s14;
	s13 =	sld [smem:$0x7F1]  }
0x522: {  	s12 =	ssub.s32 s23, s26;
	s23 =	sld [smem:$0x7D6]  }
0x523: {  	s4 =	smov.u32 s7;
	s14 =	rddreg [dreg:$0x18]  }
0x524: {  	s4 =	simm.s32 @!p5 $0x0;
	v7 =	vsel vm8, s1, v7;
	s26 =	sld [smem:$0x7D7]  }
0x525: {  	v7 =	vsel vm9, s11, v7;
	s4 =	sadd.s32 s23, s4;
	s23 =	sld [smem:$0x7DA]  }
0x526: {  	s7 =	simm.s32 @p5 $0x0;
	v7 =	vsel vm10, s12, v7;
	s12 =	sld [smem:$0x7E2]  }
0x527: {  	s7 =	sadd.s32 s26, s7;
	s26 =	sld [smem:$0x7DB]  }
0x528: {  	s6 =	ssub.s32 s22, s23;
	s22 =	sld [smem:$0x7DF]  }
0x529: {  	s2 =	simm.s32 @!p5 $0x0;
	s23 =	sld [smem:$0x7E0]  }
0x52a: {  	s2 =	sadd.s32 s26, s2;
	s26 =	sld [smem:$0x7E1]  }
0x52b: {  	v8 =	vsel vm11, s4, v8;
	s4 =	sshll.u32 s19, s24;
	v7 =	vsel vm11, s6, v7;
	s6 =	sshll.u32 s12, s24;
	s24 =	sld [smem:$0x7EB]  }
0x52c: {  	s1 =	smov.u32 s5;
	s10 =	ssub.s32 s18, s22;
	s18 =	sld [smem:$0x7E7]  }
0x52d: {  	s5 =	simm.s32 @p5 $0x0;
	s1 =	simm.s32 @!p5 $0x0;
	s22 =	sld [smem:$0x7E9]  }
0x52e: {  	s11 =	smov.u32 s9;
	s1 =	sadd.s32 s23, s1;
	s23 =	sld [smem:$0x7EA]  }
0x52f: {  	s11 =	simm.s32 @!p5 $0x0;
	v8 =	vsel vm12, s2, v8;
	s5 =	sadd.s32 s26, s5;
	s26 =	sld [smem:$0x7EC]  }
0x530: {  	s11 =	sadd.s32 s15, s11;
	v7 =	vsel vm12, s10, v7;
	v8 =	vsel vm13, s1, v8;
	s10 =	sld [smem:$0x7EE]  }
0x531: {  	s9 =	simm.s32 @p5 $0x0;
	v8 =	vsel vm14, s11, v8;
	s11 =	sld [smem:$0x7EF]  }
0x532: {  	v9 =	vsel vm10, s0, v9;
	v7 =	vsel vm13, s8, v7;
	s12 =	ssub.s32 s17, s18;
	s2 =	sadd.s32 s22, s9;
	s9 =	sld [smem:$0x7ED]  }
0x533: {  	v9 =	vsel vm11, s7, v9;
	s0 =	smov.u32 s6;
	s6 =	simm.s32 @p5 $0x0;
	v7 =	vsel vm14, s12, v7;
	s12 =	sld [smem:$0x7F0]  }
0x534: {  	v9 =	vsel vm12, s3, v9;
	s0 =	simm.s32 @!p5 $0x0;
	s1 =	smov.u32 s4;
	s7 =	ssub.s32 s24, s26  }
0x535: {  	v9 =	vsel vm13, s5, v9;
	s1 =	simm.s32 @!p5 $0x0;
	s0 =	sadd.s32 s23, s0;
	v7 =	vsel vm15, s7, v7;
	s3 =	ssub.s32 s9, s10  }
0x536: {  	s4 =	simm.s32 @p5 $0x0;
	v8 =	vsel vm15, s0, v8;
	v9 =	vsel vm14, s2, v9;
	s5 =	sadd.s32 s11, s6;
	s1 =	sadd.s32 s12, s1;
	v7 =	vsel vm4, s3, v7  }
0x537: {  	s0 =	sadd.s32 s13, s4;
	v9 =	vsel vm15, s5, v9;
	v8 =	vsel vm4, s1, v8;
	[tilespmem:s14+$0x7080] =	vst v7  }
0x538: {  	s15 =	rddreg [dreg:$0x16];
	v7 =	vsel vm4, s0, v9;
	[tilespmem:s14+$0x6C80] =	vst v8  }
0x539: {  	s17 =	rddreg [dreg:$0x1b];
	[tilespmem:s14+$0x6E80] =	vst v7  }
0x53a: {  	[spmem:s17] =	stream.linear.scatter [tilespmem:s15], [sflag:$0x1], $0x20, $0x38;
	[tilespmem:$0x9890] =	vst v63  }
0x53b: {  	_ =	swait.ge [sflag:s29], $0x20  }
0x53c: {  	[sflag:s29] =	ssyncset.done $0x0;
	s18 =	rddreg [dreg:$0x17]  }
0x53d: {  	s19 =	rddreg [dreg:$0x1c];
	[sflag:s29] =	ssyncadd.s32 $0xFFFFFFE0  }
0x53e: {  	[spmem:s19] =	stream.linear.scatter [tilespmem:s18], [sflag:$0x1], $0x20, $0x38;
	[tilespmem:$0x9890] =	vst v63  }
0x53f: {  	_ =	swait.ge [sflag:s29], $0x20  }
0x540: {  	[sflag:s29] =	ssyncset.done $0x0  }
0x541: {  	[sflag:s29] =	ssyncadd.s32 $0xFFFFFFE0  }
0x542: {  	[bflag:$0x0] =	sbarrier.arrive $0xFFFF  }
0x543: {  	s26 =	simm.s32 $0x6C80;
	s22 =	rddreg [dreg:$0x5]  }
0x544: {  	[tilespmem:s26], [sflag:$0x1] =	stream.linear.gather [spmem:s22], $0x200, $0x38;
	[tilespmem:$0x9890] =	vst v63  }
0x545: {  	_ =	swait.ge [sflag:s29], $0x200  }
0x546: {  	[sflag:s29] =	ssyncset.done $0x0  }
0x547: {  	[sflag:s29] =	ssyncadd.s32 $0xFFFFFE00  }
0x548: {  	s28 =	simm.s32 $0x6E80;
	s23 =	rddreg [dreg:$0x6]  }
0x549: {  	[tilespmem:s28], [sflag:$0x1] =	stream.linear.gather [spmem:s23], $0x200, $0x38;
	[tilespmem:$0x9890] =	vst v63  }
0x54a: {  	_ =	swait.ge [sflag:s29], $0x200  }
0x54b: {  	s24 =	rddreg [dreg:$0x1f]  }
0x54c: {  	s3 =	sadd.s32 $0x1, s24  }
0x54d: {  	p5 =	sne.s32 s3, $0xC  }
.Ltmp12:
0x54e: {  	_ = 	snop;
	(pc) =	sbr.rel @p5 .LBB2_13-.Ltmp12, $4  }
0x54f: {  	_ = 	snop  }
0x550: {  	s31 =	simm.s32 $0x1600  }
0x551: {  	s25 =	simm.s32 $0x7380;
	s20 =	simm.s32 $0x480;
	[sflag:s29] =	ssyncset.done $0x0  }
0x552: {  	s30 =	simm.s32 $0x2A80;
	s16 =	simm.s32 $0x0;
	[sflag:s29] =	ssyncadd.s32 $0xFFFFFE00  }
.LBB2_25:
0x553: {  	s1 =	simm.s32 $0x0  }
0x554: {  	v6 =	vld [tilespmem:s1+$0x0];
	_ =	sdelay $0x7  }
0x555: {  	v6 =	vld.idx.msk [tilespmem:v6+s31+$0x0], $0xffff;
	_ =	sdelay $0x4  }
0x556: {  	vm1 =	vgt.s32 v6, $0xFFFFFFFF;
	_ =	sdelay $0x5  }
0x557: {  	v8 =	vld.idx.msk [tilespmem:v6+s26+$0x0], vm1  }
0x558: {  	v6 =	vld.idx.msk [tilespmem:v6+s28+$0x0], vm1  }
0x559: {  	v7 =	vld [tilespmem:s1+$0x480];
	_ =	sdelay $0x1  }
0x55a: {  	s0 =	rddreg [dreg:$0x9]  }
0x55b: {  	s3 =	simm.s32 $0x10;
	v9 =	vor.u32 s0, v3  }
0x55c: {  	vm3 =	vgt.s32 v9, v6;
	v6 =	vld [tilespmem:s3+$0x0]  }
0x55d: {  	vm2 =	vne.s32 v7, v8  }
0x55e: {  	vm4 =	vge.s32 v7, v8;
	vm2 =	vmor vm2, vm3  }
0x55f: {  	s17 =	rddreg [dreg:$0xf];
	vm2 =	vmand vm4, vm2  }
0x560: {  	s2 =	simm.s32 $0x80;
	s7 =	rddreg [dreg:$0x10];
	vm1 =	vmand vm1, vm2  }
.LBB2_26:
0x561: {  	p4 =	sne.s32 s2, $0x10C0  }
0x562: {  	v7 =	vsel vm1, $0x0, v5;
	s0 =	sadd.s32 $0x10, s0;
	s4 =	smov.u32 s2;
	s2 =	sadd.s32 $0x40, s2  }
0x563: {  	[tilespmem:s1+$0xD80] =	vst v7;
	s1 =	smov.u32 s3  }
0x564: {  	v6 =	vld.idx.msk [tilespmem:v6+s31+$0x0], $0xffff;
	_ =	sdelay $0x5  }
0x565: {  	vm1 =	vgt.s32 v6, $0xFFFFFFFF;
	_ =	sdelay $0x4  }
0x566: {  	v7 =	vld [tilespmem:s1+$0x480]  }
0x567: {  	v8 =	vld.idx.msk [tilespmem:v6+s26+$0x0], vm1  }
0x568: {  	v9 =	vld.idx.msk [tilespmem:v6+s28+$0x0], vm1;
	_ =	sdelay $0x2  }
0x569: {  	s3 =	sshra.s32 s4, $0x2  }
0x56a: {  	v10 =	vor.u32 s0, v3;
	v6 =	vld [tilespmem:s3+$0x0]  }
.Ltmp13:
0x56b: {  	vm2 =	vne.s32 v7, v8;
	(pc) =	sbr.rel @p4 .LBB2_26-.Ltmp13, $4  }
0x56c: {  	vm3 =	vge.s32 v7, v8;
	vm4 =	vgt.s32 v10, v9  }
0x56d: {  	vm2 =	vmor vm2, vm4  }
0x56e: {  	vm2 =	vmand vm3, vm2  }
0x56f: {  	vm1 =	vmand vm1, vm2  }
0x570: {  	_ =	sdelay $0x1  }
0x571: {  	v7 =	vsel vm1, $0x0, v5  }
0x572: {  	[tilespmem:s1+$0xD80] =	vst v7  }
0x573: {  	v6 =	vld.idx.msk [tilespmem:v6+s31+$0x0], $0xffff;
	_ =	sdelay $0x4  }
0x574: {  	vm1 =	vgt.s32 v6, $0xFFFFFFFF;
	_ =	sdelay $0x4  }
0x575: {  	v7 =	vld [tilespmem:s3+$0x480]  }
0x576: {  	v8 =	vld.idx.msk [tilespmem:v6+s26+$0x0], vm1  }
0x577: {  	v6 =	vld.idx.msk [tilespmem:v6+s28+$0x0], vm1;
	_ =	sdelay $0x2  }
0x578: {  	s0 =	sadd.s32 $0x10, s0  }
0x579: {  	v9 =	vor.u32 s0, v3  }
0x57a: {  	vm2 =	vne.s32 v7, v8;
	vm3 =	vgt.s32 v9, v6  }
0x57b: {  	vm4 =	vge.s32 v7, v8;
	vm2 =	vmor vm2, vm3  }
0x57c: {  	vm2 =	vmand vm4, vm2  }
0x57d: {  	vm1 =	vmand vm1, vm2  }
0x57e: {  	v6 =	vsel vm1, $0x0, v5  }
0x57f: {  	s2 =	rddreg [dreg:$0x19];
	s0 =	simm.s32 @!p0 $0x0;
	s1 =	simm.s32 @!p0 $0xD80;
	[tilespmem:s3+$0xD80] =	vst v6  }
0x580: {  	[hbm4b:s2+s0] =	stream.linear.scatter @!p0 [tilespmem:s1], [sflag:$0x1], $0x440, $0x38;
	[tilespmem:$0x9890] =	vst v63  }
0x581: {  	s0 =	simm.s32 @!p0 $0x1  }
0x582: {  	_ =	swait.ge @!p0 [sflag:s0], $0x440  }
0x583: {  	s23 =	rddreg [dreg:$0x1d]  }
0x584: {  	s24 =	rddreg [dreg:$0x1a];
	s2 =	sadd.s32 $0x1, s23  }
0x585: {  	p4 =	sne.s32 s2, s24  }
.Ltmp14:
0x586: {  	_ = 	snop;
	(pc) =	sbr.rel @p4 .LBB2_1-.Ltmp14, $3  }
0x587: {  	_ =	sdelay $0x1  }
0x588: {  	[sflag:s0] =	ssyncset.done @!p0 $0x0  }
0x589: {  	s3 =	simm.s32 $0x1200;
	[sflag:s0] =	ssyncadd.s32 @!p0 $0xFFFFFBC0  }
0x58a: {  	_ =	sfence.sel $0x180000  }
0x58b: {  	[bflag:$0x0] =	sbarrier.arrive $0xFFFF  }
0x58c: {  	_ =	strace $0x90000047  }
0x58d: {  	s0 =	stileid.u32;
	[bflag:$0x2] =	sbarrier.arrive $0xFFFF  }
0x58e: {  	p0 =	sne.s32 s0, $0x0;
	s0 =	rddreg [dreg:$0x8]  }
0x58f: {  	s0 =	sadd.s32 @!p0 $0x100000, s0  }
0x590: {  	[sflag:s0] =	ssyncadd.tile.s32 @!p0 $0x1;
	_ =	shalt  }
.Lfunc_end2:
_tile_overlayer_lowered:
.L_overlay_start_2:
0x591: {  	(tag) =	ssettag $0x2  }
0x592: {  	s0 =	rddreg [dreg:$0x0];
	s2 =	stileid.u32  }
0x593: {  	s1 =	rddreg [dreg:$0x1];
	p0 =	sne.s32 s2, $0x0  }
0x594: {  	s3 =	rddreg [dreg:$0x2];
	[bflag:$0x3] =	sbarrier.arrive $0xFFFF;
	s2 =	simm.s32 @!p0 $0x1C01  }
0x595: {  	[timem:s3], [sflag:s2] =	dma.local @!p0 [hbm:s0], s1  }
0x596: {  	s0 =	simm.s32 @!p0 $0x1  }
0x597: {  	_ =	swait.ge @!p0 [sflag:s0], s1  }
0x598: {  	s1 =	ssub.s32 @!p0 $0x0, s1;
	[sflag:s0] =	ssyncset.done @!p0 $0x0  }
0x599: {  	[sflag:s0] =	ssyncadd.s32 @!p0 s1  }
0x59a: {  	[bflag:$0x3] =	sbarrier.arrive $0xFFFF  }
0x59b: {  	_ =	shalt  }

</sc_bundles>
